<compile_context>
chip_gen: v7x
topology: tpu7x:2x2x1
jax: 0.10.2.dev20260603
libtpu: 0.0.44.dev20260713+nightly
codegen_flags: <defaults>
</compile_context>

<pallas_src>
import functools

import jax
import jax.numpy as jnp
from jax import lax
from jax.experimental import pallas as pl
from jax.experimental.pallas import tpu as pltpu
from jax.experimental.pallas import tpu_sc as plsc

N = 10000
E = 320000
DF = 128
DH = 16
NP = 10240
NPP = 10112

NC = 2
NS = 16
NW = NC * NS
EPT = E // NW
B = 1000
NBF = EPT // B
TAIL = EPT - NBF * B
RPS = NP // NS
RPW = NP // NW
PIPE = 5

_mesh = plsc.VectorSubcoreMesh(core_axis_name="c", subcore_axis_name="s")
_sc_params = pltpu.CompilerParams(needs_layout_passes=False,
                                  use_tc_tiling_on_sc=False)


@functools.partial(
    pl.kernel,
    out_type=jax.ShapeDtypeStruct((NW * NPP,), jnp.float32),
    mesh=_mesh,
    compiler_params=_sc_params,
    scratch_types=[
        pltpu.VMEM((EPT,), jnp.int32),
        pltpu.VMEM((NPP,), jnp.float32),
        pltpu.SemaphoreType.DMA((1,)),
    ],
)
def _sc_degree(edges_hbm, out_hbm, idx_v, deg_v, sem):
    c = lax.axis_index("c")
    s = lax.axis_index("s")
    wid = c * NS + s
    cp_idx = pltpu.async_copy(edges_hbm.at[1, pl.ds(wid * EPT, EPT)], idx_v,
                              sem.at[0])
    zeros = jnp.zeros((16,), jnp.float32)
    ones = jnp.ones((16,), jnp.float32)

    def zero_body(i, carry):
        deg_v[pl.ds(i * 16, 16)] = zeros
        return carry

    lax.fori_loop(0, NPP // 16, zero_body, 0, unroll=4)
    cp_idx.wait()

    def edge_body(i, carry):
        dv = idx_v[pl.ds(i * 16, 16)]
        plsc.addupdate_scatter(deg_v, [dv], ones)
        return carry

    lax.fori_loop(0, EPT // 16, edge_body, 0, unroll=4)
    pltpu.sync_copy(deg_v, out_hbm.at[pl.ds(wid * NPP, NPP)])


@functools.partial(
    pl.kernel,
    out_type=jax.ShapeDtypeStruct((NC, NP, DH), jnp.float32),
    mesh=_mesh,
    compiler_params=_sc_params,
    scratch_types=[
        pltpu.VMEM((EPT,), jnp.int32),
        pltpu.VMEM((EPT,), jnp.int32),
        pltpu.VMEM((PIPE, B, DH), jnp.float32),
        pltpu.VMEM((max(TAIL, 16), DH), jnp.float32),
        pltpu.VMEM_SHARED((NP, DH), jnp.float32),
        pltpu.SemaphoreType.DMA((PIPE,)),
        pltpu.SemaphoreType.DMA((PIPE,)),
    ],
)
def _sc_scatter(y_hbm, edges_hbm, zero_hbm, out_hbm,
                src_v, dst_v, rows_v, tail_v, acc_sh, gsem, wsem):
    c = lax.axis_index("c")
    s = lax.axis_index("s")
    wid = c * NS + s

    cp_src = pltpu.async_copy(edges_hbm.at[0, pl.ds(wid * EPT, EPT)], src_v,
                              gsem.at[0])
    cp_dst = pltpu.async_copy(edges_hbm.at[1, pl.ds(wid * EPT, EPT)], dst_v,
                              wsem.at[0])
    cp_zero = pltpu.async_copy(zero_hbm.at[pl.ds(s * RPS, RPS)],
                               acc_sh.at[pl.ds(s * RPS, RPS)], wsem.at[1])

    def start_gather(j):
        slot = j % PIPE
        return pltpu.async_copy(y_hbm.at[src_v.at[pl.ds(j * B, B)]],
                                rows_v.at[slot], gsem.at[slot])

    def start_scatter(j):
        slot = j % PIPE
        return pltpu.async_copy(rows_v.at[slot],
                                acc_sh.at[dst_v.at[pl.ds(j * B, B)]],
                                wsem.at[slot], add=True)

    gathers = {}
    scatters = {}
    cp_src.wait()
    for j in range(min(PIPE, NBF)):
        gathers[j] = start_gather(j)
    cp_dst.wait()
    cp_zero.wait()
    plsc.subcore_barrier()
    for j in range(NBF):
        gathers.pop(j).wait()
        scatters[j] = start_scatter(j)
        nj = j + PIPE
        if nj < NBF:
            scatters.pop(nj - PIPE).wait()
            gathers[nj] = start_gather(nj)
    if TAIL:
        pltpu.async_copy(y_hbm.at[src_v.at[pl.ds(NBF * B, TAIL)]], tail_v,
                         gsem.at[0]).wait()
        pltpu.sync_copy(tail_v, acc_sh.at[dst_v.at[pl.ds(NBF * B, TAIL)]],
                        add=True)
    for j in list(scatters):
        scatters.pop(j).wait()

    plsc.subcore_barrier()
    pltpu.sync_copy(acc_sh.at[pl.ds(s * RPS, RPS)],
                    out_hbm.at[c, pl.ds(s * RPS, RPS)])


@functools.partial(
    pl.kernel,
    out_type=[jax.ShapeDtypeStruct((NP, DH), jnp.float32),
              jax.ShapeDtypeStruct((NP, DH), jnp.float32)],
    mesh=_mesh,
    compiler_params=_sc_params,
    scratch_types=[
        pltpu.VMEM((RPW, DH), jnp.float32),
        pltpu.VMEM((RPW, DH), jnp.float32),
        pltpu.VMEM((RPW, DH), jnp.float32),
        pltpu.VMEM((RPW,), jnp.float32),
        pltpu.VMEM((DH,), jnp.float32),
        pltpu.VMEM((RPW, DH), jnp.float32),
        pltpu.VMEM((RPW, DH), jnp.float32),
        pltpu.SemaphoreType.DMA((5,)),
    ],
)
def _sc_mid(p_hbm, y1_hbm, d_hbm, b1_hbm, out_hbm, dexp_hbm,
            p0_v, p1_v, y1_v, d_v, b1_v, y2_v, dexp_v, sems):
    c = lax.axis_index("c")
    s = lax.axis_index("s")
    wid = c * NS + s
    base = wid * RPW
    cps = [
        pltpu.async_copy(p_hbm.at[0, pl.ds(base, RPW)], p0_v, sems.at[0]),
        pltpu.async_copy(p_hbm.at[1, pl.ds(base, RPW)], p1_v, sems.at[1]),
        pltpu.async_copy(y1_hbm.at[pl.ds(base, RPW)], y1_v, sems.at[2]),
        pltpu.async_copy(d_hbm.at[pl.ds(base, RPW)], d_v, sems.at[3]),
        pltpu.async_copy(b1_hbm, b1_v, sems.at[4]),
    ]
    for cp in cps:
        cp.wait()
    b1 = b1_v[pl.ds(0, DH)]

    def row_body(r, carry):
        agg = p0_v[r] + p1_v[r] + y1_v[r]
        dval = plsc.load_gather(d_v, [jnp.full((16,), r, jnp.int32)])
        h = jnp.maximum(agg * dval + b1, 0.0)
        y2_v[r] = h * dval
        dexp_v[r] = dval
        return carry

    lax.fori_loop(0, RPW, row_body, 0, unroll=4)
    cp_y2 = pltpu.async_copy(y2_v, out_hbm.at[pl.ds(base, RPW)], sems.at[0])
    cp_de = pltpu.async_copy(dexp_v, dexp_hbm.at[pl.ds(base, RPW)],
                             sems.at[1])
    cp_y2.wait()
    cp_de.wait()


def _tc_matmul(x, W1):
    def body(x_ref, w_ref, out_ref):
        out_ref[...] = jnp.dot(x_ref[...], w_ref[...],
                               preferred_element_type=jnp.float32)

    return pl.pallas_call(
        body,
        out_shape=jax.ShapeDtypeStruct((N, DH), jnp.float32),
    )(x, W1)


def _tc_scale(degp, xw):
    def body(degp_ref, xw_ref, y_ref, d_ref):
        deg = jnp.full((N,), 1.0, jnp.float32)
        for w in range(NW):
            deg = deg + degp_ref[pl.ds(w * NPP, N)]
        d = lax.rsqrt(deg)
        y = xw_ref[...] * d[:, None]
        d_ref[...] = jnp.concatenate([d, jnp.ones((NP - N,), jnp.float32)])
        y_ref[...] = jnp.concatenate(
            [y, jnp.zeros((NP - N, DH), jnp.float32)], axis=0)

    return pl.pallas_call(
        body,
        out_shape=[jax.ShapeDtypeStruct((NP, DH), jnp.float32),
                   jax.ShapeDtypeStruct((NP,), jnp.float32)],
    )(degp, xw)


def _tc_out(q128, y2_128, dexp128, W2exp, b2exp):
    NR8 = N // 8

    def body(q_ref, y2_ref, de_ref, w_ref, b_ref, out_ref):
        t = (q_ref[0, :NR8] + q_ref[1, :NR8] + y2_ref[:NR8]) * de_ref[:NR8]
        for k in range(8):
            out_ref[:, k, :] = (
                jnp.dot(t, w_ref[:, k * DF:(k + 1) * DF],
                        preferred_element_type=jnp.float32)
                + b_ref[pl.ds(k * DF, DF)][None, :])

    return pl.pallas_call(
        body,
        out_shape=jax.ShapeDtypeStruct((NR8, 8, DF), jnp.float32),
    )(q128, y2_128, dexp128, W2exp, b2exp)


def kernel(x, edge_index, W1, b1, W2, b2):
    edges = edge_index.astype(jnp.int32)
    zeros = jnp.zeros((NP, DH), jnp.float32)

    xw = _tc_matmul(x, W1)
    degp = _sc_degree(edges)
    y1, d = _tc_scale(degp, xw)
    p = _sc_scatter(y1, edges, zeros)
    y2, dexp = _sc_mid(p, y1, d, b1)
    q = _sc_scatter(y2, edges, zeros)

    q128 = q.reshape(NC, NP // 8, 8 * DH)
    y2_128 = y2.reshape(NP // 8, 8 * DH)
    dexp128 = dexp.reshape(NP // 8, 8 * DH)
    W2exp = (jnp.eye(8, dtype=jnp.float32)[:, None, :, None]
             * W2[None, :, None, :]).reshape(8 * DH, 8 * DF)
    b2exp = jnp.tile(b2, 8)

    out = _tc_out(q128, y2_128, dexp128, W2exp, b2exp)
    return out.reshape(N, DF)

# --- scband reference (transcript-rebuilt; emitter-appended) ---
"""Pipeline reference for scband-gcn-11982958756665 (READ-ONLY COPY).

The authoritative reference and input builder live on the scoring server;
editing this copy changes nothing except your own understanding.
"""

import jax, jax.numpy as jnp
import numpy as np

N_NODES = 10000
N_EDGES = 320000
D_FEAT = 128
D_HIDDEN = 16


def glorot(key, shape):
    lim = jnp.sqrt(6.0 / (shape[0] + shape[1]))
    return jax.random.uniform(key, shape, minval=-lim, maxval=lim, dtype=jnp.float32)


def setup_inputs(seed: int = 0) -> dict:
    key = jax.random.key(seed)
    k1, k2, k3, k4 = jax.random.split(key, 4)
    x = jax.random.normal(k1, (N_NODES, D_FEAT), dtype=jnp.float32)
    edge_index = jax.random.randint(k2, (2, N_EDGES), 0, N_NODES, dtype=jnp.int64)
    W1 = glorot(k3, (D_FEAT, D_HIDDEN))
    b1 = jnp.zeros((D_HIDDEN,), dtype=jnp.float32)
    W2 = glorot(k4, (D_HIDDEN, D_FEAT))
    b2 = jnp.zeros((D_FEAT,), dtype=jnp.float32)
    return {"x": x, "edge_index": edge_index, "W1": W1, "b1": b1, "W2": W2, "b2": b2}


def gcn_conv(x, edge_index, W, b):
    # PyG GCNConv: add self-loops, symmetric normalization, linear transform, scatter-add
    N = x.shape[0]
    loop = jnp.arange(N, dtype=edge_index.dtype)
    src = jnp.concatenate([edge_index[0], loop])
    dst = jnp.concatenate([edge_index[1], loop])
    deg = jnp.zeros((N,), dtype=jnp.float32).at[dst].add(1.0)
    deg_inv_sqrt = jnp.where(deg > 0, jax.lax.rsqrt(jnp.maximum(deg, 1e-12)), 0.0)
    norm = deg_inv_sqrt[src] * deg_inv_sqrt[dst]
    xw = x @ W
    msg = jnp.take(xw, src, axis=0) * norm[:, None]
    out = jnp.zeros((N, W.shape[1]), dtype=jnp.float32).at[dst].add(msg)
    return out + b


def reference(x, edge_index, W1, b1, W2, b2):
    h = gcn_conv(x, edge_index, W1, b1)
    h = jax.nn.relu(h)
    # F.dropout in eval / deterministic reference: identity
    out = gcn_conv(h, edge_index, W2, b2)
    return out

if __name__ == "__main__":
    import jax
    _d = setup_inputs()
    print(jax.jit(kernel)(*tuple(_d.values())))

</pallas_src>

<mosaic_0001>
#map = affine_map<(d0, d1) -> (0, 0, 0)>
#map1 = affine_map<(d0, d1) -> (0, 0)>
#map2 = affine_map<(d0, d1) -> (0)>
module attributes {stable_mosaic.version = 14 : i64} {
  func.func @_sc_mid(%arg0: i32, %arg1: i32, %arg2: memref<2x10240x16xf32, #tpu.memory_space<hbm>>, %arg3: memref<10240x16xf32, #tpu.memory_space<hbm>>, %arg4: memref<10240xf32, #tpu.memory_space<hbm>>, %arg5: memref<16xf32, #tpu.memory_space<hbm>>, %arg6: memref<10240x16xf32, #tpu.memory_space<hbm>>, %arg7: memref<10240x16xf32, #tpu.memory_space<hbm>>, %arg8: memref<320x16xf32, #tpu.memory_space<vmem>>, %arg9: memref<320x16xf32, #tpu.memory_space<vmem>>, %arg10: memref<320x16xf32, #tpu.memory_space<vmem>>, %arg11: memref<320xf32, #tpu.memory_space<vmem>>, %arg12: memref<16xf32, #tpu.memory_space<vmem>>, %arg13: memref<320x16xf32, #tpu.memory_space<vmem>>, %arg14: memref<320x16xf32, #tpu.memory_space<vmem>>, %arg15: memref<5x!tpu.dma_semaphore, #tpu.memory_space<semaphore_mem>>) attributes {dimension_semantics = [#tpu.dimension_semantics<core_parallel>, #tpu.dimension_semantics<subcore_parallel>], iteration_bounds = array<i64: 2, 16>, scalar_prefetch = 0 : i64, scratch_operands = 8 : i64, tpu.core_type = #tpu.core_type<sc_vector_subcore>, window_params = [{transform_indices = #map}, {transform_indices = #map1}, {transform_indices = #map2}, {transform_indices = #map2}, {transform_indices = #map1}, {transform_indices = #map1}]} {
    %mul3A = arith.constant 16 : i32
    %mul3A_0 = arith.muli %arg0, %mul3A : i32
    %add3A = arith.addi %mul3A_0, %arg1 : i32
    %mul3A_1 = arith.constant 320 : i32
    %mul3A_2 = arith.muli %add3A, %mul3A_1 : i32
    %dma_start3A = arith.constant 0 : i32
    %dma_start3A_3 = arith.constant 0 : i32
    %dma_start3A_4 = arith.constant 0 : i32
    %dma_start3A_5 = tpu.memref_slice %arg2[%dma_start3A, %mul3A_2, %dma_start3A_4] : memref<2x10240x16xf32, #tpu.memory_space<hbm>> -> memref<1x320x16xf32, #tpu.memory_space<hbm>>
    %dma_start3A_6 = tpu.memref_squeeze %dma_start3A_5 : memref<1x320x16xf32, #tpu.memory_space<hbm>> -> memref<320x16xf32, #tpu.memory_space<hbm>>
    %dma_start3A_7 = tpu.memref_slice %arg15[%dma_start3A_3] : memref<5x!tpu.dma_semaphore, #tpu.memory_space<semaphore_mem>> -> memref<1x!tpu.dma_semaphore, #tpu.memory_space<semaphore_mem>>
    %dma_start3A_8 = tpu.memref_squeeze %dma_start3A_7 : memref<1x!tpu.dma_semaphore, #tpu.memory_space<semaphore_mem>> -> memref<!tpu.dma_semaphore, #tpu.memory_space<semaphore_mem>>
    %dma_start3A_9 = arith.constant 0 : i32
    %dma_start3A_10 = tpu.memref_slice %arg2[%dma_start3A, %mul3A_2, %dma_start3A_9] : memref<2x10240x16xf32, #tpu.memory_space<hbm>> -> memref<1x320x16xf32, #tpu.memory_space<hbm>>
    %dma_start3A_11 = tpu.memref_squeeze %dma_start3A_10 : memref<1x320x16xf32, #tpu.memory_space<hbm>> -> memref<320x16xf32, #tpu.memory_space<hbm>>
    tpu.enqueue_dma source(%dma_start3A_11 : memref<320x16xf32, #tpu.memory_space<hbm>>) target(%arg8 : memref<320x16xf32, #tpu.memory_space<vmem>>) target_semaphore(%dma_start3A_8 : memref<!tpu.dma_semaphore, #tpu.memory_space<semaphore_mem>>)
    %dma_start3A_12 = arith.constant 1 : i32
    %dma_start3A_13 = arith.constant 1 : i32
    %dma_start3A_14 = arith.constant 0 : i32
    %dma_start3A_15 = tpu.memref_slice %arg2[%dma_start3A_12, %mul3A_2, %dma_start3A_14] : memref<2x10240x16xf32, #tpu.memory_space<hbm>> -> memref<1x320x16xf32, #tpu.memory_space<hbm>>
    %dma_start3A_16 = tpu.memref_squeeze %dma_start3A_15 : memref<1x320x16xf32, #tpu.memory_space<hbm>> -> memref<320x16xf32, #tpu.memory_space<hbm>>
    %dma_start3A_17 = tpu.memref_slice %arg15[%dma_start3A_13] : memref<5x!tpu.dma_semaphore, #tpu.memory_space<semaphore_mem>> -> memref<1x!tpu.dma_semaphore, #tpu.memory_space<semaphore_mem>>
    %dma_start3A_18 = tpu.memref_squeeze %dma_start3A_17 : memref<1x!tpu.dma_semaphore, #tpu.memory_space<semaphore_mem>> -> memref<!tpu.dma_semaphore, #tpu.memory_space<semaphore_mem>>
    %dma_start3A_19 = arith.constant 0 : i32
    %dma_start3A_20 = tpu.memref_slice %arg2[%dma_start3A_12, %mul3A_2, %dma_start3A_19] : memref<2x10240x16xf32, #tpu.memory_space<hbm>> -> memref<1x320x16xf32, #tpu.memory_space<hbm>>
    %dma_start3A_21 = tpu.memref_squeeze %dma_start3A_20 : memref<1x320x16xf32, #tpu.memory_space<hbm>> -> memref<320x16xf32, #tpu.memory_space<hbm>>
    tpu.enqueue_dma source(%dma_start3A_21 : memref<320x16xf32, #tpu.memory_space<hbm>>) target(%arg9 : memref<320x16xf32, #tpu.memory_space<vmem>>) target_semaphore(%dma_start3A_18 : memref<!tpu.dma_semaphore, #tpu.memory_space<semaphore_mem>>)
    %dma_start3A_22 = arith.constant 2 : i32
    %dma_start3A_23 = arith.constant 0 : i32
    %dma_start3A_24 = tpu.memref_slice %arg3[%mul3A_2, %dma_start3A_23] : memref<10240x16xf32, #tpu.memory_space<hbm>> -> memref<320x16xf32, #tpu.memory_space<hbm>>
    %dma_start3A_25 = tpu.memref_slice %arg15[%dma_start3A_22] : memref<5x!tpu.dma_semaphore, #tpu.memory_space<semaphore_mem>> -> memref<1x!tpu.dma_semaphore, #tpu.memory_space<semaphore_mem>>
    %dma_start3A_26 = tpu.memref_squeeze %dma_start3A_25 : memref<1x!tpu.dma_semaphore, #tpu.memory_space<semaphore_mem>> -> memref<!tpu.dma_semaphore, #tpu.memory_space<semaphore_mem>>
    %dma_start3A_27 = arith.constant 0 : i32
    %dma_start3A_28 = tpu.memref_slice %arg3[%mul3A_2, %dma_start3A_27] : memref<10240x16xf32, #tpu.memory_space<hbm>> -> memref<320x16xf32, #tpu.memory_space<hbm>>
    tpu.enqueue_dma source(%dma_start3A_28 : memref<320x16xf32, #tpu.memory_space<hbm>>) target(%arg10 : memref<320x16xf32, #tpu.memory_space<vmem>>) target_semaphore(%dma_start3A_26 : memref<!tpu.dma_semaphore, #tpu.memory_space<semaphore_mem>>)
    %dma_start3A_29 = arith.constant 3 : i32
    %dma_start3A_30 = tpu.memref_slice %arg4[%mul3A_2] : memref<10240xf32, #tpu.memory_space<hbm>> -> memref<320xf32, #tpu.memory_space<hbm>>
    %dma_start3A_31 = tpu.memref_slice %arg15[%dma_start3A_29] : memref<5x!tpu.dma_semaphore, #tpu.memory_space<semaphore_mem>> -> memref<1x!tpu.dma_semaphore, #tpu.memory_space<semaphore_mem>>
    %dma_start3A_32 = tpu.memref_squeeze %dma_start3A_31 : memref<1x!tpu.dma_semaphore, #tpu.memory_space<semaphore_mem>> -> memref<!tpu.dma_semaphore, #tpu.memory_space<semaphore_mem>>
    %dma_start3A_33 = tpu.memref_slice %arg4[%mul3A_2] : memref<10240xf32, #tpu.memory_space<hbm>> -> memref<320xf32, #tpu.memory_space<hbm>>
    tpu.enqueue_dma source(%dma_start3A_33 : memref<320xf32, #tpu.memory_space<hbm>>) target(%arg11 : memref<320xf32, #tpu.memory_space<vmem>>) target_semaphore(%dma_start3A_32 : memref<!tpu.dma_semaphore, #tpu.memory_space<semaphore_mem>>)
    %dma_start3A_34 = arith.constant 4 : i32
    %dma_start3A_35 = tpu.memref_slice %arg15[%dma_start3A_34] : memref<5x!tpu.dma_semaphore, #tpu.memory_space<semaphore_mem>> -> memref<1x!tpu.dma_semaphore, #tpu.memory_space<semaphore_mem>>
    %dma_start3A_36 = tpu.memref_squeeze %dma_start3A_35 : memref<1x!tpu.dma_semaphore, #tpu.memory_space<semaphore_mem>> -> memref<!tpu.dma_semaphore, #tpu.memory_space<semaphore_mem>>
    tpu.enqueue_dma source(%arg5 : memref<16xf32, #tpu.memory_space<hbm>>) target(%arg12 : memref<16xf32, #tpu.memory_space<vmem>>) target_semaphore(%dma_start3A_36 : memref<!tpu.dma_semaphore, #tpu.memory_space<semaphore_mem>>)
    %dma_wait3A = arith.constant 0 : i32
    %dma_wait3A_37 = arith.constant 0 : i32
    %dma_wait3A_38 = arith.constant 0 : i32
    %dma_wait3A_39 = tpu.memref_slice %arg2[%dma_wait3A, %mul3A_2, %dma_wait3A_38] : memref<2x10240x16xf32, #tpu.memory_space<hbm>> -> memref<1x320x16xf32, #tpu.memory_space<hbm>>
    %dma_wait3A_40 = tpu.memref_squeeze %dma_wait3A_39 : memref<1x320x16xf32, #tpu.memory_space<hbm>> -> memref<320x16xf32, #tpu.memory_space<hbm>>
    %dma_wait3A_41 = tpu.memref_slice %arg15[%dma_wait3A_37] : memref<5x!tpu.dma_semaphore, #tpu.memory_space<semaphore_mem>> -> memref<1x!tpu.dma_semaphore, #tpu.memory_space<semaphore_mem>>
    %dma_wait3A_42 = tpu.memref_squeeze %dma_wait3A_41 : memref<1x!tpu.dma_semaphore, #tpu.memory_space<semaphore_mem>> -> memref<!tpu.dma_semaphore, #tpu.memory_space<semaphore_mem>>
    %dma_wait3A_43 = arith.constant 0 : i32
    %dma_wait3A_44 = tpu.memref_slice %arg2[%dma_wait3A, %mul3A_2, %dma_wait3A_43] : memref<2x10240x16xf32, #tpu.memory_space<hbm>> -> memref<1x320x16xf32, #tpu.memory_space<hbm>>
    %dma_wait3A_45 = tpu.memref_squeeze %dma_wait3A_44 : memref<1x320x16xf32, #tpu.memory_space<hbm>> -> memref<320x16xf32, #tpu.memory_space<hbm>>
    tpu.wait_dma2 semaphore(%dma_wait3A_42 : memref<!tpu.dma_semaphore, #tpu.memory_space<semaphore_mem>>) src(%dma_wait3A_45 : memref<320x16xf32, #tpu.memory_space<hbm>>) dst(%arg8 : memref<320x16xf32, #tpu.memory_space<vmem>>)
    %dma_wait3A_46 = arith.constant 1 : i32
    %dma_wait3A_47 = arith.constant 1 : i32
    %dma_wait3A_48 = arith.constant 0 : i32
    %dma_wait3A_49 = tpu.memref_slice %arg2[%dma_wait3A_46, %mul3A_2, %dma_wait3A_48] : memref<2x10240x16xf32, #tpu.memory_space<hbm>> -> memref<1x320x16xf32, #tpu.memory_space<hbm>>
    %dma_wait3A_50 = tpu.memref_squeeze %dma_wait3A_49 : memref<1x320x16xf32, #tpu.memory_space<hbm>> -> memref<320x16xf32, #tpu.memory_space<hbm>>
    %dma_wait3A_51 = tpu.memref_slice %arg15[%dma_wait3A_47] : memref<5x!tpu.dma_semaphore, #tpu.memory_space<semaphore_mem>> -> memref<1x!tpu.dma_semaphore, #tpu.memory_space<semaphore_mem>>
    %dma_wait3A_52 = tpu.memref_squeeze %dma_wait3A_51 : memref<1x!tpu.dma_semaphore, #tpu.memory_space<semaphore_mem>> -> memref<!tpu.dma_semaphore, #tpu.memory_space<semaphore_mem>>
    %dma_wait3A_53 = arith.constant 0 : i32
    %dma_wait3A_54 = tpu.memref_slice %arg2[%dma_wait3A_46, %mul3A_2, %dma_wait3A_53] : memref<2x10240x16xf32, #tpu.memory_space<hbm>> -> memref<1x320x16xf32, #tpu.memory_space<hbm>>
    %dma_wait3A_55 = tpu.memref_squeeze %dma_wait3A_54 : memref<1x320x16xf32, #tpu.memory_space<hbm>> -> memref<320x16xf32, #tpu.memory_space<hbm>>
    tpu.wait_dma2 semaphore(%dma_wait3A_52 : memref<!tpu.dma_semaphore, #tpu.memory_space<semaphore_mem>>) src(%dma_wait3A_55 : memref<320x16xf32, #tpu.memory_space<hbm>>) dst(%arg9 : memref<320x16xf32, #tpu.memory_space<vmem>>)
    %dma_wait3A_56 = arith.constant 2 : i32
    %dma_wait3A_57 = arith.constant 0 : i32
    %dma_wait3A_58 = tpu.memref_slice %arg3[%mul3A_2, %dma_wait3A_57] : memref<10240x16xf32, #tpu.memory_space<hbm>> -> memref<320x16xf32, #tpu.memory_space<hbm>>
    %dma_wait3A_59 = tpu.memref_slice %arg15[%dma_wait3A_56] : memref<5x!tpu.dma_semaphore, #tpu.memory_space<semaphore_mem>> -> memref<1x!tpu.dma_semaphore, #tpu.memory_space<semaphore_mem>>
    %dma_wait3A_60 = tpu.memref_squeeze %dma_wait3A_59 : memref<1x!tpu.dma_semaphore, #tpu.memory_space<semaphore_mem>> -> memref<!tpu.dma_semaphore, #tpu.memory_space<semaphore_mem>>
    %dma_wait3A_61 = arith.constant 0 : i32
    %dma_wait3A_62 = tpu.memref_slice %arg3[%mul3A_2, %dma_wait3A_61] : memref<10240x16xf32, #tpu.memory_space<hbm>> -> memref<320x16xf32, #tpu.memory_space<hbm>>
    tpu.wait_dma2 semaphore(%dma_wait3A_60 : memref<!tpu.dma_semaphore, #tpu.memory_space<semaphore_mem>>) src(%dma_wait3A_62 : memref<320x16xf32, #tpu.memory_space<hbm>>) dst(%arg10 : memref<320x16xf32, #tpu.memory_space<vmem>>)
    %dma_wait3A_63 = arith.constant 3 : i32
    %dma_wait3A_64 = tpu.memref_slice %arg4[%mul3A_2] : memref<10240xf32, #tpu.memory_space<hbm>> -> memref<320xf32, #tpu.memory_space<hbm>>
    %dma_wait3A_65 = tpu.memref_slice %arg15[%dma_wait3A_63] : memref<5x!tpu.dma_semaphore, #tpu.memory_space<semaphore_mem>> -> memref<1x!tpu.dma_semaphore, #tpu.memory_space<semaphore_mem>>
    %dma_wait3A_66 = tpu.memref_squeeze %dma_wait3A_65 : memref<1x!tpu.dma_semaphore, #tpu.memory_space<semaphore_mem>> -> memref<!tpu.dma_semaphore, #tpu.memory_space<semaphore_mem>>
    %dma_wait3A_67 = tpu.memref_slice %arg4[%mul3A_2] : memref<10240xf32, #tpu.memory_space<hbm>> -> memref<320xf32, #tpu.memory_space<hbm>>
    tpu.wait_dma2 semaphore(%dma_wait3A_66 : memref<!tpu.dma_semaphore, #tpu.memory_space<semaphore_mem>>) src(%dma_wait3A_67 : memref<320xf32, #tpu.memory_space<hbm>>) dst(%arg11 : memref<320xf32, #tpu.memory_space<vmem>>)
    %dma_wait3A_68 = arith.constant 4 : i32
    %dma_wait3A_69 = tpu.memref_slice %arg15[%dma_wait3A_68] : memref<5x!tpu.dma_semaphore, #tpu.memory_space<semaphore_mem>> -> memref<1x!tpu.dma_semaphore, #tpu.memory_space<semaphore_mem>>
    %dma_wait3A_70 = tpu.memref_squeeze %dma_wait3A_69 : memref<1x!tpu.dma_semaphore, #tpu.memory_space<semaphore_mem>> -> memref<!tpu.dma_semaphore, #tpu.memory_space<semaphore_mem>>
    tpu.wait_dma2 semaphore(%dma_wait3A_70 : memref<!tpu.dma_semaphore, #tpu.memory_space<semaphore_mem>>) src(%arg5 : memref<16xf32, #tpu.memory_space<hbm>>) dst(%arg12 : memref<16xf32, #tpu.memory_space<vmem>>)
    %get3A = arith.constant 0 : index
    %get3A_71 = tpu.vector_load %arg12[%get3A] {strides = array<i32>} : memref<16xf32, #tpu.memory_space<vmem>>, vector<16xf32>,
    %scan3A = arith.constant 0 : i32
    %scan3A_72 = arith.constant 0 : i32
    %scan3A_73 = arith.constant 320 : i32
    %scan3A_74 = arith.addi %scan3A_72, %scan3A_73 : i32
    %scan3A_75 = arith.constant 4 : i32
    scf.for %scan3A_105 = %scan3A_72 to %scan3A_74 step %scan3A_75  : i32 {
      %get3A_106 = arith.index_cast %scan3A_105 : i32 to index
      %get3A_107 = arith.constant 0 : index
      %get3A_108 = tpu.vector_load %arg8[%get3A_106, %get3A_107] {strides = array<i32>} : memref<320x16xf32, #tpu.memory_space<vmem>>, vector<16xf32>,
      %get3A_109 = arith.index_cast %scan3A_105 : i32 to index
      %get3A_110 = arith.constant 0 : index
      %get3A_111 = tpu.vector_load %arg9[%get3A_109, %get3A_110] {strides = array<i32>} : memref<320x16xf32, #tpu.memory_space<vmem>>, vector<16xf32>,
      %add3A_112 = arith.addf %get3A_108, %get3A_111 : vector<16xf32>
      %get3A_113 = arith.index_cast %scan3A_105 : i32 to index
      %get3A_114 = arith.constant 0 : index
      %get3A_115 = tpu.vector_load %arg10[%get3A_113, %get3A_114] {strides = array<i32>} : memref<320x16xf32, #tpu.memory_space<vmem>>, vector<16xf32>,
      %add3A_116 = arith.addf %add3A_112, %get3A_115 : vector<16xf32>
      %broadcast_in_dim3A = vector.broadcast %scan3A_105 : i32 to vector<16xi32>
      %gather3A = tpu.vector_load_idx %arg11[%broadcast_in_dim3A] : memref<320xf32, #tpu.memory_space<vmem>>[vector<16xi32>], vector<16xf32>,
      %mul3A_117 = arith.mulf %add3A_116, %gather3A : vector<16xf32>
      %add3A_118 = arith.addf %mul3A_117, %get3A_71 : vector<16xf32>
      %max3A = arith.constant 0.000000e+00 : f32
      %max3A_119 = vector.broadcast %max3A : f32 to vector<16xf32>
      %max3A_120 = arith.maximumf %add3A_118, %max3A_119 : vector<16xf32>
      %mul3A_121 = arith.mulf %max3A_120, %gather3A : vector<16xf32>
      %swap3A = arith.index_cast %scan3A_105 : i32 to index
      %swap3A_122 = arith.constant 0 : index
      %swap3A_123 = tpu.vector_load %arg13[%swap3A, %swap3A_122] {strides = array<i32>} : memref<320x16xf32, #tpu.memory_space<vmem>>, vector<16xf32>,
      tpu.vector_store %arg13[%swap3A, %swap3A_122], %mul3A_121 {strides = array<i32>} : memref<320x16xf32, #tpu.memory_space<vmem>>, vector<16xf32>,
      %swap3A_124 = arith.index_cast %scan3A_105 : i32 to index
      %swap3A_125 = arith.constant 0 : index
      %swap3A_126 = tpu.vector_load %arg14[%swap3A_124, %swap3A_125] {strides = array<i32>} : memref<320x16xf32, #tpu.memory_space<vmem>>, vector<16xf32>,
      tpu.vector_store %arg14[%swap3A_124, %swap3A_125], %gather3A {strides = array<i32>} : memref<320x16xf32, #tpu.memory_space<vmem>>, vector<16xf32>,
      %scan3A_127 = arith.constant 1 : i32
      %scan3A_128 = arith.addi %scan3A_105, %scan3A_127 : i32
      %get3A_129 = arith.index_cast %scan3A_128 : i32 to index
      %get3A_130 = arith.constant 0 : index
      %get3A_131 = tpu.vector_load %arg8[%get3A_129, %get3A_130] {strides = array<i32>} : memref<320x16xf32, #tpu.memory_space<vmem>>, vector<16xf32>,
      %get3A_132 = arith.index_cast %scan3A_128 : i32 to index
      %get3A_133 = arith.constant 0 : index
      %get3A_134 = tpu.vector_load %arg9[%get3A_132, %get3A_133] {strides = array<i32>} : memref<320x16xf32, #tpu.memory_space<vmem>>, vector<16xf32>,
      %add3A_135 = arith.addf %get3A_131, %get3A_134 : vector<16xf32>
      %get3A_136 = arith.index_cast %scan3A_128 : i32 to index
      %get3A_137 = arith.constant 0 : index
      %get3A_138 = tpu.vector_load %arg10[%get3A_136, %get3A_137] {strides = array<i32>} : memref<320x16xf32, #tpu.memory_space<vmem>>, vector<16xf32>,
      %add3A_139 = arith.addf %add3A_135, %get3A_138 : vector<16xf32>
      %broadcast_in_dim3A_140 = vector.broadcast %scan3A_128 : i32 to vector<16xi32>
      %gather3A_141 = tpu.vector_load_idx %arg11[%broadcast_in_dim3A_140] : memref<320xf32, #tpu.memory_space<vmem>>[vector<16xi32>], vector<16xf32>,
      %mul3A_142 = arith.mulf %add3A_139, %gather3A_141 : vector<16xf32>
      %add3A_143 = arith.addf %mul3A_142, %get3A_71 : vector<16xf32>
      %max3A_144 = arith.constant 0.000000e+00 : f32
      %max3A_145 = vector.broadcast %max3A_144 : f32 to vector<16xf32>
      %max3A_146 = arith.maximumf %add3A_143, %max3A_145 : vector<16xf32>
      %mul3A_147 = arith.mulf %max3A_146, %gather3A_141 : vector<16xf32>
      %swap3A_148 = arith.index_cast %scan3A_128 : i32 to index
      %swap3A_149 = arith.constant 0 : index
      %swap3A_150 = tpu.vector_load %arg13[%swap3A_148, %swap3A_149] {strides = array<i32>} : memref<320x16xf32, #tpu.memory_space<vmem>>, vector<16xf32>,
      tpu.vector_store %arg13[%swap3A_148, %swap3A_149], %mul3A_147 {strides = array<i32>} : memref<320x16xf32, #tpu.memory_space<vmem>>, vector<16xf32>,
      %swap3A_151 = arith.index_cast %scan3A_128 : i32 to index
      %swap3A_152 = arith.constant 0 : index
      %swap3A_153 = tpu.vector_load %arg14[%swap3A_151, %swap3A_152] {strides = array<i32>} : memref<320x16xf32, #tpu.memory_space<vmem>>, vector<16xf32>,
      tpu.vector_store %arg14[%swap3A_151, %swap3A_152], %gather3A_141 {strides = array<i32>} : memref<320x16xf32, #tpu.memory_space<vmem>>, vector<16xf32>,
      %scan3A_154 = arith.constant 2 : i32
      %scan3A_155 = arith.addi %scan3A_105, %scan3A_154 : i32
      %get3A_156 = arith.index_cast %scan3A_155 : i32 to index
      %get3A_157 = arith.constant 0 : index
      %get3A_158 = tpu.vector_load %arg8[%get3A_156, %get3A_157] {strides = array<i32>} : memref<320x16xf32, #tpu.memory_space<vmem>>, vector<16xf32>,
      %get3A_159 = arith.index_cast %scan3A_155 : i32 to index
      %get3A_160 = arith.constant 0 : index
      %get3A_161 = tpu.vector_load %arg9[%get3A_159, %get3A_160] {strides = array<i32>} : memref<320x16xf32, #tpu.memory_space<vmem>>, vector<16xf32>,
      %add3A_162 = arith.addf %get3A_158, %get3A_161 : vector<16xf32>
      %get3A_163 = arith.index_cast %scan3A_155 : i32 to index
      %get3A_164 = arith.constant 0 : index
      %get3A_165 = tpu.vector_load %arg10[%get3A_163, %get3A_164] {strides = array<i32>} : memref<320x16xf32, #tpu.memory_space<vmem>>, vector<16xf32>,
      %add3A_166 = arith.addf %add3A_162, %get3A_165 : vector<16xf32>
      %broadcast_in_dim3A_167 = vector.broadcast %scan3A_155 : i32 to vector<16xi32>
      %gather3A_168 = tpu.vector_load_idx %arg11[%broadcast_in_dim3A_167] : memref<320xf32, #tpu.memory_space<vmem>>[vector<16xi32>], vector<16xf32>,
      %mul3A_169 = arith.mulf %add3A_166, %gather3A_168 : vector<16xf32>
      %add3A_170 = arith.addf %mul3A_169, %get3A_71 : vector<16xf32>
      %max3A_171 = arith.constant 0.000000e+00 : f32
      %max3A_172 = vector.broadcast %max3A_171 : f32 to vector<16xf32>
      %max3A_173 = arith.maximumf %add3A_170, %max3A_172 : vector<16xf32>
      %mul3A_174 = arith.mulf %max3A_173, %gather3A_168 : vector<16xf32>
      %swap3A_175 = arith.index_cast %scan3A_155 : i32 to index
      %swap3A_176 = arith.constant 0 : index
      %swap3A_177 = tpu.vector_load %arg13[%swap3A_175, %swap3A_176] {strides = array<i32>} : memref<320x16xf32, #tpu.memory_space<vmem>>, vector<16xf32>,
      tpu.vector_store %arg13[%swap3A_175, %swap3A_176], %mul3A_174 {strides = array<i32>} : memref<320x16xf32, #tpu.memory_space<vmem>>, vector<16xf32>,
      %swap3A_178 = arith.index_cast %scan3A_155 : i32 to index
      %swap3A_179 = arith.constant 0 : index
      %swap3A_180 = tpu.vector_load %arg14[%swap3A_178, %swap3A_179] {strides = array<i32>} : memref<320x16xf32, #tpu.memory_space<vmem>>, vector<16xf32>,
      tpu.vector_store %arg14[%swap3A_178, %swap3A_179], %gather3A_168 {strides = array<i32>} : memref<320x16xf32, #tpu.memory_space<vmem>>, vector<16xf32>,
      %scan3A_181 = arith.constant 3 : i32
      %scan3A_182 = arith.addi %scan3A_105, %scan3A_181 : i32
      %get3A_183 = arith.index_cast %scan3A_182 : i32 to index
      %get3A_184 = arith.constant 0 : index
      %get3A_185 = tpu.vector_load %arg8[%get3A_183, %get3A_184] {strides = array<i32>} : memref<320x16xf32, #tpu.memory_space<vmem>>, vector<16xf32>,
      %get3A_186 = arith.index_cast %scan3A_182 : i32 to index
      %get3A_187 = arith.constant 0 : index
      %get3A_188 = tpu.vector_load %arg9[%get3A_186, %get3A_187] {strides = array<i32>} : memref<320x16xf32, #tpu.memory_space<vmem>>, vector<16xf32>,
      %add3A_189 = arith.addf %get3A_185, %get3A_188 : vector<16xf32>
      %get3A_190 = arith.index_cast %scan3A_182 : i32 to index
      %get3A_191 = arith.constant 0 : index
      %get3A_192 = tpu.vector_load %arg10[%get3A_190, %get3A_191] {strides = array<i32>} : memref<320x16xf32, #tpu.memory_space<vmem>>, vector<16xf32>,
      %add3A_193 = arith.addf %add3A_189, %get3A_192 : vector<16xf32>
      %broadcast_in_dim3A_194 = vector.broadcast %scan3A_182 : i32 to vector<16xi32>
      %gather3A_195 = tpu.vector_load_idx %arg11[%broadcast_in_dim3A_194] : memref<320xf32, #tpu.memory_space<vmem>>[vector<16xi32>], vector<16xf32>,
      %mul3A_196 = arith.mulf %add3A_193, %gather3A_195 : vector<16xf32>
      %add3A_197 = arith.addf %mul3A_196, %get3A_71 : vector<16xf32>
      %max3A_198 = arith.constant 0.000000e+00 : f32
      %max3A_199 = vector.broadcast %max3A_198 : f32 to vector<16xf32>
      %max3A_200 = arith.maximumf %add3A_197, %max3A_199 : vector<16xf32>
      %mul3A_201 = arith.mulf %max3A_200, %gather3A_195 : vector<16xf32>
      %swap3A_202 = arith.index_cast %scan3A_182 : i32 to index
      %swap3A_203 = arith.constant 0 : index
      %swap3A_204 = tpu.vector_load %arg13[%swap3A_202, %swap3A_203] {strides = array<i32>} : memref<320x16xf32, #tpu.memory_space<vmem>>, vector<16xf32>,
      tpu.vector_store %arg13[%swap3A_202, %swap3A_203], %mul3A_201 {strides = array<i32>} : memref<320x16xf32, #tpu.memory_space<vmem>>, vector<16xf32>,
      %swap3A_205 = arith.index_cast %scan3A_182 : i32 to index
      %swap3A_206 = arith.constant 0 : index
      %swap3A_207 = tpu.vector_load %arg14[%swap3A_205, %swap3A_206] {strides = array<i32>} : memref<320x16xf32, #tpu.memory_space<vmem>>, vector<16xf32>,
      tpu.vector_store %arg14[%swap3A_205, %swap3A_206], %gather3A_195 {strides = array<i32>} : memref<320x16xf32, #tpu.memory_space<vmem>>, vector<16xf32>,
    }
    %scan3A_76 = arith.constant 320 : i32
    %dma_start3A_77 = arith.constant 0 : i32
    %dma_start3A_78 = arith.constant 0 : i32
    %dma_start3A_79 = tpu.memref_slice %arg6[%mul3A_2, %dma_start3A_78] : memref<10240x16xf32, #tpu.memory_space<hbm>> -> memref<320x16xf32, #tpu.memory_space<hbm>>
    %dma_start3A_80 = tpu.memref_slice %arg15[%dma_start3A_77] : memref<5x!tpu.dma_semaphore, #tpu.memory_space<semaphore_mem>> -> memref<1x!tpu.dma_semaphore, #tpu.memory_space<semaphore_mem>>
    %dma_start3A_81 = tpu.memref_squeeze %dma_start3A_80 : memref<1x!tpu.dma_semaphore, #tpu.memory_space<semaphore_mem>> -> memref<!tpu.dma_semaphore, #tpu.memory_space<semaphore_mem>>
    %dma_start3A_82 = arith.constant 0 : i32
    %dma_start3A_83 = tpu.memref_slice %arg6[%mul3A_2, %dma_start3A_82] : memref<10240x16xf32, #tpu.memory_space<hbm>> -> memref<320x16xf32, #tpu.memory_space<hbm>>
    tpu.enqueue_dma source(%arg13 : memref<320x16xf32, #tpu.memory_space<vmem>>) target(%dma_start3A_83 : memref<320x16xf32, #tpu.memory_space<hbm>>) target_semaphore(%dma_start3A_81 : memref<!tpu.dma_semaphore, #tpu.memory_space<semaphore_mem>>)
    %dma_start3A_84 = arith.constant 1 : i32
    %dma_start3A_85 = arith.constant 0 : i32
    %dma_start3A_86 = tpu.memref_slice %arg7[%mul3A_2, %dma_start3A_85] : memref<10240x16xf32, #tpu.memory_space<hbm>> -> memref<320x16xf32, #tpu.memory_space<hbm>>
    %dma_start3A_87 = tpu.memref_slice %arg15[%dma_start3A_84] : memref<5x!tpu.dma_semaphore, #tpu.memory_space<semaphore_mem>> -> memref<1x!tpu.dma_semaphore, #tpu.memory_space<semaphore_mem>>
    %dma_start3A_88 = tpu.memref_squeeze %dma_start3A_87 : memref<1x!tpu.dma_semaphore, #tpu.memory_space<semaphore_mem>> -> memref<!tpu.dma_semaphore, #tpu.memory_space<semaphore_mem>>
    %dma_start3A_89 = arith.constant 0 : i32
    %dma_start3A_90 = tpu.memref_slice %arg7[%mul3A_2, %dma_start3A_89] : memref<10240x16xf32, #tpu.memory_space<hbm>> -> memref<320x16xf32, #tpu.memory_space<hbm>>
    tpu.enqueue_dma source(%arg14 : memref<320x16xf32, #tpu.memory_space<vmem>>) target(%dma_start3A_90 : memref<320x16xf32, #tpu.memory_space<hbm>>) target_semaphore(%dma_start3A_88 : memref<!tpu.dma_semaphore, #tpu.memory_space<semaphore_mem>>)
    %dma_wait3A_91 = arith.constant 0 : i32
    %dma_wait3A_92 = arith.constant 0 : i32
    %dma_wait3A_93 = tpu.memref_slice %arg6[%mul3A_2, %dma_wait3A_92] : memref<10240x16xf32, #tpu.memory_space<hbm>> -> memref<320x16xf32, #tpu.memory_space<hbm>>
    %dma_wait3A_94 = tpu.memref_slice %arg15[%dma_wait3A_91] : memref<5x!tpu.dma_semaphore, #tpu.memory_space<semaphore_mem>> -> memref<1x!tpu.dma_semaphore, #tpu.memory_space<semaphore_mem>>
    %dma_wait3A_95 = tpu.memref_squeeze %dma_wait3A_94 : memref<1x!tpu.dma_semaphore, #tpu.memory_space<semaphore_mem>> -> memref<!tpu.dma_semaphore, #tpu.memory_space<semaphore_mem>>
    %dma_wait3A_96 = arith.constant 0 : i32
    %dma_wait3A_97 = tpu.memref_slice %arg6[%mul3A_2, %dma_wait3A_96] : memref<10240x16xf32, #tpu.memory_space<hbm>> -> memref<320x16xf32, #tpu.memory_space<hbm>>
    tpu.wait_dma2 semaphore(%dma_wait3A_95 : memref<!tpu.dma_semaphore, #tpu.memory_space<semaphore_mem>>) src(%arg13 : memref<320x16xf32, #tpu.memory_space<vmem>>) dst(%dma_wait3A_97 : memref<320x16xf32, #tpu.memory_space<hbm>>)
    %dma_wait3A_98 = arith.constant 1 : i32
    %dma_wait3A_99 = arith.constant 0 : i32
    %dma_wait3A_100 = tpu.memref_slice %arg7[%mul3A_2, %dma_wait3A_99] : memref<10240x16xf32, #tpu.memory_space<hbm>> -> memref<320x16xf32, #tpu.memory_space<hbm>>
    %dma_wait3A_101 = tpu.memref_slice %arg15[%dma_wait3A_98] : memref<5x!tpu.dma_semaphore, #tpu.memory_space<semaphore_mem>> -> memref<1x!tpu.dma_semaphore, #tpu.memory_space<semaphore_mem>>
    %dma_wait3A_102 = tpu.memref_squeeze %dma_wait3A_101 : memref<1x!tpu.dma_semaphore, #tpu.memory_space<semaphore_mem>> -> memref<!tpu.dma_semaphore, #tpu.memory_space<semaphore_mem>>
    %dma_wait3A_103 = arith.constant 0 : i32
    %dma_wait3A_104 = tpu.memref_slice %arg7[%mul3A_2, %dma_wait3A_103] : memref<10240x16xf32, #tpu.memory_space<hbm>> -> memref<320x16xf32, #tpu.memory_space<hbm>>
    tpu.wait_dma2 semaphore(%dma_wait3A_102 : memref<!tpu.dma_semaphore, #tpu.memory_space<semaphore_mem>>) src(%arg14 : memref<320x16xf32, #tpu.memory_space<vmem>>) dst(%dma_wait3A_104 : memref<320x16xf32, #tpu.memory_space<hbm>>)
    return
  }
}

#map = affine_map<(d0, d1) -> (0, 0)>
#map1 = affine_map<(d0, d1) -> (0)>
module attributes {stable_mosaic.version = 14 : i64} {
  func.func @_sc_degree(%arg0: i32, %arg1: i32, %arg2: memref<2x320000xi32, #tpu.memory_space<hbm>>, %arg3: memref<323584xf32, #tpu.memory_space<hbm>>, %arg4: memref<10000xi32, #tpu.memory_space<vmem>>, %arg5: memref<10112xf32, #tpu.memory_space<vmem>>, %arg6: memref<1x!tpu.dma_semaphore, #tpu.memory_space<semaphore_mem>>) attributes {dimension_semantics = [#tpu.dimension_semantics<core_parallel>, #tpu.dimension_semantics<subcore_parallel>], iteration_bounds = array<i64: 2, 16>, scalar_prefetch = 0 : i64, scratch_operands = 3 : i64, tpu.core_type = #tpu.core_type<sc_vector_subcore>, window_params = [{transform_indices = #map}, {transform_indices = #map1}]} {
    %mul3A = arith.constant 16 : i32
    %mul3A_0 = arith.muli %arg0, %mul3A : i32
    %add3A = arith.addi %mul3A_0, %arg1 : i32
    %mul3A_1 = arith.constant 10000 : i32
    %mul3A_2 = arith.muli %add3A, %mul3A_1 : i32
    %dma_start3A = arith.constant 1 : i32
    %dma_start3A_3 = arith.constant 0 : i32
    %dma_start3A_4 = tpu.memref_slice %arg2[%dma_start3A, %mul3A_2] : memref<2x320000xi32, #tpu.memory_space<hbm>> -> memref<1x10000xi32, #tpu.memory_space<hbm>>
    %dma_start3A_5 = tpu.memref_squeeze %dma_start3A_4 : memref<1x10000xi32, #tpu.memory_space<hbm>> -> memref<10000xi32, #tpu.memory_space<hbm>>
    %dma_start3A_6 = tpu.memref_slice %arg6[%dma_start3A_3] : memref<1x!tpu.dma_semaphore, #tpu.memory_space<semaphore_mem>> -> memref<1x!tpu.dma_semaphore, #tpu.memory_space<semaphore_mem>>
    %dma_start3A_7 = tpu.memref_squeeze %dma_start3A_6 : memref<1x!tpu.dma_semaphore, #tpu.memory_space<semaphore_mem>> -> memref<!tpu.dma_semaphore, #tpu.memory_space<semaphore_mem>>
    %dma_start3A_8 = tpu.memref_slice %arg2[%dma_start3A, %mul3A_2] : memref<2x320000xi32, #tpu.memory_space<hbm>> -> memref<1x10000xi32, #tpu.memory_space<hbm>>
    %dma_start3A_9 = tpu.memref_squeeze %dma_start3A_8 : memref<1x10000xi32, #tpu.memory_space<hbm>> -> memref<10000xi32, #tpu.memory_space<hbm>>
    tpu.enqueue_dma source(%dma_start3A_9 : memref<10000xi32, #tpu.memory_space<hbm>>) target(%arg4 : memref<10000xi32, #tpu.memory_space<vmem>>) target_semaphore(%dma_start3A_7 : memref<!tpu.dma_semaphore, #tpu.memory_space<semaphore_mem>>)
    %broadcast_in_dim3A = arith.constant 0.000000e+00 : f32
    %broadcast_in_dim3A_10 = vector.broadcast %broadcast_in_dim3A : f32 to vector<16xf32>
    %broadcast_in_dim3A_11 = arith.constant 1.000000e+00 : f32
    %broadcast_in_dim3A_12 = vector.broadcast %broadcast_in_dim3A_11 : f32 to vector<16xf32>
    %scan3A = arith.constant 0 : i32
    %scan3A_13 = arith.constant 0 : i32
    %scan3A_14 = arith.constant 632 : i32
    %scan3A_15 = arith.addi %scan3A_13, %scan3A_14 : i32
    %scan3A_16 = arith.constant 4 : i32
    scf.for %scan3A_38 = %scan3A_13 to %scan3A_15 step %scan3A_16  : i32 {
      %mul3A_39 = arith.constant 16 : i32
      %mul3A_40 = arith.muli %scan3A_38, %mul3A_39 : i32
      %swap3A = arith.index_cast %mul3A_40 : i32 to index
      %swap3A_41 = tpu.vector_load %arg5[%swap3A] {strides = array<i32>} : memref<10112xf32, #tpu.memory_space<vmem>>, vector<16xf32>,
      tpu.vector_store %arg5[%swap3A], %broadcast_in_dim3A_10 {strides = array<i32>} : memref<10112xf32, #tpu.memory_space<vmem>>, vector<16xf32>,
      %scan3A_42 = arith.constant 1 : i32
      %scan3A_43 = arith.addi %scan3A_38, %scan3A_42 : i32
      %mul3A_44 = arith.constant 16 : i32
      %mul3A_45 = arith.muli %scan3A_43, %mul3A_44 : i32
      %swap3A_46 = arith.index_cast %mul3A_45 : i32 to index
      %swap3A_47 = tpu.vector_load %arg5[%swap3A_46] {strides = array<i32>} : memref<10112xf32, #tpu.memory_space<vmem>>, vector<16xf32>,
      tpu.vector_store %arg5[%swap3A_46], %broadcast_in_dim3A_10 {strides = array<i32>} : memref<10112xf32, #tpu.memory_space<vmem>>, vector<16xf32>,
      %scan3A_48 = arith.constant 2 : i32
      %scan3A_49 = arith.addi %scan3A_38, %scan3A_48 : i32
      %mul3A_50 = arith.constant 16 : i32
      %mul3A_51 = arith.muli %scan3A_49, %mul3A_50 : i32
      %swap3A_52 = arith.index_cast %mul3A_51 : i32 to index
      %swap3A_53 = tpu.vector_load %arg5[%swap3A_52] {strides = array<i32>} : memref<10112xf32, #tpu.memory_space<vmem>>, vector<16xf32>,
      tpu.vector_store %arg5[%swap3A_52], %broadcast_in_dim3A_10 {strides = array<i32>} : memref<10112xf32, #tpu.memory_space<vmem>>, vector<16xf32>,
      %scan3A_54 = arith.constant 3 : i32
      %scan3A_55 = arith.addi %scan3A_38, %scan3A_54 : i32
      %mul3A_56 = arith.constant 16 : i32
      %mul3A_57 = arith.muli %scan3A_55, %mul3A_56 : i32
      %swap3A_58 = arith.index_cast %mul3A_57 : i32 to index
      %swap3A_59 = tpu.vector_load %arg5[%swap3A_58] {strides = array<i32>} : memref<10112xf32, #tpu.memory_space<vmem>>, vector<16xf32>,
      tpu.vector_store %arg5[%swap3A_58], %broadcast_in_dim3A_10 {strides = array<i32>} : memref<10112xf32, #tpu.memory_space<vmem>>, vector<16xf32>,
    }
    %scan3A_17 = arith.constant 632 : i32
    %dma_wait3A = arith.constant 1 : i32
    %dma_wait3A_18 = arith.constant 0 : i32
    %dma_wait3A_19 = tpu.memref_slice %arg2[%dma_wait3A, %mul3A_2] : memref<2x320000xi32, #tpu.memory_space<hbm>> -> memref<1x10000xi32, #tpu.memory_space<hbm>>
    %dma_wait3A_20 = tpu.memref_squeeze %dma_wait3A_19 : memref<1x10000xi32, #tpu.memory_space<hbm>> -> memref<10000xi32, #tpu.memory_space<hbm>>
    %dma_wait3A_21 = tpu.memref_slice %arg6[%dma_wait3A_18] : memref<1x!tpu.dma_semaphore, #tpu.memory_space<semaphore_mem>> -> memref<1x!tpu.dma_semaphore, #tpu.memory_space<semaphore_mem>>
    %dma_wait3A_22 = tpu.memref_squeeze %dma_wait3A_21 : memref<1x!tpu.dma_semaphore, #tpu.memory_space<semaphore_mem>> -> memref<!tpu.dma_semaphore, #tpu.memory_space<semaphore_mem>>
    %dma_wait3A_23 = tpu.memref_slice %arg2[%dma_wait3A, %mul3A_2] : memref<2x320000xi32, #tpu.memory_space<hbm>> -> memref<1x10000xi32, #tpu.memory_space<hbm>>
    %dma_wait3A_24 = tpu.memref_squeeze %dma_wait3A_23 : memref<1x10000xi32, #tpu.memory_space<hbm>> -> memref<10000xi32, #tpu.memory_space<hbm>>
    tpu.wait_dma2 semaphore(%dma_wait3A_22 : memref<!tpu.dma_semaphore, #tpu.memory_space<semaphore_mem>>) src(%dma_wait3A_24 : memref<10000xi32, #tpu.memory_space<hbm>>) dst(%arg4 : memref<10000xi32, #tpu.memory_space<vmem>>)
    %scan3A_25 = arith.constant 0 : i32
    %scan3A_26 = arith.constant 0 : i32
    %scan3A_27 = arith.constant 624 : i32
    %scan3A_28 = arith.addi %scan3A_26, %scan3A_27 : i32
    %scan3A_29 = arith.constant 4 : i32
    scf.for %scan3A_38 = %scan3A_26 to %scan3A_28 step %scan3A_29  : i32 {
      %mul3A_39 = arith.constant 16 : i32
      %mul3A_40 = arith.muli %scan3A_38, %mul3A_39 : i32
      %get3A_41 = arith.index_cast %mul3A_40 : i32 to index
      %get3A_42 = tpu.vector_load %arg4[%get3A_41] {strides = array<i32>} : memref<10000xi32, #tpu.memory_space<vmem>>, vector<16xi32>,
      tpu.vector_store_idx %arg5[%get3A_42], %broadcast_in_dim3A_12 {add = true} : memref<10112xf32, #tpu.memory_space<vmem>>[vector<16xi32>], vector<16xf32>,
      %scan3A_43 = arith.constant 1 : i32
      %scan3A_44 = arith.addi %scan3A_38, %scan3A_43 : i32
      %mul3A_45 = arith.constant 16 : i32
      %mul3A_46 = arith.muli %scan3A_44, %mul3A_45 : i32
      %get3A_47 = arith.index_cast %mul3A_46 : i32 to index
      %get3A_48 = tpu.vector_load %arg4[%get3A_47] {strides = array<i32>} : memref<10000xi32, #tpu.memory_space<vmem>>, vector<16xi32>,
      tpu.vector_store_idx %arg5[%get3A_48], %broadcast_in_dim3A_12 {add = true} : memref<10112xf32, #tpu.memory_space<vmem>>[vector<16xi32>], vector<16xf32>,
      %scan3A_49 = arith.constant 2 : i32
      %scan3A_50 = arith.addi %scan3A_38, %scan3A_49 : i32
      %mul3A_51 = arith.constant 16 : i32
      %mul3A_52 = arith.muli %scan3A_50, %mul3A_51 : i32
      %get3A_53 = arith.index_cast %mul3A_52 : i32 to index
      %get3A_54 = tpu.vector_load %arg4[%get3A_53] {strides = array<i32>} : memref<10000xi32, #tpu.memory_space<vmem>>, vector<16xi32>,
      tpu.vector_store_idx %arg5[%get3A_54], %broadcast_in_dim3A_12 {add = true} : memref<10112xf32, #tpu.memory_space<vmem>>[vector<16xi32>], vector<16xf32>,
      %scan3A_55 = arith.constant 3 : i32
      %scan3A_56 = arith.addi %scan3A_38, %scan3A_55 : i32
      %mul3A_57 = arith.constant 16 : i32
      %mul3A_58 = arith.muli %scan3A_56, %mul3A_57 : i32
      %get3A_59 = arith.index_cast %mul3A_58 : i32 to index
      %get3A_60 = tpu.vector_load %arg4[%get3A_59] {strides = array<i32>} : memref<10000xi32, #tpu.memory_space<vmem>>, vector<16xi32>,
      tpu.vector_store_idx %arg5[%get3A_60], %broadcast_in_dim3A_12 {add = true} : memref<10112xf32, #tpu.memory_space<vmem>>[vector<16xi32>], vector<16xf32>,
    }
    %scan3A_30 = arith.constant 624 : i32
    %scan3A_31 = arith.addi %scan3A_26, %scan3A_30 : i32
    %mul3A_32 = arith.constant 16 : i32
    %mul3A_33 = arith.muli %scan3A_31, %mul3A_32 : i32
    %get3A = arith.index_cast %mul3A_33 : i32 to index
    %get3A_34 = tpu.vector_load %arg4[%get3A] {strides = array<i32>} : memref<10000xi32, #tpu.memory_space<vmem>>, vector<16xi32>,
    tpu.vector_store_idx %arg5[%get3A_34], %broadcast_in_dim3A_12 {add = true} : memref<10112xf32, #tpu.memory_space<vmem>>[vector<16xi32>], vector<16xf32>,
    %scan3A_35 = arith.constant 625 : i32
    %mul3A_36 = arith.constant 10112 : i32
    %mul3A_37 = arith.muli %add3A, %mul3A_36 : i32
    "tpu.region"() ({
      %run_scoped3A = tpu.sem_alloc : memref<!tpu.dma_semaphore, #tpu.memory_space<semaphore_mem>>
      %dma_start3A_38 = tpu.memref_slice %arg3[%mul3A_37] : memref<323584xf32, #tpu.memory_space<hbm>> -> memref<10112xf32, #tpu.memory_space<hbm>>
      %dma_start3A_39 = tpu.memref_slice %arg3[%mul3A_37] : memref<323584xf32, #tpu.memory_space<hbm>> -> memref<10112xf32, #tpu.memory_space<hbm>>
      tpu.enqueue_dma source(%arg5 : memref<10112xf32, #tpu.memory_space<vmem>>) target(%dma_start3A_39 : memref<10112xf32, #tpu.memory_space<hbm>>) target_semaphore(%run_scoped3A : memref<!tpu.dma_semaphore, #tpu.memory_space<semaphore_mem>>)
      %dma_wait3A_40 = tpu.memref_slice %arg3[%mul3A_37] : memref<323584xf32, #tpu.memory_space<hbm>> -> memref<10112xf32, #tpu.memory_space<hbm>>
      %dma_wait3A_41 = tpu.memref_slice %arg3[%mul3A_37] : memref<323584xf32, #tpu.memory_space<hbm>> -> memref<10112xf32, #tpu.memory_space<hbm>>
      tpu.wait_dma2 semaphore(%run_scoped3A : memref<!tpu.dma_semaphore, #tpu.memory_space<semaphore_mem>>) src(%arg5 : memref<10112xf32, #tpu.memory_space<vmem>>) dst(%dma_wait3A_41 : memref<10112xf32, #tpu.memory_space<hbm>>)
      tpu.yield
    }) : () -> ()
    return
  }
}

#map = affine_map<(d0, d1) -> (0, 0)>
#map1 = affine_map<(d0, d1) -> (0, 0, 0)>
module attributes {stable_mosaic.version = 14 : i64} {
  func.func @_sc_scatter(%arg0: i32, %arg1: i32, %arg2: memref<10240x16xf32, #tpu.memory_space<hbm>>, %arg3: memref<2x320000xi32, #tpu.memory_space<hbm>>, %arg4: memref<10240x16xf32, #tpu.memory_space<hbm>>, %arg5: memref<2x10240x16xf32, #tpu.memory_space<hbm>>, %arg6: memref<10000xi32, #tpu.memory_space<vmem>>, %arg7: memref<10000xi32, #tpu.memory_space<vmem>>, %arg8: memref<5x1000x16xf32, #tpu.memory_space<vmem>>, %arg9: memref<16x16xf32, #tpu.memory_space<vmem>>, %arg10: memref<10240x16xf32, #tpu.memory_space<vmem_shared>>, %arg11: memref<5x!tpu.dma_semaphore, #tpu.memory_space<semaphore_mem>>, %arg12: memref<5x!tpu.dma_semaphore, #tpu.memory_space<semaphore_mem>>) attributes {dimension_semantics = [#tpu.dimension_semantics<core_parallel>, #tpu.dimension_semantics<subcore_parallel>], iteration_bounds = array<i64: 2, 16>, scalar_prefetch = 0 : i64, scratch_operands = 7 : i64, tpu.core_type = #tpu.core_type<sc_vector_subcore>, window_params = [{transform_indices = #map}, {transform_indices = #map}, {transform_indices = #map}, {transform_indices = #map1}]} {
    %mul3A = arith.constant 16 : i32
    %mul3A_0 = arith.muli %arg0, %mul3A : i32
    %add3A = arith.addi %mul3A_0, %arg1 : i32
    %mul3A_1 = arith.constant 10000 : i32
    %mul3A_2 = arith.muli %add3A, %mul3A_1 : i32
    %dma_start3A = arith.constant 0 : i32
    %dma_start3A_3 = arith.constant 0 : i32
    %dma_start3A_4 = tpu.memref_slice %arg3[%dma_start3A, %mul3A_2] : memref<2x320000xi32, #tpu.memory_space<hbm>> -> memref<1x10000xi32, #tpu.memory_space<hbm>>
    %dma_start3A_5 = tpu.memref_squeeze %dma_start3A_4 : memref<1x10000xi32, #tpu.memory_space<hbm>> -> memref<10000xi32, #tpu.memory_space<hbm>>
    %dma_start3A_6 = tpu.memref_slice %arg11[%dma_start3A_3] : memref<5x!tpu.dma_semaphore, #tpu.memory_space<semaphore_mem>> -> memref<1x!tpu.dma_semaphore, #tpu.memory_space<semaphore_mem>>
    %dma_start3A_7 = tpu.memref_squeeze %dma_start3A_6 : memref<1x!tpu.dma_semaphore, #tpu.memory_space<semaphore_mem>> -> memref<!tpu.dma_semaphore, #tpu.memory_space<semaphore_mem>>
    %dma_start3A_8 = tpu.memref_slice %arg3[%dma_start3A, %mul3A_2] : memref<2x320000xi32, #tpu.memory_space<hbm>> -> memref<1x10000xi32, #tpu.memory_space<hbm>>
    %dma_start3A_9 = tpu.memref_squeeze %dma_start3A_8 : memref<1x10000xi32, #tpu.memory_space<hbm>> -> memref<10000xi32, #tpu.memory_space<hbm>>
    tpu.enqueue_dma source(%dma_start3A_9 : memref<10000xi32, #tpu.memory_space<hbm>>) target(%arg6 : memref<10000xi32, #tpu.memory_space<vmem>>) target_semaphore(%dma_start3A_7 : memref<!tpu.dma_semaphore, #tpu.memory_space<semaphore_mem>>)
    %mul3A_10 = arith.constant 10000 : i32
    %mul3A_11 = arith.muli %add3A, %mul3A_10 : i32
    %dma_start3A_12 = arith.constant 1 : i32
    %dma_start3A_13 = arith.constant 0 : i32
    %dma_start3A_14 = tpu.memref_slice %arg3[%dma_start3A_12, %mul3A_11] : memref<2x320000xi32, #tpu.memory_space<hbm>> -> memref<1x10000xi32, #tpu.memory_space<hbm>>
    %dma_start3A_15 = tpu.memref_squeeze %dma_start3A_14 : memref<1x10000xi32, #tpu.memory_space<hbm>> -> memref<10000xi32, #tpu.memory_space<hbm>>
    %dma_start3A_16 = tpu.memref_slice %arg12[%dma_start3A_13] : memref<5x!tpu.dma_semaphore, #tpu.memory_space<semaphore_mem>> -> memref<1x!tpu.dma_semaphore, #tpu.memory_space<semaphore_mem>>
    %dma_start3A_17 = tpu.memref_squeeze %dma_start3A_16 : memref<1x!tpu.dma_semaphore, #tpu.memory_space<semaphore_mem>> -> memref<!tpu.dma_semaphore, #tpu.memory_space<semaphore_mem>>
    %dma_start3A_18 = tpu.memref_slice %arg3[%dma_start3A_12, %mul3A_11] : memref<2x320000xi32, #tpu.memory_space<hbm>> -> memref<1x10000xi32, #tpu.memory_space<hbm>>
    %dma_start3A_19 = tpu.memref_squeeze %dma_start3A_18 : memref<1x10000xi32, #tpu.memory_space<hbm>> -> memref<10000xi32, #tpu.memory_space<hbm>>
    tpu.enqueue_dma source(%dma_start3A_19 : memref<10000xi32, #tpu.memory_space<hbm>>) target(%arg7 : memref<10000xi32, #tpu.memory_space<vmem>>) target_semaphore(%dma_start3A_17 : memref<!tpu.dma_semaphore, #tpu.memory_space<semaphore_mem>>)
    %mul3A_20 = arith.constant 640 : i32
    %mul3A_21 = arith.muli %arg1, %mul3A_20 : i32
    %mul3A_22 = arith.constant 640 : i32
    %mul3A_23 = arith.muli %arg1, %mul3A_22 : i32
    %dma_start3A_24 = arith.constant 1 : i32
    %dma_start3A_25 = tpu.memref_slice %arg12[%dma_start3A_24] : memref<5x!tpu.dma_semaphore, #tpu.memory_space<semaphore_mem>> -> memref<1x!tpu.dma_semaphore, #tpu.memory_space<semaphore_mem>>
    %dma_start3A_26 = tpu.memref_squeeze %dma_start3A_25 : memref<1x!tpu.dma_semaphore, #tpu.memory_space<semaphore_mem>> -> memref<!tpu.dma_semaphore, #tpu.memory_space<semaphore_mem>>
    %dma_start3A_27 = arith.constant 0 : i32
    %dma_start3A_28 = tpu.memref_slice %arg10[%mul3A_23, %dma_start3A_27] : memref<10240x16xf32, #tpu.memory_space<vmem_shared>> -> memref<640x16xf32, #tpu.memory_space<vmem_shared>>
    %dma_start3A_29 = arith.constant 0 : i32
    %dma_start3A_30 = tpu.memref_slice %arg4[%mul3A_21, %dma_start3A_29] : memref<10240x16xf32, #tpu.memory_space<hbm>> -> memref<640x16xf32, #tpu.memory_space<hbm>>
    tpu.enqueue_dma source(%dma_start3A_30 : memref<640x16xf32, #tpu.memory_space<hbm>>) target(%dma_start3A_28 : memref<640x16xf32, #tpu.memory_space<vmem_shared>>) target_semaphore(%dma_start3A_26 : memref<!tpu.dma_semaphore, #tpu.memory_space<semaphore_mem>>)
    %dma_wait3A = arith.constant 0 : i32
    %dma_wait3A_31 = arith.constant 0 : i32
    %dma_wait3A_32 = tpu.memref_slice %arg3[%dma_wait3A, %mul3A_2] : memref<2x320000xi32, #tpu.memory_space<hbm>> -> memref<1x10000xi32, #tpu.memory_space<hbm>>
    %dma_wait3A_33 = tpu.memref_squeeze %dma_wait3A_32 : memref<1x10000xi32, #tpu.memory_space<hbm>> -> memref<10000xi32, #tpu.memory_space<hbm>>
    %dma_wait3A_34 = tpu.memref_slice %arg11[%dma_wait3A_31] : memref<5x!tpu.dma_semaphore, #tpu.memory_space<semaphore_mem>> -> memref<1x!tpu.dma_semaphore, #tpu.memory_space<semaphore_mem>>
    %dma_wait3A_35 = tpu.memref_squeeze %dma_wait3A_34 : memref<1x!tpu.dma_semaphore, #tpu.memory_space<semaphore_mem>> -> memref<!tpu.dma_semaphore, #tpu.memory_space<semaphore_mem>>
    %dma_wait3A_36 = tpu.memref_slice %arg3[%dma_wait3A, %mul3A_2] : memref<2x320000xi32, #tpu.memory_space<hbm>> -> memref<1x10000xi32, #tpu.memory_space<hbm>>
    %dma_wait3A_37 = tpu.memref_squeeze %dma_wait3A_36 : memref<1x10000xi32, #tpu.memory_space<hbm>> -> memref<10000xi32, #tpu.memory_space<hbm>>
    tpu.wait_dma2 semaphore(%dma_wait3A_35 : memref<!tpu.dma_semaphore, #tpu.memory_space<semaphore_mem>>) src(%dma_wait3A_37 : memref<10000xi32, #tpu.memory_space<hbm>>) dst(%arg6 : memref<10000xi32, #tpu.memory_space<vmem>>)
    %dma_start3A_38 = arith.constant 0 : i32
    %dma_start3A_39 = arith.constant 0 : i32
    %dma_start3A_40 = arith.constant 0 : i32
    %dma_start3A_41 = arith.constant 0 : i32
    %dma_start3A_42 = tpu.memref_slice %arg8[%dma_start3A_38, %dma_start3A_40, %dma_start3A_41] : memref<5x1000x16xf32, #tpu.memory_space<vmem>> -> memref<1x1000x16xf32, #tpu.memory_space<vmem>>
    %dma_start3A_43 = tpu.memref_squeeze %dma_start3A_42 : memref<1x1000x16xf32, #tpu.memory_space<vmem>> -> memref<1000x16xf32, #tpu.memory_space<vmem>>
    %dma_start3A_44 = arith.constant 0 : i32
    %dma_start3A_45 = tpu.memref_slice %arg6[%dma_start3A_44] : memref<10000xi32, #tpu.memory_space<vmem>> -> memref<1000xi32, #tpu.memory_space<vmem>>
    %dma_start3A_46 = arith.constant 0 : i32
    %dma_start3A_47 = arith.constant 0 : i32
    %dma_start3A_48 = tpu.memref_slice %arg2[%dma_start3A_46, %dma_start3A_47] : memref<10240x16xf32, #tpu.memory_space<hbm>> -> memref<10240x16xf32, #tpu.memory_space<hbm>>
    %dma_start3A_49 = tpu.memref_slice %arg11[%dma_start3A_39] : memref<5x!tpu.dma_semaphore, #tpu.memory_space<semaphore_mem>> -> memref<1x!tpu.dma_semaphore, #tpu.memory_space<semaphore_mem>>
    %dma_start3A_50 = tpu.memref_squeeze %dma_start3A_49 : memref<1x!tpu.dma_semaphore, #tpu.memory_space<semaphore_mem>> -> memref<!tpu.dma_semaphore, #tpu.memory_space<semaphore_mem>>
    tpu.enqueue_indirect_dma source(%dma_start3A_48 : memref<10240x16xf32, #tpu.memory_space<hbm>>) target(%dma_start3A_43 : memref<1000x16xf32, #tpu.memory_space<vmem>>) offsets(%dma_start3A_45 : memref<1000xi32, #tpu.memory_space<vmem>>) semaphore(%dma_start3A_50 : memref<!tpu.dma_semaphore, #tpu.memory_space<semaphore_mem>>)
    %dma_start3A_51 = arith.constant 1 : i32
    %dma_start3A_52 = arith.constant 1 : i32
    %dma_start3A_53 = arith.constant 0 : i32
    %dma_start3A_54 = arith.constant 0 : i32
    %dma_start3A_55 = tpu.memref_slice %arg8[%dma_start3A_51, %dma_start3A_53, %dma_start3A_54] : memref<5x1000x16xf32, #tpu.memory_space<vmem>> -> memref<1x1000x16xf32, #tpu.memory_space<vmem>>
    %dma_start3A_56 = tpu.memref_squeeze %dma_start3A_55 : memref<1x1000x16xf32, #tpu.memory_space<vmem>> -> memref<1000x16xf32, #tpu.memory_space<vmem>>
    %dma_start3A_57 = arith.constant 1000 : i32
    %dma_start3A_58 = tpu.memref_slice %arg6[%dma_start3A_57] : memref<10000xi32, #tpu.memory_space<vmem>> -> memref<1000xi32, #tpu.memory_space<vmem>>
    %dma_start3A_59 = arith.constant 0 : i32
    %dma_start3A_60 = arith.constant 0 : i32
    %dma_start3A_61 = tpu.memref_slice %arg2[%dma_start3A_59, %dma_start3A_60] : memref<10240x16xf32, #tpu.memory_space<hbm>> -> memref<10240x16xf32, #tpu.memory_space<hbm>>
    %dma_start3A_62 = tpu.memref_slice %arg11[%dma_start3A_52] : memref<5x!tpu.dma_semaphore, #tpu.memory_space<semaphore_mem>> -> memref<1x!tpu.dma_semaphore, #tpu.memory_space<semaphore_mem>>
    %dma_start3A_63 = tpu.memref_squeeze %dma_start3A_62 : memref<1x!tpu.dma_semaphore, #tpu.memory_space<semaphore_mem>> -> memref<!tpu.dma_semaphore, #tpu.memory_space<semaphore_mem>>
    tpu.enqueue_indirect_dma source(%dma_start3A_61 : memref<10240x16xf32, #tpu.memory_space<hbm>>) target(%dma_start3A_56 : memref<1000x16xf32, #tpu.memory_space<vmem>>) offsets(%dma_start3A_58 : memref<1000xi32, #tpu.memory_space<vmem>>) semaphore(%dma_start3A_63 : memref<!tpu.dma_semaphore, #tpu.memory_space<semaphore_mem>>)
    %dma_start3A_64 = arith.constant 2 : i32
    %dma_start3A_65 = arith.constant 2 : i32
    %dma_start3A_66 = arith.constant 0 : i32
    %dma_start3A_67 = arith.constant 0 : i32
    %dma_start3A_68 = tpu.memref_slice %arg8[%dma_start3A_64, %dma_start3A_66, %dma_start3A_67] : memref<5x1000x16xf32, #tpu.memory_space<vmem>> -> memref<1x1000x16xf32, #tpu.memory_space<vmem>>
    %dma_start3A_69 = tpu.memref_squeeze %dma_start3A_68 : memref<1x1000x16xf32, #tpu.memory_space<vmem>> -> memref<1000x16xf32, #tpu.memory_space<vmem>>
    %dma_start3A_70 = arith.constant 2000 : i32
    %dma_start3A_71 = tpu.memref_slice %arg6[%dma_start3A_70] : memref<10000xi32, #tpu.memory_space<vmem>> -> memref<1000xi32, #tpu.memory_space<vmem>>
    %dma_start3A_72 = arith.constant 0 : i32
    %dma_start3A_73 = arith.constant 0 : i32
    %dma_start3A_74 = tpu.memref_slice %arg2[%dma_start3A_72, %dma_start3A_73] : memref<10240x16xf32, #tpu.memory_space<hbm>> -> memref<10240x16xf32, #tpu.memory_space<hbm>>
    %dma_start3A_75 = tpu.memref_slice %arg11[%dma_start3A_65] : memref<5x!tpu.dma_semaphore, #tpu.memory_space<semaphore_mem>> -> memref<1x!tpu.dma_semaphore, #tpu.memory_space<semaphore_mem>>
    %dma_start3A_76 = tpu.memref_squeeze %dma_start3A_75 : memref<1x!tpu.dma_semaphore, #tpu.memory_space<semaphore_mem>> -> memref<!tpu.dma_semaphore, #tpu.memory_space<semaphore_mem>>
    tpu.enqueue_indirect_dma source(%dma_start3A_74 : memref<10240x16xf32, #tpu.memory_space<hbm>>) target(%dma_start3A_69 : memref<1000x16xf32, #tpu.memory_space<vmem>>) offsets(%dma_start3A_71 : memref<1000xi32, #tpu.memory_space<vmem>>) semaphore(%dma_start3A_76 : memref<!tpu.dma_semaphore, #tpu.memory_space<semaphore_mem>>)
    %dma_start3A_77 = arith.constant 3 : i32
    %dma_start3A_78 = arith.constant 3 : i32
    %dma_start3A_79 = arith.constant 0 : i32
    %dma_start3A_80 = arith.constant 0 : i32
    %dma_start3A_81 = tpu.memref_slice %arg8[%dma_start3A_77, %dma_start3A_79, %dma_start3A_80] : memref<5x1000x16xf32, #tpu.memory_space<vmem>> -> memref<1x1000x16xf32, #tpu.memory_space<vmem>>
    %dma_start3A_82 = tpu.memref_squeeze %dma_start3A_81 : memref<1x1000x16xf32, #tpu.memory_space<vmem>> -> memref<1000x16xf32, #tpu.memory_space<vmem>>
    %dma_start3A_83 = arith.constant 3000 : i32
    %dma_start3A_84 = tpu.memref_slice %arg6[%dma_start3A_83] : memref<10000xi32, #tpu.memory_space<vmem>> -> memref<1000xi32, #tpu.memory_space<vmem>>
    %dma_start3A_85 = arith.constant 0 : i32
    %dma_start3A_86 = arith.constant 0 : i32
    %dma_start3A_87 = tpu.memref_slice %arg2[%dma_start3A_85, %dma_start3A_86] : memref<10240x16xf32, #tpu.memory_space<hbm>> -> memref<10240x16xf32, #tpu.memory_space<hbm>>
    %dma_start3A_88 = tpu.memref_slice %arg11[%dma_start3A_78] : memref<5x!tpu.dma_semaphore, #tpu.memory_space<semaphore_mem>> -> memref<1x!tpu.dma_semaphore, #tpu.memory_space<semaphore_mem>>
    %dma_start3A_89 = tpu.memref_squeeze %dma_start3A_88 : memref<1x!tpu.dma_semaphore, #tpu.memory_space<semaphore_mem>> -> memref<!tpu.dma_semaphore, #tpu.memory_space<semaphore_mem>>
    tpu.enqueue_indirect_dma source(%dma_start3A_87 : memref<10240x16xf32, #tpu.memory_space<hbm>>) target(%dma_start3A_82 : memref<1000x16xf32, #tpu.memory_space<vmem>>) offsets(%dma_start3A_84 : memref<1000xi32, #tpu.memory_space<vmem>>) semaphore(%dma_start3A_89 : memref<!tpu.dma_semaphore, #tpu.memory_space<semaphore_mem>>)
    %dma_start3A_90 = arith.constant 4 : i32
    %dma_start3A_91 = arith.constant 4 : i32
    %dma_start3A_92 = arith.constant 0 : i32
    %dma_start3A_93 = arith.constant 0 : i32
    %dma_start3A_94 = tpu.memref_slice %arg8[%dma_start3A_90, %dma_start3A_92, %dma_start3A_93] : memref<5x1000x16xf32, #tpu.memory_space<vmem>> -> memref<1x1000x16xf32, #tpu.memory_space<vmem>>
    %dma_start3A_95 = tpu.memref_squeeze %dma_start3A_94 : memref<1x1000x16xf32, #tpu.memory_space<vmem>> -> memref<1000x16xf32, #tpu.memory_space<vmem>>
    %dma_start3A_96 = arith.constant 4000 : i32
    %dma_start3A_97 = tpu.memref_slice %arg6[%dma_start3A_96] : memref<10000xi32, #tpu.memory_space<vmem>> -> memref<1000xi32, #tpu.memory_space<vmem>>
    %dma_start3A_98 = arith.constant 0 : i32
    %dma_start3A_99 = arith.constant 0 : i32
    %dma_start3A_100 = tpu.memref_slice %arg2[%dma_start3A_98, %dma_start3A_99] : memref<10240x16xf32, #tpu.memory_space<hbm>> -> memref<10240x16xf32, #tpu.memory_space<hbm>>
    %dma_start3A_101 = tpu.memref_slice %arg11[%dma_start3A_91] : memref<5x!tpu.dma_semaphore, #tpu.memory_space<semaphore_mem>> -> memref<1x!tpu.dma_semaphore, #tpu.memory_space<semaphore_mem>>
    %dma_start3A_102 = tpu.memref_squeeze %dma_start3A_101 : memref<1x!tpu.dma_semaphore, #tpu.memory_space<semaphore_mem>> -> memref<!tpu.dma_semaphore, #tpu.memory_space<semaphore_mem>>
    tpu.enqueue_indirect_dma source(%dma_start3A_100 : memref<10240x16xf32, #tpu.memory_space<hbm>>) target(%dma_start3A_95 : memref<1000x16xf32, #tpu.memory_space<vmem>>) offsets(%dma_start3A_97 : memref<1000xi32, #tpu.memory_space<vmem>>) semaphore(%dma_start3A_102 : memref<!tpu.dma_semaphore, #tpu.memory_space<semaphore_mem>>)
    %dma_wait3A_103 = arith.constant 1 : i32
    %dma_wait3A_104 = arith.constant 0 : i32
    %dma_wait3A_105 = tpu.memref_slice %arg3[%dma_wait3A_103, %mul3A_11] : memref<2x320000xi32, #tpu.memory_space<hbm>> -> memref<1x10000xi32, #tpu.memory_space<hbm>>
    %dma_wait3A_106 = tpu.memref_squeeze %dma_wait3A_105 : memref<1x10000xi32, #tpu.memory_space<hbm>> -> memref<10000xi32, #tpu.memory_space<hbm>>
    %dma_wait3A_107 = tpu.memref_slice %arg12[%dma_wait3A_104] : memref<5x!tpu.dma_semaphore, #tpu.memory_space<semaphore_mem>> -> memref<1x!tpu.dma_semaphore, #tpu.memory_space<semaphore_mem>>
    %dma_wait3A_108 = tpu.memref_squeeze %dma_wait3A_107 : memref<1x!tpu.dma_semaphore, #tpu.memory_space<semaphore_mem>> -> memref<!tpu.dma_semaphore, #tpu.memory_space<semaphore_mem>>
    %dma_wait3A_109 = tpu.memref_slice %arg3[%dma_wait3A_103, %mul3A_11] : memref<2x320000xi32, #tpu.memory_space<hbm>> -> memref<1x10000xi32, #tpu.memory_space<hbm>>
    %dma_wait3A_110 = tpu.memref_squeeze %dma_wait3A_109 : memref<1x10000xi32, #tpu.memory_space<hbm>> -> memref<10000xi32, #tpu.memory_space<hbm>>
    tpu.wait_dma2 semaphore(%dma_wait3A_108 : memref<!tpu.dma_semaphore, #tpu.memory_space<semaphore_mem>>) src(%dma_wait3A_110 : memref<10000xi32, #tpu.memory_space<hbm>>) dst(%arg7 : memref<10000xi32, #tpu.memory_space<vmem>>)
    %dma_wait3A_111 = arith.constant 1 : i32
    %dma_wait3A_112 = tpu.memref_slice %arg12[%dma_wait3A_111] : memref<5x!tpu.dma_semaphore, #tpu.memory_space<semaphore_mem>> -> memref<1x!tpu.dma_semaphore, #tpu.memory_space<semaphore_mem>>
    %dma_wait3A_113 = tpu.memref_squeeze %dma_wait3A_112 : memref<1x!tpu.dma_semaphore, #tpu.memory_space<semaphore_mem>> -> memref<!tpu.dma_semaphore, #tpu.memory_space<semaphore_mem>>
    %dma_wait3A_114 = arith.constant 0 : i32
    %dma_wait3A_115 = tpu.memref_slice %arg10[%mul3A_23, %dma_wait3A_114] : memref<10240x16xf32, #tpu.memory_space<vmem_shared>> -> memref<640x16xf32, #tpu.memory_space<vmem_shared>>
    %dma_wait3A_116 = arith.constant 0 : i32
    %dma_wait3A_117 = tpu.memref_slice %arg4[%mul3A_21, %dma_wait3A_116] : memref<10240x16xf32, #tpu.memory_space<hbm>> -> memref<640x16xf32, #tpu.memory_space<hbm>>
    tpu.wait_dma2 semaphore(%dma_wait3A_113 : memref<!tpu.dma_semaphore, #tpu.memory_space<semaphore_mem>>) src(%dma_wait3A_117 : memref<640x16xf32, #tpu.memory_space<hbm>>) dst(%dma_wait3A_115 : memref<640x16xf32, #tpu.memory_space<vmem_shared>>)
    %barrier3A = arith.constant 0 : index
    tpu.barrier barrier_id(%barrier3A)
    %dma_wait3A_118 = arith.constant 0 : i32
    %dma_wait3A_119 = arith.constant 0 : i32
    %dma_wait3A_120 = arith.constant 0 : i32
    %dma_wait3A_121 = arith.constant 0 : i32
    %dma_wait3A_122 = tpu.memref_slice %arg8[%dma_wait3A_118, %dma_wait3A_120, %dma_wait3A_121] : memref<5x1000x16xf32, #tpu.memory_space<vmem>> -> memref<1x1000x16xf32, #tpu.memory_space<vmem>>
    %dma_wait3A_123 = tpu.memref_squeeze %dma_wait3A_122 : memref<1x1000x16xf32, #tpu.memory_space<vmem>> -> memref<1000x16xf32, #tpu.memory_space<vmem>>
    %dma_wait3A_124 = arith.constant 0 : i32
    %dma_wait3A_125 = tpu.memref_slice %arg6[%dma_wait3A_124] : memref<10000xi32, #tpu.memory_space<vmem>> -> memref<1000xi32, #tpu.memory_space<vmem>>
    %dma_wait3A_126 = arith.constant 0 : i32
    %dma_wait3A_127 = arith.constant 0 : i32
    %dma_wait3A_128 = tpu.memref_slice %arg2[%dma_wait3A_126, %dma_wait3A_127] : memref<10240x16xf32, #tpu.memory_space<hbm>> -> memref<10240x16xf32, #tpu.memory_space<hbm>>
    %dma_wait3A_129 = tpu.memref_slice %arg11[%dma_wait3A_119] : memref<5x!tpu.dma_semaphore, #tpu.memory_space<semaphore_mem>> -> memref<1x!tpu.dma_semaphore, #tpu.memory_space<semaphore_mem>>
    %dma_wait3A_130 = tpu.memref_squeeze %dma_wait3A_129 : memref<1x!tpu.dma_semaphore, #tpu.memory_space<semaphore_mem>> -> memref<!tpu.dma_semaphore, #tpu.memory_space<semaphore_mem>>
    tpu.wait_indirect_dma semaphore(%dma_wait3A_130 : memref<!tpu.dma_semaphore, #tpu.memory_space<semaphore_mem>>) src(%dma_wait3A_128 : memref<10240x16xf32, #tpu.memory_space<hbm>>) dst(%dma_wait3A_123 : memref<1000x16xf32, #tpu.memory_space<vmem>>)
    %dma_start3A_131 = arith.constant 0 : i32
    %dma_start3A_132 = arith.constant 0 : i32
    %dma_start3A_133 = arith.constant 0 : i32
    %dma_start3A_134 = arith.constant 0 : i32
    %dma_start3A_135 = tpu.memref_slice %arg8[%dma_start3A_131, %dma_start3A_133, %dma_start3A_134] : memref<5x1000x16xf32, #tpu.memory_space<vmem>> -> memref<1x1000x16xf32, #tpu.memory_space<vmem>>
    %dma_start3A_136 = tpu.memref_squeeze %dma_start3A_135 : memref<1x1000x16xf32, #tpu.memory_space<vmem>> -> memref<1000x16xf32, #tpu.memory_space<vmem>>
    %dma_start3A_137 = arith.constant 0 : i32
    %dma_start3A_138 = tpu.memref_slice %arg7[%dma_start3A_137] : memref<10000xi32, #tpu.memory_space<vmem>> -> memref<1000xi32, #tpu.memory_space<vmem>>
    %dma_start3A_139 = arith.constant 0 : i32
    %dma_start3A_140 = arith.constant 0 : i32
    %dma_start3A_141 = tpu.memref_slice %arg10[%dma_start3A_139, %dma_start3A_140] : memref<10240x16xf32, #tpu.memory_space<vmem_shared>> -> memref<10240x16xf32, #tpu.memory_space<vmem_shared>>
    %dma_start3A_142 = tpu.memref_slice %arg12[%dma_start3A_132] : memref<5x!tpu.dma_semaphore, #tpu.memory_space<semaphore_mem>> -> memref<1x!tpu.dma_semaphore, #tpu.memory_space<semaphore_mem>>
    %dma_start3A_143 = tpu.memref_squeeze %dma_start3A_142 : memref<1x!tpu.dma_semaphore, #tpu.memory_space<semaphore_mem>> -> memref<!tpu.dma_semaphore, #tpu.memory_space<semaphore_mem>>
    tpu.enqueue_indirect_dma source(%dma_start3A_136 : memref<1000x16xf32, #tpu.memory_space<vmem>>) target(%dma_start3A_141 : memref<10240x16xf32, #tpu.memory_space<vmem_shared>>) offsets(%dma_start3A_138 : memref<1000xi32, #tpu.memory_space<vmem>>) semaphore(%dma_start3A_143 : memref<!tpu.dma_semaphore, #tpu.memory_space<semaphore_mem>>) {add = true}
    %dma_wait3A_144 = arith.constant 0 : i32
    %dma_wait3A_145 = arith.constant 0 : i32
    %dma_wait3A_146 = arith.constant 0 : i32
    %dma_wait3A_147 = arith.constant 0 : i32
    %dma_wait3A_148 = tpu.memref_slice %arg8[%dma_wait3A_144, %dma_wait3A_146, %dma_wait3A_147] : memref<5x1000x16xf32, #tpu.memory_space<vmem>> -> memref<1x1000x16xf32, #tpu.memory_space<vmem>>
    %dma_wait3A_149 = tpu.memref_squeeze %dma_wait3A_148 : memref<1x1000x16xf32, #tpu.memory_space<vmem>> -> memref<1000x16xf32, #tpu.memory_space<vmem>>
    %dma_wait3A_150 = arith.constant 0 : i32
    %dma_wait3A_151 = tpu.memref_slice %arg7[%dma_wait3A_150] : memref<10000xi32, #tpu.memory_space<vmem>> -> memref<1000xi32, #tpu.memory_space<vmem>>
    %dma_wait3A_152 = arith.constant 0 : i32
    %dma_wait3A_153 = arith.constant 0 : i32
    %dma_wait3A_154 = tpu.memref_slice %arg10[%dma_wait3A_152, %dma_wait3A_153] : memref<10240x16xf32, #tpu.memory_space<vmem_shared>> -> memref<10240x16xf32, #tpu.memory_space<vmem_shared>>
    %dma_wait3A_155 = tpu.memref_slice %arg12[%dma_wait3A_145] : memref<5x!tpu.dma_semaphore, #tpu.memory_space<semaphore_mem>> -> memref<1x!tpu.dma_semaphore, #tpu.memory_space<semaphore_mem>>
    %dma_wait3A_156 = tpu.memref_squeeze %dma_wait3A_155 : memref<1x!tpu.dma_semaphore, #tpu.memory_space<semaphore_mem>> -> memref<!tpu.dma_semaphore, #tpu.memory_space<semaphore_mem>>
    tpu.wait_indirect_dma semaphore(%dma_wait3A_156 : memref<!tpu.dma_semaphore, #tpu.memory_space<semaphore_mem>>) src(%dma_wait3A_149 : memref<1000x16xf32, #tpu.memory_space<vmem>>) dst(%dma_wait3A_154 : memref<10240x16xf32, #tpu.memory_space<vmem_shared>>)
    %dma_start3A_157 = arith.constant 0 : i32
    %dma_start3A_158 = arith.constant 0 : i32
    %dma_start3A_159 = arith.constant 0 : i32
    %dma_start3A_160 = arith.constant 0 : i32
    %dma_start3A_161 = tpu.memref_slice %arg8[%dma_start3A_157, %dma_start3A_159, %dma_start3A_160] : memref<5x1000x16xf32, #tpu.memory_space<vmem>> -> memref<1x1000x16xf32, #tpu.memory_space<vmem>>
    %dma_start3A_162 = tpu.memref_squeeze %dma_start3A_161 : memref<1x1000x16xf32, #tpu.memory_space<vmem>> -> memref<1000x16xf32, #tpu.memory_space<vmem>>
    %dma_start3A_163 = arith.constant 5000 : i32
    %dma_start3A_164 = tpu.memref_slice %arg6[%dma_start3A_163] : memref<10000xi32, #tpu.memory_space<vmem>> -> memref<1000xi32, #tpu.memory_space<vmem>>
    %dma_start3A_165 = arith.constant 0 : i32
    %dma_start3A_166 = arith.constant 0 : i32
    %dma_start3A_167 = tpu.memref_slice %arg2[%dma_start3A_165, %dma_start3A_166] : memref<10240x16xf32, #tpu.memory_space<hbm>> -> memref<10240x16xf32, #tpu.memory_space<hbm>>
    %dma_start3A_168 = tpu.memref_slice %arg11[%dma_start3A_158] : memref<5x!tpu.dma_semaphore, #tpu.memory_space<semaphore_mem>> -> memref<1x!tpu.dma_semaphore, #tpu.memory_space<semaphore_mem>>
    %dma_start3A_169 = tpu.memref_squeeze %dma_start3A_168 : memref<1x!tpu.dma_semaphore, #tpu.memory_space<semaphore_mem>> -> memref<!tpu.dma_semaphore, #tpu.memory_space<semaphore_mem>>
    tpu.enqueue_indirect_dma source(%dma_start3A_167 : memref<10240x16xf32, #tpu.memory_space<hbm>>) target(%dma_start3A_162 : memref<1000x16xf32, #tpu.memory_space<vmem>>) offsets(%dma_start3A_164 : memref<1000xi32, #tpu.memory_space<vmem>>) semaphore(%dma_start3A_169 : memref<!tpu.dma_semaphore, #tpu.memory_space<semaphore_mem>>)
    %dma_wait3A_170 = arith.constant 1 : i32
    %dma_wait3A_171 = arith.constant 1 : i32
    %dma_wait3A_172 = arith.constant 0 : i32
    %dma_wait3A_173 = arith.constant 0 : i32
    %dma_wait3A_174 = tpu.memref_slice %arg8[%dma_wait3A_170, %dma_wait3A_172, %dma_wait3A_173] : memref<5x1000x16xf32, #tpu.memory_space<vmem>> -> memref<1x1000x16xf32, #tpu.memory_space<vmem>>
    %dma_wait3A_175 = tpu.memref_squeeze %dma_wait3A_174 : memref<1x1000x16xf32, #tpu.memory_space<vmem>> -> memref<1000x16xf32, #tpu.memory_space<vmem>>
    %dma_wait3A_176 = arith.constant 1000 : i32
    %dma_wait3A_177 = tpu.memref_slice %arg6[%dma_wait3A_176] : memref<10000xi32, #tpu.memory_space<vmem>> -> memref<1000xi32, #tpu.memory_space<vmem>>
    %dma_wait3A_178 = arith.constant 0 : i32
    %dma_wait3A_179 = arith.constant 0 : i32
    %dma_wait3A_180 = tpu.memref_slice %arg2[%dma_wait3A_178, %dma_wait3A_179] : memref<10240x16xf32, #tpu.memory_space<hbm>> -> memref<10240x16xf32, #tpu.memory_space<hbm>>
    %dma_wait3A_181 = tpu.memref_slice %arg11[%dma_wait3A_171] : memref<5x!tpu.dma_semaphore, #tpu.memory_space<semaphore_mem>> -> memref<1x!tpu.dma_semaphore, #tpu.memory_space<semaphore_mem>>
    %dma_wait3A_182 = tpu.memref_squeeze %dma_wait3A_181 : memref<1x!tpu.dma_semaphore, #tpu.memory_space<semaphore_mem>> -> memref<!tpu.dma_semaphore, #tpu.memory_space<semaphore_mem>>
    tpu.wait_indirect_dma semaphore(%dma_wait3A_182 : memref<!tpu.dma_semaphore, #tpu.memory_space<semaphore_mem>>) src(%dma_wait3A_180 : memref<10240x16xf32, #tpu.memory_space<hbm>>) dst(%dma_wait3A_175 : memref<1000x16xf32, #tpu.memory_space<vmem>>)
    %dma_start3A_183 = arith.constant 1 : i32
    %dma_start3A_184 = arith.constant 1 : i32
    %dma_start3A_185 = arith.constant 0 : i32
    %dma_start3A_186 = arith.constant 0 : i32
    %dma_start3A_187 = tpu.memref_slice %arg8[%dma_start3A_183, %dma_start3A_185, %dma_start3A_186] : memref<5x1000x16xf32, #tpu.memory_space<vmem>> -> memref<1x1000x16xf32, #tpu.memory_space<vmem>>
    %dma_start3A_188 = tpu.memref_squeeze %dma_start3A_187 : memref<1x1000x16xf32, #tpu.memory_space<vmem>> -> memref<1000x16xf32, #tpu.memory_space<vmem>>
    %dma_start3A_189 = arith.constant 1000 : i32
    %dma_start3A_190 = tpu.memref_slice %arg7[%dma_start3A_189] : memref<10000xi32, #tpu.memory_space<vmem>> -> memref<1000xi32, #tpu.memory_space<vmem>>
    %dma_start3A_191 = arith.constant 0 : i32
    %dma_start3A_192 = arith.constant 0 : i32
    %dma_start3A_193 = tpu.memref_slice %arg10[%dma_start3A_191, %dma_start3A_192] : memref<10240x16xf32, #tpu.memory_space<vmem_shared>> -> memref<10240x16xf32, #tpu.memory_space<vmem_shared>>
    %dma_start3A_194 = tpu.memref_slice %arg12[%dma_start3A_184] : memref<5x!tpu.dma_semaphore, #tpu.memory_space<semaphore_mem>> -> memref<1x!tpu.dma_semaphore, #tpu.memory_space<semaphore_mem>>
    %dma_start3A_195 = tpu.memref_squeeze %dma_start3A_194 : memref<1x!tpu.dma_semaphore, #tpu.memory_space<semaphore_mem>> -> memref<!tpu.dma_semaphore, #tpu.memory_space<semaphore_mem>>
    tpu.enqueue_indirect_dma source(%dma_start3A_188 : memref<1000x16xf32, #tpu.memory_space<vmem>>) target(%dma_start3A_193 : memref<10240x16xf32, #tpu.memory_space<vmem_shared>>) offsets(%dma_start3A_190 : memref<1000xi32, #tpu.memory_space<vmem>>) semaphore(%dma_start3A_195 : memref<!tpu.dma_semaphore, #tpu.memory_space<semaphore_mem>>) {add = true}
    %dma_wait3A_196 = arith.constant 1 : i32
    %dma_wait3A_197 = arith.constant 1 : i32
    %dma_wait3A_198 = arith.constant 0 : i32
    %dma_wait3A_199 = arith.constant 0 : i32
    %dma_wait3A_200 = tpu.memref_slice %arg8[%dma_wait3A_196, %dma_wait3A_198, %dma_wait3A_199] : memref<5x1000x16xf32, #tpu.memory_space<vmem>> -> memref<1x1000x16xf32, #tpu.memory_space<vmem>>
    %dma_wait3A_201 = tpu.memref_squeeze %dma_wait3A_200 : memref<1x1000x16xf32, #tpu.memory_space<vmem>> -> memref<1000x16xf32, #tpu.memory_space<vmem>>
    %dma_wait3A_202 = arith.constant 1000 : i32
    %dma_wait3A_203 = tpu.memref_slice %arg7[%dma_wait3A_202] : memref<10000xi32, #tpu.memory_space<vmem>> -> memref<1000xi32, #tpu.memory_space<vmem>>
    %dma_wait3A_204 = arith.constant 0 : i32
    %dma_wait3A_205 = arith.constant 0 : i32
    %dma_wait3A_206 = tpu.memref_slice %arg10[%dma_wait3A_204, %dma_wait3A_205] : memref<10240x16xf32, #tpu.memory_space<vmem_shared>> -> memref<10240x16xf32, #tpu.memory_space<vmem_shared>>
    %dma_wait3A_207 = tpu.memref_slice %arg12[%dma_wait3A_197] : memref<5x!tpu.dma_semaphore, #tpu.memory_space<semaphore_mem>> -> memref<1x!tpu.dma_semaphore, #tpu.memory_space<semaphore_mem>>
    %dma_wait3A_208 = tpu.memref_squeeze %dma_wait3A_207 : memref<1x!tpu.dma_semaphore, #tpu.memory_space<semaphore_mem>> -> memref<!tpu.dma_semaphore, #tpu.memory_space<semaphore_mem>>
    tpu.wait_indirect_dma semaphore(%dma_wait3A_208 : memref<!tpu.dma_semaphore, #tpu.memory_space<semaphore_mem>>) src(%dma_wait3A_201 : memref<1000x16xf32, #tpu.memory_space<vmem>>) dst(%dma_wait3A_206 : memref<10240x16xf32, #tpu.memory_space<vmem_shared>>)
    %dma_start3A_209 = arith.constant 1 : i32
    %dma_start3A_210 = arith.constant 1 : i32
    %dma_start3A_211 = arith.constant 0 : i32
    %dma_start3A_212 = arith.constant 0 : i32
    %dma_start3A_213 = tpu.memref_slice %arg8[%dma_start3A_209, %dma_start3A_211, %dma_start3A_212] : memref<5x1000x16xf32, #tpu.memory_space<vmem>> -> memref<1x1000x16xf32, #tpu.memory_space<vmem>>
    %dma_start3A_214 = tpu.memref_squeeze %dma_start3A_213 : memref<1x1000x16xf32, #tpu.memory_space<vmem>> -> memref<1000x16xf32, #tpu.memory_space<vmem>>
    %dma_start3A_215 = arith.constant 6000 : i32
    %dma_start3A_216 = tpu.memref_slice %arg6[%dma_start3A_215] : memref<10000xi32, #tpu.memory_space<vmem>> -> memref<1000xi32, #tpu.memory_space<vmem>>
    %dma_start3A_217 = arith.constant 0 : i32
    %dma_start3A_218 = arith.constant 0 : i32
    %dma_start3A_219 = tpu.memref_slice %arg2[%dma_start3A_217, %dma_start3A_218] : memref<10240x16xf32, #tpu.memory_space<hbm>> -> memref<10240x16xf32, #tpu.memory_space<hbm>>
    %dma_start3A_220 = tpu.memref_slice %arg11[%dma_start3A_210] : memref<5x!tpu.dma_semaphore, #tpu.memory_space<semaphore_mem>> -> memref<1x!tpu.dma_semaphore, #tpu.memory_space<semaphore_mem>>
    %dma_start3A_221 = tpu.memref_squeeze %dma_start3A_220 : memref<1x!tpu.dma_semaphore, #tpu.memory_space<semaphore_mem>> -> memref<!tpu.dma_semaphore, #tpu.memory_space<semaphore_mem>>
    tpu.enqueue_indirect_dma source(%dma_start3A_219 : memref<10240x16xf32, #tpu.memory_space<hbm>>) target(%dma_start3A_214 : memref<1000x16xf32, #tpu.memory_space<vmem>>) offsets(%dma_start3A_216 : memref<1000xi32, #tpu.memory_space<vmem>>) semaphore(%dma_start3A_221 : memref<!tpu.dma_semaphore, #tpu.memory_space<semaphore_mem>>)
    %dma_wait3A_222 = arith.constant 2 : i32
    %dma_wait3A_223 = arith.constant 2 : i32
    %dma_wait3A_224 = arith.constant 0 : i32
    %dma_wait3A_225 = arith.constant 0 : i32
    %dma_wait3A_226 = tpu.memref_slice %arg8[%dma_wait3A_222, %dma_wait3A_224, %dma_wait3A_225] : memref<5x1000x16xf32, #tpu.memory_space<vmem>> -> memref<1x1000x16xf32, #tpu.memory_space<vmem>>
    %dma_wait3A_227 = tpu.memref_squeeze %dma_wait3A_226 : memref<1x1000x16xf32, #tpu.memory_space<vmem>> -> memref<1000x16xf32, #tpu.memory_space<vmem>>
    %dma_wait3A_228 = arith.constant 2000 : i32
    %dma_wait3A_229 = tpu.memref_slice %arg6[%dma_wait3A_228] : memref<10000xi32, #tpu.memory_space<vmem>> -> memref<1000xi32, #tpu.memory_space<vmem>>
    %dma_wait3A_230 = arith.constant 0 : i32
    %dma_wait3A_231 = arith.constant 0 : i32
    %dma_wait3A_232 = tpu.memref_slice %arg2[%dma_wait3A_230, %dma_wait3A_231] : memref<10240x16xf32, #tpu.memory_space<hbm>> -> memref<10240x16xf32, #tpu.memory_space<hbm>>
    %dma_wait3A_233 = tpu.memref_slice %arg11[%dma_wait3A_223] : memref<5x!tpu.dma_semaphore, #tpu.memory_space<semaphore_mem>> -> memref<1x!tpu.dma_semaphore, #tpu.memory_space<semaphore_mem>>
    %dma_wait3A_234 = tpu.memref_squeeze %dma_wait3A_233 : memref<1x!tpu.dma_semaphore, #tpu.memory_space<semaphore_mem>> -> memref<!tpu.dma_semaphore, #tpu.memory_space<semaphore_mem>>
    tpu.wait_indirect_dma semaphore(%dma_wait3A_234 : memref<!tpu.dma_semaphore, #tpu.memory_space<semaphore_mem>>) src(%dma_wait3A_232 : memref<10240x16xf32, #tpu.memory_space<hbm>>) dst(%dma_wait3A_227 : memref<1000x16xf32, #tpu.memory_space<vmem>>)
    %dma_start3A_235 = arith.constant 2 : i32
    %dma_start3A_236 = arith.constant 2 : i32
    %dma_start3A_237 = arith.constant 0 : i32
    %dma_start3A_238 = arith.constant 0 : i32
    %dma_start3A_239 = tpu.memref_slice %arg8[%dma_start3A_235, %dma_start3A_237, %dma_start3A_238] : memref<5x1000x16xf32, #tpu.memory_space<vmem>> -> memref<1x1000x16xf32, #tpu.memory_space<vmem>>
    %dma_start3A_240 = tpu.memref_squeeze %dma_start3A_239 : memref<1x1000x16xf32, #tpu.memory_space<vmem>> -> memref<1000x16xf32, #tpu.memory_space<vmem>>
    %dma_start3A_241 = arith.constant 2000 : i32
    %dma_start3A_242 = tpu.memref_slice %arg7[%dma_start3A_241] : memref<10000xi32, #tpu.memory_space<vmem>> -> memref<1000xi32, #tpu.memory_space<vmem>>
    %dma_start3A_243 = arith.constant 0 : i32
    %dma_start3A_244 = arith.constant 0 : i32
    %dma_start3A_245 = tpu.memref_slice %arg10[%dma_start3A_243, %dma_start3A_244] : memref<10240x16xf32, #tpu.memory_space<vmem_shared>> -> memref<10240x16xf32, #tpu.memory_space<vmem_shared>>
    %dma_start3A_246 = tpu.memref_slice %arg12[%dma_start3A_236] : memref<5x!tpu.dma_semaphore, #tpu.memory_space<semaphore_mem>> -> memref<1x!tpu.dma_semaphore, #tpu.memory_space<semaphore_mem>>
    %dma_start3A_247 = tpu.memref_squeeze %dma_start3A_246 : memref<1x!tpu.dma_semaphore, #tpu.memory_space<semaphore_mem>> -> memref<!tpu.dma_semaphore, #tpu.memory_space<semaphore_mem>>
    tpu.enqueue_indirect_dma source(%dma_start3A_240 : memref<1000x16xf32, #tpu.memory_space<vmem>>) target(%dma_start3A_245 : memref<10240x16xf32, #tpu.memory_space<vmem_shared>>) offsets(%dma_start3A_242 : memref<1000xi32, #tpu.memory_space<vmem>>) semaphore(%dma_start3A_247 : memref<!tpu.dma_semaphore, #tpu.memory_space<semaphore_mem>>) {add = true}
    %dma_wait3A_248 = arith.constant 2 : i32
    %dma_wait3A_249 = arith.constant 2 : i32
    %dma_wait3A_250 = arith.constant 0 : i32
    %dma_wait3A_251 = arith.constant 0 : i32
    %dma_wait3A_252 = tpu.memref_slice %arg8[%dma_wait3A_248, %dma_wait3A_250, %dma_wait3A_251] : memref<5x1000x16xf32, #tpu.memory_space<vmem>> -> memref<1x1000x16xf32, #tpu.memory_space<vmem>>
    %dma_wait3A_253 = tpu.memref_squeeze %dma_wait3A_252 : memref<1x1000x16xf32, #tpu.memory_space<vmem>> -> memref<1000x16xf32, #tpu.memory_space<vmem>>
    %dma_wait3A_254 = arith.constant 2000 : i32
    %dma_wait3A_255 = tpu.memref_slice %arg7[%dma_wait3A_254] : memref<10000xi32, #tpu.memory_space<vmem>> -> memref<1000xi32, #tpu.memory_space<vmem>>
    %dma_wait3A_256 = arith.constant 0 : i32
    %dma_wait3A_257 = arith.constant 0 : i32
    %dma_wait3A_258 = tpu.memref_slice %arg10[%dma_wait3A_256, %dma_wait3A_257] : memref<10240x16xf32, #tpu.memory_space<vmem_shared>> -> memref<10240x16xf32, #tpu.memory_space<vmem_shared>>
    %dma_wait3A_259 = tpu.memref_slice %arg12[%dma_wait3A_249] : memref<5x!tpu.dma_semaphore, #tpu.memory_space<semaphore_mem>> -> memref<1x!tpu.dma_semaphore, #tpu.memory_space<semaphore_mem>>
    %dma_wait3A_260 = tpu.memref_squeeze %dma_wait3A_259 : memref<1x!tpu.dma_semaphore, #tpu.memory_space<semaphore_mem>> -> memref<!tpu.dma_semaphore, #tpu.memory_space<semaphore_mem>>
    tpu.wait_indirect_dma semaphore(%dma_wait3A_260 : memref<!tpu.dma_semaphore, #tpu.memory_space<semaphore_mem>>) src(%dma_wait3A_253 : memref<1000x16xf32, #tpu.memory_space<vmem>>) dst(%dma_wait3A_258 : memref<10240x16xf32, #tpu.memory_space<vmem_shared>>)
    %dma_start3A_261 = arith.constant 2 : i32
    %dma_start3A_262 = arith.constant 2 : i32
    %dma_start3A_263 = arith.constant 0 : i32
    %dma_start3A_264 = arith.constant 0 : i32
    %dma_start3A_265 = tpu.memref_slice %arg8[%dma_start3A_261, %dma_start3A_263, %dma_start3A_264] : memref<5x1000x16xf32, #tpu.memory_space<vmem>> -> memref<1x1000x16xf32, #tpu.memory_space<vmem>>
    %dma_start3A_266 = tpu.memref_squeeze %dma_start3A_265 : memref<1x1000x16xf32, #tpu.memory_space<vmem>> -> memref<1000x16xf32, #tpu.memory_space<vmem>>
    %dma_start3A_267 = arith.constant 7000 : i32
    %dma_start3A_268 = tpu.memref_slice %arg6[%dma_start3A_267] : memref<10000xi32, #tpu.memory_space<vmem>> -> memref<1000xi32, #tpu.memory_space<vmem>>
    %dma_start3A_269 = arith.constant 0 : i32
    %dma_start3A_270 = arith.constant 0 : i32
    %dma_start3A_271 = tpu.memref_slice %arg2[%dma_start3A_269, %dma_start3A_270] : memref<10240x16xf32, #tpu.memory_space<hbm>> -> memref<10240x16xf32, #tpu.memory_space<hbm>>
    %dma_start3A_272 = tpu.memref_slice %arg11[%dma_start3A_262] : memref<5x!tpu.dma_semaphore, #tpu.memory_space<semaphore_mem>> -> memref<1x!tpu.dma_semaphore, #tpu.memory_space<semaphore_mem>>
    %dma_start3A_273 = tpu.memref_squeeze %dma_start3A_272 : memref<1x!tpu.dma_semaphore, #tpu.memory_space<semaphore_mem>> -> memref<!tpu.dma_semaphore, #tpu.memory_space<semaphore_mem>>
    tpu.enqueue_indirect_dma source(%dma_start3A_271 : memref<10240x16xf32, #tpu.memory_space<hbm>>) target(%dma_start3A_266 : memref<1000x16xf32, #tpu.memory_space<vmem>>) offsets(%dma_start3A_268 : memref<1000xi32, #tpu.memory_space<vmem>>) semaphore(%dma_start3A_273 : memref<!tpu.dma_semaphore, #tpu.memory_space<semaphore_mem>>)
    %dma_wait3A_274 = arith.constant 3 : i32
    %dma_wait3A_275 = arith.constant 3 : i32
    %dma_wait3A_276 = arith.constant 0 : i32
    %dma_wait3A_277 = arith.constant 0 : i32
    %dma_wait3A_278 = tpu.memref_slice %arg8[%dma_wait3A_274, %dma_wait3A_276, %dma_wait3A_277] : memref<5x1000x16xf32, #tpu.memory_space<vmem>> -> memref<1x1000x16xf32, #tpu.memory_space<vmem>>
    %dma_wait3A_279 = tpu.memref_squeeze %dma_wait3A_278 : memref<1x1000x16xf32, #tpu.memory_space<vmem>> -> memref<1000x16xf32, #tpu.memory_space<vmem>>
    %dma_wait3A_280 = arith.constant 3000 : i32
    %dma_wait3A_281 = tpu.memref_slice %arg6[%dma_wait3A_280] : memref<10000xi32, #tpu.memory_space<vmem>> -> memref<1000xi32, #tpu.memory_space<vmem>>
    %dma_wait3A_282 = arith.constant 0 : i32
    %dma_wait3A_283 = arith.constant 0 : i32
    %dma_wait3A_284 = tpu.memref_slice %arg2[%dma_wait3A_282, %dma_wait3A_283] : memref<10240x16xf32, #tpu.memory_space<hbm>> -> memref<10240x16xf32, #tpu.memory_space<hbm>>
    %dma_wait3A_285 = tpu.memref_slice %arg11[%dma_wait3A_275] : memref<5x!tpu.dma_semaphore, #tpu.memory_space<semaphore_mem>> -> memref<1x!tpu.dma_semaphore, #tpu.memory_space<semaphore_mem>>
    %dma_wait3A_286 = tpu.memref_squeeze %dma_wait3A_285 : memref<1x!tpu.dma_semaphore, #tpu.memory_space<semaphore_mem>> -> memref<!tpu.dma_semaphore, #tpu.memory_space<semaphore_mem>>
    tpu.wait_indirect_dma semaphore(%dma_wait3A_286 : memref<!tpu.dma_semaphore, #tpu.memory_space<semaphore_mem>>) src(%dma_wait3A_284 : memref<10240x16xf32, #tpu.memory_space<hbm>>) dst(%dma_wait3A_279 : memref<1000x16xf32, #tpu.memory_space<vmem>>)
    %dma_start3A_287 = arith.constant 3 : i32
    %dma_start3A_288 = arith.constant 3 : i32
    %dma_start3A_289 = arith.constant 0 : i32
    %dma_start3A_290 = arith.constant 0 : i32
    %dma_start3A_291 = tpu.memref_slice %arg8[%dma_start3A_287, %dma_start3A_289, %dma_start3A_290] : memref<5x1000x16xf32, #tpu.memory_space<vmem>> -> memref<1x1000x16xf32, #tpu.memory_space<vmem>>
    %dma_start3A_292 = tpu.memref_squeeze %dma_start3A_291 : memref<1x1000x16xf32, #tpu.memory_space<vmem>> -> memref<1000x16xf32, #tpu.memory_space<vmem>>
    %dma_start3A_293 = arith.constant 3000 : i32
    %dma_start3A_294 = tpu.memref_slice %arg7[%dma_start3A_293] : memref<10000xi32, #tpu.memory_space<vmem>> -> memref<1000xi32, #tpu.memory_space<vmem>>
    %dma_start3A_295 = arith.constant 0 : i32
    %dma_start3A_296 = arith.constant 0 : i32
    %dma_start3A_297 = tpu.memref_slice %arg10[%dma_start3A_295, %dma_start3A_296] : memref<10240x16xf32, #tpu.memory_space<vmem_shared>> -> memref<10240x16xf32, #tpu.memory_space<vmem_shared>>
    %dma_start3A_298 = tpu.memref_slice %arg12[%dma_start3A_288] : memref<5x!tpu.dma_semaphore, #tpu.memory_space<semaphore_mem>> -> memref<1x!tpu.dma_semaphore, #tpu.memory_space<semaphore_mem>>
    %dma_start3A_299 = tpu.memref_squeeze %dma_start3A_298 : memref<1x!tpu.dma_semaphore, #tpu.memory_space<semaphore_mem>> -> memref<!tpu.dma_semaphore, #tpu.memory_space<semaphore_mem>>
    tpu.enqueue_indirect_dma source(%dma_start3A_292 : memref<1000x16xf32, #tpu.memory_space<vmem>>) target(%dma_start3A_297 : memref<10240x16xf32, #tpu.memory_space<vmem_shared>>) offsets(%dma_start3A_294 : memref<1000xi32, #tpu.memory_space<vmem>>) semaphore(%dma_start3A_299 : memref<!tpu.dma_semaphore, #tpu.memory_space<semaphore_mem>>) {add = true}
    %dma_wait3A_300 = arith.constant 3 : i32
    %dma_wait3A_301 = arith.constant 3 : i32
    %dma_wait3A_302 = arith.constant 0 : i32
    %dma_wait3A_303 = arith.constant 0 : i32
    %dma_wait3A_304 = tpu.memref_slice %arg8[%dma_wait3A_300, %dma_wait3A_302, %dma_wait3A_303] : memref<5x1000x16xf32, #tpu.memory_space<vmem>> -> memref<1x1000x16xf32, #tpu.memory_space<vmem>>
    %dma_wait3A_305 = tpu.memref_squeeze %dma_wait3A_304 : memref<1x1000x16xf32, #tpu.memory_space<vmem>> -> memref<1000x16xf32, #tpu.memory_space<vmem>>
    %dma_wait3A_306 = arith.constant 3000 : i32
    %dma_wait3A_307 = tpu.memref_slice %arg7[%dma_wait3A_306] : memref<10000xi32, #tpu.memory_space<vmem>> -> memref<1000xi32, #tpu.memory_space<vmem>>
    %dma_wait3A_308 = arith.constant 0 : i32
    %dma_wait3A_309 = arith.constant 0 : i32
    %dma_wait3A_310 = tpu.memref_slice %arg10[%dma_wait3A_308, %dma_wait3A_309] : memref<10240x16xf32, #tpu.memory_space<vmem_shared>> -> memref<10240x16xf32, #tpu.memory_space<vmem_shared>>
    %dma_wait3A_311 = tpu.memref_slice %arg12[%dma_wait3A_301] : memref<5x!tpu.dma_semaphore, #tpu.memory_space<semaphore_mem>> -> memref<1x!tpu.dma_semaphore, #tpu.memory_space<semaphore_mem>>
    %dma_wait3A_312 = tpu.memref_squeeze %dma_wait3A_311 : memref<1x!tpu.dma_semaphore, #tpu.memory_space<semaphore_mem>> -> memref<!tpu.dma_semaphore, #tpu.memory_space<semaphore_mem>>
    tpu.wait_indirect_dma semaphore(%dma_wait3A_312 : memref<!tpu.dma_semaphore, #tpu.memory_space<semaphore_mem>>) src(%dma_wait3A_305 : memref<1000x16xf32, #tpu.memory_space<vmem>>) dst(%dma_wait3A_310 : memref<10240x16xf32, #tpu.memory_space<vmem_shared>>)
    %dma_start3A_313 = arith.constant 3 : i32
    %dma_start3A_314 = arith.constant 3 : i32
    %dma_start3A_315 = arith.constant 0 : i32
    %dma_start3A_316 = arith.constant 0 : i32
    %dma_start3A_317 = tpu.memref_slice %arg8[%dma_start3A_313, %dma_start3A_315, %dma_start3A_316] : memref<5x1000x16xf32, #tpu.memory_space<vmem>> -> memref<1x1000x16xf32, #tpu.memory_space<vmem>>
    %dma_start3A_318 = tpu.memref_squeeze %dma_start3A_317 : memref<1x1000x16xf32, #tpu.memory_space<vmem>> -> memref<1000x16xf32, #tpu.memory_space<vmem>>
    %dma_start3A_319 = arith.constant 8000 : i32
    %dma_start3A_320 = tpu.memref_slice %arg6[%dma_start3A_319] : memref<10000xi32, #tpu.memory_space<vmem>> -> memref<1000xi32, #tpu.memory_space<vmem>>
    %dma_start3A_321 = arith.constant 0 : i32
    %dma_start3A_322 = arith.constant 0 : i32
    %dma_start3A_323 = tpu.memref_slice %arg2[%dma_start3A_321, %dma_start3A_322] : memref<10240x16xf32, #tpu.memory_space<hbm>> -> memref<10240x16xf32, #tpu.memory_space<hbm>>
    %dma_start3A_324 = tpu.memref_slice %arg11[%dma_start3A_314] : memref<5x!tpu.dma_semaphore, #tpu.memory_space<semaphore_mem>> -> memref<1x!tpu.dma_semaphore, #tpu.memory_space<semaphore_mem>>
    %dma_start3A_325 = tpu.memref_squeeze %dma_start3A_324 : memref<1x!tpu.dma_semaphore, #tpu.memory_space<semaphore_mem>> -> memref<!tpu.dma_semaphore, #tpu.memory_space<semaphore_mem>>
    tpu.enqueue_indirect_dma source(%dma_start3A_323 : memref<10240x16xf32, #tpu.memory_space<hbm>>) target(%dma_start3A_318 : memref<1000x16xf32, #tpu.memory_space<vmem>>) offsets(%dma_start3A_320 : memref<1000xi32, #tpu.memory_space<vmem>>) semaphore(%dma_start3A_325 : memref<!tpu.dma_semaphore, #tpu.memory_space<semaphore_mem>>)
    %dma_wait3A_326 = arith.constant 4 : i32
    %dma_wait3A_327 = arith.constant 4 : i32
    %dma_wait3A_328 = arith.constant 0 : i32
    %dma_wait3A_329 = arith.constant 0 : i32
    %dma_wait3A_330 = tpu.memref_slice %arg8[%dma_wait3A_326, %dma_wait3A_328, %dma_wait3A_329] : memref<5x1000x16xf32, #tpu.memory_space<vmem>> -> memref<1x1000x16xf32, #tpu.memory_space<vmem>>
    %dma_wait3A_331 = tpu.memref_squeeze %dma_wait3A_330 : memref<1x1000x16xf32, #tpu.memory_space<vmem>> -> memref<1000x16xf32, #tpu.memory_space<vmem>>
    %dma_wait3A_332 = arith.constant 4000 : i32
    %dma_wait3A_333 = tpu.memref_slice %arg6[%dma_wait3A_332] : memref<10000xi32, #tpu.memory_space<vmem>> -> memref<1000xi32, #tpu.memory_space<vmem>>
    %dma_wait3A_334 = arith.constant 0 : i32
    %dma_wait3A_335 = arith.constant 0 : i32
    %dma_wait3A_336 = tpu.memref_slice %arg2[%dma_wait3A_334, %dma_wait3A_335] : memref<10240x16xf32, #tpu.memory_space<hbm>> -> memref<10240x16xf32, #tpu.memory_space<hbm>>
    %dma_wait3A_337 = tpu.memref_slice %arg11[%dma_wait3A_327] : memref<5x!tpu.dma_semaphore, #tpu.memory_space<semaphore_mem>> -> memref<1x!tpu.dma_semaphore, #tpu.memory_space<semaphore_mem>>
    %dma_wait3A_338 = tpu.memref_squeeze %dma_wait3A_337 : memref<1x!tpu.dma_semaphore, #tpu.memory_space<semaphore_mem>> -> memref<!tpu.dma_semaphore, #tpu.memory_space<semaphore_mem>>
    tpu.wait_indirect_dma semaphore(%dma_wait3A_338 : memref<!tpu.dma_semaphore, #tpu.memory_space<semaphore_mem>>) src(%dma_wait3A_336 : memref<10240x16xf32, #tpu.memory_space<hbm>>) dst(%dma_wait3A_331 : memref<1000x16xf32, #tpu.memory_space<vmem>>)
    %dma_start3A_339 = arith.constant 4 : i32
    %dma_start3A_340 = arith.constant 4 : i32
    %dma_start3A_341 = arith.constant 0 : i32
    %dma_start3A_342 = arith.constant 0 : i32
    %dma_start3A_343 = tpu.memref_slice %arg8[%dma_start3A_339, %dma_start3A_341, %dma_start3A_342] : memref<5x1000x16xf32, #tpu.memory_space<vmem>> -> memref<1x1000x16xf32, #tpu.memory_space<vmem>>
    %dma_start3A_344 = tpu.memref_squeeze %dma_start3A_343 : memref<1x1000x16xf32, #tpu.memory_space<vmem>> -> memref<1000x16xf32, #tpu.memory_space<vmem>>
    %dma_start3A_345 = arith.constant 4000 : i32
    %dma_start3A_346 = tpu.memref_slice %arg7[%dma_start3A_345] : memref<10000xi32, #tpu.memory_space<vmem>> -> memref<1000xi32, #tpu.memory_space<vmem>>
    %dma_start3A_347 = arith.constant 0 : i32
    %dma_start3A_348 = arith.constant 0 : i32
    %dma_start3A_349 = tpu.memref_slice %arg10[%dma_start3A_347, %dma_start3A_348] : memref<10240x16xf32, #tpu.memory_space<vmem_shared>> -> memref<10240x16xf32, #tpu.memory_space<vmem_shared>>
    %dma_start3A_350 = tpu.memref_slice %arg12[%dma_start3A_340] : memref<5x!tpu.dma_semaphore, #tpu.memory_space<semaphore_mem>> -> memref<1x!tpu.dma_semaphore, #tpu.memory_space<semaphore_mem>>
    %dma_start3A_351 = tpu.memref_squeeze %dma_start3A_350 : memref<1x!tpu.dma_semaphore, #tpu.memory_space<semaphore_mem>> -> memref<!tpu.dma_semaphore, #tpu.memory_space<semaphore_mem>>
    tpu.enqueue_indirect_dma source(%dma_start3A_344 : memref<1000x16xf32, #tpu.memory_space<vmem>>) target(%dma_start3A_349 : memref<10240x16xf32, #tpu.memory_space<vmem_shared>>) offsets(%dma_start3A_346 : memref<1000xi32, #tpu.memory_space<vmem>>) semaphore(%dma_start3A_351 : memref<!tpu.dma_semaphore, #tpu.memory_space<semaphore_mem>>) {add = true}
    %dma_wait3A_352 = arith.constant 4 : i32
    %dma_wait3A_353 = arith.constant 4 : i32
    %dma_wait3A_354 = arith.constant 0 : i32
    %dma_wait3A_355 = arith.constant 0 : i32
    %dma_wait3A_356 = tpu.memref_slice %arg8[%dma_wait3A_352, %dma_wait3A_354, %dma_wait3A_355] : memref<5x1000x16xf32, #tpu.memory_space<vmem>> -> memref<1x1000x16xf32, #tpu.memory_space<vmem>>
    %dma_wait3A_357 = tpu.memref_squeeze %dma_wait3A_356 : memref<1x1000x16xf32, #tpu.memory_space<vmem>> -> memref<1000x16xf32, #tpu.memory_space<vmem>>
    %dma_wait3A_358 = arith.constant 4000 : i32
    %dma_wait3A_359 = tpu.memref_slice %arg7[%dma_wait3A_358] : memref<10000xi32, #tpu.memory_space<vmem>> -> memref<1000xi32, #tpu.memory_space<vmem>>
    %dma_wait3A_360 = arith.constant 0 : i32
    %dma_wait3A_361 = arith.constant 0 : i32
    %dma_wait3A_362 = tpu.memref_slice %arg10[%dma_wait3A_360, %dma_wait3A_361] : memref<10240x16xf32, #tpu.memory_space<vmem_shared>> -> memref<10240x16xf32, #tpu.memory_space<vmem_shared>>
    %dma_wait3A_363 = tpu.memref_slice %arg12[%dma_wait3A_353] : memref<5x!tpu.dma_semaphore, #tpu.memory_space<semaphore_mem>> -> memref<1x!tpu.dma_semaphore, #tpu.memory_space<semaphore_mem>>
    %dma_wait3A_364 = tpu.memref_squeeze %dma_wait3A_363 : memref<1x!tpu.dma_semaphore, #tpu.memory_space<semaphore_mem>> -> memref<!tpu.dma_semaphore, #tpu.memory_space<semaphore_mem>>
    tpu.wait_indirect_dma semaphore(%dma_wait3A_364 : memref<!tpu.dma_semaphore, #tpu.memory_space<semaphore_mem>>) src(%dma_wait3A_357 : memref<1000x16xf32, #tpu.memory_space<vmem>>) dst(%dma_wait3A_362 : memref<10240x16xf32, #tpu.memory_space<vmem_shared>>)
    %dma_start3A_365 = arith.constant 4 : i32
    %dma_start3A_366 = arith.constant 4 : i32
    %dma_start3A_367 = arith.constant 0 : i32
    %dma_start3A_368 = arith.constant 0 : i32
    %dma_start3A_369 = tpu.memref_slice %arg8[%dma_start3A_365, %dma_start3A_367, %dma_start3A_368] : memref<5x1000x16xf32, #tpu.memory_space<vmem>> -> memref<1x1000x16xf32, #tpu.memory_space<vmem>>
    %dma_start3A_370 = tpu.memref_squeeze %dma_start3A_369 : memref<1x1000x16xf32, #tpu.memory_space<vmem>> -> memref<1000x16xf32, #tpu.memory_space<vmem>>
    %dma_start3A_371 = arith.constant 9000 : i32
    %dma_start3A_372 = tpu.memref_slice %arg6[%dma_start3A_371] : memref<10000xi32, #tpu.memory_space<vmem>> -> memref<1000xi32, #tpu.memory_space<vmem>>
    %dma_start3A_373 = arith.constant 0 : i32
    %dma_start3A_374 = arith.constant 0 : i32
    %dma_start3A_375 = tpu.memref_slice %arg2[%dma_start3A_373, %dma_start3A_374] : memref<10240x16xf32, #tpu.memory_space<hbm>> -> memref<10240x16xf32, #tpu.memory_space<hbm>>
    %dma_start3A_376 = tpu.memref_slice %arg11[%dma_start3A_366] : memref<5x!tpu.dma_semaphore, #tpu.memory_space<semaphore_mem>> -> memref<1x!tpu.dma_semaphore, #tpu.memory_space<semaphore_mem>>
    %dma_start3A_377 = tpu.memref_squeeze %dma_start3A_376 : memref<1x!tpu.dma_semaphore, #tpu.memory_space<semaphore_mem>> -> memref<!tpu.dma_semaphore, #tpu.memory_space<semaphore_mem>>
    tpu.enqueue_indirect_dma source(%dma_start3A_375 : memref<10240x16xf32, #tpu.memory_space<hbm>>) target(%dma_start3A_370 : memref<1000x16xf32, #tpu.memory_space<vmem>>) offsets(%dma_start3A_372 : memref<1000xi32, #tpu.memory_space<vmem>>) semaphore(%dma_start3A_377 : memref<!tpu.dma_semaphore, #tpu.memory_space<semaphore_mem>>)
    %dma_wait3A_378 = arith.constant 0 : i32
    %dma_wait3A_379 = arith.constant 0 : i32
    %dma_wait3A_380 = arith.constant 0 : i32
    %dma_wait3A_381 = arith.constant 0 : i32
    %dma_wait3A_382 = tpu.memref_slice %arg8[%dma_wait3A_378, %dma_wait3A_380, %dma_wait3A_381] : memref<5x1000x16xf32, #tpu.memory_space<vmem>> -> memref<1x1000x16xf32, #tpu.memory_space<vmem>>
    %dma_wait3A_383 = tpu.memref_squeeze %dma_wait3A_382 : memref<1x1000x16xf32, #tpu.memory_space<vmem>> -> memref<1000x16xf32, #tpu.memory_space<vmem>>
    %dma_wait3A_384 = arith.constant 5000 : i32
    %dma_wait3A_385 = tpu.memref_slice %arg6[%dma_wait3A_384] : memref<10000xi32, #tpu.memory_space<vmem>> -> memref<1000xi32, #tpu.memory_space<vmem>>
    %dma_wait3A_386 = arith.constant 0 : i32
    %dma_wait3A_387 = arith.constant 0 : i32
    %dma_wait3A_388 = tpu.memref_slice %arg2[%dma_wait3A_386, %dma_wait3A_387] : memref<10240x16xf32, #tpu.memory_space<hbm>> -> memref<10240x16xf32, #tpu.memory_space<hbm>>
    %dma_wait3A_389 = tpu.memref_slice %arg11[%dma_wait3A_379] : memref<5x!tpu.dma_semaphore, #tpu.memory_space<semaphore_mem>> -> memref<1x!tpu.dma_semaphore, #tpu.memory_space<semaphore_mem>>
    %dma_wait3A_390 = tpu.memref_squeeze %dma_wait3A_389 : memref<1x!tpu.dma_semaphore, #tpu.memory_space<semaphore_mem>> -> memref<!tpu.dma_semaphore, #tpu.memory_space<semaphore_mem>>
    tpu.wait_indirect_dma semaphore(%dma_wait3A_390 : memref<!tpu.dma_semaphore, #tpu.memory_space<semaphore_mem>>) src(%dma_wait3A_388 : memref<10240x16xf32, #tpu.memory_space<hbm>>) dst(%dma_wait3A_383 : memref<1000x16xf32, #tpu.memory_space<vmem>>)
    %dma_start3A_391 = arith.constant 0 : i32
    %dma_start3A_392 = arith.constant 0 : i32
    %dma_start3A_393 = arith.constant 0 : i32
    %dma_start3A_394 = arith.constant 0 : i32
    %dma_start3A_395 = tpu.memref_slice %arg8[%dma_start3A_391, %dma_start3A_393, %dma_start3A_394] : memref<5x1000x16xf32, #tpu.memory_space<vmem>> -> memref<1x1000x16xf32, #tpu.memory_space<vmem>>
    %dma_start3A_396 = tpu.memref_squeeze %dma_start3A_395 : memref<1x1000x16xf32, #tpu.memory_space<vmem>> -> memref<1000x16xf32, #tpu.memory_space<vmem>>
    %dma_start3A_397 = arith.constant 5000 : i32
    %dma_start3A_398 = tpu.memref_slice %arg7[%dma_start3A_397] : memref<10000xi32, #tpu.memory_space<vmem>> -> memref<1000xi32, #tpu.memory_space<vmem>>
    %dma_start3A_399 = arith.constant 0 : i32
    %dma_start3A_400 = arith.constant 0 : i32
    %dma_start3A_401 = tpu.memref_slice %arg10[%dma_start3A_399, %dma_start3A_400] : memref<10240x16xf32, #tpu.memory_space<vmem_shared>> -> memref<10240x16xf32, #tpu.memory_space<vmem_shared>>
    %dma_start3A_402 = tpu.memref_slice %arg12[%dma_start3A_392] : memref<5x!tpu.dma_semaphore, #tpu.memory_space<semaphore_mem>> -> memref<1x!tpu.dma_semaphore, #tpu.memory_space<semaphore_mem>>
    %dma_start3A_403 = tpu.memref_squeeze %dma_start3A_402 : memref<1x!tpu.dma_semaphore, #tpu.memory_space<semaphore_mem>> -> memref<!tpu.dma_semaphore, #tpu.memory_space<semaphore_mem>>
    tpu.enqueue_indirect_dma source(%dma_start3A_396 : memref<1000x16xf32, #tpu.memory_space<vmem>>) target(%dma_start3A_401 : memref<10240x16xf32, #tpu.memory_space<vmem_shared>>) offsets(%dma_start3A_398 : memref<1000xi32, #tpu.memory_space<vmem>>) semaphore(%dma_start3A_403 : memref<!tpu.dma_semaphore, #tpu.memory_space<semaphore_mem>>) {add = true}
    %dma_wait3A_404 = arith.constant 1 : i32
    %dma_wait3A_405 = arith.constant 1 : i32
    %dma_wait3A_406 = arith.constant 0 : i32
    %dma_wait3A_407 = arith.constant 0 : i32
    %dma_wait3A_408 = tpu.memref_slice %arg8[%dma_wait3A_404, %dma_wait3A_406, %dma_wait3A_407] : memref<5x1000x16xf32, #tpu.memory_space<vmem>> -> memref<1x1000x16xf32, #tpu.memory_space<vmem>>
    %dma_wait3A_409 = tpu.memref_squeeze %dma_wait3A_408 : memref<1x1000x16xf32, #tpu.memory_space<vmem>> -> memref<1000x16xf32, #tpu.memory_space<vmem>>
    %dma_wait3A_410 = arith.constant 6000 : i32
    %dma_wait3A_411 = tpu.memref_slice %arg6[%dma_wait3A_410] : memref<10000xi32, #tpu.memory_space<vmem>> -> memref<1000xi32, #tpu.memory_space<vmem>>
    %dma_wait3A_412 = arith.constant 0 : i32
    %dma_wait3A_413 = arith.constant 0 : i32
    %dma_wait3A_414 = tpu.memref_slice %arg2[%dma_wait3A_412, %dma_wait3A_413] : memref<10240x16xf32, #tpu.memory_space<hbm>> -> memref<10240x16xf32, #tpu.memory_space<hbm>>
    %dma_wait3A_415 = tpu.memref_slice %arg11[%dma_wait3A_405] : memref<5x!tpu.dma_semaphore, #tpu.memory_space<semaphore_mem>> -> memref<1x!tpu.dma_semaphore, #tpu.memory_space<semaphore_mem>>
    %dma_wait3A_416 = tpu.memref_squeeze %dma_wait3A_415 : memref<1x!tpu.dma_semaphore, #tpu.memory_space<semaphore_mem>> -> memref<!tpu.dma_semaphore, #tpu.memory_space<semaphore_mem>>
    tpu.wait_indirect_dma semaphore(%dma_wait3A_416 : memref<!tpu.dma_semaphore, #tpu.memory_space<semaphore_mem>>) src(%dma_wait3A_414 : memref<10240x16xf32, #tpu.memory_space<hbm>>) dst(%dma_wait3A_409 : memref<1000x16xf32, #tpu.memory_space<vmem>>)
    %dma_start3A_417 = arith.constant 1 : i32
    %dma_start3A_418 = arith.constant 1 : i32
    %dma_start3A_419 = arith.constant 0 : i32
    %dma_start3A_420 = arith.constant 0 : i32
    %dma_start3A_421 = tpu.memref_slice %arg8[%dma_start3A_417, %dma_start3A_419, %dma_start3A_420] : memref<5x1000x16xf32, #tpu.memory_space<vmem>> -> memref<1x1000x16xf32, #tpu.memory_space<vmem>>
    %dma_start3A_422 = tpu.memref_squeeze %dma_start3A_421 : memref<1x1000x16xf32, #tpu.memory_space<vmem>> -> memref<1000x16xf32, #tpu.memory_space<vmem>>
    %dma_start3A_423 = arith.constant 6000 : i32
    %dma_start3A_424 = tpu.memref_slice %arg7[%dma_start3A_423] : memref<10000xi32, #tpu.memory_space<vmem>> -> memref<1000xi32, #tpu.memory_space<vmem>>
    %dma_start3A_425 = arith.constant 0 : i32
    %dma_start3A_426 = arith.constant 0 : i32
    %dma_start3A_427 = tpu.memref_slice %arg10[%dma_start3A_425, %dma_start3A_426] : memref<10240x16xf32, #tpu.memory_space<vmem_shared>> -> memref<10240x16xf32, #tpu.memory_space<vmem_shared>>
    %dma_start3A_428 = tpu.memref_slice %arg12[%dma_start3A_418] : memref<5x!tpu.dma_semaphore, #tpu.memory_space<semaphore_mem>> -> memref<1x!tpu.dma_semaphore, #tpu.memory_space<semaphore_mem>>
    %dma_start3A_429 = tpu.memref_squeeze %dma_start3A_428 : memref<1x!tpu.dma_semaphore, #tpu.memory_space<semaphore_mem>> -> memref<!tpu.dma_semaphore, #tpu.memory_space<semaphore_mem>>
    tpu.enqueue_indirect_dma source(%dma_start3A_422 : memref<1000x16xf32, #tpu.memory_space<vmem>>) target(%dma_start3A_427 : memref<10240x16xf32, #tpu.memory_space<vmem_shared>>) offsets(%dma_start3A_424 : memref<1000xi32, #tpu.memory_space<vmem>>) semaphore(%dma_start3A_429 : memref<!tpu.dma_semaphore, #tpu.memory_space<semaphore_mem>>) {add = true}
    %dma_wait3A_430 = arith.constant 2 : i32
    %dma_wait3A_431 = arith.constant 2 : i32
    %dma_wait3A_432 = arith.constant 0 : i32
    %dma_wait3A_433 = arith.constant 0 : i32
    %dma_wait3A_434 = tpu.memref_slice %arg8[%dma_wait3A_430, %dma_wait3A_432, %dma_wait3A_433] : memref<5x1000x16xf32, #tpu.memory_space<vmem>> -> memref<1x1000x16xf32, #tpu.memory_space<vmem>>
    %dma_wait3A_435 = tpu.memref_squeeze %dma_wait3A_434 : memref<1x1000x16xf32, #tpu.memory_space<vmem>> -> memref<1000x16xf32, #tpu.memory_space<vmem>>
    %dma_wait3A_436 = arith.constant 7000 : i32
    %dma_wait3A_437 = tpu.memref_slice %arg6[%dma_wait3A_436] : memref<10000xi32, #tpu.memory_space<vmem>> -> memref<1000xi32, #tpu.memory_space<vmem>>
    %dma_wait3A_438 = arith.constant 0 : i32
    %dma_wait3A_439 = arith.constant 0 : i32
    %dma_wait3A_440 = tpu.memref_slice %arg2[%dma_wait3A_438, %dma_wait3A_439] : memref<10240x16xf32, #tpu.memory_space<hbm>> -> memref<10240x16xf32, #tpu.memory_space<hbm>>
    %dma_wait3A_441 = tpu.memref_slice %arg11[%dma_wait3A_431] : memref<5x!tpu.dma_semaphore, #tpu.memory_space<semaphore_mem>> -> memref<1x!tpu.dma_semaphore, #tpu.memory_space<semaphore_mem>>
    %dma_wait3A_442 = tpu.memref_squeeze %dma_wait3A_441 : memref<1x!tpu.dma_semaphore, #tpu.memory_space<semaphore_mem>> -> memref<!tpu.dma_semaphore, #tpu.memory_space<semaphore_mem>>
    tpu.wait_indirect_dma semaphore(%dma_wait3A_442 : memref<!tpu.dma_semaphore, #tpu.memory_space<semaphore_mem>>) src(%dma_wait3A_440 : memref<10240x16xf32, #tpu.memory_space<hbm>>) dst(%dma_wait3A_435 : memref<1000x16xf32, #tpu.memory_space<vmem>>)
    %dma_start3A_443 = arith.constant 2 : i32
    %dma_start3A_444 = arith.constant 2 : i32
    %dma_start3A_445 = arith.constant 0 : i32
    %dma_start3A_446 = arith.constant 0 : i32
    %dma_start3A_447 = tpu.memref_slice %arg8[%dma_start3A_443, %dma_start3A_445, %dma_start3A_446] : memref<5x1000x16xf32, #tpu.memory_space<vmem>> -> memref<1x1000x16xf32, #tpu.memory_space<vmem>>
    %dma_start3A_448 = tpu.memref_squeeze %dma_start3A_447 : memref<1x1000x16xf32, #tpu.memory_space<vmem>> -> memref<1000x16xf32, #tpu.memory_space<vmem>>
    %dma_start3A_449 = arith.constant 7000 : i32
    %dma_start3A_450 = tpu.memref_slice %arg7[%dma_start3A_449] : memref<10000xi32, #tpu.memory_space<vmem>> -> memref<1000xi32, #tpu.memory_space<vmem>>
    %dma_start3A_451 = arith.constant 0 : i32
    %dma_start3A_452 = arith.constant 0 : i32
    %dma_start3A_453 = tpu.memref_slice %arg10[%dma_start3A_451, %dma_start3A_452] : memref<10240x16xf32, #tpu.memory_space<vmem_shared>> -> memref<10240x16xf32, #tpu.memory_space<vmem_shared>>
    %dma_start3A_454 = tpu.memref_slice %arg12[%dma_start3A_444] : memref<5x!tpu.dma_semaphore, #tpu.memory_space<semaphore_mem>> -> memref<1x!tpu.dma_semaphore, #tpu.memory_space<semaphore_mem>>
    %dma_start3A_455 = tpu.memref_squeeze %dma_start3A_454 : memref<1x!tpu.dma_semaphore, #tpu.memory_space<semaphore_mem>> -> memref<!tpu.dma_semaphore, #tpu.memory_space<semaphore_mem>>
    tpu.enqueue_indirect_dma source(%dma_start3A_448 : memref<1000x16xf32, #tpu.memory_space<vmem>>) target(%dma_start3A_453 : memref<10240x16xf32, #tpu.memory_space<vmem_shared>>) offsets(%dma_start3A_450 : memref<1000xi32, #tpu.memory_space<vmem>>) semaphore(%dma_start3A_455 : memref<!tpu.dma_semaphore, #tpu.memory_space<semaphore_mem>>) {add = true}
    %dma_wait3A_456 = arith.constant 3 : i32
    %dma_wait3A_457 = arith.constant 3 : i32
    %dma_wait3A_458 = arith.constant 0 : i32
    %dma_wait3A_459 = arith.constant 0 : i32
    %dma_wait3A_460 = tpu.memref_slice %arg8[%dma_wait3A_456, %dma_wait3A_458, %dma_wait3A_459] : memref<5x1000x16xf32, #tpu.memory_space<vmem>> -> memref<1x1000x16xf32, #tpu.memory_space<vmem>>
    %dma_wait3A_461 = tpu.memref_squeeze %dma_wait3A_460 : memref<1x1000x16xf32, #tpu.memory_space<vmem>> -> memref<1000x16xf32, #tpu.memory_space<vmem>>
    %dma_wait3A_462 = arith.constant 8000 : i32
    %dma_wait3A_463 = tpu.memref_slice %arg6[%dma_wait3A_462] : memref<10000xi32, #tpu.memory_space<vmem>> -> memref<1000xi32, #tpu.memory_space<vmem>>
    %dma_wait3A_464 = arith.constant 0 : i32
    %dma_wait3A_465 = arith.constant 0 : i32
    %dma_wait3A_466 = tpu.memref_slice %arg2[%dma_wait3A_464, %dma_wait3A_465] : memref<10240x16xf32, #tpu.memory_space<hbm>> -> memref<10240x16xf32, #tpu.memory_space<hbm>>
    %dma_wait3A_467 = tpu.memref_slice %arg11[%dma_wait3A_457] : memref<5x!tpu.dma_semaphore, #tpu.memory_space<semaphore_mem>> -> memref<1x!tpu.dma_semaphore, #tpu.memory_space<semaphore_mem>>
    %dma_wait3A_468 = tpu.memref_squeeze %dma_wait3A_467 : memref<1x!tpu.dma_semaphore, #tpu.memory_space<semaphore_mem>> -> memref<!tpu.dma_semaphore, #tpu.memory_space<semaphore_mem>>
    tpu.wait_indirect_dma semaphore(%dma_wait3A_468 : memref<!tpu.dma_semaphore, #tpu.memory_space<semaphore_mem>>) src(%dma_wait3A_466 : memref<10240x16xf32, #tpu.memory_space<hbm>>) dst(%dma_wait3A_461 : memref<1000x16xf32, #tpu.memory_space<vmem>>)
    %dma_start3A_469 = arith.constant 3 : i32
    %dma_start3A_470 = arith.constant 3 : i32
    %dma_start3A_471 = arith.constant 0 : i32
    %dma_start3A_472 = arith.constant 0 : i32
    %dma_start3A_473 = tpu.memref_slice %arg8[%dma_start3A_469, %dma_start3A_471, %dma_start3A_472] : memref<5x1000x16xf32, #tpu.memory_space<vmem>> -> memref<1x1000x16xf32, #tpu.memory_space<vmem>>
    %dma_start3A_474 = tpu.memref_squeeze %dma_start3A_473 : memref<1x1000x16xf32, #tpu.memory_space<vmem>> -> memref<1000x16xf32, #tpu.memory_space<vmem>>
    %dma_start3A_475 = arith.constant 8000 : i32
    %dma_start3A_476 = tpu.memref_slice %arg7[%dma_start3A_475] : memref<10000xi32, #tpu.memory_space<vmem>> -> memref<1000xi32, #tpu.memory_space<vmem>>
    %dma_start3A_477 = arith.constant 0 : i32
    %dma_start3A_478 = arith.constant 0 : i32
    %dma_start3A_479 = tpu.memref_slice %arg10[%dma_start3A_477, %dma_start3A_478] : memref<10240x16xf32, #tpu.memory_space<vmem_shared>> -> memref<10240x16xf32, #tpu.memory_space<vmem_shared>>
    %dma_start3A_480 = tpu.memref_slice %arg12[%dma_start3A_470] : memref<5x!tpu.dma_semaphore, #tpu.memory_space<semaphore_mem>> -> memref<1x!tpu.dma_semaphore, #tpu.memory_space<semaphore_mem>>
    %dma_start3A_481 = tpu.memref_squeeze %dma_start3A_480 : memref<1x!tpu.dma_semaphore, #tpu.memory_space<semaphore_mem>> -> memref<!tpu.dma_semaphore, #tpu.memory_space<semaphore_mem>>
    tpu.enqueue_indirect_dma source(%dma_start3A_474 : memref<1000x16xf32, #tpu.memory_space<vmem>>) target(%dma_start3A_479 : memref<10240x16xf32, #tpu.memory_space<vmem_shared>>) offsets(%dma_start3A_476 : memref<1000xi32, #tpu.memory_space<vmem>>) semaphore(%dma_start3A_481 : memref<!tpu.dma_semaphore, #tpu.memory_space<semaphore_mem>>) {add = true}
    %dma_wait3A_482 = arith.constant 4 : i32
    %dma_wait3A_483 = arith.constant 4 : i32
    %dma_wait3A_484 = arith.constant 0 : i32
    %dma_wait3A_485 = arith.constant 0 : i32
    %dma_wait3A_486 = tpu.memref_slice %arg8[%dma_wait3A_482, %dma_wait3A_484, %dma_wait3A_485] : memref<5x1000x16xf32, #tpu.memory_space<vmem>> -> memref<1x1000x16xf32, #tpu.memory_space<vmem>>
    %dma_wait3A_487 = tpu.memref_squeeze %dma_wait3A_486 : memref<1x1000x16xf32, #tpu.memory_space<vmem>> -> memref<1000x16xf32, #tpu.memory_space<vmem>>
    %dma_wait3A_488 = arith.constant 9000 : i32
    %dma_wait3A_489 = tpu.memref_slice %arg6[%dma_wait3A_488] : memref<10000xi32, #tpu.memory_space<vmem>> -> memref<1000xi32, #tpu.memory_space<vmem>>
    %dma_wait3A_490 = arith.constant 0 : i32
    %dma_wait3A_491 = arith.constant 0 : i32
    %dma_wait3A_492 = tpu.memref_slice %arg2[%dma_wait3A_490, %dma_wait3A_491] : memref<10240x16xf32, #tpu.memory_space<hbm>> -> memref<10240x16xf32, #tpu.memory_space<hbm>>
    %dma_wait3A_493 = tpu.memref_slice %arg11[%dma_wait3A_483] : memref<5x!tpu.dma_semaphore, #tpu.memory_space<semaphore_mem>> -> memref<1x!tpu.dma_semaphore, #tpu.memory_space<semaphore_mem>>
    %dma_wait3A_494 = tpu.memref_squeeze %dma_wait3A_493 : memref<1x!tpu.dma_semaphore, #tpu.memory_space<semaphore_mem>> -> memref<!tpu.dma_semaphore, #tpu.memory_space<semaphore_mem>>
    tpu.wait_indirect_dma semaphore(%dma_wait3A_494 : memref<!tpu.dma_semaphore, #tpu.memory_space<semaphore_mem>>) src(%dma_wait3A_492 : memref<10240x16xf32, #tpu.memory_space<hbm>>) dst(%dma_wait3A_487 : memref<1000x16xf32, #tpu.memory_space<vmem>>)
    %dma_start3A_495 = arith.constant 4 : i32
    %dma_start3A_496 = arith.constant 4 : i32
    %dma_start3A_497 = arith.constant 0 : i32
    %dma_start3A_498 = arith.constant 0 : i32
    %dma_start3A_499 = tpu.memref_slice %arg8[%dma_start3A_495, %dma_start3A_497, %dma_start3A_498] : memref<5x1000x16xf32, #tpu.memory_space<vmem>> -> memref<1x1000x16xf32, #tpu.memory_space<vmem>>
    %dma_start3A_500 = tpu.memref_squeeze %dma_start3A_499 : memref<1x1000x16xf32, #tpu.memory_space<vmem>> -> memref<1000x16xf32, #tpu.memory_space<vmem>>
    %dma_start3A_501 = arith.constant 9000 : i32
    %dma_start3A_502 = tpu.memref_slice %arg7[%dma_start3A_501] : memref<10000xi32, #tpu.memory_space<vmem>> -> memref<1000xi32, #tpu.memory_space<vmem>>
    %dma_start3A_503 = arith.constant 0 : i32
    %dma_start3A_504 = arith.constant 0 : i32
    %dma_start3A_505 = tpu.memref_slice %arg10[%dma_start3A_503, %dma_start3A_504] : memref<10240x16xf32, #tpu.memory_space<vmem_shared>> -> memref<10240x16xf32, #tpu.memory_space<vmem_shared>>
    %dma_start3A_506 = tpu.memref_slice %arg12[%dma_start3A_496] : memref<5x!tpu.dma_semaphore, #tpu.memory_space<semaphore_mem>> -> memref<1x!tpu.dma_semaphore, #tpu.memory_space<semaphore_mem>>
    %dma_start3A_507 = tpu.memref_squeeze %dma_start3A_506 : memref<1x!tpu.dma_semaphore, #tpu.memory_space<semaphore_mem>> -> memref<!tpu.dma_semaphore, #tpu.memory_space<semaphore_mem>>
    tpu.enqueue_indirect_dma source(%dma_start3A_500 : memref<1000x16xf32, #tpu.memory_space<vmem>>) target(%dma_start3A_505 : memref<10240x16xf32, #tpu.memory_space<vmem_shared>>) offsets(%dma_start3A_502 : memref<1000xi32, #tpu.memory_space<vmem>>) semaphore(%dma_start3A_507 : memref<!tpu.dma_semaphore, #tpu.memory_space<semaphore_mem>>) {add = true}
    %dma_wait3A_508 = arith.constant 0 : i32
    %dma_wait3A_509 = arith.constant 0 : i32
    %dma_wait3A_510 = arith.constant 0 : i32
    %dma_wait3A_511 = arith.constant 0 : i32
    %dma_wait3A_512 = tpu.memref_slice %arg8[%dma_wait3A_508, %dma_wait3A_510, %dma_wait3A_511] : memref<5x1000x16xf32, #tpu.memory_space<vmem>> -> memref<1x1000x16xf32, #tpu.memory_space<vmem>>
    %dma_wait3A_513 = tpu.memref_squeeze %dma_wait3A_512 : memref<1x1000x16xf32, #tpu.memory_space<vmem>> -> memref<1000x16xf32, #tpu.memory_space<vmem>>
    %dma_wait3A_514 = arith.constant 5000 : i32
    %dma_wait3A_515 = tpu.memref_slice %arg7[%dma_wait3A_514] : memref<10000xi32, #tpu.memory_space<vmem>> -> memref<1000xi32, #tpu.memory_space<vmem>>
    %dma_wait3A_516 = arith.constant 0 : i32
    %dma_wait3A_517 = arith.constant 0 : i32
    %dma_wait3A_518 = tpu.memref_slice %arg10[%dma_wait3A_516, %dma_wait3A_517] : memref<10240x16xf32, #tpu.memory_space<vmem_shared>> -> memref<10240x16xf32, #tpu.memory_space<vmem_shared>>
    %dma_wait3A_519 = tpu.memref_slice %arg12[%dma_wait3A_509] : memref<5x!tpu.dma_semaphore, #tpu.memory_space<semaphore_mem>> -> memref<1x!tpu.dma_semaphore, #tpu.memory_space<semaphore_mem>>
    %dma_wait3A_520 = tpu.memref_squeeze %dma_wait3A_519 : memref<1x!tpu.dma_semaphore, #tpu.memory_space<semaphore_mem>> -> memref<!tpu.dma_semaphore, #tpu.memory_space<semaphore_mem>>
    tpu.wait_indirect_dma semaphore(%dma_wait3A_520 : memref<!tpu.dma_semaphore, #tpu.memory_space<semaphore_mem>>) src(%dma_wait3A_513 : memref<1000x16xf32, #tpu.memory_space<vmem>>) dst(%dma_wait3A_518 : memref<10240x16xf32, #tpu.memory_space<vmem_shared>>)
    %dma_wait3A_521 = arith.constant 1 : i32
    %dma_wait3A_522 = arith.constant 1 : i32
    %dma_wait3A_523 = arith.constant 0 : i32
    %dma_wait3A_524 = arith.constant 0 : i32
    %dma_wait3A_525 = tpu.memref_slice %arg8[%dma_wait3A_521, %dma_wait3A_523, %dma_wait3A_524] : memref<5x1000x16xf32, #tpu.memory_space<vmem>> -> memref<1x1000x16xf32, #tpu.memory_space<vmem>>
    %dma_wait3A_526 = tpu.memref_squeeze %dma_wait3A_525 : memref<1x1000x16xf32, #tpu.memory_space<vmem>> -> memref<1000x16xf32, #tpu.memory_space<vmem>>
    %dma_wait3A_527 = arith.constant 6000 : i32
    %dma_wait3A_528 = tpu.memref_slice %arg7[%dma_wait3A_527] : memref<10000xi32, #tpu.memory_space<vmem>> -> memref<1000xi32, #tpu.memory_space<vmem>>
    %dma_wait3A_529 = arith.constant 0 : i32
    %dma_wait3A_530 = arith.constant 0 : i32
    %dma_wait3A_531 = tpu.memref_slice %arg10[%dma_wait3A_529, %dma_wait3A_530] : memref<10240x16xf32, #tpu.memory_space<vmem_shared>> -> memref<10240x16xf32, #tpu.memory_space<vmem_shared>>
    %dma_wait3A_532 = tpu.memref_slice %arg12[%dma_wait3A_522] : memref<5x!tpu.dma_semaphore, #tpu.memory_space<semaphore_mem>> -> memref<1x!tpu.dma_semaphore, #tpu.memory_space<semaphore_mem>>
    %dma_wait3A_533 = tpu.memref_squeeze %dma_wait3A_532 : memref<1x!tpu.dma_semaphore, #tpu.memory_space<semaphore_mem>> -> memref<!tpu.dma_semaphore, #tpu.memory_space<semaphore_mem>>
    tpu.wait_indirect_dma semaphore(%dma_wait3A_533 : memref<!tpu.dma_semaphore, #tpu.memory_space<semaphore_mem>>) src(%dma_wait3A_526 : memref<1000x16xf32, #tpu.memory_space<vmem>>) dst(%dma_wait3A_531 : memref<10240x16xf32, #tpu.memory_space<vmem_shared>>)
    %dma_wait3A_534 = arith.constant 2 : i32
    %dma_wait3A_535 = arith.constant 2 : i32
    %dma_wait3A_536 = arith.constant 0 : i32
    %dma_wait3A_537 = arith.constant 0 : i32
    %dma_wait3A_538 = tpu.memref_slice %arg8[%dma_wait3A_534, %dma_wait3A_536, %dma_wait3A_537] : memref<5x1000x16xf32, #tpu.memory_space<vmem>> -> memref<1x1000x16xf32, #tpu.memory_space<vmem>>
    %dma_wait3A_539 = tpu.memref_squeeze %dma_wait3A_538 : memref<1x1000x16xf32, #tpu.memory_space<vmem>> -> memref<1000x16xf32, #tpu.memory_space<vmem>>
    %dma_wait3A_540 = arith.constant 7000 : i32
    %dma_wait3A_541 = tpu.memref_slice %arg7[%dma_wait3A_540] : memref<10000xi32, #tpu.memory_space<vmem>> -> memref<1000xi32, #tpu.memory_space<vmem>>
    %dma_wait3A_542 = arith.constant 0 : i32
    %dma_wait3A_543 = arith.constant 0 : i32
    %dma_wait3A_544 = tpu.memref_slice %arg10[%dma_wait3A_542, %dma_wait3A_543] : memref<10240x16xf32, #tpu.memory_space<vmem_shared>> -> memref<10240x16xf32, #tpu.memory_space<vmem_shared>>
    %dma_wait3A_545 = tpu.memref_slice %arg12[%dma_wait3A_535] : memref<5x!tpu.dma_semaphore, #tpu.memory_space<semaphore_mem>> -> memref<1x!tpu.dma_semaphore, #tpu.memory_space<semaphore_mem>>
    %dma_wait3A_546 = tpu.memref_squeeze %dma_wait3A_545 : memref<1x!tpu.dma_semaphore, #tpu.memory_space<semaphore_mem>> -> memref<!tpu.dma_semaphore, #tpu.memory_space<semaphore_mem>>
    tpu.wait_indirect_dma semaphore(%dma_wait3A_546 : memref<!tpu.dma_semaphore, #tpu.memory_space<semaphore_mem>>) src(%dma_wait3A_539 : memref<1000x16xf32, #tpu.memory_space<vmem>>) dst(%dma_wait3A_544 : memref<10240x16xf32, #tpu.memory_space<vmem_shared>>)
    %dma_wait3A_547 = arith.constant 3 : i32
    %dma_wait3A_548 = arith.constant 3 : i32
    %dma_wait3A_549 = arith.constant 0 : i32
    %dma_wait3A_550 = arith.constant 0 : i32
    %dma_wait3A_551 = tpu.memref_slice %arg8[%dma_wait3A_547, %dma_wait3A_549, %dma_wait3A_550] : memref<5x1000x16xf32, #tpu.memory_space<vmem>> -> memref<1x1000x16xf32, #tpu.memory_space<vmem>>
    %dma_wait3A_552 = tpu.memref_squeeze %dma_wait3A_551 : memref<1x1000x16xf32, #tpu.memory_space<vmem>> -> memref<1000x16xf32, #tpu.memory_space<vmem>>
    %dma_wait3A_553 = arith.constant 8000 : i32
    %dma_wait3A_554 = tpu.memref_slice %arg7[%dma_wait3A_553] : memref<10000xi32, #tpu.memory_space<vmem>> -> memref<1000xi32, #tpu.memory_space<vmem>>
    %dma_wait3A_555 = arith.constant 0 : i32
    %dma_wait3A_556 = arith.constant 0 : i32
    %dma_wait3A_557 = tpu.memref_slice %arg10[%dma_wait3A_555, %dma_wait3A_556] : memref<10240x16xf32, #tpu.memory_space<vmem_shared>> -> memref<10240x16xf32, #tpu.memory_space<vmem_shared>>
    %dma_wait3A_558 = tpu.memref_slice %arg12[%dma_wait3A_548] : memref<5x!tpu.dma_semaphore, #tpu.memory_space<semaphore_mem>> -> memref<1x!tpu.dma_semaphore, #tpu.memory_space<semaphore_mem>>
    %dma_wait3A_559 = tpu.memref_squeeze %dma_wait3A_558 : memref<1x!tpu.dma_semaphore, #tpu.memory_space<semaphore_mem>> -> memref<!tpu.dma_semaphore, #tpu.memory_space<semaphore_mem>>
    tpu.wait_indirect_dma semaphore(%dma_wait3A_559 : memref<!tpu.dma_semaphore, #tpu.memory_space<semaphore_mem>>) src(%dma_wait3A_552 : memref<1000x16xf32, #tpu.memory_space<vmem>>) dst(%dma_wait3A_557 : memref<10240x16xf32, #tpu.memory_space<vmem_shared>>)
    %dma_wait3A_560 = arith.constant 4 : i32
    %dma_wait3A_561 = arith.constant 4 : i32
    %dma_wait3A_562 = arith.constant 0 : i32
    %dma_wait3A_563 = arith.constant 0 : i32
    %dma_wait3A_564 = tpu.memref_slice %arg8[%dma_wait3A_560, %dma_wait3A_562, %dma_wait3A_563] : memref<5x1000x16xf32, #tpu.memory_space<vmem>> -> memref<1x1000x16xf32, #tpu.memory_space<vmem>>
    %dma_wait3A_565 = tpu.memref_squeeze %dma_wait3A_564 : memref<1x1000x16xf32, #tpu.memory_space<vmem>> -> memref<1000x16xf32, #tpu.memory_space<vmem>>
    %dma_wait3A_566 = arith.constant 9000 : i32
    %dma_wait3A_567 = tpu.memref_slice %arg7[%dma_wait3A_566] : memref<10000xi32, #tpu.memory_space<vmem>> -> memref<1000xi32, #tpu.memory_space<vmem>>
    %dma_wait3A_568 = arith.constant 0 : i32
    %dma_wait3A_569 = arith.constant 0 : i32
    %dma_wait3A_570 = tpu.memref_slice %arg10[%dma_wait3A_568, %dma_wait3A_569] : memref<10240x16xf32, #tpu.memory_space<vmem_shared>> -> memref<10240x16xf32, #tpu.memory_space<vmem_shared>>
    %dma_wait3A_571 = tpu.memref_slice %arg12[%dma_wait3A_561] : memref<5x!tpu.dma_semaphore, #tpu.memory_space<semaphore_mem>> -> memref<1x!tpu.dma_semaphore, #tpu.memory_space<semaphore_mem>>
    %dma_wait3A_572 = tpu.memref_squeeze %dma_wait3A_571 : memref<1x!tpu.dma_semaphore, #tpu.memory_space<semaphore_mem>> -> memref<!tpu.dma_semaphore, #tpu.memory_space<semaphore_mem>>
    tpu.wait_indirect_dma semaphore(%dma_wait3A_572 : memref<!tpu.dma_semaphore, #tpu.memory_space<semaphore_mem>>) src(%dma_wait3A_565 : memref<1000x16xf32, #tpu.memory_space<vmem>>) dst(%dma_wait3A_570 : memref<10240x16xf32, #tpu.memory_space<vmem_shared>>)
    %barrier3A_573 = arith.constant 0 : index
    tpu.barrier barrier_id(%barrier3A_573)
    %mul3A_574 = arith.constant 640 : i32
    %mul3A_575 = arith.muli %arg1, %mul3A_574 : i32
    %mul3A_576 = arith.constant 640 : i32
    %mul3A_577 = arith.muli %arg1, %mul3A_576 : i32
    "tpu.region"() ({
      %run_scoped3A = tpu.sem_alloc : memref<!tpu.dma_semaphore, #tpu.memory_space<semaphore_mem>>
      %dma_start3A_578 = arith.constant 0 : i32
      %dma_start3A_579 = tpu.memref_slice %arg5[%arg0, %mul3A_577, %dma_start3A_578] : memref<2x10240x16xf32, #tpu.memory_space<hbm>> -> memref<1x640x16xf32, #tpu.memory_space<hbm>>
      %dma_start3A_580 = tpu.memref_squeeze %dma_start3A_579 : memref<1x640x16xf32, #tpu.memory_space<hbm>> -> memref<640x16xf32, #tpu.memory_space<hbm>>
      %dma_start3A_581 = arith.constant 0 : i32
      %dma_start3A_582 = tpu.memref_slice %arg10[%mul3A_575, %dma_start3A_581] : memref<10240x16xf32, #tpu.memory_space<vmem_shared>> -> memref<640x16xf32, #tpu.memory_space<vmem_shared>>
      tpu.enqueue_dma source(%dma_start3A_582 : memref<640x16xf32, #tpu.memory_space<vmem_shared>>) target(%dma_start3A_580 : memref<640x16xf32, #tpu.memory_space<hbm>>) target_semaphore(%run_scoped3A : memref<!tpu.dma_semaphore, #tpu.memory_space<semaphore_mem>>)
      %dma_wait3A_583 = arith.constant 0 : i32
      %dma_wait3A_584 = tpu.memref_slice %arg5[%arg0, %mul3A_577, %dma_wait3A_583] : memref<2x10240x16xf32, #tpu.memory_space<hbm>> -> memref<1x640x16xf32, #tpu.memory_space<hbm>>
      %dma_wait3A_585 = tpu.memref_squeeze %dma_wait3A_584 : memref<1x640x16xf32, #tpu.memory_space<hbm>> -> memref<640x16xf32, #tpu.memory_space<hbm>>
      %dma_wait3A_586 = arith.constant 0 : i32
      %dma_wait3A_587 = tpu.memref_slice %arg10[%mul3A_575, %dma_wait3A_586] : memref<10240x16xf32, #tpu.memory_space<vmem_shared>> -> memref<640x16xf32, #tpu.memory_space<vmem_shared>>
      tpu.wait_dma2 semaphore(%run_scoped3A : memref<!tpu.dma_semaphore, #tpu.memory_space<semaphore_mem>>) src(%dma_wait3A_587 : memref<640x16xf32, #tpu.memory_space<vmem_shared>>) dst(%dma_wait3A_585 : memref<640x16xf32, #tpu.memory_space<hbm>>)
      tpu.yield
    }) : () -> ()
    return
  }
}

#map = affine_map<(d0, d1) -> (0, 0)>
#map1 = affine_map<(d0, d1) -> (0, 0, 0)>
module attributes {stable_mosaic.version = 14 : i64} {
  func.func @_sc_scatter(%arg0: i32, %arg1: i32, %arg2: memref<10240x16xf32, #tpu.memory_space<hbm>>, %arg3: memref<2x320000xi32, #tpu.memory_space<hbm>>, %arg4: memref<10240x16xf32, #tpu.memory_space<hbm>>, %arg5: memref<2x10240x16xf32, #tpu.memory_space<hbm>>, %arg6: memref<10000xi32, #tpu.memory_space<vmem>>, %arg7: memref<10000xi32, #tpu.memory_space<vmem>>, %arg8: memref<5x1000x16xf32, #tpu.memory_space<vmem>>, %arg9: memref<16x16xf32, #tpu.memory_space<vmem>>, %arg10: memref<10240x16xf32, #tpu.memory_space<vmem_shared>>, %arg11: memref<5x!tpu.dma_semaphore, #tpu.memory_space<semaphore_mem>>, %arg12: memref<5x!tpu.dma_semaphore, #tpu.memory_space<semaphore_mem>>) attributes {dimension_semantics = [#tpu.dimension_semantics<core_parallel>, #tpu.dimension_semantics<subcore_parallel>], iteration_bounds = array<i64: 2, 16>, scalar_prefetch = 0 : i64, scratch_operands = 7 : i64, tpu.core_type = #tpu.core_type<sc_vector_subcore>, window_params = [{transform_indices = #map}, {transform_indices = #map}, {transform_indices = #map}, {transform_indices = #map1}]} {
    %mul3A = arith.constant 16 : i32
    %mul3A_0 = arith.muli %arg0, %mul3A : i32
    %add3A = arith.addi %mul3A_0, %arg1 : i32
    %mul3A_1 = arith.constant 10000 : i32
    %mul3A_2 = arith.muli %add3A, %mul3A_1 : i32
    %dma_start3A = arith.constant 0 : i32
    %dma_start3A_3 = arith.constant 0 : i32
    %dma_start3A_4 = tpu.memref_slice %arg3[%dma_start3A, %mul3A_2] : memref<2x320000xi32, #tpu.memory_space<hbm>> -> memref<1x10000xi32, #tpu.memory_space<hbm>>
    %dma_start3A_5 = tpu.memref_squeeze %dma_start3A_4 : memref<1x10000xi32, #tpu.memory_space<hbm>> -> memref<10000xi32, #tpu.memory_space<hbm>>
    %dma_start3A_6 = tpu.memref_slice %arg11[%dma_start3A_3] : memref<5x!tpu.dma_semaphore, #tpu.memory_space<semaphore_mem>> -> memref<1x!tpu.dma_semaphore, #tpu.memory_space<semaphore_mem>>
    %dma_start3A_7 = tpu.memref_squeeze %dma_start3A_6 : memref<1x!tpu.dma_semaphore, #tpu.memory_space<semaphore_mem>> -> memref<!tpu.dma_semaphore, #tpu.memory_space<semaphore_mem>>
    %dma_start3A_8 = tpu.memref_slice %arg3[%dma_start3A, %mul3A_2] : memref<2x320000xi32, #tpu.memory_space<hbm>> -> memref<1x10000xi32, #tpu.memory_space<hbm>>
    %dma_start3A_9 = tpu.memref_squeeze %dma_start3A_8 : memref<1x10000xi32, #tpu.memory_space<hbm>> -> memref<10000xi32, #tpu.memory_space<hbm>>
    tpu.enqueue_dma source(%dma_start3A_9 : memref<10000xi32, #tpu.memory_space<hbm>>) target(%arg6 : memref<10000xi32, #tpu.memory_space<vmem>>) target_semaphore(%dma_start3A_7 : memref<!tpu.dma_semaphore, #tpu.memory_space<semaphore_mem>>)
    %mul3A_10 = arith.constant 10000 : i32
    %mul3A_11 = arith.muli %add3A, %mul3A_10 : i32
    %dma_start3A_12 = arith.constant 1 : i32
    %dma_start3A_13 = arith.constant 0 : i32
    %dma_start3A_14 = tpu.memref_slice %arg3[%dma_start3A_12, %mul3A_11] : memref<2x320000xi32, #tpu.memory_space<hbm>> -> memref<1x10000xi32, #tpu.memory_space<hbm>>
    %dma_start3A_15 = tpu.memref_squeeze %dma_start3A_14 : memref<1x10000xi32, #tpu.memory_space<hbm>> -> memref<10000xi32, #tpu.memory_space<hbm>>
    %dma_start3A_16 = tpu.memref_slice %arg12[%dma_start3A_13] : memref<5x!tpu.dma_semaphore, #tpu.memory_space<semaphore_mem>> -> memref<1x!tpu.dma_semaphore, #tpu.memory_space<semaphore_mem>>
    %dma_start3A_17 = tpu.memref_squeeze %dma_start3A_16 : memref<1x!tpu.dma_semaphore, #tpu.memory_space<semaphore_mem>> -> memref<!tpu.dma_semaphore, #tpu.memory_space<semaphore_mem>>
    %dma_start3A_18 = tpu.memref_slice %arg3[%dma_start3A_12, %mul3A_11] : memref<2x320000xi32, #tpu.memory_space<hbm>> -> memref<1x10000xi32, #tpu.memory_space<hbm>>
    %dma_start3A_19 = tpu.memref_squeeze %dma_start3A_18 : memref<1x10000xi32, #tpu.memory_space<hbm>> -> memref<10000xi32, #tpu.memory_space<hbm>>
    tpu.enqueue_dma source(%dma_start3A_19 : memref<10000xi32, #tpu.memory_space<hbm>>) target(%arg7 : memref<10000xi32, #tpu.memory_space<vmem>>) target_semaphore(%dma_start3A_17 : memref<!tpu.dma_semaphore, #tpu.memory_space<semaphore_mem>>)
    %mul3A_20 = arith.constant 640 : i32
    %mul3A_21 = arith.muli %arg1, %mul3A_20 : i32
    %mul3A_22 = arith.constant 640 : i32
    %mul3A_23 = arith.muli %arg1, %mul3A_22 : i32
    %dma_start3A_24 = arith.constant 1 : i32
    %dma_start3A_25 = tpu.memref_slice %arg12[%dma_start3A_24] : memref<5x!tpu.dma_semaphore, #tpu.memory_space<semaphore_mem>> -> memref<1x!tpu.dma_semaphore, #tpu.memory_space<semaphore_mem>>
    %dma_start3A_26 = tpu.memref_squeeze %dma_start3A_25 : memref<1x!tpu.dma_semaphore, #tpu.memory_space<semaphore_mem>> -> memref<!tpu.dma_semaphore, #tpu.memory_space<semaphore_mem>>
    %dma_start3A_27 = arith.constant 0 : i32
    %dma_start3A_28 = tpu.memref_slice %arg10[%mul3A_23, %dma_start3A_27] : memref<10240x16xf32, #tpu.memory_space<vmem_shared>> -> memref<640x16xf32, #tpu.memory_space<vmem_shared>>
    %dma_start3A_29 = arith.constant 0 : i32
    %dma_start3A_30 = tpu.memref_slice %arg4[%mul3A_21, %dma_start3A_29] : memref<10240x16xf32, #tpu.memory_space<hbm>> -> memref<640x16xf32, #tpu.memory_space<hbm>>
    tpu.enqueue_dma source(%dma_start3A_30 : memref<640x16xf32, #tpu.memory_space<hbm>>) target(%dma_start3A_28 : memref<640x16xf32, #tpu.memory_space<vmem_shared>>) target_semaphore(%dma_start3A_26 : memref<!tpu.dma_semaphore, #tpu.memory_space<semaphore_mem>>)
    %dma_wait3A = arith.constant 0 : i32
    %dma_wait3A_31 = arith.constant 0 : i32
    %dma_wait3A_32 = tpu.memref_slice %arg3[%dma_wait3A, %mul3A_2] : memref<2x320000xi32, #tpu.memory_space<hbm>> -> memref<1x10000xi32, #tpu.memory_space<hbm>>
    %dma_wait3A_33 = tpu.memref_squeeze %dma_wait3A_32 : memref<1x10000xi32, #tpu.memory_space<hbm>> -> memref<10000xi32, #tpu.memory_space<hbm>>
    %dma_wait3A_34 = tpu.memref_slice %arg11[%dma_wait3A_31] : memref<5x!tpu.dma_semaphore, #tpu.memory_space<semaphore_mem>> -> memref<1x!tpu.dma_semaphore, #tpu.memory_space<semaphore_mem>>
    %dma_wait3A_35 = tpu.memref_squeeze %dma_wait3A_34 : memref<1x!tpu.dma_semaphore, #tpu.memory_space<semaphore_mem>> -> memref<!tpu.dma_semaphore, #tpu.memory_space<semaphore_mem>>
    %dma_wait3A_36 = tpu.memref_slice %arg3[%dma_wait3A, %mul3A_2] : memref<2x320000xi32, #tpu.memory_space<hbm>> -> memref<1x10000xi32, #tpu.memory_space<hbm>>
    %dma_wait3A_37 = tpu.memref_squeeze %dma_wait3A_36 : memref<1x10000xi32, #tpu.memory_space<hbm>> -> memref<10000xi32, #tpu.memory_space<hbm>>
    tpu.wait_dma2 semaphore(%dma_wait3A_35 : memref<!tpu.dma_semaphore, #tpu.memory_space<semaphore_mem>>) src(%dma_wait3A_37 : memref<10000xi32, #tpu.memory_space<hbm>>) dst(%arg6 : memref<10000xi32, #tpu.memory_space<vmem>>)
    %dma_start3A_38 = arith.constant 0 : i32
    %dma_start3A_39 = arith.constant 0 : i32
    %dma_start3A_40 = arith.constant 0 : i32
    %dma_start3A_41 = arith.constant 0 : i32
    %dma_start3A_42 = tpu.memref_slice %arg8[%dma_start3A_38, %dma_start3A_40, %dma_start3A_41] : memref<5x1000x16xf32, #tpu.memory_space<vmem>> -> memref<1x1000x16xf32, #tpu.memory_space<vmem>>
    %dma_start3A_43 = tpu.memref_squeeze %dma_start3A_42 : memref<1x1000x16xf32, #tpu.memory_space<vmem>> -> memref<1000x16xf32, #tpu.memory_space<vmem>>
    %dma_start3A_44 = arith.constant 0 : i32
    %dma_start3A_45 = tpu.memref_slice %arg6[%dma_start3A_44] : memref<10000xi32, #tpu.memory_space<vmem>> -> memref<1000xi32, #tpu.memory_space<vmem>>
    %dma_start3A_46 = arith.constant 0 : i32
    %dma_start3A_47 = arith.constant 0 : i32
    %dma_start3A_48 = tpu.memref_slice %arg2[%dma_start3A_46, %dma_start3A_47] : memref<10240x16xf32, #tpu.memory_space<hbm>> -> memref<10240x16xf32, #tpu.memory_space<hbm>>
    %dma_start3A_49 = tpu.memref_slice %arg11[%dma_start3A_39] : memref<5x!tpu.dma_semaphore, #tpu.memory_space<semaphore_mem>> -> memref<1x!tpu.dma_semaphore, #tpu.memory_space<semaphore_mem>>
    %dma_start3A_50 = tpu.memref_squeeze %dma_start3A_49 : memref<1x!tpu.dma_semaphore, #tpu.memory_space<semaphore_mem>> -> memref<!tpu.dma_semaphore, #tpu.memory_space<semaphore_mem>>
    tpu.enqueue_indirect_dma source(%dma_start3A_48 : memref<10240x16xf32, #tpu.memory_space<hbm>>) target(%dma_start3A_43 : memref<1000x16xf32, #tpu.memory_space<vmem>>) offsets(%dma_start3A_45 : memref<1000xi32, #tpu.memory_space<vmem>>) semaphore(%dma_start3A_50 : memref<!tpu.dma_semaphore, #tpu.memory_space<semaphore_mem>>)
    %dma_start3A_51 = arith.constant 1 : i32
    %dma_start3A_52 = arith.constant 1 : i32
    %dma_start3A_53 = arith.constant 0 : i32
    %dma_start3A_54 = arith.constant 0 : i32
    %dma_start3A_55 = tpu.memref_slice %arg8[%dma_start3A_51, %dma_start3A_53, %dma_start3A_54] : memref<5x1000x16xf32, #tpu.memory_space<vmem>> -> memref<1x1000x16xf32, #tpu.memory_space<vmem>>
    %dma_start3A_56 = tpu.memref_squeeze %dma_start3A_55 : memref<1x1000x16xf32, #tpu.memory_space<vmem>> -> memref<1000x16xf32, #tpu.memory_space<vmem>>
    %dma_start3A_57 = arith.constant 1000 : i32
    %dma_start3A_58 = tpu.memref_slice %arg6[%dma_start3A_57] : memref<10000xi32, #tpu.memory_space<vmem>> -> memref<1000xi32, #tpu.memory_space<vmem>>
    %dma_start3A_59 = arith.constant 0 : i32
    %dma_start3A_60 = arith.constant 0 : i32
    %dma_start3A_61 = tpu.memref_slice %arg2[%dma_start3A_59, %dma_start3A_60] : memref<10240x16xf32, #tpu.memory_space<hbm>> -> memref<10240x16xf32, #tpu.memory_space<hbm>>
    %dma_start3A_62 = tpu.memref_slice %arg11[%dma_start3A_52] : memref<5x!tpu.dma_semaphore, #tpu.memory_space<semaphore_mem>> -> memref<1x!tpu.dma_semaphore, #tpu.memory_space<semaphore_mem>>
    %dma_start3A_63 = tpu.memref_squeeze %dma_start3A_62 : memref<1x!tpu.dma_semaphore, #tpu.memory_space<semaphore_mem>> -> memref<!tpu.dma_semaphore, #tpu.memory_space<semaphore_mem>>
    tpu.enqueue_indirect_dma source(%dma_start3A_61 : memref<10240x16xf32, #tpu.memory_space<hbm>>) target(%dma_start3A_56 : memref<1000x16xf32, #tpu.memory_space<vmem>>) offsets(%dma_start3A_58 : memref<1000xi32, #tpu.memory_space<vmem>>) semaphore(%dma_start3A_63 : memref<!tpu.dma_semaphore, #tpu.memory_space<semaphore_mem>>)
    %dma_start3A_64 = arith.constant 2 : i32
    %dma_start3A_65 = arith.constant 2 : i32
    %dma_start3A_66 = arith.constant 0 : i32
    %dma_start3A_67 = arith.constant 0 : i32
    %dma_start3A_68 = tpu.memref_slice %arg8[%dma_start3A_64, %dma_start3A_66, %dma_start3A_67] : memref<5x1000x16xf32, #tpu.memory_space<vmem>> -> memref<1x1000x16xf32, #tpu.memory_space<vmem>>
    %dma_start3A_69 = tpu.memref_squeeze %dma_start3A_68 : memref<1x1000x16xf32, #tpu.memory_space<vmem>> -> memref<1000x16xf32, #tpu.memory_space<vmem>>
    %dma_start3A_70 = arith.constant 2000 : i32
    %dma_start3A_71 = tpu.memref_slice %arg6[%dma_start3A_70] : memref<10000xi32, #tpu.memory_space<vmem>> -> memref<1000xi32, #tpu.memory_space<vmem>>
    %dma_start3A_72 = arith.constant 0 : i32
    %dma_start3A_73 = arith.constant 0 : i32
    %dma_start3A_74 = tpu.memref_slice %arg2[%dma_start3A_72, %dma_start3A_73] : memref<10240x16xf32, #tpu.memory_space<hbm>> -> memref<10240x16xf32, #tpu.memory_space<hbm>>
    %dma_start3A_75 = tpu.memref_slice %arg11[%dma_start3A_65] : memref<5x!tpu.dma_semaphore, #tpu.memory_space<semaphore_mem>> -> memref<1x!tpu.dma_semaphore, #tpu.memory_space<semaphore_mem>>
    %dma_start3A_76 = tpu.memref_squeeze %dma_start3A_75 : memref<1x!tpu.dma_semaphore, #tpu.memory_space<semaphore_mem>> -> memref<!tpu.dma_semaphore, #tpu.memory_space<semaphore_mem>>
    tpu.enqueue_indirect_dma source(%dma_start3A_74 : memref<10240x16xf32, #tpu.memory_space<hbm>>) target(%dma_start3A_69 : memref<1000x16xf32, #tpu.memory_space<vmem>>) offsets(%dma_start3A_71 : memref<1000xi32, #tpu.memory_space<vmem>>) semaphore(%dma_start3A_76 : memref<!tpu.dma_semaphore, #tpu.memory_space<semaphore_mem>>)
    %dma_start3A_77 = arith.constant 3 : i32
    %dma_start3A_78 = arith.constant 3 : i32
    %dma_start3A_79 = arith.constant 0 : i32
    %dma_start3A_80 = arith.constant 0 : i32
    %dma_start3A_81 = tpu.memref_slice %arg8[%dma_start3A_77, %dma_start3A_79, %dma_start3A_80] : memref<5x1000x16xf32, #tpu.memory_space<vmem>> -> memref<1x1000x16xf32, #tpu.memory_space<vmem>>
    %dma_start3A_82 = tpu.memref_squeeze %dma_start3A_81 : memref<1x1000x16xf32, #tpu.memory_space<vmem>> -> memref<1000x16xf32, #tpu.memory_space<vmem>>
    %dma_start3A_83 = arith.constant 3000 : i32
    %dma_start3A_84 = tpu.memref_slice %arg6[%dma_start3A_83] : memref<10000xi32, #tpu.memory_space<vmem>> -> memref<1000xi32, #tpu.memory_space<vmem>>
    %dma_start3A_85 = arith.constant 0 : i32
    %dma_start3A_86 = arith.constant 0 : i32
    %dma_start3A_87 = tpu.memref_slice %arg2[%dma_start3A_85, %dma_start3A_86] : memref<10240x16xf32, #tpu.memory_space<hbm>> -> memref<10240x16xf32, #tpu.memory_space<hbm>>
    %dma_start3A_88 = tpu.memref_slice %arg11[%dma_start3A_78] : memref<5x!tpu.dma_semaphore, #tpu.memory_space<semaphore_mem>> -> memref<1x!tpu.dma_semaphore, #tpu.memory_space<semaphore_mem>>
    %dma_start3A_89 = tpu.memref_squeeze %dma_start3A_88 : memref<1x!tpu.dma_semaphore, #tpu.memory_space<semaphore_mem>> -> memref<!tpu.dma_semaphore, #tpu.memory_space<semaphore_mem>>
    tpu.enqueue_indirect_dma source(%dma_start3A_87 : memref<10240x16xf32, #tpu.memory_space<hbm>>) target(%dma_start3A_82 : memref<1000x16xf32, #tpu.memory_space<vmem>>) offsets(%dma_start3A_84 : memref<1000xi32, #tpu.memory_space<vmem>>) semaphore(%dma_start3A_89 : memref<!tpu.dma_semaphore, #tpu.memory_space<semaphore_mem>>)
    %dma_start3A_90 = arith.constant 4 : i32
    %dma_start3A_91 = arith.constant 4 : i32
    %dma_start3A_92 = arith.constant 0 : i32
    %dma_start3A_93 = arith.constant 0 : i32
    %dma_start3A_94 = tpu.memref_slice %arg8[%dma_start3A_90, %dma_start3A_92, %dma_start3A_93] : memref<5x1000x16xf32, #tpu.memory_space<vmem>> -> memref<1x1000x16xf32, #tpu.memory_space<vmem>>
    %dma_start3A_95 = tpu.memref_squeeze %dma_start3A_94 : memref<1x1000x16xf32, #tpu.memory_space<vmem>> -> memref<1000x16xf32, #tpu.memory_space<vmem>>
    %dma_start3A_96 = arith.constant 4000 : i32
    %dma_start3A_97 = tpu.memref_slice %arg6[%dma_start3A_96] : memref<10000xi32, #tpu.memory_space<vmem>> -> memref<1000xi32, #tpu.memory_space<vmem>>
    %dma_start3A_98 = arith.constant 0 : i32
    %dma_start3A_99 = arith.constant 0 : i32
    %dma_start3A_100 = tpu.memref_slice %arg2[%dma_start3A_98, %dma_start3A_99] : memref<10240x16xf32, #tpu.memory_space<hbm>> -> memref<10240x16xf32, #tpu.memory_space<hbm>>
    %dma_start3A_101 = tpu.memref_slice %arg11[%dma_start3A_91] : memref<5x!tpu.dma_semaphore, #tpu.memory_space<semaphore_mem>> -> memref<1x!tpu.dma_semaphore, #tpu.memory_space<semaphore_mem>>
    %dma_start3A_102 = tpu.memref_squeeze %dma_start3A_101 : memref<1x!tpu.dma_semaphore, #tpu.memory_space<semaphore_mem>> -> memref<!tpu.dma_semaphore, #tpu.memory_space<semaphore_mem>>
    tpu.enqueue_indirect_dma source(%dma_start3A_100 : memref<10240x16xf32, #tpu.memory_space<hbm>>) target(%dma_start3A_95 : memref<1000x16xf32, #tpu.memory_space<vmem>>) offsets(%dma_start3A_97 : memref<1000xi32, #tpu.memory_space<vmem>>) semaphore(%dma_start3A_102 : memref<!tpu.dma_semaphore, #tpu.memory_space<semaphore_mem>>)
    %dma_wait3A_103 = arith.constant 1 : i32
    %dma_wait3A_104 = arith.constant 0 : i32
    %dma_wait3A_105 = tpu.memref_slice %arg3[%dma_wait3A_103, %mul3A_11] : memref<2x320000xi32, #tpu.memory_space<hbm>> -> memref<1x10000xi32, #tpu.memory_space<hbm>>
    %dma_wait3A_106 = tpu.memref_squeeze %dma_wait3A_105 : memref<1x10000xi32, #tpu.memory_space<hbm>> -> memref<10000xi32, #tpu.memory_space<hbm>>
    %dma_wait3A_107 = tpu.memref_slice %arg12[%dma_wait3A_104] : memref<5x!tpu.dma_semaphore, #tpu.memory_space<semaphore_mem>> -> memref<1x!tpu.dma_semaphore, #tpu.memory_space<semaphore_mem>>
    %dma_wait3A_108 = tpu.memref_squeeze %dma_wait3A_107 : memref<1x!tpu.dma_semaphore, #tpu.memory_space<semaphore_mem>> -> memref<!tpu.dma_semaphore, #tpu.memory_space<semaphore_mem>>
    %dma_wait3A_109 = tpu.memref_slice %arg3[%dma_wait3A_103, %mul3A_11] : memref<2x320000xi32, #tpu.memory_space<hbm>> -> memref<1x10000xi32, #tpu.memory_space<hbm>>
    %dma_wait3A_110 = tpu.memref_squeeze %dma_wait3A_109 : memref<1x10000xi32, #tpu.memory_space<hbm>> -> memref<10000xi32, #tpu.memory_space<hbm>>
    tpu.wait_dma2 semaphore(%dma_wait3A_108 : memref<!tpu.dma_semaphore, #tpu.memory_space<semaphore_mem>>) src(%dma_wait3A_110 : memref<10000xi32, #tpu.memory_space<hbm>>) dst(%arg7 : memref<10000xi32, #tpu.memory_space<vmem>>)
    %dma_wait3A_111 = arith.constant 1 : i32
    %dma_wait3A_112 = tpu.memref_slice %arg12[%dma_wait3A_111] : memref<5x!tpu.dma_semaphore, #tpu.memory_space<semaphore_mem>> -> memref<1x!tpu.dma_semaphore, #tpu.memory_space<semaphore_mem>>
    %dma_wait3A_113 = tpu.memref_squeeze %dma_wait3A_112 : memref<1x!tpu.dma_semaphore, #tpu.memory_space<semaphore_mem>> -> memref<!tpu.dma_semaphore, #tpu.memory_space<semaphore_mem>>
    %dma_wait3A_114 = arith.constant 0 : i32
    %dma_wait3A_115 = tpu.memref_slice %arg10[%mul3A_23, %dma_wait3A_114] : memref<10240x16xf32, #tpu.memory_space<vmem_shared>> -> memref<640x16xf32, #tpu.memory_space<vmem_shared>>
    %dma_wait3A_116 = arith.constant 0 : i32
    %dma_wait3A_117 = tpu.memref_slice %arg4[%mul3A_21, %dma_wait3A_116] : memref<10240x16xf32, #tpu.memory_space<hbm>> -> memref<640x16xf32, #tpu.memory_space<hbm>>
    tpu.wait_dma2 semaphore(%dma_wait3A_113 : memref<!tpu.dma_semaphore, #tpu.memory_space<semaphore_mem>>) src(%dma_wait3A_117 : memref<640x16xf32, #tpu.memory_space<hbm>>) dst(%dma_wait3A_115 : memref<640x16xf32, #tpu.memory_space<vmem_shared>>)
    %barrier3A = arith.constant 0 : index
    tpu.barrier barrier_id(%barrier3A)
    %dma_wait3A_118 = arith.constant 0 : i32
    %dma_wait3A_119 = arith.constant 0 : i32
    %dma_wait3A_120 = arith.constant 0 : i32
    %dma_wait3A_121 = arith.constant 0 : i32
    %dma_wait3A_122 = tpu.memref_slice %arg8[%dma_wait3A_118, %dma_wait3A_120, %dma_wait3A_121] : memref<5x1000x16xf32, #tpu.memory_space<vmem>> -> memref<1x1000x16xf32, #tpu.memory_space<vmem>>
    %dma_wait3A_123 = tpu.memref_squeeze %dma_wait3A_122 : memref<1x1000x16xf32, #tpu.memory_space<vmem>> -> memref<1000x16xf32, #tpu.memory_space<vmem>>
    %dma_wait3A_124 = arith.constant 0 : i32
    %dma_wait3A_125 = tpu.memref_slice %arg6[%dma_wait3A_124] : memref<10000xi32, #tpu.memory_space<vmem>> -> memref<1000xi32, #tpu.memory_space<vmem>>
    %dma_wait3A_126 = arith.constant 0 : i32
    %dma_wait3A_127 = arith.constant 0 : i32
    %dma_wait3A_128 = tpu.memref_slice %arg2[%dma_wait3A_126, %dma_wait3A_127] : memref<10240x16xf32, #tpu.memory_space<hbm>> -> memref<10240x16xf32, #tpu.memory_space<hbm>>
    %dma_wait3A_129 = tpu.memref_slice %arg11[%dma_wait3A_119] : memref<5x!tpu.dma_semaphore, #tpu.memory_space<semaphore_mem>> -> memref<1x!tpu.dma_semaphore, #tpu.memory_space<semaphore_mem>>
    %dma_wait3A_130 = tpu.memref_squeeze %dma_wait3A_129 : memref<1x!tpu.dma_semaphore, #tpu.memory_space<semaphore_mem>> -> memref<!tpu.dma_semaphore, #tpu.memory_space<semaphore_mem>>
    tpu.wait_indirect_dma semaphore(%dma_wait3A_130 : memref<!tpu.dma_semaphore, #tpu.memory_space<semaphore_mem>>) src(%dma_wait3A_128 : memref<10240x16xf32, #tpu.memory_space<hbm>>) dst(%dma_wait3A_123 : memref<1000x16xf32, #tpu.memory_space<vmem>>)
    %dma_start3A_131 = arith.constant 0 : i32
    %dma_start3A_132 = arith.constant 0 : i32
    %dma_start3A_133 = arith.constant 0 : i32
    %dma_start3A_134 = arith.constant 0 : i32
    %dma_start3A_135 = tpu.memref_slice %arg8[%dma_start3A_131, %dma_start3A_133, %dma_start3A_134] : memref<5x1000x16xf32, #tpu.memory_space<vmem>> -> memref<1x1000x16xf32, #tpu.memory_space<vmem>>
    %dma_start3A_136 = tpu.memref_squeeze %dma_start3A_135 : memref<1x1000x16xf32, #tpu.memory_space<vmem>> -> memref<1000x16xf32, #tpu.memory_space<vmem>>
    %dma_start3A_137 = arith.constant 0 : i32
    %dma_start3A_138 = tpu.memref_slice %arg7[%dma_start3A_137] : memref<10000xi32, #tpu.memory_space<vmem>> -> memref<1000xi32, #tpu.memory_space<vmem>>
    %dma_start3A_139 = arith.constant 0 : i32
    %dma_start3A_140 = arith.constant 0 : i32
    %dma_start3A_141 = tpu.memref_slice %arg10[%dma_start3A_139, %dma_start3A_140] : memref<10240x16xf32, #tpu.memory_space<vmem_shared>> -> memref<10240x16xf32, #tpu.memory_space<vmem_shared>>
    %dma_start3A_142 = tpu.memref_slice %arg12[%dma_start3A_132] : memref<5x!tpu.dma_semaphore, #tpu.memory_space<semaphore_mem>> -> memref<1x!tpu.dma_semaphore, #tpu.memory_space<semaphore_mem>>
    %dma_start3A_143 = tpu.memref_squeeze %dma_start3A_142 : memref<1x!tpu.dma_semaphore, #tpu.memory_space<semaphore_mem>> -> memref<!tpu.dma_semaphore, #tpu.memory_space<semaphore_mem>>
    tpu.enqueue_indirect_dma source(%dma_start3A_136 : memref<1000x16xf32, #tpu.memory_space<vmem>>) target(%dma_start3A_141 : memref<10240x16xf32, #tpu.memory_space<vmem_shared>>) offsets(%dma_start3A_138 : memref<1000xi32, #tpu.memory_space<vmem>>) semaphore(%dma_start3A_143 : memref<!tpu.dma_semaphore, #tpu.memory_space<semaphore_mem>>) {add = true}
    %dma_wait3A_144 = arith.constant 0 : i32
    %dma_wait3A_145 = arith.constant 0 : i32
    %dma_wait3A_146 = arith.constant 0 : i32
    %dma_wait3A_147 = arith.constant 0 : i32
    %dma_wait3A_148 = tpu.memref_slice %arg8[%dma_wait3A_144, %dma_wait3A_146, %dma_wait3A_147] : memref<5x1000x16xf32, #tpu.memory_space<vmem>> -> memref<1x1000x16xf32, #tpu.memory_space<vmem>>
    %dma_wait3A_149 = tpu.memref_squeeze %dma_wait3A_148 : memref<1x1000x16xf32, #tpu.memory_space<vmem>> -> memref<1000x16xf32, #tpu.memory_space<vmem>>
    %dma_wait3A_150 = arith.constant 0 : i32
    %dma_wait3A_151 = tpu.memref_slice %arg7[%dma_wait3A_150] : memref<10000xi32, #tpu.memory_space<vmem>> -> memref<1000xi32, #tpu.memory_space<vmem>>
    %dma_wait3A_152 = arith.constant 0 : i32
    %dma_wait3A_153 = arith.constant 0 : i32
    %dma_wait3A_154 = tpu.memref_slice %arg10[%dma_wait3A_152, %dma_wait3A_153] : memref<10240x16xf32, #tpu.memory_space<vmem_shared>> -> memref<10240x16xf32, #tpu.memory_space<vmem_shared>>
    %dma_wait3A_155 = tpu.memref_slice %arg12[%dma_wait3A_145] : memref<5x!tpu.dma_semaphore, #tpu.memory_space<semaphore_mem>> -> memref<1x!tpu.dma_semaphore, #tpu.memory_space<semaphore_mem>>
    %dma_wait3A_156 = tpu.memref_squeeze %dma_wait3A_155 : memref<1x!tpu.dma_semaphore, #tpu.memory_space<semaphore_mem>> -> memref<!tpu.dma_semaphore, #tpu.memory_space<semaphore_mem>>
    tpu.wait_indirect_dma semaphore(%dma_wait3A_156 : memref<!tpu.dma_semaphore, #tpu.memory_space<semaphore_mem>>) src(%dma_wait3A_149 : memref<1000x16xf32, #tpu.memory_space<vmem>>) dst(%dma_wait3A_154 : memref<10240x16xf32, #tpu.memory_space<vmem_shared>>)
    %dma_start3A_157 = arith.constant 0 : i32
    %dma_start3A_158 = arith.constant 0 : i32
    %dma_start3A_159 = arith.constant 0 : i32
    %dma_start3A_160 = arith.constant 0 : i32
    %dma_start3A_161 = tpu.memref_slice %arg8[%dma_start3A_157, %dma_start3A_159, %dma_start3A_160] : memref<5x1000x16xf32, #tpu.memory_space<vmem>> -> memref<1x1000x16xf32, #tpu.memory_space<vmem>>
    %dma_start3A_162 = tpu.memref_squeeze %dma_start3A_161 : memref<1x1000x16xf32, #tpu.memory_space<vmem>> -> memref<1000x16xf32, #tpu.memory_space<vmem>>
    %dma_start3A_163 = arith.constant 5000 : i32
    %dma_start3A_164 = tpu.memref_slice %arg6[%dma_start3A_163] : memref<10000xi32, #tpu.memory_space<vmem>> -> memref<1000xi32, #tpu.memory_space<vmem>>
    %dma_start3A_165 = arith.constant 0 : i32
    %dma_start3A_166 = arith.constant 0 : i32
    %dma_start3A_167 = tpu.memref_slice %arg2[%dma_start3A_165, %dma_start3A_166] : memref<10240x16xf32, #tpu.memory_space<hbm>> -> memref<10240x16xf32, #tpu.memory_space<hbm>>
    %dma_start3A_168 = tpu.memref_slice %arg11[%dma_start3A_158] : memref<5x!tpu.dma_semaphore, #tpu.memory_space<semaphore_mem>> -> memref<1x!tpu.dma_semaphore, #tpu.memory_space<semaphore_mem>>
    %dma_start3A_169 = tpu.memref_squeeze %dma_start3A_168 : memref<1x!tpu.dma_semaphore, #tpu.memory_space<semaphore_mem>> -> memref<!tpu.dma_semaphore, #tpu.memory_space<semaphore_mem>>
    tpu.enqueue_indirect_dma source(%dma_start3A_167 : memref<10240x16xf32, #tpu.memory_space<hbm>>) target(%dma_start3A_162 : memref<1000x16xf32, #tpu.memory_space<vmem>>) offsets(%dma_start3A_164 : memref<1000xi32, #tpu.memory_space<vmem>>) semaphore(%dma_start3A_169 : memref<!tpu.dma_semaphore, #tpu.memory_space<semaphore_mem>>)
    %dma_wait3A_170 = arith.constant 1 : i32
    %dma_wait3A_171 = arith.constant 1 : i32
    %dma_wait3A_172 = arith.constant 0 : i32
    %dma_wait3A_173 = arith.constant 0 : i32
    %dma_wait3A_174 = tpu.memref_slice %arg8[%dma_wait3A_170, %dma_wait3A_172, %dma_wait3A_173] : memref<5x1000x16xf32, #tpu.memory_space<vmem>> -> memref<1x1000x16xf32, #tpu.memory_space<vmem>>
    %dma_wait3A_175 = tpu.memref_squeeze %dma_wait3A_174 : memref<1x1000x16xf32, #tpu.memory_space<vmem>> -> memref<1000x16xf32, #tpu.memory_space<vmem>>
    %dma_wait3A_176 = arith.constant 1000 : i32
    %dma_wait3A_177 = tpu.memref_slice %arg6[%dma_wait3A_176] : memref<10000xi32, #tpu.memory_space<vmem>> -> memref<1000xi32, #tpu.memory_space<vmem>>
    %dma_wait3A_178 = arith.constant 0 : i32
    %dma_wait3A_179 = arith.constant 0 : i32
    %dma_wait3A_180 = tpu.memref_slice %arg2[%dma_wait3A_178, %dma_wait3A_179] : memref<10240x16xf32, #tpu.memory_space<hbm>> -> memref<10240x16xf32, #tpu.memory_space<hbm>>
    %dma_wait3A_181 = tpu.memref_slice %arg11[%dma_wait3A_171] : memref<5x!tpu.dma_semaphore, #tpu.memory_space<semaphore_mem>> -> memref<1x!tpu.dma_semaphore, #tpu.memory_space<semaphore_mem>>
    %dma_wait3A_182 = tpu.memref_squeeze %dma_wait3A_181 : memref<1x!tpu.dma_semaphore, #tpu.memory_space<semaphore_mem>> -> memref<!tpu.dma_semaphore, #tpu.memory_space<semaphore_mem>>
    tpu.wait_indirect_dma semaphore(%dma_wait3A_182 : memref<!tpu.dma_semaphore, #tpu.memory_space<semaphore_mem>>) src(%dma_wait3A_180 : memref<10240x16xf32, #tpu.memory_space<hbm>>) dst(%dma_wait3A_175 : memref<1000x16xf32, #tpu.memory_space<vmem>>)
    %dma_start3A_183 = arith.constant 1 : i32
    %dma_start3A_184 = arith.constant 1 : i32
    %dma_start3A_185 = arith.constant 0 : i32
    %dma_start3A_186 = arith.constant 0 : i32
    %dma_start3A_187 = tpu.memref_slice %arg8[%dma_start3A_183, %dma_start3A_185, %dma_start3A_186] : memref<5x1000x16xf32, #tpu.memory_space<vmem>> -> memref<1x1000x16xf32, #tpu.memory_space<vmem>>
    %dma_start3A_188 = tpu.memref_squeeze %dma_start3A_187 : memref<1x1000x16xf32, #tpu.memory_space<vmem>> -> memref<1000x16xf32, #tpu.memory_space<vmem>>
    %dma_start3A_189 = arith.constant 1000 : i32
    %dma_start3A_190 = tpu.memref_slice %arg7[%dma_start3A_189] : memref<10000xi32, #tpu.memory_space<vmem>> -> memref<1000xi32, #tpu.memory_space<vmem>>
    %dma_start3A_191 = arith.constant 0 : i32
    %dma_start3A_192 = arith.constant 0 : i32
    %dma_start3A_193 = tpu.memref_slice %arg10[%dma_start3A_191, %dma_start3A_192] : memref<10240x16xf32, #tpu.memory_space<vmem_shared>> -> memref<10240x16xf32, #tpu.memory_space<vmem_shared>>
    %dma_start3A_194 = tpu.memref_slice %arg12[%dma_start3A_184] : memref<5x!tpu.dma_semaphore, #tpu.memory_space<semaphore_mem>> -> memref<1x!tpu.dma_semaphore, #tpu.memory_space<semaphore_mem>>
    %dma_start3A_195 = tpu.memref_squeeze %dma_start3A_194 : memref<1x!tpu.dma_semaphore, #tpu.memory_space<semaphore_mem>> -> memref<!tpu.dma_semaphore, #tpu.memory_space<semaphore_mem>>
    tpu.enqueue_indirect_dma source(%dma_start3A_188 : memref<1000x16xf32, #tpu.memory_space<vmem>>) target(%dma_start3A_193 : memref<10240x16xf32, #tpu.memory_space<vmem_shared>>) offsets(%dma_start3A_190 : memref<1000xi32, #tpu.memory_space<vmem>>) semaphore(%dma_start3A_195 : memref<!tpu.dma_semaphore, #tpu.memory_space<semaphore_mem>>) {add = true}
    %dma_wait3A_196 = arith.constant 1 : i32
    %dma_wait3A_197 = arith.constant 1 : i32
    %dma_wait3A_198 = arith.constant 0 : i32
    %dma_wait3A_199 = arith.constant 0 : i32
    %dma_wait3A_200 = tpu.memref_slice %arg8[%dma_wait3A_196, %dma_wait3A_198, %dma_wait3A_199] : memref<5x1000x16xf32, #tpu.memory_space<vmem>> -> memref<1x1000x16xf32, #tpu.memory_space<vmem>>
    %dma_wait3A_201 = tpu.memref_squeeze %dma_wait3A_200 : memref<1x1000x16xf32, #tpu.memory_space<vmem>> -> memref<1000x16xf32, #tpu.memory_space<vmem>>
    %dma_wait3A_202 = arith.constant 1000 : i32
    %dma_wait3A_203 = tpu.memref_slice %arg7[%dma_wait3A_202] : memref<10000xi32, #tpu.memory_space<vmem>> -> memref<1000xi32, #tpu.memory_space<vmem>>
    %dma_wait3A_204 = arith.constant 0 : i32
    %dma_wait3A_205 = arith.constant 0 : i32
    %dma_wait3A_206 = tpu.memref_slice %arg10[%dma_wait3A_204, %dma_wait3A_205] : memref<10240x16xf32, #tpu.memory_space<vmem_shared>> -> memref<10240x16xf32, #tpu.memory_space<vmem_shared>>
    %dma_wait3A_207 = tpu.memref_slice %arg12[%dma_wait3A_197] : memref<5x!tpu.dma_semaphore, #tpu.memory_space<semaphore_mem>> -> memref<1x!tpu.dma_semaphore, #tpu.memory_space<semaphore_mem>>
    %dma_wait3A_208 = tpu.memref_squeeze %dma_wait3A_207 : memref<1x!tpu.dma_semaphore, #tpu.memory_space<semaphore_mem>> -> memref<!tpu.dma_semaphore, #tpu.memory_space<semaphore_mem>>
    tpu.wait_indirect_dma semaphore(%dma_wait3A_208 : memref<!tpu.dma_semaphore, #tpu.memory_space<semaphore_mem>>) src(%dma_wait3A_201 : memref<1000x16xf32, #tpu.memory_space<vmem>>) dst(%dma_wait3A_206 : memref<10240x16xf32, #tpu.memory_space<vmem_shared>>)
    %dma_start3A_209 = arith.constant 1 : i32
    %dma_start3A_210 = arith.constant 1 : i32
    %dma_start3A_211 = arith.constant 0 : i32
    %dma_start3A_212 = arith.constant 0 : i32
    %dma_start3A_213 = tpu.memref_slice %arg8[%dma_start3A_209, %dma_start3A_211, %dma_start3A_212] : memref<5x1000x16xf32, #tpu.memory_space<vmem>> -> memref<1x1000x16xf32, #tpu.memory_space<vmem>>
    %dma_start3A_214 = tpu.memref_squeeze %dma_start3A_213 : memref<1x1000x16xf32, #tpu.memory_space<vmem>> -> memref<1000x16xf32, #tpu.memory_space<vmem>>
    %dma_start3A_215 = arith.constant 6000 : i32
    %dma_start3A_216 = tpu.memref_slice %arg6[%dma_start3A_215] : memref<10000xi32, #tpu.memory_space<vmem>> -> memref<1000xi32, #tpu.memory_space<vmem>>
    %dma_start3A_217 = arith.constant 0 : i32
    %dma_start3A_218 = arith.constant 0 : i32
    %dma_start3A_219 = tpu.memref_slice %arg2[%dma_start3A_217, %dma_start3A_218] : memref<10240x16xf32, #tpu.memory_space<hbm>> -> memref<10240x16xf32, #tpu.memory_space<hbm>>
    %dma_start3A_220 = tpu.memref_slice %arg11[%dma_start3A_210] : memref<5x!tpu.dma_semaphore, #tpu.memory_space<semaphore_mem>> -> memref<1x!tpu.dma_semaphore, #tpu.memory_space<semaphore_mem>>
    %dma_start3A_221 = tpu.memref_squeeze %dma_start3A_220 : memref<1x!tpu.dma_semaphore, #tpu.memory_space<semaphore_mem>> -> memref<!tpu.dma_semaphore, #tpu.memory_space<semaphore_mem>>
    tpu.enqueue_indirect_dma source(%dma_start3A_219 : memref<10240x16xf32, #tpu.memory_space<hbm>>) target(%dma_start3A_214 : memref<1000x16xf32, #tpu.memory_space<vmem>>) offsets(%dma_start3A_216 : memref<1000xi32, #tpu.memory_space<vmem>>) semaphore(%dma_start3A_221 : memref<!tpu.dma_semaphore, #tpu.memory_space<semaphore_mem>>)
    %dma_wait3A_222 = arith.constant 2 : i32
    %dma_wait3A_223 = arith.constant 2 : i32
    %dma_wait3A_224 = arith.constant 0 : i32
    %dma_wait3A_225 = arith.constant 0 : i32
    %dma_wait3A_226 = tpu.memref_slice %arg8[%dma_wait3A_222, %dma_wait3A_224, %dma_wait3A_225] : memref<5x1000x16xf32, #tpu.memory_space<vmem>> -> memref<1x1000x16xf32, #tpu.memory_space<vmem>>
    %dma_wait3A_227 = tpu.memref_squeeze %dma_wait3A_226 : memref<1x1000x16xf32, #tpu.memory_space<vmem>> -> memref<1000x16xf32, #tpu.memory_space<vmem>>
    %dma_wait3A_228 = arith.constant 2000 : i32
    %dma_wait3A_229 = tpu.memref_slice %arg6[%dma_wait3A_228] : memref<10000xi32, #tpu.memory_space<vmem>> -> memref<1000xi32, #tpu.memory_space<vmem>>
    %dma_wait3A_230 = arith.constant 0 : i32
    %dma_wait3A_231 = arith.constant 0 : i32
    %dma_wait3A_232 = tpu.memref_slice %arg2[%dma_wait3A_230, %dma_wait3A_231] : memref<10240x16xf32, #tpu.memory_space<hbm>> -> memref<10240x16xf32, #tpu.memory_space<hbm>>
    %dma_wait3A_233 = tpu.memref_slice %arg11[%dma_wait3A_223] : memref<5x!tpu.dma_semaphore, #tpu.memory_space<semaphore_mem>> -> memref<1x!tpu.dma_semaphore, #tpu.memory_space<semaphore_mem>>
    %dma_wait3A_234 = tpu.memref_squeeze %dma_wait3A_233 : memref<1x!tpu.dma_semaphore, #tpu.memory_space<semaphore_mem>> -> memref<!tpu.dma_semaphore, #tpu.memory_space<semaphore_mem>>
    tpu.wait_indirect_dma semaphore(%dma_wait3A_234 : memref<!tpu.dma_semaphore, #tpu.memory_space<semaphore_mem>>) src(%dma_wait3A_232 : memref<10240x16xf32, #tpu.memory_space<hbm>>) dst(%dma_wait3A_227 : memref<1000x16xf32, #tpu.memory_space<vmem>>)
    %dma_start3A_235 = arith.constant 2 : i32
    %dma_start3A_236 = arith.constant 2 : i32
    %dma_start3A_237 = arith.constant 0 : i32
    %dma_start3A_238 = arith.constant 0 : i32
    %dma_start3A_239 = tpu.memref_slice %arg8[%dma_start3A_235, %dma_start3A_237, %dma_start3A_238] : memref<5x1000x16xf32, #tpu.memory_space<vmem>> -> memref<1x1000x16xf32, #tpu.memory_space<vmem>>
    %dma_start3A_240 = tpu.memref_squeeze %dma_start3A_239 : memref<1x1000x16xf32, #tpu.memory_space<vmem>> -> memref<1000x16xf32, #tpu.memory_space<vmem>>
    %dma_start3A_241 = arith.constant 2000 : i32
    %dma_start3A_242 = tpu.memref_slice %arg7[%dma_start3A_241] : memref<10000xi32, #tpu.memory_space<vmem>> -> memref<1000xi32, #tpu.memory_space<vmem>>
    %dma_start3A_243 = arith.constant 0 : i32
    %dma_start3A_244 = arith.constant 0 : i32
    %dma_start3A_245 = tpu.memref_slice %arg10[%dma_start3A_243, %dma_start3A_244] : memref<10240x16xf32, #tpu.memory_space<vmem_shared>> -> memref<10240x16xf32, #tpu.memory_space<vmem_shared>>
    %dma_start3A_246 = tpu.memref_slice %arg12[%dma_start3A_236] : memref<5x!tpu.dma_semaphore, #tpu.memory_space<semaphore_mem>> -> memref<1x!tpu.dma_semaphore, #tpu.memory_space<semaphore_mem>>
    %dma_start3A_247 = tpu.memref_squeeze %dma_start3A_246 : memref<1x!tpu.dma_semaphore, #tpu.memory_space<semaphore_mem>> -> memref<!tpu.dma_semaphore, #tpu.memory_space<semaphore_mem>>
    tpu.enqueue_indirect_dma source(%dma_start3A_240 : memref<1000x16xf32, #tpu.memory_space<vmem>>) target(%dma_start3A_245 : memref<10240x16xf32, #tpu.memory_space<vmem_shared>>) offsets(%dma_start3A_242 : memref<1000xi32, #tpu.memory_space<vmem>>) semaphore(%dma_start3A_247 : memref<!tpu.dma_semaphore, #tpu.memory_space<semaphore_mem>>) {add = true}
    %dma_wait3A_248 = arith.constant 2 : i32
    %dma_wait3A_249 = arith.constant 2 : i32
    %dma_wait3A_250 = arith.constant 0 : i32
    %dma_wait3A_251 = arith.constant 0 : i32
    %dma_wait3A_252 = tpu.memref_slice %arg8[%dma_wait3A_248, %dma_wait3A_250, %dma_wait3A_251] : memref<5x1000x16xf32, #tpu.memory_space<vmem>> -> memref<1x1000x16xf32, #tpu.memory_space<vmem>>
    %dma_wait3A_253 = tpu.memref_squeeze %dma_wait3A_252 : memref<1x1000x16xf32, #tpu.memory_space<vmem>> -> memref<1000x16xf32, #tpu.memory_space<vmem>>
    %dma_wait3A_254 = arith.constant 2000 : i32
    %dma_wait3A_255 = tpu.memref_slice %arg7[%dma_wait3A_254] : memref<10000xi32, #tpu.memory_space<vmem>> -> memref<1000xi32, #tpu.memory_space<vmem>>
    %dma_wait3A_256 = arith.constant 0 : i32
    %dma_wait3A_257 = arith.constant 0 : i32
    %dma_wait3A_258 = tpu.memref_slice %arg10[%dma_wait3A_256, %dma_wait3A_257] : memref<10240x16xf32, #tpu.memory_space<vmem_shared>> -> memref<10240x16xf32, #tpu.memory_space<vmem_shared>>
    %dma_wait3A_259 = tpu.memref_slice %arg12[%dma_wait3A_249] : memref<5x!tpu.dma_semaphore, #tpu.memory_space<semaphore_mem>> -> memref<1x!tpu.dma_semaphore, #tpu.memory_space<semaphore_mem>>
    %dma_wait3A_260 = tpu.memref_squeeze %dma_wait3A_259 : memref<1x!tpu.dma_semaphore, #tpu.memory_space<semaphore_mem>> -> memref<!tpu.dma_semaphore, #tpu.memory_space<semaphore_mem>>
    tpu.wait_indirect_dma semaphore(%dma_wait3A_260 : memref<!tpu.dma_semaphore, #tpu.memory_space<semaphore_mem>>) src(%dma_wait3A_253 : memref<1000x16xf32, #tpu.memory_space<vmem>>) dst(%dma_wait3A_258 : memref<10240x16xf32, #tpu.memory_space<vmem_shared>>)
    %dma_start3A_261 = arith.constant 2 : i32
    %dma_start3A_262 = arith.constant 2 : i32
    %dma_start3A_263 = arith.constant 0 : i32
    %dma_start3A_264 = arith.constant 0 : i32
    %dma_start3A_265 = tpu.memref_slice %arg8[%dma_start3A_261, %dma_start3A_263, %dma_start3A_264] : memref<5x1000x16xf32, #tpu.memory_space<vmem>> -> memref<1x1000x16xf32, #tpu.memory_space<vmem>>
    %dma_start3A_266 = tpu.memref_squeeze %dma_start3A_265 : memref<1x1000x16xf32, #tpu.memory_space<vmem>> -> memref<1000x16xf32, #tpu.memory_space<vmem>>
    %dma_start3A_267 = arith.constant 7000 : i32
    %dma_start3A_268 = tpu.memref_slice %arg6[%dma_start3A_267] : memref<10000xi32, #tpu.memory_space<vmem>> -> memref<1000xi32, #tpu.memory_space<vmem>>
    %dma_start3A_269 = arith.constant 0 : i32
    %dma_start3A_270 = arith.constant 0 : i32
    %dma_start3A_271 = tpu.memref_slice %arg2[%dma_start3A_269, %dma_start3A_270] : memref<10240x16xf32, #tpu.memory_space<hbm>> -> memref<10240x16xf32, #tpu.memory_space<hbm>>
    %dma_start3A_272 = tpu.memref_slice %arg11[%dma_start3A_262] : memref<5x!tpu.dma_semaphore, #tpu.memory_space<semaphore_mem>> -> memref<1x!tpu.dma_semaphore, #tpu.memory_space<semaphore_mem>>
    %dma_start3A_273 = tpu.memref_squeeze %dma_start3A_272 : memref<1x!tpu.dma_semaphore, #tpu.memory_space<semaphore_mem>> -> memref<!tpu.dma_semaphore, #tpu.memory_space<semaphore_mem>>
    tpu.enqueue_indirect_dma source(%dma_start3A_271 : memref<10240x16xf32, #tpu.memory_space<hbm>>) target(%dma_start3A_266 : memref<1000x16xf32, #tpu.memory_space<vmem>>) offsets(%dma_start3A_268 : memref<1000xi32, #tpu.memory_space<vmem>>) semaphore(%dma_start3A_273 : memref<!tpu.dma_semaphore, #tpu.memory_space<semaphore_mem>>)
    %dma_wait3A_274 = arith.constant 3 : i32
    %dma_wait3A_275 = arith.constant 3 : i32
    %dma_wait3A_276 = arith.constant 0 : i32
    %dma_wait3A_277 = arith.constant 0 : i32
    %dma_wait3A_278 = tpu.memref_slice %arg8[%dma_wait3A_274, %dma_wait3A_276, %dma_wait3A_277] : memref<5x1000x16xf32, #tpu.memory_space<vmem>> -> memref<1x1000x16xf32, #tpu.memory_space<vmem>>
    %dma_wait3A_279 = tpu.memref_squeeze %dma_wait3A_278 : memref<1x1000x16xf32, #tpu.memory_space<vmem>> -> memref<1000x16xf32, #tpu.memory_space<vmem>>
    %dma_wait3A_280 = arith.constant 3000 : i32
    %dma_wait3A_281 = tpu.memref_slice %arg6[%dma_wait3A_280] : memref<10000xi32, #tpu.memory_space<vmem>> -> memref<1000xi32, #tpu.memory_space<vmem>>
    %dma_wait3A_282 = arith.constant 0 : i32
    %dma_wait3A_283 = arith.constant 0 : i32
    %dma_wait3A_284 = tpu.memref_slice %arg2[%dma_wait3A_282, %dma_wait3A_283] : memref<10240x16xf32, #tpu.memory_space<hbm>> -> memref<10240x16xf32, #tpu.memory_space<hbm>>
    %dma_wait3A_285 = tpu.memref_slice %arg11[%dma_wait3A_275] : memref<5x!tpu.dma_semaphore, #tpu.memory_space<semaphore_mem>> -> memref<1x!tpu.dma_semaphore, #tpu.memory_space<semaphore_mem>>
    %dma_wait3A_286 = tpu.memref_squeeze %dma_wait3A_285 : memref<1x!tpu.dma_semaphore, #tpu.memory_space<semaphore_mem>> -> memref<!tpu.dma_semaphore, #tpu.memory_space<semaphore_mem>>
    tpu.wait_indirect_dma semaphore(%dma_wait3A_286 : memref<!tpu.dma_semaphore, #tpu.memory_space<semaphore_mem>>) src(%dma_wait3A_284 : memref<10240x16xf32, #tpu.memory_space<hbm>>) dst(%dma_wait3A_279 : memref<1000x16xf32, #tpu.memory_space<vmem>>)
    %dma_start3A_287 = arith.constant 3 : i32
    %dma_start3A_288 = arith.constant 3 : i32
    %dma_start3A_289 = arith.constant 0 : i32
    %dma_start3A_290 = arith.constant 0 : i32
    %dma_start3A_291 = tpu.memref_slice %arg8[%dma_start3A_287, %dma_start3A_289, %dma_start3A_290] : memref<5x1000x16xf32, #tpu.memory_space<vmem>> -> memref<1x1000x16xf32, #tpu.memory_space<vmem>>
    %dma_start3A_292 = tpu.memref_squeeze %dma_start3A_291 : memref<1x1000x16xf32, #tpu.memory_space<vmem>> -> memref<1000x16xf32, #tpu.memory_space<vmem>>
    %dma_start3A_293 = arith.constant 3000 : i32
    %dma_start3A_294 = tpu.memref_slice %arg7[%dma_start3A_293] : memref<10000xi32, #tpu.memory_space<vmem>> -> memref<1000xi32, #tpu.memory_space<vmem>>
    %dma_start3A_295 = arith.constant 0 : i32
    %dma_start3A_296 = arith.constant 0 : i32
    %dma_start3A_297 = tpu.memref_slice %arg10[%dma_start3A_295, %dma_start3A_296] : memref<10240x16xf32, #tpu.memory_space<vmem_shared>> -> memref<10240x16xf32, #tpu.memory_space<vmem_shared>>
    %dma_start3A_298 = tpu.memref_slice %arg12[%dma_start3A_288] : memref<5x!tpu.dma_semaphore, #tpu.memory_space<semaphore_mem>> -> memref<1x!tpu.dma_semaphore, #tpu.memory_space<semaphore_mem>>
    %dma_start3A_299 = tpu.memref_squeeze %dma_start3A_298 : memref<1x!tpu.dma_semaphore, #tpu.memory_space<semaphore_mem>> -> memref<!tpu.dma_semaphore, #tpu.memory_space<semaphore_mem>>
    tpu.enqueue_indirect_dma source(%dma_start3A_292 : memref<1000x16xf32, #tpu.memory_space<vmem>>) target(%dma_start3A_297 : memref<10240x16xf32, #tpu.memory_space<vmem_shared>>) offsets(%dma_start3A_294 : memref<1000xi32, #tpu.memory_space<vmem>>) semaphore(%dma_start3A_299 : memref<!tpu.dma_semaphore, #tpu.memory_space<semaphore_mem>>) {add = true}
    %dma_wait3A_300 = arith.constant 3 : i32
    %dma_wait3A_301 = arith.constant 3 : i32
    %dma_wait3A_302 = arith.constant 0 : i32
    %dma_wait3A_303 = arith.constant 0 : i32
    %dma_wait3A_304 = tpu.memref_slice %arg8[%dma_wait3A_300, %dma_wait3A_302, %dma_wait3A_303] : memref<5x1000x16xf32, #tpu.memory_space<vmem>> -> memref<1x1000x16xf32, #tpu.memory_space<vmem>>
    %dma_wait3A_305 = tpu.memref_squeeze %dma_wait3A_304 : memref<1x1000x16xf32, #tpu.memory_space<vmem>> -> memref<1000x16xf32, #tpu.memory_space<vmem>>
    %dma_wait3A_306 = arith.constant 3000 : i32
    %dma_wait3A_307 = tpu.memref_slice %arg7[%dma_wait3A_306] : memref<10000xi32, #tpu.memory_space<vmem>> -> memref<1000xi32, #tpu.memory_space<vmem>>
    %dma_wait3A_308 = arith.constant 0 : i32
    %dma_wait3A_309 = arith.constant 0 : i32
    %dma_wait3A_310 = tpu.memref_slice %arg10[%dma_wait3A_308, %dma_wait3A_309] : memref<10240x16xf32, #tpu.memory_space<vmem_shared>> -> memref<10240x16xf32, #tpu.memory_space<vmem_shared>>
    %dma_wait3A_311 = tpu.memref_slice %arg12[%dma_wait3A_301] : memref<5x!tpu.dma_semaphore, #tpu.memory_space<semaphore_mem>> -> memref<1x!tpu.dma_semaphore, #tpu.memory_space<semaphore_mem>>
    %dma_wait3A_312 = tpu.memref_squeeze %dma_wait3A_311 : memref<1x!tpu.dma_semaphore, #tpu.memory_space<semaphore_mem>> -> memref<!tpu.dma_semaphore, #tpu.memory_space<semaphore_mem>>
    tpu.wait_indirect_dma semaphore(%dma_wait3A_312 : memref<!tpu.dma_semaphore, #tpu.memory_space<semaphore_mem>>) src(%dma_wait3A_305 : memref<1000x16xf32, #tpu.memory_space<vmem>>) dst(%dma_wait3A_310 : memref<10240x16xf32, #tpu.memory_space<vmem_shared>>)
    %dma_start3A_313 = arith.constant 3 : i32
    %dma_start3A_314 = arith.constant 3 : i32
    %dma_start3A_315 = arith.constant 0 : i32
    %dma_start3A_316 = arith.constant 0 : i32
    %dma_start3A_317 = tpu.memref_slice %arg8[%dma_start3A_313, %dma_start3A_315, %dma_start3A_316] : memref<5x1000x16xf32, #tpu.memory_space<vmem>> -> memref<1x1000x16xf32, #tpu.memory_space<vmem>>
    %dma_start3A_318 = tpu.memref_squeeze %dma_start3A_317 : memref<1x1000x16xf32, #tpu.memory_space<vmem>> -> memref<1000x16xf32, #tpu.memory_space<vmem>>
    %dma_start3A_319 = arith.constant 8000 : i32
    %dma_start3A_320 = tpu.memref_slice %arg6[%dma_start3A_319] : memref<10000xi32, #tpu.memory_space<vmem>> -> memref<1000xi32, #tpu.memory_space<vmem>>
    %dma_start3A_321 = arith.constant 0 : i32
    %dma_start3A_322 = arith.constant 0 : i32
    %dma_start3A_323 = tpu.memref_slice %arg2[%dma_start3A_321, %dma_start3A_322] : memref<10240x16xf32, #tpu.memory_space<hbm>> -> memref<10240x16xf32, #tpu.memory_space<hbm>>
    %dma_start3A_324 = tpu.memref_slice %arg11[%dma_start3A_314] : memref<5x!tpu.dma_semaphore, #tpu.memory_space<semaphore_mem>> -> memref<1x!tpu.dma_semaphore, #tpu.memory_space<semaphore_mem>>
    %dma_start3A_325 = tpu.memref_squeeze %dma_start3A_324 : memref<1x!tpu.dma_semaphore, #tpu.memory_space<semaphore_mem>> -> memref<!tpu.dma_semaphore, #tpu.memory_space<semaphore_mem>>
    tpu.enqueue_indirect_dma source(%dma_start3A_323 : memref<10240x16xf32, #tpu.memory_space<hbm>>) target(%dma_start3A_318 : memref<1000x16xf32, #tpu.memory_space<vmem>>) offsets(%dma_start3A_320 : memref<1000xi32, #tpu.memory_space<vmem>>) semaphore(%dma_start3A_325 : memref<!tpu.dma_semaphore, #tpu.memory_space<semaphore_mem>>)
    %dma_wait3A_326 = arith.constant 4 : i32
    %dma_wait3A_327 = arith.constant 4 : i32
    %dma_wait3A_328 = arith.constant 0 : i32
    %dma_wait3A_329 = arith.constant 0 : i32
    %dma_wait3A_330 = tpu.memref_slice %arg8[%dma_wait3A_326, %dma_wait3A_328, %dma_wait3A_329] : memref<5x1000x16xf32, #tpu.memory_space<vmem>> -> memref<1x1000x16xf32, #tpu.memory_space<vmem>>
    %dma_wait3A_331 = tpu.memref_squeeze %dma_wait3A_330 : memref<1x1000x16xf32, #tpu.memory_space<vmem>> -> memref<1000x16xf32, #tpu.memory_space<vmem>>
    %dma_wait3A_332 = arith.constant 4000 : i32
    %dma_wait3A_333 = tpu.memref_slice %arg6[%dma_wait3A_332] : memref<10000xi32, #tpu.memory_space<vmem>> -> memref<1000xi32, #tpu.memory_space<vmem>>
    %dma_wait3A_334 = arith.constant 0 : i32
    %dma_wait3A_335 = arith.constant 0 : i32
    %dma_wait3A_336 = tpu.memref_slice %arg2[%dma_wait3A_334, %dma_wait3A_335] : memref<10240x16xf32, #tpu.memory_space<hbm>> -> memref<10240x16xf32, #tpu.memory_space<hbm>>
    %dma_wait3A_337 = tpu.memref_slice %arg11[%dma_wait3A_327] : memref<5x!tpu.dma_semaphore, #tpu.memory_space<semaphore_mem>> -> memref<1x!tpu.dma_semaphore, #tpu.memory_space<semaphore_mem>>
    %dma_wait3A_338 = tpu.memref_squeeze %dma_wait3A_337 : memref<1x!tpu.dma_semaphore, #tpu.memory_space<semaphore_mem>> -> memref<!tpu.dma_semaphore, #tpu.memory_space<semaphore_mem>>
    tpu.wait_indirect_dma semaphore(%dma_wait3A_338 : memref<!tpu.dma_semaphore, #tpu.memory_space<semaphore_mem>>) src(%dma_wait3A_336 : memref<10240x16xf32, #tpu.memory_space<hbm>>) dst(%dma_wait3A_331 : memref<1000x16xf32, #tpu.memory_space<vmem>>)
    %dma_start3A_339 = arith.constant 4 : i32
    %dma_start3A_340 = arith.constant 4 : i32
    %dma_start3A_341 = arith.constant 0 : i32
    %dma_start3A_342 = arith.constant 0 : i32
    %dma_start3A_343 = tpu.memref_slice %arg8[%dma_start3A_339, %dma_start3A_341, %dma_start3A_342] : memref<5x1000x16xf32, #tpu.memory_space<vmem>> -> memref<1x1000x16xf32, #tpu.memory_space<vmem>>
    %dma_start3A_344 = tpu.memref_squeeze %dma_start3A_343 : memref<1x1000x16xf32, #tpu.memory_space<vmem>> -> memref<1000x16xf32, #tpu.memory_space<vmem>>
    %dma_start3A_345 = arith.constant 4000 : i32
    %dma_start3A_346 = tpu.memref_slice %arg7[%dma_start3A_345] : memref<10000xi32, #tpu.memory_space<vmem>> -> memref<1000xi32, #tpu.memory_space<vmem>>
    %dma_start3A_347 = arith.constant 0 : i32
    %dma_start3A_348 = arith.constant 0 : i32
    %dma_start3A_349 = tpu.memref_slice %arg10[%dma_start3A_347, %dma_start3A_348] : memref<10240x16xf32, #tpu.memory_space<vmem_shared>> -> memref<10240x16xf32, #tpu.memory_space<vmem_shared>>
    %dma_start3A_350 = tpu.memref_slice %arg12[%dma_start3A_340] : memref<5x!tpu.dma_semaphore, #tpu.memory_space<semaphore_mem>> -> memref<1x!tpu.dma_semaphore, #tpu.memory_space<semaphore_mem>>
    %dma_start3A_351 = tpu.memref_squeeze %dma_start3A_350 : memref<1x!tpu.dma_semaphore, #tpu.memory_space<semaphore_mem>> -> memref<!tpu.dma_semaphore, #tpu.memory_space<semaphore_mem>>
    tpu.enqueue_indirect_dma source(%dma_start3A_344 : memref<1000x16xf32, #tpu.memory_space<vmem>>) target(%dma_start3A_349 : memref<10240x16xf32, #tpu.memory_space<vmem_shared>>) offsets(%dma_start3A_346 : memref<1000xi32, #tpu.memory_space<vmem>>) semaphore(%dma_start3A_351 : memref<!tpu.dma_semaphore, #tpu.memory_space<semaphore_mem>>) {add = true}
    %dma_wait3A_352 = arith.constant 4 : i32
    %dma_wait3A_353 = arith.constant 4 : i32
    %dma_wait3A_354 = arith.constant 0 : i32
    %dma_wait3A_355 = arith.constant 0 : i32
    %dma_wait3A_356 = tpu.memref_slice %arg8[%dma_wait3A_352, %dma_wait3A_354, %dma_wait3A_355] : memref<5x1000x16xf32, #tpu.memory_space<vmem>> -> memref<1x1000x16xf32, #tpu.memory_space<vmem>>
    %dma_wait3A_357 = tpu.memref_squeeze %dma_wait3A_356 : memref<1x1000x16xf32, #tpu.memory_space<vmem>> -> memref<1000x16xf32, #tpu.memory_space<vmem>>
    %dma_wait3A_358 = arith.constant 4000 : i32
    %dma_wait3A_359 = tpu.memref_slice %arg7[%dma_wait3A_358] : memref<10000xi32, #tpu.memory_space<vmem>> -> memref<1000xi32, #tpu.memory_space<vmem>>
    %dma_wait3A_360 = arith.constant 0 : i32
    %dma_wait3A_361 = arith.constant 0 : i32
    %dma_wait3A_362 = tpu.memref_slice %arg10[%dma_wait3A_360, %dma_wait3A_361] : memref<10240x16xf32, #tpu.memory_space<vmem_shared>> -> memref<10240x16xf32, #tpu.memory_space<vmem_shared>>
    %dma_wait3A_363 = tpu.memref_slice %arg12[%dma_wait3A_353] : memref<5x!tpu.dma_semaphore, #tpu.memory_space<semaphore_mem>> -> memref<1x!tpu.dma_semaphore, #tpu.memory_space<semaphore_mem>>
    %dma_wait3A_364 = tpu.memref_squeeze %dma_wait3A_363 : memref<1x!tpu.dma_semaphore, #tpu.memory_space<semaphore_mem>> -> memref<!tpu.dma_semaphore, #tpu.memory_space<semaphore_mem>>
    tpu.wait_indirect_dma semaphore(%dma_wait3A_364 : memref<!tpu.dma_semaphore, #tpu.memory_space<semaphore_mem>>) src(%dma_wait3A_357 : memref<1000x16xf32, #tpu.memory_space<vmem>>) dst(%dma_wait3A_362 : memref<10240x16xf32, #tpu.memory_space<vmem_shared>>)
    %dma_start3A_365 = arith.constant 4 : i32
    %dma_start3A_366 = arith.constant 4 : i32
    %dma_start3A_367 = arith.constant 0 : i32
    %dma_start3A_368 = arith.constant 0 : i32
    %dma_start3A_369 = tpu.memref_slice %arg8[%dma_start3A_365, %dma_start3A_367, %dma_start3A_368] : memref<5x1000x16xf32, #tpu.memory_space<vmem>> -> memref<1x1000x16xf32, #tpu.memory_space<vmem>>
    %dma_start3A_370 = tpu.memref_squeeze %dma_start3A_369 : memref<1x1000x16xf32, #tpu.memory_space<vmem>> -> memref<1000x16xf32, #tpu.memory_space<vmem>>
    %dma_start3A_371 = arith.constant 9000 : i32
    %dma_start3A_372 = tpu.memref_slice %arg6[%dma_start3A_371] : memref<10000xi32, #tpu.memory_space<vmem>> -> memref<1000xi32, #tpu.memory_space<vmem>>
    %dma_start3A_373 = arith.constant 0 : i32
    %dma_start3A_374 = arith.constant 0 : i32
    %dma_start3A_375 = tpu.memref_slice %arg2[%dma_start3A_373, %dma_start3A_374] : memref<10240x16xf32, #tpu.memory_space<hbm>> -> memref<10240x16xf32, #tpu.memory_space<hbm>>
    %dma_start3A_376 = tpu.memref_slice %arg11[%dma_start3A_366] : memref<5x!tpu.dma_semaphore, #tpu.memory_space<semaphore_mem>> -> memref<1x!tpu.dma_semaphore, #tpu.memory_space<semaphore_mem>>
    %dma_start3A_377 = tpu.memref_squeeze %dma_start3A_376 : memref<1x!tpu.dma_semaphore, #tpu.memory_space<semaphore_mem>> -> memref<!tpu.dma_semaphore, #tpu.memory_space<semaphore_mem>>
    tpu.enqueue_indirect_dma source(%dma_start3A_375 : memref<10240x16xf32, #tpu.memory_space<hbm>>) target(%dma_start3A_370 : memref<1000x16xf32, #tpu.memory_space<vmem>>) offsets(%dma_start3A_372 : memref<1000xi32, #tpu.memory_space<vmem>>) semaphore(%dma_start3A_377 : memref<!tpu.dma_semaphore, #tpu.memory_space<semaphore_mem>>)
    %dma_wait3A_378 = arith.constant 0 : i32
    %dma_wait3A_379 = arith.constant 0 : i32
    %dma_wait3A_380 = arith.constant 0 : i32
    %dma_wait3A_381 = arith.constant 0 : i32
    %dma_wait3A_382 = tpu.memref_slice %arg8[%dma_wait3A_378, %dma_wait3A_380, %dma_wait3A_381] : memref<5x1000x16xf32, #tpu.memory_space<vmem>> -> memref<1x1000x16xf32, #tpu.memory_space<vmem>>
    %dma_wait3A_383 = tpu.memref_squeeze %dma_wait3A_382 : memref<1x1000x16xf32, #tpu.memory_space<vmem>> -> memref<1000x16xf32, #tpu.memory_space<vmem>>
    %dma_wait3A_384 = arith.constant 5000 : i32
    %dma_wait3A_385 = tpu.memref_slice %arg6[%dma_wait3A_384] : memref<10000xi32, #tpu.memory_space<vmem>> -> memref<1000xi32, #tpu.memory_space<vmem>>
    %dma_wait3A_386 = arith.constant 0 : i32
    %dma_wait3A_387 = arith.constant 0 : i32
    %dma_wait3A_388 = tpu.memref_slice %arg2[%dma_wait3A_386, %dma_wait3A_387] : memref<10240x16xf32, #tpu.memory_space<hbm>> -> memref<10240x16xf32, #tpu.memory_space<hbm>>
    %dma_wait3A_389 = tpu.memref_slice %arg11[%dma_wait3A_379] : memref<5x!tpu.dma_semaphore, #tpu.memory_space<semaphore_mem>> -> memref<1x!tpu.dma_semaphore, #tpu.memory_space<semaphore_mem>>
    %dma_wait3A_390 = tpu.memref_squeeze %dma_wait3A_389 : memref<1x!tpu.dma_semaphore, #tpu.memory_space<semaphore_mem>> -> memref<!tpu.dma_semaphore, #tpu.memory_space<semaphore_mem>>
    tpu.wait_indirect_dma semaphore(%dma_wait3A_390 : memref<!tpu.dma_semaphore, #tpu.memory_space<semaphore_mem>>) src(%dma_wait3A_388 : memref<10240x16xf32, #tpu.memory_space<hbm>>) dst(%dma_wait3A_383 : memref<1000x16xf32, #tpu.memory_space<vmem>>)
    %dma_start3A_391 = arith.constant 0 : i32
    %dma_start3A_392 = arith.constant 0 : i32
    %dma_start3A_393 = arith.constant 0 : i32
    %dma_start3A_394 = arith.constant 0 : i32
    %dma_start3A_395 = tpu.memref_slice %arg8[%dma_start3A_391, %dma_start3A_393, %dma_start3A_394] : memref<5x1000x16xf32, #tpu.memory_space<vmem>> -> memref<1x1000x16xf32, #tpu.memory_space<vmem>>
    %dma_start3A_396 = tpu.memref_squeeze %dma_start3A_395 : memref<1x1000x16xf32, #tpu.memory_space<vmem>> -> memref<1000x16xf32, #tpu.memory_space<vmem>>
    %dma_start3A_397 = arith.constant 5000 : i32
    %dma_start3A_398 = tpu.memref_slice %arg7[%dma_start3A_397] : memref<10000xi32, #tpu.memory_space<vmem>> -> memref<1000xi32, #tpu.memory_space<vmem>>
    %dma_start3A_399 = arith.constant 0 : i32
    %dma_start3A_400 = arith.constant 0 : i32
    %dma_start3A_401 = tpu.memref_slice %arg10[%dma_start3A_399, %dma_start3A_400] : memref<10240x16xf32, #tpu.memory_space<vmem_shared>> -> memref<10240x16xf32, #tpu.memory_space<vmem_shared>>
    %dma_start3A_402 = tpu.memref_slice %arg12[%dma_start3A_392] : memref<5x!tpu.dma_semaphore, #tpu.memory_space<semaphore_mem>> -> memref<1x!tpu.dma_semaphore, #tpu.memory_space<semaphore_mem>>
    %dma_start3A_403 = tpu.memref_squeeze %dma_start3A_402 : memref<1x!tpu.dma_semaphore, #tpu.memory_space<semaphore_mem>> -> memref<!tpu.dma_semaphore, #tpu.memory_space<semaphore_mem>>
    tpu.enqueue_indirect_dma source(%dma_start3A_396 : memref<1000x16xf32, #tpu.memory_space<vmem>>) target(%dma_start3A_401 : memref<10240x16xf32, #tpu.memory_space<vmem_shared>>) offsets(%dma_start3A_398 : memref<1000xi32, #tpu.memory_space<vmem>>) semaphore(%dma_start3A_403 : memref<!tpu.dma_semaphore, #tpu.memory_space<semaphore_mem>>) {add = true}
    %dma_wait3A_404 = arith.constant 1 : i32
    %dma_wait3A_405 = arith.constant 1 : i32
    %dma_wait3A_406 = arith.constant 0 : i32
    %dma_wait3A_407 = arith.constant 0 : i32
    %dma_wait3A_408 = tpu.memref_slice %arg8[%dma_wait3A_404, %dma_wait3A_406, %dma_wait3A_407] : memref<5x1000x16xf32, #tpu.memory_space<vmem>> -> memref<1x1000x16xf32, #tpu.memory_space<vmem>>
    %dma_wait3A_409 = tpu.memref_squeeze %dma_wait3A_408 : memref<1x1000x16xf32, #tpu.memory_space<vmem>> -> memref<1000x16xf32, #tpu.memory_space<vmem>>
    %dma_wait3A_410 = arith.constant 6000 : i32
    %dma_wait3A_411 = tpu.memref_slice %arg6[%dma_wait3A_410] : memref<10000xi32, #tpu.memory_space<vmem>> -> memref<1000xi32, #tpu.memory_space<vmem>>
    %dma_wait3A_412 = arith.constant 0 : i32
    %dma_wait3A_413 = arith.constant 0 : i32
    %dma_wait3A_414 = tpu.memref_slice %arg2[%dma_wait3A_412, %dma_wait3A_413] : memref<10240x16xf32, #tpu.memory_space<hbm>> -> memref<10240x16xf32, #tpu.memory_space<hbm>>
    %dma_wait3A_415 = tpu.memref_slice %arg11[%dma_wait3A_405] : memref<5x!tpu.dma_semaphore, #tpu.memory_space<semaphore_mem>> -> memref<1x!tpu.dma_semaphore, #tpu.memory_space<semaphore_mem>>
    %dma_wait3A_416 = tpu.memref_squeeze %dma_wait3A_415 : memref<1x!tpu.dma_semaphore, #tpu.memory_space<semaphore_mem>> -> memref<!tpu.dma_semaphore, #tpu.memory_space<semaphore_mem>>
    tpu.wait_indirect_dma semaphore(%dma_wait3A_416 : memref<!tpu.dma_semaphore, #tpu.memory_space<semaphore_mem>>) src(%dma_wait3A_414 : memref<10240x16xf32, #tpu.memory_space<hbm>>) dst(%dma_wait3A_409 : memref<1000x16xf32, #tpu.memory_space<vmem>>)
    %dma_start3A_417 = arith.constant 1 : i32
    %dma_start3A_418 = arith.constant 1 : i32
    %dma_start3A_419 = arith.constant 0 : i32
    %dma_start3A_420 = arith.constant 0 : i32
    %dma_start3A_421 = tpu.memref_slice %arg8[%dma_start3A_417, %dma_start3A_419, %dma_start3A_420] : memref<5x1000x16xf32, #tpu.memory_space<vmem>> -> memref<1x1000x16xf32, #tpu.memory_space<vmem>>
    %dma_start3A_422 = tpu.memref_squeeze %dma_start3A_421 : memref<1x1000x16xf32, #tpu.memory_space<vmem>> -> memref<1000x16xf32, #tpu.memory_space<vmem>>
    %dma_start3A_423 = arith.constant 6000 : i32
    %dma_start3A_424 = tpu.memref_slice %arg7[%dma_start3A_423] : memref<10000xi32, #tpu.memory_space<vmem>> -> memref<1000xi32, #tpu.memory_space<vmem>>
    %dma_start3A_425 = arith.constant 0 : i32
    %dma_start3A_426 = arith.constant 0 : i32
    %dma_start3A_427 = tpu.memref_slice %arg10[%dma_start3A_425, %dma_start3A_426] : memref<10240x16xf32, #tpu.memory_space<vmem_shared>> -> memref<10240x16xf32, #tpu.memory_space<vmem_shared>>
    %dma_start3A_428 = tpu.memref_slice %arg12[%dma_start3A_418] : memref<5x!tpu.dma_semaphore, #tpu.memory_space<semaphore_mem>> -> memref<1x!tpu.dma_semaphore, #tpu.memory_space<semaphore_mem>>
    %dma_start3A_429 = tpu.memref_squeeze %dma_start3A_428 : memref<1x!tpu.dma_semaphore, #tpu.memory_space<semaphore_mem>> -> memref<!tpu.dma_semaphore, #tpu.memory_space<semaphore_mem>>
    tpu.enqueue_indirect_dma source(%dma_start3A_422 : memref<1000x16xf32, #tpu.memory_space<vmem>>) target(%dma_start3A_427 : memref<10240x16xf32, #tpu.memory_space<vmem_shared>>) offsets(%dma_start3A_424 : memref<1000xi32, #tpu.memory_space<vmem>>) semaphore(%dma_start3A_429 : memref<!tpu.dma_semaphore, #tpu.memory_space<semaphore_mem>>) {add = true}
    %dma_wait3A_430 = arith.constant 2 : i32
    %dma_wait3A_431 = arith.constant 2 : i32
    %dma_wait3A_432 = arith.constant 0 : i32
    %dma_wait3A_433 = arith.constant 0 : i32
    %dma_wait3A_434 = tpu.memref_slice %arg8[%dma_wait3A_430, %dma_wait3A_432, %dma_wait3A_433] : memref<5x1000x16xf32, #tpu.memory_space<vmem>> -> memref<1x1000x16xf32, #tpu.memory_space<vmem>>
    %dma_wait3A_435 = tpu.memref_squeeze %dma_wait3A_434 : memref<1x1000x16xf32, #tpu.memory_space<vmem>> -> memref<1000x16xf32, #tpu.memory_space<vmem>>
    %dma_wait3A_436 = arith.constant 7000 : i32
    %dma_wait3A_437 = tpu.memref_slice %arg6[%dma_wait3A_436] : memref<10000xi32, #tpu.memory_space<vmem>> -> memref<1000xi32, #tpu.memory_space<vmem>>
    %dma_wait3A_438 = arith.constant 0 : i32
    %dma_wait3A_439 = arith.constant 0 : i32
    %dma_wait3A_440 = tpu.memref_slice %arg2[%dma_wait3A_438, %dma_wait3A_439] : memref<10240x16xf32, #tpu.memory_space<hbm>> -> memref<10240x16xf32, #tpu.memory_space<hbm>>
    %dma_wait3A_441 = tpu.memref_slice %arg11[%dma_wait3A_431] : memref<5x!tpu.dma_semaphore, #tpu.memory_space<semaphore_mem>> -> memref<1x!tpu.dma_semaphore, #tpu.memory_space<semaphore_mem>>
    %dma_wait3A_442 = tpu.memref_squeeze %dma_wait3A_441 : memref<1x!tpu.dma_semaphore, #tpu.memory_space<semaphore_mem>> -> memref<!tpu.dma_semaphore, #tpu.memory_space<semaphore_mem>>
    tpu.wait_indirect_dma semaphore(%dma_wait3A_442 : memref<!tpu.dma_semaphore, #tpu.memory_space<semaphore_mem>>) src(%dma_wait3A_440 : memref<10240x16xf32, #tpu.memory_space<hbm>>) dst(%dma_wait3A_435 : memref<1000x16xf32, #tpu.memory_space<vmem>>)
    %dma_start3A_443 = arith.constant 2 : i32
    %dma_start3A_444 = arith.constant 2 : i32
    %dma_start3A_445 = arith.constant 0 : i32
    %dma_start3A_446 = arith.constant 0 : i32
    %dma_start3A_447 = tpu.memref_slice %arg8[%dma_start3A_443, %dma_start3A_445, %dma_start3A_446] : memref<5x1000x16xf32, #tpu.memory_space<vmem>> -> memref<1x1000x16xf32, #tpu.memory_space<vmem>>
    %dma_start3A_448 = tpu.memref_squeeze %dma_start3A_447 : memref<1x1000x16xf32, #tpu.memory_space<vmem>> -> memref<1000x16xf32, #tpu.memory_space<vmem>>
    %dma_start3A_449 = arith.constant 7000 : i32
    %dma_start3A_450 = tpu.memref_slice %arg7[%dma_start3A_449] : memref<10000xi32, #tpu.memory_space<vmem>> -> memref<1000xi32, #tpu.memory_space<vmem>>
    %dma_start3A_451 = arith.constant 0 : i32
    %dma_start3A_452 = arith.constant 0 : i32
    %dma_start3A_453 = tpu.memref_slice %arg10[%dma_start3A_451, %dma_start3A_452] : memref<10240x16xf32, #tpu.memory_space<vmem_shared>> -> memref<10240x16xf32, #tpu.memory_space<vmem_shared>>
    %dma_start3A_454 = tpu.memref_slice %arg12[%dma_start3A_444] : memref<5x!tpu.dma_semaphore, #tpu.memory_space<semaphore_mem>> -> memref<1x!tpu.dma_semaphore, #tpu.memory_space<semaphore_mem>>
    %dma_start3A_455 = tpu.memref_squeeze %dma_start3A_454 : memref<1x!tpu.dma_semaphore, #tpu.memory_space<semaphore_mem>> -> memref<!tpu.dma_semaphore, #tpu.memory_space<semaphore_mem>>
    tpu.enqueue_indirect_dma source(%dma_start3A_448 : memref<1000x16xf32, #tpu.memory_space<vmem>>) target(%dma_start3A_453 : memref<10240x16xf32, #tpu.memory_space<vmem_shared>>) offsets(%dma_start3A_450 : memref<1000xi32, #tpu.memory_space<vmem>>) semaphore(%dma_start3A_455 : memref<!tpu.dma_semaphore, #tpu.memory_space<semaphore_mem>>) {add = true}
    %dma_wait3A_456 = arith.constant 3 : i32
    %dma_wait3A_457 = arith.constant 3 : i32
    %dma_wait3A_458 = arith.constant 0 : i32
    %dma_wait3A_459 = arith.constant 0 : i32
    %dma_wait3A_460 = tpu.memref_slice %arg8[%dma_wait3A_456, %dma_wait3A_458, %dma_wait3A_459] : memref<5x1000x16xf32, #tpu.memory_space<vmem>> -> memref<1x1000x16xf32, #tpu.memory_space<vmem>>
    %dma_wait3A_461 = tpu.memref_squeeze %dma_wait3A_460 : memref<1x1000x16xf32, #tpu.memory_space<vmem>> -> memref<1000x16xf32, #tpu.memory_space<vmem>>
    %dma_wait3A_462 = arith.constant 8000 : i32
    %dma_wait3A_463 = tpu.memref_slice %arg6[%dma_wait3A_462] : memref<10000xi32, #tpu.memory_space<vmem>> -> memref<1000xi32, #tpu.memory_space<vmem>>
    %dma_wait3A_464 = arith.constant 0 : i32
    %dma_wait3A_465 = arith.constant 0 : i32
    %dma_wait3A_466 = tpu.memref_slice %arg2[%dma_wait3A_464, %dma_wait3A_465] : memref<10240x16xf32, #tpu.memory_space<hbm>> -> memref<10240x16xf32, #tpu.memory_space<hbm>>
    %dma_wait3A_467 = tpu.memref_slice %arg11[%dma_wait3A_457] : memref<5x!tpu.dma_semaphore, #tpu.memory_space<semaphore_mem>> -> memref<1x!tpu.dma_semaphore, #tpu.memory_space<semaphore_mem>>
    %dma_wait3A_468 = tpu.memref_squeeze %dma_wait3A_467 : memref<1x!tpu.dma_semaphore, #tpu.memory_space<semaphore_mem>> -> memref<!tpu.dma_semaphore, #tpu.memory_space<semaphore_mem>>
    tpu.wait_indirect_dma semaphore(%dma_wait3A_468 : memref<!tpu.dma_semaphore, #tpu.memory_space<semaphore_mem>>) src(%dma_wait3A_466 : memref<10240x16xf32, #tpu.memory_space<hbm>>) dst(%dma_wait3A_461 : memref<1000x16xf32, #tpu.memory_space<vmem>>)
    %dma_start3A_469 = arith.constant 3 : i32
    %dma_start3A_470 = arith.constant 3 : i32
    %dma_start3A_471 = arith.constant 0 : i32
    %dma_start3A_472 = arith.constant 0 : i32
    %dma_start3A_473 = tpu.memref_slice %arg8[%dma_start3A_469, %dma_start3A_471, %dma_start3A_472] : memref<5x1000x16xf32, #tpu.memory_space<vmem>> -> memref<1x1000x16xf32, #tpu.memory_space<vmem>>
    %dma_start3A_474 = tpu.memref_squeeze %dma_start3A_473 : memref<1x1000x16xf32, #tpu.memory_space<vmem>> -> memref<1000x16xf32, #tpu.memory_space<vmem>>
    %dma_start3A_475 = arith.constant 8000 : i32
    %dma_start3A_476 = tpu.memref_slice %arg7[%dma_start3A_475] : memref<10000xi32, #tpu.memory_space<vmem>> -> memref<1000xi32, #tpu.memory_space<vmem>>
    %dma_start3A_477 = arith.constant 0 : i32
    %dma_start3A_478 = arith.constant 0 : i32
    %dma_start3A_479 = tpu.memref_slice %arg10[%dma_start3A_477, %dma_start3A_478] : memref<10240x16xf32, #tpu.memory_space<vmem_shared>> -> memref<10240x16xf32, #tpu.memory_space<vmem_shared>>
    %dma_start3A_480 = tpu.memref_slice %arg12[%dma_start3A_470] : memref<5x!tpu.dma_semaphore, #tpu.memory_space<semaphore_mem>> -> memref<1x!tpu.dma_semaphore, #tpu.memory_space<semaphore_mem>>
    %dma_start3A_481 = tpu.memref_squeeze %dma_start3A_480 : memref<1x!tpu.dma_semaphore, #tpu.memory_space<semaphore_mem>> -> memref<!tpu.dma_semaphore, #tpu.memory_space<semaphore_mem>>
    tpu.enqueue_indirect_dma source(%dma_start3A_474 : memref<1000x16xf32, #tpu.memory_space<vmem>>) target(%dma_start3A_479 : memref<10240x16xf32, #tpu.memory_space<vmem_shared>>) offsets(%dma_start3A_476 : memref<1000xi32, #tpu.memory_space<vmem>>) semaphore(%dma_start3A_481 : memref<!tpu.dma_semaphore, #tpu.memory_space<semaphore_mem>>) {add = true}
    %dma_wait3A_482 = arith.constant 4 : i32
    %dma_wait3A_483 = arith.constant 4 : i32
    %dma_wait3A_484 = arith.constant 0 : i32
    %dma_wait3A_485 = arith.constant 0 : i32
    %dma_wait3A_486 = tpu.memref_slice %arg8[%dma_wait3A_482, %dma_wait3A_484, %dma_wait3A_485] : memref<5x1000x16xf32, #tpu.memory_space<vmem>> -> memref<1x1000x16xf32, #tpu.memory_space<vmem>>
    %dma_wait3A_487 = tpu.memref_squeeze %dma_wait3A_486 : memref<1x1000x16xf32, #tpu.memory_space<vmem>> -> memref<1000x16xf32, #tpu.memory_space<vmem>>
    %dma_wait3A_488 = arith.constant 9000 : i32
    %dma_wait3A_489 = tpu.memref_slice %arg6[%dma_wait3A_488] : memref<10000xi32, #tpu.memory_space<vmem>> -> memref<1000xi32, #tpu.memory_space<vmem>>
    %dma_wait3A_490 = arith.constant 0 : i32
    %dma_wait3A_491 = arith.constant 0 : i32
    %dma_wait3A_492 = tpu.memref_slice %arg2[%dma_wait3A_490, %dma_wait3A_491] : memref<10240x16xf32, #tpu.memory_space<hbm>> -> memref<10240x16xf32, #tpu.memory_space<hbm>>
    %dma_wait3A_493 = tpu.memref_slice %arg11[%dma_wait3A_483] : memref<5x!tpu.dma_semaphore, #tpu.memory_space<semaphore_mem>> -> memref<1x!tpu.dma_semaphore, #tpu.memory_space<semaphore_mem>>
    %dma_wait3A_494 = tpu.memref_squeeze %dma_wait3A_493 : memref<1x!tpu.dma_semaphore, #tpu.memory_space<semaphore_mem>> -> memref<!tpu.dma_semaphore, #tpu.memory_space<semaphore_mem>>
    tpu.wait_indirect_dma semaphore(%dma_wait3A_494 : memref<!tpu.dma_semaphore, #tpu.memory_space<semaphore_mem>>) src(%dma_wait3A_492 : memref<10240x16xf32, #tpu.memory_space<hbm>>) dst(%dma_wait3A_487 : memref<1000x16xf32, #tpu.memory_space<vmem>>)
    %dma_start3A_495 = arith.constant 4 : i32
    %dma_start3A_496 = arith.constant 4 : i32
    %dma_start3A_497 = arith.constant 0 : i32
    %dma_start3A_498 = arith.constant 0 : i32
    %dma_start3A_499 = tpu.memref_slice %arg8[%dma_start3A_495, %dma_start3A_497, %dma_start3A_498] : memref<5x1000x16xf32, #tpu.memory_space<vmem>> -> memref<1x1000x16xf32, #tpu.memory_space<vmem>>
    %dma_start3A_500 = tpu.memref_squeeze %dma_start3A_499 : memref<1x1000x16xf32, #tpu.memory_space<vmem>> -> memref<1000x16xf32, #tpu.memory_space<vmem>>
    %dma_start3A_501 = arith.constant 9000 : i32
    %dma_start3A_502 = tpu.memref_slice %arg7[%dma_start3A_501] : memref<10000xi32, #tpu.memory_space<vmem>> -> memref<1000xi32, #tpu.memory_space<vmem>>
    %dma_start3A_503 = arith.constant 0 : i32
    %dma_start3A_504 = arith.constant 0 : i32
    %dma_start3A_505 = tpu.memref_slice %arg10[%dma_start3A_503, %dma_start3A_504] : memref<10240x16xf32, #tpu.memory_space<vmem_shared>> -> memref<10240x16xf32, #tpu.memory_space<vmem_shared>>
    %dma_start3A_506 = tpu.memref_slice %arg12[%dma_start3A_496] : memref<5x!tpu.dma_semaphore, #tpu.memory_space<semaphore_mem>> -> memref<1x!tpu.dma_semaphore, #tpu.memory_space<semaphore_mem>>
    %dma_start3A_507 = tpu.memref_squeeze %dma_start3A_506 : memref<1x!tpu.dma_semaphore, #tpu.memory_space<semaphore_mem>> -> memref<!tpu.dma_semaphore, #tpu.memory_space<semaphore_mem>>
    tpu.enqueue_indirect_dma source(%dma_start3A_500 : memref<1000x16xf32, #tpu.memory_space<vmem>>) target(%dma_start3A_505 : memref<10240x16xf32, #tpu.memory_space<vmem_shared>>) offsets(%dma_start3A_502 : memref<1000xi32, #tpu.memory_space<vmem>>) semaphore(%dma_start3A_507 : memref<!tpu.dma_semaphore, #tpu.memory_space<semaphore_mem>>) {add = true}
    %dma_wait3A_508 = arith.constant 0 : i32
    %dma_wait3A_509 = arith.constant 0 : i32
    %dma_wait3A_510 = arith.constant 0 : i32
    %dma_wait3A_511 = arith.constant 0 : i32
    %dma_wait3A_512 = tpu.memref_slice %arg8[%dma_wait3A_508, %dma_wait3A_510, %dma_wait3A_511] : memref<5x1000x16xf32, #tpu.memory_space<vmem>> -> memref<1x1000x16xf32, #tpu.memory_space<vmem>>
    %dma_wait3A_513 = tpu.memref_squeeze %dma_wait3A_512 : memref<1x1000x16xf32, #tpu.memory_space<vmem>> -> memref<1000x16xf32, #tpu.memory_space<vmem>>
    %dma_wait3A_514 = arith.constant 5000 : i32
    %dma_wait3A_515 = tpu.memref_slice %arg7[%dma_wait3A_514] : memref<10000xi32, #tpu.memory_space<vmem>> -> memref<1000xi32, #tpu.memory_space<vmem>>
    %dma_wait3A_516 = arith.constant 0 : i32
    %dma_wait3A_517 = arith.constant 0 : i32
    %dma_wait3A_518 = tpu.memref_slice %arg10[%dma_wait3A_516, %dma_wait3A_517] : memref<10240x16xf32, #tpu.memory_space<vmem_shared>> -> memref<10240x16xf32, #tpu.memory_space<vmem_shared>>
    %dma_wait3A_519 = tpu.memref_slice %arg12[%dma_wait3A_509] : memref<5x!tpu.dma_semaphore, #tpu.memory_space<semaphore_mem>> -> memref<1x!tpu.dma_semaphore, #tpu.memory_space<semaphore_mem>>
    %dma_wait3A_520 = tpu.memref_squeeze %dma_wait3A_519 : memref<1x!tpu.dma_semaphore, #tpu.memory_space<semaphore_mem>> -> memref<!tpu.dma_semaphore, #tpu.memory_space<semaphore_mem>>
    tpu.wait_indirect_dma semaphore(%dma_wait3A_520 : memref<!tpu.dma_semaphore, #tpu.memory_space<semaphore_mem>>) src(%dma_wait3A_513 : memref<1000x16xf32, #tpu.memory_space<vmem>>) dst(%dma_wait3A_518 : memref<10240x16xf32, #tpu.memory_space<vmem_shared>>)
    %dma_wait3A_521 = arith.constant 1 : i32
    %dma_wait3A_522 = arith.constant 1 : i32
    %dma_wait3A_523 = arith.constant 0 : i32
    %dma_wait3A_524 = arith.constant 0 : i32
    %dma_wait3A_525 = tpu.memref_slice %arg8[%dma_wait3A_521, %dma_wait3A_523, %dma_wait3A_524] : memref<5x1000x16xf32, #tpu.memory_space<vmem>> -> memref<1x1000x16xf32, #tpu.memory_space<vmem>>
    %dma_wait3A_526 = tpu.memref_squeeze %dma_wait3A_525 : memref<1x1000x16xf32, #tpu.memory_space<vmem>> -> memref<1000x16xf32, #tpu.memory_space<vmem>>
    %dma_wait3A_527 = arith.constant 6000 : i32
    %dma_wait3A_528 = tpu.memref_slice %arg7[%dma_wait3A_527] : memref<10000xi32, #tpu.memory_space<vmem>> -> memref<1000xi32, #tpu.memory_space<vmem>>
    %dma_wait3A_529 = arith.constant 0 : i32
    %dma_wait3A_530 = arith.constant 0 : i32
    %dma_wait3A_531 = tpu.memref_slice %arg10[%dma_wait3A_529, %dma_wait3A_530] : memref<10240x16xf32, #tpu.memory_space<vmem_shared>> -> memref<10240x16xf32, #tpu.memory_space<vmem_shared>>
    %dma_wait3A_532 = tpu.memref_slice %arg12[%dma_wait3A_522] : memref<5x!tpu.dma_semaphore, #tpu.memory_space<semaphore_mem>> -> memref<1x!tpu.dma_semaphore, #tpu.memory_space<semaphore_mem>>
    %dma_wait3A_533 = tpu.memref_squeeze %dma_wait3A_532 : memref<1x!tpu.dma_semaphore, #tpu.memory_space<semaphore_mem>> -> memref<!tpu.dma_semaphore, #tpu.memory_space<semaphore_mem>>
    tpu.wait_indirect_dma semaphore(%dma_wait3A_533 : memref<!tpu.dma_semaphore, #tpu.memory_space<semaphore_mem>>) src(%dma_wait3A_526 : memref<1000x16xf32, #tpu.memory_space<vmem>>) dst(%dma_wait3A_531 : memref<10240x16xf32, #tpu.memory_space<vmem_shared>>)
    %dma_wait3A_534 = arith.constant 2 : i32
    %dma_wait3A_535 = arith.constant 2 : i32
    %dma_wait3A_536 = arith.constant 0 : i32
    %dma_wait3A_537 = arith.constant 0 : i32
    %dma_wait3A_538 = tpu.memref_slice %arg8[%dma_wait3A_534, %dma_wait3A_536, %dma_wait3A_537] : memref<5x1000x16xf32, #tpu.memory_space<vmem>> -> memref<1x1000x16xf32, #tpu.memory_space<vmem>>
    %dma_wait3A_539 = tpu.memref_squeeze %dma_wait3A_538 : memref<1x1000x16xf32, #tpu.memory_space<vmem>> -> memref<1000x16xf32, #tpu.memory_space<vmem>>
    %dma_wait3A_540 = arith.constant 7000 : i32
    %dma_wait3A_541 = tpu.memref_slice %arg7[%dma_wait3A_540] : memref<10000xi32, #tpu.memory_space<vmem>> -> memref<1000xi32, #tpu.memory_space<vmem>>
    %dma_wait3A_542 = arith.constant 0 : i32
    %dma_wait3A_543 = arith.constant 0 : i32
    %dma_wait3A_544 = tpu.memref_slice %arg10[%dma_wait3A_542, %dma_wait3A_543] : memref<10240x16xf32, #tpu.memory_space<vmem_shared>> -> memref<10240x16xf32, #tpu.memory_space<vmem_shared>>
    %dma_wait3A_545 = tpu.memref_slice %arg12[%dma_wait3A_535] : memref<5x!tpu.dma_semaphore, #tpu.memory_space<semaphore_mem>> -> memref<1x!tpu.dma_semaphore, #tpu.memory_space<semaphore_mem>>
    %dma_wait3A_546 = tpu.memref_squeeze %dma_wait3A_545 : memref<1x!tpu.dma_semaphore, #tpu.memory_space<semaphore_mem>> -> memref<!tpu.dma_semaphore, #tpu.memory_space<semaphore_mem>>
    tpu.wait_indirect_dma semaphore(%dma_wait3A_546 : memref<!tpu.dma_semaphore, #tpu.memory_space<semaphore_mem>>) src(%dma_wait3A_539 : memref<1000x16xf32, #tpu.memory_space<vmem>>) dst(%dma_wait3A_544 : memref<10240x16xf32, #tpu.memory_space<vmem_shared>>)
    %dma_wait3A_547 = arith.constant 3 : i32
    %dma_wait3A_548 = arith.constant 3 : i32
    %dma_wait3A_549 = arith.constant 0 : i32
    %dma_wait3A_550 = arith.constant 0 : i32
    %dma_wait3A_551 = tpu.memref_slice %arg8[%dma_wait3A_547, %dma_wait3A_549, %dma_wait3A_550] : memref<5x1000x16xf32, #tpu.memory_space<vmem>> -> memref<1x1000x16xf32, #tpu.memory_space<vmem>>
    %dma_wait3A_552 = tpu.memref_squeeze %dma_wait3A_551 : memref<1x1000x16xf32, #tpu.memory_space<vmem>> -> memref<1000x16xf32, #tpu.memory_space<vmem>>
    %dma_wait3A_553 = arith.constant 8000 : i32
    %dma_wait3A_554 = tpu.memref_slice %arg7[%dma_wait3A_553] : memref<10000xi32, #tpu.memory_space<vmem>> -> memref<1000xi32, #tpu.memory_space<vmem>>
    %dma_wait3A_555 = arith.constant 0 : i32
    %dma_wait3A_556 = arith.constant 0 : i32
    %dma_wait3A_557 = tpu.memref_slice %arg10[%dma_wait3A_555, %dma_wait3A_556] : memref<10240x16xf32, #tpu.memory_space<vmem_shared>> -> memref<10240x16xf32, #tpu.memory_space<vmem_shared>>
    %dma_wait3A_558 = tpu.memref_slice %arg12[%dma_wait3A_548] : memref<5x!tpu.dma_semaphore, #tpu.memory_space<semaphore_mem>> -> memref<1x!tpu.dma_semaphore, #tpu.memory_space<semaphore_mem>>
    %dma_wait3A_559 = tpu.memref_squeeze %dma_wait3A_558 : memref<1x!tpu.dma_semaphore, #tpu.memory_space<semaphore_mem>> -> memref<!tpu.dma_semaphore, #tpu.memory_space<semaphore_mem>>
    tpu.wait_indirect_dma semaphore(%dma_wait3A_559 : memref<!tpu.dma_semaphore, #tpu.memory_space<semaphore_mem>>) src(%dma_wait3A_552 : memref<1000x16xf32, #tpu.memory_space<vmem>>) dst(%dma_wait3A_557 : memref<10240x16xf32, #tpu.memory_space<vmem_shared>>)
    %dma_wait3A_560 = arith.constant 4 : i32
    %dma_wait3A_561 = arith.constant 4 : i32
    %dma_wait3A_562 = arith.constant 0 : i32
    %dma_wait3A_563 = arith.constant 0 : i32
    %dma_wait3A_564 = tpu.memref_slice %arg8[%dma_wait3A_560, %dma_wait3A_562, %dma_wait3A_563] : memref<5x1000x16xf32, #tpu.memory_space<vmem>> -> memref<1x1000x16xf32, #tpu.memory_space<vmem>>
    %dma_wait3A_565 = tpu.memref_squeeze %dma_wait3A_564 : memref<1x1000x16xf32, #tpu.memory_space<vmem>> -> memref<1000x16xf32, #tpu.memory_space<vmem>>
    %dma_wait3A_566 = arith.constant 9000 : i32
    %dma_wait3A_567 = tpu.memref_slice %arg7[%dma_wait3A_566] : memref<10000xi32, #tpu.memory_space<vmem>> -> memref<1000xi32, #tpu.memory_space<vmem>>
    %dma_wait3A_568 = arith.constant 0 : i32
    %dma_wait3A_569 = arith.constant 0 : i32
    %dma_wait3A_570 = tpu.memref_slice %arg10[%dma_wait3A_568, %dma_wait3A_569] : memref<10240x16xf32, #tpu.memory_space<vmem_shared>> -> memref<10240x16xf32, #tpu.memory_space<vmem_shared>>
    %dma_wait3A_571 = tpu.memref_slice %arg12[%dma_wait3A_561] : memref<5x!tpu.dma_semaphore, #tpu.memory_space<semaphore_mem>> -> memref<1x!tpu.dma_semaphore, #tpu.memory_space<semaphore_mem>>
    %dma_wait3A_572 = tpu.memref_squeeze %dma_wait3A_571 : memref<1x!tpu.dma_semaphore, #tpu.memory_space<semaphore_mem>> -> memref<!tpu.dma_semaphore, #tpu.memory_space<semaphore_mem>>
    tpu.wait_indirect_dma semaphore(%dma_wait3A_572 : memref<!tpu.dma_semaphore, #tpu.memory_space<semaphore_mem>>) src(%dma_wait3A_565 : memref<1000x16xf32, #tpu.memory_space<vmem>>) dst(%dma_wait3A_570 : memref<10240x16xf32, #tpu.memory_space<vmem_shared>>)
    %barrier3A_573 = arith.constant 0 : index
    tpu.barrier barrier_id(%barrier3A_573)
    %mul3A_574 = arith.constant 640 : i32
    %mul3A_575 = arith.muli %arg1, %mul3A_574 : i32
    %mul3A_576 = arith.constant 640 : i32
    %mul3A_577 = arith.muli %arg1, %mul3A_576 : i32
    "tpu.region"() ({
      %run_scoped3A = tpu.sem_alloc : memref<!tpu.dma_semaphore, #tpu.memory_space<semaphore_mem>>
      %dma_start3A_578 = arith.constant 0 : i32
      %dma_start3A_579 = tpu.memref_slice %arg5[%arg0, %mul3A_577, %dma_start3A_578] : memref<2x10240x16xf32, #tpu.memory_space<hbm>> -> memref<1x640x16xf32, #tpu.memory_space<hbm>>
      %dma_start3A_580 = tpu.memref_squeeze %dma_start3A_579 : memref<1x640x16xf32, #tpu.memory_space<hbm>> -> memref<640x16xf32, #tpu.memory_space<hbm>>
      %dma_start3A_581 = arith.constant 0 : i32
      %dma_start3A_582 = tpu.memref_slice %arg10[%mul3A_575, %dma_start3A_581] : memref<10240x16xf32, #tpu.memory_space<vmem_shared>> -> memref<640x16xf32, #tpu.memory_space<vmem_shared>>
      tpu.enqueue_dma source(%dma_start3A_582 : memref<640x16xf32, #tpu.memory_space<vmem_shared>>) target(%dma_start3A_580 : memref<640x16xf32, #tpu.memory_space<hbm>>) target_semaphore(%run_scoped3A : memref<!tpu.dma_semaphore, #tpu.memory_space<semaphore_mem>>)
      %dma_wait3A_583 = arith.constant 0 : i32
      %dma_wait3A_584 = tpu.memref_slice %arg5[%arg0, %mul3A_577, %dma_wait3A_583] : memref<2x10240x16xf32, #tpu.memory_space<hbm>> -> memref<1x640x16xf32, #tpu.memory_space<hbm>>
      %dma_wait3A_585 = tpu.memref_squeeze %dma_wait3A_584 : memref<1x640x16xf32, #tpu.memory_space<hbm>> -> memref<640x16xf32, #tpu.memory_space<hbm>>
      %dma_wait3A_586 = arith.constant 0 : i32
      %dma_wait3A_587 = tpu.memref_slice %arg10[%mul3A_575, %dma_wait3A_586] : memref<10240x16xf32, #tpu.memory_space<vmem_shared>> -> memref<640x16xf32, #tpu.memory_space<vmem_shared>>
      tpu.wait_dma2 semaphore(%run_scoped3A : memref<!tpu.dma_semaphore, #tpu.memory_space<semaphore_mem>>) src(%dma_wait3A_587 : memref<640x16xf32, #tpu.memory_space<vmem_shared>>) dst(%dma_wait3A_585 : memref<640x16xf32, #tpu.memory_space<hbm>>)
      tpu.yield
    }) : () -> ()
    return
  }
}

module attributes {stable_mosaic.version = 14 : i64} {
  func.func @body(%arg0: memref<323584xf32, #tpu.memory_space<vmem>>, %arg1: memref<10000x16xf32, #tpu.memory_space<vmem>>, %arg2: memref<10240x16xf32, #tpu.memory_space<vmem>>, %arg3: memref<10240xf32, #tpu.memory_space<vmem>>) attributes {dimension_semantics = [], scalar_prefetch = 0 : i64, scratch_operands = 0 : i64, tpu.core_type = #tpu.core_type<tc>} {
    %broadcast_in_dim3A = arith.constant 1.000000e+00 : f32
    %broadcast_in_dim3A_0 = vector.broadcast %broadcast_in_dim3A : f32 to vector<10000xf32>
    %get3A = arith.constant 0 : index
    %get3A_1 = vector.load %arg0[%get3A] : memref<323584xf32, #tpu.memory_space<vmem>>, vector<10000xf32>
    %add3A = arith.addf %broadcast_in_dim3A_0, %get3A_1 : vector<10000xf32>
    %get3A_2 = arith.constant 10112 : index
    %get3A_3 = vector.load %arg0[%get3A_2] : memref<323584xf32, #tpu.memory_space<vmem>>, vector<10000xf32>
    %add3A_4 = arith.addf %add3A, %get3A_3 : vector<10000xf32>
    %get3A_5 = arith.constant 20224 : index
    %get3A_6 = vector.load %arg0[%get3A_5] : memref<323584xf32, #tpu.memory_space<vmem>>, vector<10000xf32>
    %add3A_7 = arith.addf %add3A_4, %get3A_6 : vector<10000xf32>
    %get3A_8 = arith.constant 30336 : index
    %get3A_9 = vector.load %arg0[%get3A_8] : memref<323584xf32, #tpu.memory_space<vmem>>, vector<10000xf32>
    %add3A_10 = arith.addf %add3A_7, %get3A_9 : vector<10000xf32>
    %get3A_11 = arith.constant 40448 : index
    %get3A_12 = vector.load %arg0[%get3A_11] : memref<323584xf32, #tpu.memory_space<vmem>>, vector<10000xf32>
    %add3A_13 = arith.addf %add3A_10, %get3A_12 : vector<10000xf32>
    %get3A_14 = arith.constant 50560 : index
    %get3A_15 = vector.load %arg0[%get3A_14] : memref<323584xf32, #tpu.memory_space<vmem>>, vector<10000xf32>
    %add3A_16 = arith.addf %add3A_13, %get3A_15 : vector<10000xf32>
    %get3A_17 = arith.constant 60672 : index
    %get3A_18 = vector.load %arg0[%get3A_17] : memref<323584xf32, #tpu.memory_space<vmem>>, vector<10000xf32>
    %add3A_19 = arith.addf %add3A_16, %get3A_18 : vector<10000xf32>
    %get3A_20 = arith.constant 70784 : index
    %get3A_21 = vector.load %arg0[%get3A_20] : memref<323584xf32, #tpu.memory_space<vmem>>, vector<10000xf32>
    %add3A_22 = arith.addf %add3A_19, %get3A_21 : vector<10000xf32>
    %get3A_23 = arith.constant 80896 : index
    %get3A_24 = vector.load %arg0[%get3A_23] : memref<323584xf32, #tpu.memory_space<vmem>>, vector<10000xf32>
    %add3A_25 = arith.addf %add3A_22, %get3A_24 : vector<10000xf32>
    %get3A_26 = arith.constant 91008 : index
    %get3A_27 = vector.load %arg0[%get3A_26] : memref<323584xf32, #tpu.memory_space<vmem>>, vector<10000xf32>
    %add3A_28 = arith.addf %add3A_25, %get3A_27 : vector<10000xf32>
    %get3A_29 = arith.constant 101120 : index
    %get3A_30 = vector.load %arg0[%get3A_29] : memref<323584xf32, #tpu.memory_space<vmem>>, vector<10000xf32>
    %add3A_31 = arith.addf %add3A_28, %get3A_30 : vector<10000xf32>
    %get3A_32 = arith.constant 111232 : index
    %get3A_33 = vector.load %arg0[%get3A_32] : memref<323584xf32, #tpu.memory_space<vmem>>, vector<10000xf32>
    %add3A_34 = arith.addf %add3A_31, %get3A_33 : vector<10000xf32>
    %get3A_35 = arith.constant 121344 : index
    %get3A_36 = vector.load %arg0[%get3A_35] : memref<323584xf32, #tpu.memory_space<vmem>>, vector<10000xf32>
    %add3A_37 = arith.addf %add3A_34, %get3A_36 : vector<10000xf32>
    %get3A_38 = arith.constant 131456 : index
    %get3A_39 = vector.load %arg0[%get3A_38] : memref<323584xf32, #tpu.memory_space<vmem>>, vector<10000xf32>
    %add3A_40 = arith.addf %add3A_37, %get3A_39 : vector<10000xf32>
    %get3A_41 = arith.constant 141568 : index
    %get3A_42 = vector.load %arg0[%get3A_41] : memref<323584xf32, #tpu.memory_space<vmem>>, vector<10000xf32>
    %add3A_43 = arith.addf %add3A_40, %get3A_42 : vector<10000xf32>
    %get3A_44 = arith.constant 151680 : index
    %get3A_45 = vector.load %arg0[%get3A_44] : memref<323584xf32, #tpu.memory_space<vmem>>, vector<10000xf32>
    %add3A_46 = arith.addf %add3A_43, %get3A_45 : vector<10000xf32>
    %get3A_47 = arith.constant 161792 : index
    %get3A_48 = vector.load %arg0[%get3A_47] : memref<323584xf32, #tpu.memory_space<vmem>>, vector<10000xf32>
    %add3A_49 = arith.addf %add3A_46, %get3A_48 : vector<10000xf32>
    %get3A_50 = arith.constant 171904 : index
    %get3A_51 = vector.load %arg0[%get3A_50] : memref<323584xf32, #tpu.memory_space<vmem>>, vector<10000xf32>
    %add3A_52 = arith.addf %add3A_49, %get3A_51 : vector<10000xf32>
    %get3A_53 = arith.constant 182016 : index
    %get3A_54 = vector.load %arg0[%get3A_53] : memref<323584xf32, #tpu.memory_space<vmem>>, vector<10000xf32>
    %add3A_55 = arith.addf %add3A_52, %get3A_54 : vector<10000xf32>
    %get3A_56 = arith.constant 192128 : index
    %get3A_57 = vector.load %arg0[%get3A_56] : memref<323584xf32, #tpu.memory_space<vmem>>, vector<10000xf32>
    %add3A_58 = arith.addf %add3A_55, %get3A_57 : vector<10000xf32>
    %get3A_59 = arith.constant 202240 : index
    %get3A_60 = vector.load %arg0[%get3A_59] : memref<323584xf32, #tpu.memory_space<vmem>>, vector<10000xf32>
    %add3A_61 = arith.addf %add3A_58, %get3A_60 : vector<10000xf32>
    %get3A_62 = arith.constant 212352 : index
    %get3A_63 = vector.load %arg0[%get3A_62] : memref<323584xf32, #tpu.memory_space<vmem>>, vector<10000xf32>
    %add3A_64 = arith.addf %add3A_61, %get3A_63 : vector<10000xf32>
    %get3A_65 = arith.constant 222464 : index
    %get3A_66 = vector.load %arg0[%get3A_65] : memref<323584xf32, #tpu.memory_space<vmem>>, vector<10000xf32>
    %add3A_67 = arith.addf %add3A_64, %get3A_66 : vector<10000xf32>
    %get3A_68 = arith.constant 232576 : index
    %get3A_69 = vector.load %arg0[%get3A_68] : memref<323584xf32, #tpu.memory_space<vmem>>, vector<10000xf32>
    %add3A_70 = arith.addf %add3A_67, %get3A_69 : vector<10000xf32>
    %get3A_71 = arith.constant 242688 : index
    %get3A_72 = vector.load %arg0[%get3A_71] : memref<323584xf32, #tpu.memory_space<vmem>>, vector<10000xf32>
    %add3A_73 = arith.addf %add3A_70, %get3A_72 : vector<10000xf32>
    %get3A_74 = arith.constant 252800 : index
    %get3A_75 = vector.load %arg0[%get3A_74] : memref<323584xf32, #tpu.memory_space<vmem>>, vector<10000xf32>
    %add3A_76 = arith.addf %add3A_73, %get3A_75 : vector<10000xf32>
    %get3A_77 = arith.constant 262912 : index
    %get3A_78 = vector.load %arg0[%get3A_77] : memref<323584xf32, #tpu.memory_space<vmem>>, vector<10000xf32>
    %add3A_79 = arith.addf %add3A_76, %get3A_78 : vector<10000xf32>
    %get3A_80 = arith.constant 273024 : index
    %get3A_81 = vector.load %arg0[%get3A_80] : memref<323584xf32, #tpu.memory_space<vmem>>, vector<10000xf32>
    %add3A_82 = arith.addf %add3A_79, %get3A_81 : vector<10000xf32>
    %get3A_83 = arith.constant 283136 : index
    %get3A_84 = vector.load %arg0[%get3A_83] : memref<323584xf32, #tpu.memory_space<vmem>>, vector<10000xf32>
    %add3A_85 = arith.addf %add3A_82, %get3A_84 : vector<10000xf32>
    %get3A_86 = arith.constant 293248 : index
    %get3A_87 = vector.load %arg0[%get3A_86] : memref<323584xf32, #tpu.memory_space<vmem>>, vector<10000xf32>
    %add3A_88 = arith.addf %add3A_85, %get3A_87 : vector<10000xf32>
    %get3A_89 = arith.constant 303360 : index
    %get3A_90 = vector.load %arg0[%get3A_89] : memref<323584xf32, #tpu.memory_space<vmem>>, vector<10000xf32>
    %add3A_91 = arith.addf %add3A_88, %get3A_90 : vector<10000xf32>
    %get3A_92 = arith.constant 313472 : index
    %get3A_93 = vector.load %arg0[%get3A_92] : memref<323584xf32, #tpu.memory_space<vmem>>, vector<10000xf32>
    %add3A_94 = arith.addf %add3A_91, %get3A_93 : vector<10000xf32>
    %rsqrt3A = math.rsqrt %add3A_94 : vector<10000xf32>
    %get3A_95 = arith.constant 0 : index
    %get3A_96 = arith.constant 0 : index
    %get3A_97 = vector.load %arg1[%get3A_95, %get3A_96] : memref<10000x16xf32, #tpu.memory_space<vmem>>, vector<10000x16xf32>
    %broadcast_in_dim3A_98 = vector.shape_cast %rsqrt3A : vector<10000xf32> to vector<10000x1xf32>
    %mul3A = vector.broadcast %broadcast_in_dim3A_98 : vector<10000x1xf32> to vector<10000x16xf32>
    %mul3A_99 = arith.mulf %get3A_97, %mul3A : vector<10000x16xf32>
    %broadcast_in_dim3A_100 = arith.constant 1.000000e+00 : f32
    %broadcast_in_dim3A_101 = vector.broadcast %broadcast_in_dim3A_100 : f32 to vector<240xf32>
    %concatenate3A = tpu.concatenate %rsqrt3A, %broadcast_in_dim3A_101 in 0 : vector<10000xf32>, vector<240xf32> -> vector<10240xf32>
    %swap3A = arith.constant 0 : index
    %swap3A_102 = vector.load %arg3[%swap3A] : memref<10240xf32, #tpu.memory_space<vmem>>, vector<10240xf32>
    tpu.vector_store %arg3[%swap3A], %concatenate3A {strides = array<i32>} : memref<10240xf32, #tpu.memory_space<vmem>>, vector<10240xf32>,
    %broadcast_in_dim3A_103 = arith.constant 0.000000e+00 : f32
    %broadcast_in_dim3A_104 = vector.broadcast %broadcast_in_dim3A_103 : f32 to vector<240x16xf32>
    %concatenate3A_105 = tpu.concatenate %mul3A_99, %broadcast_in_dim3A_104 in 0 : vector<10000x16xf32>, vector<240x16xf32> -> vector<10240x16xf32>
    %swap3A_106 = arith.constant 0 : index
    %swap3A_107 = arith.constant 0 : index
    %swap3A_108 = vector.load %arg2[%swap3A_106, %swap3A_107] : memref<10240x16xf32, #tpu.memory_space<vmem>>, vector<10240x16xf32>
    tpu.vector_store %arg2[%swap3A_106, %swap3A_107], %concatenate3A_105 {strides = array<i32>} : memref<10240x16xf32, #tpu.memory_space<vmem>>, vector<10240x16xf32>,
    return
  }
}

module attributes {stable_mosaic.version = 14 : i64} {
  func.func @body(%arg0: memref<10000x128xf32, #tpu.memory_space<vmem>>, %arg1: memref<128x16xf32, #tpu.memory_space<vmem>>, %arg2: memref<10000x16xf32, #tpu.memory_space<vmem>>) attributes {dimension_semantics = [], scalar_prefetch = 0 : i64, scratch_operands = 0 : i64, tpu.core_type = #tpu.core_type<tc>} {
    %get3A = arith.constant 0 : index
    %get3A_0 = arith.constant 0 : index
    %get3A_1 = vector.load %arg0[%get3A, %get3A_0] : memref<10000x128xf32, #tpu.memory_space<vmem>>, vector<10000x128xf32>
    %get3A_2 = arith.constant 0 : index
    %get3A_3 = arith.constant 0 : index
    %get3A_4 = vector.load %arg1[%get3A_2, %get3A_3] : memref<128x16xf32, #tpu.memory_space<vmem>>, vector<128x16xf32>
    %dot_general3A = arith.constant dense<0.000000e+00> : vector<10000x16xf32>
    %dot_general3A_5 = tpu.matmul %get3A_1, %get3A_4, %dot_general3A {dimension_numbers = #tpu.dot_dimension_numbers<[1], [0], [0], [1], [0, 0, 1, 1], [], []>, transpose_lhs_hint = false} : vector<10000x128xf32>, vector<128x16xf32>, vector<10000x16xf32> -> vector<10000x16xf32>
    %swap3A = arith.constant 0 : index
    %swap3A_6 = arith.constant 0 : index
    %swap3A_7 = vector.load %arg2[%swap3A, %swap3A_6] : memref<10000x16xf32, #tpu.memory_space<vmem>>, vector<10000x16xf32>
    tpu.vector_store %arg2[%swap3A, %swap3A_6], %dot_general3A_5 {strides = array<i32>} : memref<10000x16xf32, #tpu.memory_space<vmem>>, vector<10000x16xf32>,
    return
  }
}

module attributes {stable_mosaic.version = 14 : i64} {
  func.func @body(%arg0: memref<2x1280x128xf32, #tpu.memory_space<vmem>>, %arg1: memref<1280x128xf32, #tpu.memory_space<vmem>>, %arg2: memref<1280x128xf32, #tpu.memory_space<vmem>>, %arg3: memref<128x1024xf32, #tpu.memory_space<vmem>>, %arg4: memref<1024xf32, #tpu.memory_space<vmem>>, %arg5: memref<1250x8x128xf32, #tpu.memory_space<vmem>>) attributes {dimension_semantics = [], scalar_prefetch = 0 : i64, scratch_operands = 0 : i64, tpu.core_type = #tpu.core_type<tc>} {
    %get3A = arith.constant 0 : index
    %get3A_0 = arith.constant 0 : index
    %get3A_1 = arith.constant 0 : index
    %get3A_2 = vector.load %arg0[%get3A, %get3A_0, %get3A_1] : memref<2x1280x128xf32, #tpu.memory_space<vmem>>, vector<1x1250x128xf32>
    %get3A_3 = vector.shape_cast %get3A_2 : vector<1x1250x128xf32> to vector<1250x128xf32>
    %get3A_4 = arith.constant 1 : index
    %get3A_5 = arith.constant 0 : index
    %get3A_6 = arith.constant 0 : index
    %get3A_7 = vector.load %arg0[%get3A_4, %get3A_5, %get3A_6] : memref<2x1280x128xf32, #tpu.memory_space<vmem>>, vector<1x1250x128xf32>
    %get3A_8 = vector.shape_cast %get3A_7 : vector<1x1250x128xf32> to vector<1250x128xf32>
    %add3A = arith.addf %get3A_3, %get3A_8 : vector<1250x128xf32>
    %get3A_9 = arith.constant 0 : index
    %get3A_10 = arith.constant 0 : index
    %get3A_11 = vector.load %arg1[%get3A_9, %get3A_10] : memref<1280x128xf32, #tpu.memory_space<vmem>>, vector<1250x128xf32>
    %add3A_12 = arith.addf %add3A, %get3A_11 : vector<1250x128xf32>
    %get3A_13 = arith.constant 0 : index
    %get3A_14 = arith.constant 0 : index
    %get3A_15 = vector.load %arg2[%get3A_13, %get3A_14] : memref<1280x128xf32, #tpu.memory_space<vmem>>, vector<1250x128xf32>
    %mul3A = arith.mulf %add3A_12, %get3A_15 : vector<1250x128xf32>
    %get3A_16 = arith.constant 0 : index
    %get3A_17 = arith.constant 0 : index
    %get3A_18 = vector.load %arg3[%get3A_16, %get3A_17] : memref<128x1024xf32, #tpu.memory_space<vmem>>, vector<128x128xf32>
    %dot_general3A = arith.constant dense<0.000000e+00> : vector<1250x128xf32>
    %dot_general3A_19 = tpu.matmul %mul3A, %get3A_18, %dot_general3A {dimension_numbers = #tpu.dot_dimension_numbers<[1], [0], [0], [1], [0, 0, 1, 1], [], []>, transpose_lhs_hint = false} : vector<1250x128xf32>, vector<128x128xf32>, vector<1250x128xf32> -> vector<1250x128xf32>
    %get3A_20 = arith.constant 0 : index
    %get3A_21 = vector.load %arg4[%get3A_20] : memref<1024xf32, #tpu.memory_space<vmem>>, vector<128xf32>
    %broadcast_in_dim3A = vector.shape_cast %get3A_21 : vector<128xf32> to vector<1x128xf32>
    %add3A_22 = vector.broadcast %broadcast_in_dim3A : vector<1x128xf32> to vector<1250x128xf32>
    %add3A_23 = arith.addf %dot_general3A_19, %add3A_22 : vector<1250x128xf32>
    %swap3A = arith.constant 0 : index
    %swap3A_24 = arith.constant 0 : index
    %swap3A_25 = arith.constant 0 : index
    %swap3A_26 = vector.load %arg5[%swap3A, %swap3A_24, %swap3A_25] : memref<1250x8x128xf32, #tpu.memory_space<vmem>>, vector<1250x1x128xf32>
    %swap3A_27 = vector.shape_cast %swap3A_26 : vector<1250x1x128xf32> to vector<1250x128xf32>
    %swap3A_28 = vector.shape_cast %add3A_23 : vector<1250x128xf32> to vector<1250x1x128xf32>
    tpu.vector_store %arg5[%swap3A, %swap3A_24, %swap3A_25], %swap3A_28 {strides = array<i32>} : memref<1250x8x128xf32, #tpu.memory_space<vmem>>, vector<1250x1x128xf32>,
    %get3A_29 = arith.constant 0 : index
    %get3A_30 = arith.constant 128 : index
    %get3A_31 = vector.load %arg3[%get3A_29, %get3A_30] : memref<128x1024xf32, #tpu.memory_space<vmem>>, vector<128x128xf32>
    %dot_general3A_32 = arith.constant dense<0.000000e+00> : vector<1250x128xf32>
    %dot_general3A_33 = tpu.matmul %mul3A, %get3A_31, %dot_general3A_32 {dimension_numbers = #tpu.dot_dimension_numbers<[1], [0], [0], [1], [0, 0, 1, 1], [], []>, transpose_lhs_hint = false} : vector<1250x128xf32>, vector<128x128xf32>, vector<1250x128xf32> -> vector<1250x128xf32>
    %get3A_34 = arith.constant 128 : index
    %get3A_35 = vector.load %arg4[%get3A_34] : memref<1024xf32, #tpu.memory_space<vmem>>, vector<128xf32>
    %broadcast_in_dim3A_36 = vector.shape_cast %get3A_35 : vector<128xf32> to vector<1x128xf32>
    %add3A_37 = vector.broadcast %broadcast_in_dim3A_36 : vector<1x128xf32> to vector<1250x128xf32>
    %add3A_38 = arith.addf %dot_general3A_33, %add3A_37 : vector<1250x128xf32>
    %swap3A_39 = arith.constant 0 : index
    %swap3A_40 = arith.constant 1 : index
    %swap3A_41 = arith.constant 0 : index
    %swap3A_42 = vector.load %arg5[%swap3A_39, %swap3A_40, %swap3A_41] : memref<1250x8x128xf32, #tpu.memory_space<vmem>>, vector<1250x1x128xf32>
    %swap3A_43 = vector.shape_cast %swap3A_42 : vector<1250x1x128xf32> to vector<1250x128xf32>
    %swap3A_44 = vector.shape_cast %add3A_38 : vector<1250x128xf32> to vector<1250x1x128xf32>
    tpu.vector_store %arg5[%swap3A_39, %swap3A_40, %swap3A_41], %swap3A_44 {strides = array<i32>} : memref<1250x8x128xf32, #tpu.memory_space<vmem>>, vector<1250x1x128xf32>,
    %get3A_45 = arith.constant 0 : index
    %get3A_46 = arith.constant 256 : index
    %get3A_47 = vector.load %arg3[%get3A_45, %get3A_46] : memref<128x1024xf32, #tpu.memory_space<vmem>>, vector<128x128xf32>
    %dot_general3A_48 = arith.constant dense<0.000000e+00> : vector<1250x128xf32>
    %dot_general3A_49 = tpu.matmul %mul3A, %get3A_47, %dot_general3A_48 {dimension_numbers = #tpu.dot_dimension_numbers<[1], [0], [0], [1], [0, 0, 1, 1], [], []>, transpose_lhs_hint = false} : vector<1250x128xf32>, vector<128x128xf32>, vector<1250x128xf32> -> vector<1250x128xf32>
    %get3A_50 = arith.constant 256 : index
    %get3A_51 = vector.load %arg4[%get3A_50] : memref<1024xf32, #tpu.memory_space<vmem>>, vector<128xf32>
    %broadcast_in_dim3A_52 = vector.shape_cast %get3A_51 : vector<128xf32> to vector<1x128xf32>
    %add3A_53 = vector.broadcast %broadcast_in_dim3A_52 : vector<1x128xf32> to vector<1250x128xf32>
    %add3A_54 = arith.addf %dot_general3A_49, %add3A_53 : vector<1250x128xf32>
    %swap3A_55 = arith.constant 0 : index
    %swap3A_56 = arith.constant 2 : index
    %swap3A_57 = arith.constant 0 : index
    %swap3A_58 = vector.load %arg5[%swap3A_55, %swap3A_56, %swap3A_57] : memref<1250x8x128xf32, #tpu.memory_space<vmem>>, vector<1250x1x128xf32>
    %swap3A_59 = vector.shape_cast %swap3A_58 : vector<1250x1x128xf32> to vector<1250x128xf32>
    %swap3A_60 = vector.shape_cast %add3A_54 : vector<1250x128xf32> to vector<1250x1x128xf32>
    tpu.vector_store %arg5[%swap3A_55, %swap3A_56, %swap3A_57], %swap3A_60 {strides = array<i32>} : memref<1250x8x128xf32, #tpu.memory_space<vmem>>, vector<1250x1x128xf32>,
    %get3A_61 = arith.constant 0 : index
    %get3A_62 = arith.constant 384 : index
    %get3A_63 = vector.load %arg3[%get3A_61, %get3A_62] : memref<128x1024xf32, #tpu.memory_space<vmem>>, vector<128x128xf32>
    %dot_general3A_64 = arith.constant dense<0.000000e+00> : vector<1250x128xf32>
    %dot_general3A_65 = tpu.matmul %mul3A, %get3A_63, %dot_general3A_64 {dimension_numbers = #tpu.dot_dimension_numbers<[1], [0], [0], [1], [0, 0, 1, 1], [], []>, transpose_lhs_hint = false} : vector<1250x128xf32>, vector<128x128xf32>, vector<1250x128xf32> -> vector<1250x128xf32>
    %get3A_66 = arith.constant 384 : index
    %get3A_67 = vector.load %arg4[%get3A_66] : memref<1024xf32, #tpu.memory_space<vmem>>, vector<128xf32>
    %broadcast_in_dim3A_68 = vector.shape_cast %get3A_67 : vector<128xf32> to vector<1x128xf32>
    %add3A_69 = vector.broadcast %broadcast_in_dim3A_68 : vector<1x128xf32> to vector<1250x128xf32>
    %add3A_70 = arith.addf %dot_general3A_65, %add3A_69 : vector<1250x128xf32>
    %swap3A_71 = arith.constant 0 : index
    %swap3A_72 = arith.constant 3 : index
    %swap3A_73 = arith.constant 0 : index
    %swap3A_74 = vector.load %arg5[%swap3A_71, %swap3A_72, %swap3A_73] : memref<1250x8x128xf32, #tpu.memory_space<vmem>>, vector<1250x1x128xf32>
    %swap3A_75 = vector.shape_cast %swap3A_74 : vector<1250x1x128xf32> to vector<1250x128xf32>
    %swap3A_76 = vector.shape_cast %add3A_70 : vector<1250x128xf32> to vector<1250x1x128xf32>
    tpu.vector_store %arg5[%swap3A_71, %swap3A_72, %swap3A_73], %swap3A_76 {strides = array<i32>} : memref<1250x8x128xf32, #tpu.memory_space<vmem>>, vector<1250x1x128xf32>,
    %get3A_77 = arith.constant 0 : index
    %get3A_78 = arith.constant 512 : index
    %get3A_79 = vector.load %arg3[%get3A_77, %get3A_78] : memref<128x1024xf32, #tpu.memory_space<vmem>>, vector<128x128xf32>
    %dot_general3A_80 = arith.constant dense<0.000000e+00> : vector<1250x128xf32>
    %dot_general3A_81 = tpu.matmul %mul3A, %get3A_79, %dot_general3A_80 {dimension_numbers = #tpu.dot_dimension_numbers<[1], [0], [0], [1], [0, 0, 1, 1], [], []>, transpose_lhs_hint = false} : vector<1250x128xf32>, vector<128x128xf32>, vector<1250x128xf32> -> vector<1250x128xf32>
    %get3A_82 = arith.constant 512 : index
    %get3A_83 = vector.load %arg4[%get3A_82] : memref<1024xf32, #tpu.memory_space<vmem>>, vector<128xf32>
    %broadcast_in_dim3A_84 = vector.shape_cast %get3A_83 : vector<128xf32> to vector<1x128xf32>
    %add3A_85 = vector.broadcast %broadcast_in_dim3A_84 : vector<1x128xf32> to vector<1250x128xf32>
    %add3A_86 = arith.addf %dot_general3A_81, %add3A_85 : vector<1250x128xf32>
    %swap3A_87 = arith.constant 0 : index
    %swap3A_88 = arith.constant 4 : index
    %swap3A_89 = arith.constant 0 : index
    %swap3A_90 = vector.load %arg5[%swap3A_87, %swap3A_88, %swap3A_89] : memref<1250x8x128xf32, #tpu.memory_space<vmem>>, vector<1250x1x128xf32>
    %swap3A_91 = vector.shape_cast %swap3A_90 : vector<1250x1x128xf32> to vector<1250x128xf32>
    %swap3A_92 = vector.shape_cast %add3A_86 : vector<1250x128xf32> to vector<1250x1x128xf32>
    tpu.vector_store %arg5[%swap3A_87, %swap3A_88, %swap3A_89], %swap3A_92 {strides = array<i32>} : memref<1250x8x128xf32, #tpu.memory_space<vmem>>, vector<1250x1x128xf32>,
    %get3A_93 = arith.constant 0 : index
    %get3A_94 = arith.constant 640 : index
    %get3A_95 = vector.load %arg3[%get3A_93, %get3A_94] : memref<128x1024xf32, #tpu.memory_space<vmem>>, vector<128x128xf32>
    %dot_general3A_96 = arith.constant dense<0.000000e+00> : vector<1250x128xf32>
    %dot_general3A_97 = tpu.matmul %mul3A, %get3A_95, %dot_general3A_96 {dimension_numbers = #tpu.dot_dimension_numbers<[1], [0], [0], [1], [0, 0, 1, 1], [], []>, transpose_lhs_hint = false} : vector<1250x128xf32>, vector<128x128xf32>, vector<1250x128xf32> -> vector<1250x128xf32>
    %get3A_98 = arith.constant 640 : index
    %get3A_99 = vector.load %arg4[%get3A_98] : memref<1024xf32, #tpu.memory_space<vmem>>, vector<128xf32>
    %broadcast_in_dim3A_100 = vector.shape_cast %get3A_99 : vector<128xf32> to vector<1x128xf32>
    %add3A_101 = vector.broadcast %broadcast_in_dim3A_100 : vector<1x128xf32> to vector<1250x128xf32>
    %add3A_102 = arith.addf %dot_general3A_97, %add3A_101 : vector<1250x128xf32>
    %swap3A_103 = arith.constant 0 : index
    %swap3A_104 = arith.constant 5 : index
    %swap3A_105 = arith.constant 0 : index
    %swap3A_106 = vector.load %arg5[%swap3A_103, %swap3A_104, %swap3A_105] : memref<1250x8x128xf32, #tpu.memory_space<vmem>>, vector<1250x1x128xf32>
    %swap3A_107 = vector.shape_cast %swap3A_106 : vector<1250x1x128xf32> to vector<1250x128xf32>
    %swap3A_108 = vector.shape_cast %add3A_102 : vector<1250x128xf32> to vector<1250x1x128xf32>
    tpu.vector_store %arg5[%swap3A_103, %swap3A_104, %swap3A_105], %swap3A_108 {strides = array<i32>} : memref<1250x8x128xf32, #tpu.memory_space<vmem>>, vector<1250x1x128xf32>,
    %get3A_109 = arith.constant 0 : index
    %get3A_110 = arith.constant 768 : index
    %get3A_111 = vector.load %arg3[%get3A_109, %get3A_110] : memref<128x1024xf32, #tpu.memory_space<vmem>>, vector<128x128xf32>
    %dot_general3A_112 = arith.constant dense<0.000000e+00> : vector<1250x128xf32>
    %dot_general3A_113 = tpu.matmul %mul3A, %get3A_111, %dot_general3A_112 {dimension_numbers = #tpu.dot_dimension_numbers<[1], [0], [0], [1], [0, 0, 1, 1], [], []>, transpose_lhs_hint = false} : vector<1250x128xf32>, vector<128x128xf32>, vector<1250x128xf32> -> vector<1250x128xf32>
    %get3A_114 = arith.constant 768 : index
    %get3A_115 = vector.load %arg4[%get3A_114] : memref<1024xf32, #tpu.memory_space<vmem>>, vector<128xf32>
    %broadcast_in_dim3A_116 = vector.shape_cast %get3A_115 : vector<128xf32> to vector<1x128xf32>
    %add3A_117 = vector.broadcast %broadcast_in_dim3A_116 : vector<1x128xf32> to vector<1250x128xf32>
    %add3A_118 = arith.addf %dot_general3A_113, %add3A_117 : vector<1250x128xf32>
    %swap3A_119 = arith.constant 0 : index
    %swap3A_120 = arith.constant 6 : index
    %swap3A_121 = arith.constant 0 : index
    %swap3A_122 = vector.load %arg5[%swap3A_119, %swap3A_120, %swap3A_121] : memref<1250x8x128xf32, #tpu.memory_space<vmem>>, vector<1250x1x128xf32>
    %swap3A_123 = vector.shape_cast %swap3A_122 : vector<1250x1x128xf32> to vector<1250x128xf32>
    %swap3A_124 = vector.shape_cast %add3A_118 : vector<1250x128xf32> to vector<1250x1x128xf32>
    tpu.vector_store %arg5[%swap3A_119, %swap3A_120, %swap3A_121], %swap3A_124 {strides = array<i32>} : memref<1250x8x128xf32, #tpu.memory_space<vmem>>, vector<1250x1x128xf32>,
    %get3A_125 = arith.constant 0 : index
    %get3A_126 = arith.constant 896 : index
    %get3A_127 = vector.load %arg3[%get3A_125, %get3A_126] : memref<128x1024xf32, #tpu.memory_space<vmem>>, vector<128x128xf32>
    %dot_general3A_128 = arith.constant dense<0.000000e+00> : vector<1250x128xf32>
    %dot_general3A_129 = tpu.matmul %mul3A, %get3A_127, %dot_general3A_128 {dimension_numbers = #tpu.dot_dimension_numbers<[1], [0], [0], [1], [0, 0, 1, 1], [], []>, transpose_lhs_hint = false} : vector<1250x128xf32>, vector<128x128xf32>, vector<1250x128xf32> -> vector<1250x128xf32>
    %get3A_130 = arith.constant 896 : index
    %get3A_131 = vector.load %arg4[%get3A_130] : memref<1024xf32, #tpu.memory_space<vmem>>, vector<128xf32>
    %broadcast_in_dim3A_132 = vector.shape_cast %get3A_131 : vector<128xf32> to vector<1x128xf32>
    %add3A_133 = vector.broadcast %broadcast_in_dim3A_132 : vector<1x128xf32> to vector<1250x128xf32>
    %add3A_134 = arith.addf %dot_general3A_129, %add3A_133 : vector<1250x128xf32>
    %swap3A_135 = arith.constant 0 : index
    %swap3A_136 = arith.constant 7 : index
    %swap3A_137 = arith.constant 0 : index
    %swap3A_138 = vector.load %arg5[%swap3A_135, %swap3A_136, %swap3A_137] : memref<1250x8x128xf32, #tpu.memory_space<vmem>>, vector<1250x1x128xf32>
    %swap3A_139 = vector.shape_cast %swap3A_138 : vector<1250x1x128xf32> to vector<1250x128xf32>
    %swap3A_140 = vector.shape_cast %add3A_134 : vector<1250x128xf32> to vector<1250x1x128xf32>
    tpu.vector_store %arg5[%swap3A_135, %swap3A_136, %swap3A_137], %swap3A_140 {strides = array<i32>} : memref<1250x8x128xf32, #tpu.memory_space<vmem>>, vector<1250x1x128xf32>,
    return
  }
}

</mosaic_0001>

<sc_bundles>
// kernel: kernel.12.cloned.1.call-start
scs
__scs_entry_jumppad:
0x0: {  	(pc) =	sbr.rel $0x88, $3  }
0x1: {  	(tag) =	ssettag $0x0;
	lr =	simm.s32 $0x1  }
0x2: {  	[smem:$0x3F9B] =	sst lr;
	_ =	strace $0xD0000000  }
0x3: {  	_ = 	snop  }
0x4: {  	_ = 	snop  }
0x5: {  	_ = 	snop  }
0x6: {  	_ = 	snop  }
0x7: {  	_ = 	snop  }
__scs_overlays_trampoline_lowered:
0x8: {  	[smem:$0x3FAA] =	sst s0  }
0x9: {  	[smem:$0x3FAB] =	sst s1  }
0xa: {  	[smem:$0x3FAC] =	sst s2  }
0xb: {  	[smem:$0x3FAD] =	sst s3  }
0xc: {  	[smem:$0x3FAE] =	sst s4  }
0xd: {  	[smem:$0x3FAF] =	sst s5  }
0xe: {  	[smem:$0x3FB0] =	sst s6  }
0xf: {  	[smem:$0x3FB1] =	sst s7  }
0x10: {  	[smem:$0x3FB2] =	sst s8  }
0x11: {  	[smem:$0x3FB3] =	sst s9;
	s0 =	simm.s32 @!p0 $0x0  }
0x12: {  	s1 =	sld [smem:$0x3F99];
	s0 =	simm.s32 @p0 $0x1  }
0x13: {  	[smem:$0x3FB4] =	sst s0;
	s0 =	simm.s32 @!p1 $0x0  }
0x14: {  	s2 =	sld [smem:$0x3F98];
	s0 =	simm.s32 @p1 $0x1  }
0x15: {  	[smem:$0x3FB5] =	sst s0;
	s0 =	simm.s32 @!p2 $0x0  }
0x16: {  	s3 =	sld [smem:$0x3FDB];
	s0 =	simm.s32 @p2 $0x1  }
0x17: {  	s4 =	simm.s32 $0x1BF5;
	[smem:$0x3FB7] =	sst s0  }
0x18: {  	s0 =	sld [smem:$0x3F9A];
	_ =	swait.ge [sflag:s4], $0x0  }
0x19: {  	s7 =	sld [smem:$0x3F9B]  }
0x1a: {  	s8 =	sadd.s32 $0xFFFFE003, lr  }
0x1b: {  	s9 =	sadd.s32 $0xFFFFFEF7, lr;
	s5 =	simm.s32 $0xFFFFFFFF;
	p2 =	slt.u32 s8, $0xFFFFF086  }
0x1c: {  	p1 =	slt.u32 s9, $0xF7A;
	s5 =	simm.s32 @!p2 $0x0  }
0x1d: {  	s5 =	simm.s32 @p1 $0x1;
	p0 =	seq.s32 s7, s2  }
0x1e: {  	s7 =	smul.u32 @!p0 $0xF7A, s2;
	p2 =	seq.s32 @!p0 s5, $0x0  }
0x1f: {  	s9 =	smul.u32 $0xF7A, s1;
	s8 =	simm.s32 @!p0 $0x1BF5;
	p2 =	por !p2, p0  }
0x20: {  	[sflag:s8] =	ssyncset.s32 @!p0 $0xFFFFF086;
	s6 =	sadd.s32 @!p0 s3, s7;
	s7 =	simm.s32 @!p0 $0x108  }
0x21: {  	s3 =	sadd.s32 s3, s9;
	s6 =	sadd.s32 @!p0 $0x88, s6;
	s7 =	simm.s32 @p2 $0x1082  }
0x22: {  	[simem:s7], [sflag:s8] =	dma.local @!p0 [hbm:s6], $0xF7A  }
0x23: {  	s9 =	sor.u32 $0xD0000000, s2;
	s6 =	simm.s32 $0x108;
	_ =	swait.ge @!p0 [sflag:s8], $0x0  }
0x24: {  	s3 =	sadd.s32 $0x88, s3;
	s6 =	simm.s32 @!p1 $0x1082;
	[sflag:s4] =	ssyncset.s32 $0xFFFFF086  }
0x25: {  	[simem:s6], [sflag:s4] =	dma.local [hbm:s3], $0xF7A  }
0x26: {  	[smem:$0x3F9B] =	sst s1;
	(tag) =	ssettag s2;
	_ =	strace s9  }
0x27: {  	s1 =	sld [smem:$0x3FAB]  }
0x28: {  	s2 =	sld [smem:$0x3FAC]  }
0x29: {  	s4 =	sld [smem:$0x3FAE]  }
0x2a: {  	p0 =	seq.s32 s5, $0x0;
	s5 =	sld [smem:$0x3FAF]  }
0x2b: {  	s6 =	sld [smem:$0x3FB0]  }
0x2c: {  	s7 =	sld [smem:$0x3FB1]  }
0x2d: {  	s3 =	simm.s32 $0x108;
	s8 =	sld [smem:$0x3FB2]  }
0x2e: {  	s3 =	simm.s32 @!p0 $0x1082;
	s9 =	sld [smem:$0x3FB3]  }
0x2f: {  	lr =	sadd.s32 s0, s3;
	s0 =	sld [smem:$0x3FAA]  }
0x30: {  	s3 =	sld [smem:$0x3FAD]  }
0x31: {  	[smem:$0x3FB6] =	sst s10  }
0x32: {  	s10 =	sld [smem:$0x3FB4];
	_ =	sdelay $0x3  }
0x33: {  	p0 =	seq.s32 s10, $0x1;
	s10 =	sld [smem:$0x3FB6];
	_ =	sdelay $0x3  }
0x34: {  	[smem:$0x3FB6] =	sst s10  }
0x35: {  	s10 =	sld [smem:$0x3FB5];
	_ =	sdelay $0x3  }
0x36: {  	p1 =	seq.s32 s10, $0x1;
	s10 =	sld [smem:$0x3FB6];
	_ =	sdelay $0x3  }
0x37: {  	[smem:$0x3FB6] =	sst s10  }
0x38: {  	s10 =	sld [smem:$0x3FB7]  }
0x39: {  	_ = 	snop;
	(pc) =	sbr.ind lr, $3  }
0x3a: {  	_ = 	snop  }
0x3b: {  	_ = 	snop  }
0x3c: {  	p2 =	seq.s32 s10, $0x1;
	s10 =	sld [smem:$0x3FB6]  }
0x3d: {  	_ =	shalt  }
0x3e: {  	_ =	shalt  }
0x3f: {  	_ =	shalt  }
0x40: {  	_ =	shalt  }
0x41: {  	_ =	shalt  }
0x42: {  	_ =	shalt  }
0x43: {  	_ =	shalt  }
0x44: {  	_ =	shalt  }
0x45: {  	_ =	shalt  }
0x46: {  	_ =	shalt  }
0x47: {  	_ =	shalt  }
0x48: {  	_ =	shalt  }
0x49: {  	_ =	shalt  }
0x4a: {  	_ =	shalt  }
0x4b: {  	_ =	shalt  }
0x4c: {  	_ =	shalt  }
0x4d: {  	_ =	shalt  }
0x4e: {  	_ =	shalt  }
0x4f: {  	_ =	shalt  }
0x50: {  	_ =	shalt  }
0x51: {  	_ =	shalt  }
0x52: {  	_ =	shalt  }
0x53: {  	_ =	shalt  }
0x54: {  	_ =	shalt  }
0x55: {  	_ =	shalt  }
0x56: {  	_ =	shalt  }
0x57: {  	_ =	shalt  }
0x58: {  	_ =	shalt  }
0x59: {  	_ =	shalt  }
0x5a: {  	_ =	shalt  }
0x5b: {  	_ =	shalt  }
0x5c: {  	_ =	shalt  }
0x5d: {  	_ =	shalt  }
0x5e: {  	_ =	shalt  }
0x5f: {  	_ =	shalt  }
0x60: {  	_ =	shalt  }
0x61: {  	_ =	shalt  }
0x62: {  	_ =	shalt  }
0x63: {  	_ =	shalt  }
0x64: {  	_ =	shalt  }
0x65: {  	_ =	shalt  }
0x66: {  	_ =	shalt  }
0x67: {  	_ =	shalt  }
0x68: {  	_ =	shalt  }
0x69: {  	_ =	shalt  }
0x6a: {  	_ =	shalt  }
0x6b: {  	_ =	shalt  }
0x6c: {  	_ =	shalt  }
0x6d: {  	_ =	shalt  }
0x6e: {  	_ =	shalt  }
0x6f: {  	_ =	shalt  }
0x70: {  	_ =	shalt  }
0x71: {  	_ =	shalt  }
0x72: {  	_ =	shalt  }
0x73: {  	_ =	shalt  }
0x74: {  	_ =	shalt  }
0x75: {  	_ =	shalt  }
0x76: {  	_ =	shalt  }
0x77: {  	_ =	shalt  }
0x78: {  	_ =	shalt  }
0x79: {  	_ =	shalt  }
0x7a: {  	_ =	shalt  }
0x7b: {  	_ =	shalt  }
0x7c: {  	_ =	shalt  }
0x7d: {  	_ =	shalt  }
0x7e: {  	_ =	shalt  }
0x7f: {  	_ =	shalt  }
0x80: {  	_ =	shalt  }
0x81: {  	_ =	shalt  }
0x82: {  	_ =	shalt  }
0x83: {  	_ =	shalt  }
0x84: {  	_ =	shalt  }
0x85: {  	_ =	shalt  }
0x86: {  	_ =	shalt  }
0x87: {  	_ =	shalt  }
.Lfunc_end0:
.L_simem_size_0:
called_computation.1_lowered:
.L_overlay_start_0:
0x88: {  	s2 =	sld [smem:$0x3FD9]  }
0x89: {  	s3 =	sld [smem:$0x3FFE];
	_ =	sdelay $0x1  }
0x8a: {  	s1 =	srdreg.scid  }
0x8b: {  	s0 =	sand.u32 $0x1, s1  }
0x8c: {  	s17 =	sshll.u32 s0, $0xA;
	s2 =	sadd.s32 s3, s2  }
0x8d: {  	s2 =	sadd.s32 s2, s17  }
0x8e: {  	[smem:$0x3FC2] =	sst s2  }
0x8f: {  	_ = 	snop  }
0x90: {  	s2 =	sld [smem:$0x3FD0];
	(tm) =	ssettm $0x1  }
0x91: {  	s18 =	sld [smem:$0x3FFB];
	_ =	sdelay $0x3  }
0x92: {  	_ =	strace s18  }
0x93: {  	s3 =	sld [smem:$0x3FFC];
	_ =	sdelay $0x3  }
0x94: {  	_ =	strace s3  }
0x95: {  	s3 =	sld [smem:$0x3FFD];
	_ =	sdelay $0x3  }
0x96: {  	_ =	strace s3  }
0x97: {  	_ =	strace $0x8FFFFFFF  }
0x98: {  	s19 =	sld [smem:$0x3FDB];
	_ =	sdelay $0x1  }
0x99: {  	s4 =	simm.s32 $_scs_section_size  }
0x9a: {  	s5 =	simm.s32 $_size__tile_overlayer_lowered;
	s6 =	simm.s32 $_tile_overlayer_lowered  }
0x9b: {  	s22 =	simm.s32 $0x1BFF;
	s21 =	sshll.u32 s6, $0x1;
	s3 =	sadd.s32 s4, s19  }
0x9c: {  	s7 =	simm.s32 $0x0;
	s20 =	sshll.u32 s5, $0x1;
	s5 =	sadd.s32 s21, s3  }
0x9d: {  	[timem:s7], [sflag:s22] =	dma.local [hbm:s5], s20  }
0x9e: {  	_ =	swait.ge [sflag:s22], s20  }
0x9f: {  	s4 =	ssub.s32 $0x0, s20;
	[sflag:s22] =	ssyncset.done $0x0  }
0xa0: {  	[sflag:s22] =	ssyncadd.s32 s4;
	_ =	sdelay $0x1  }
0xa1: {  	s23 =	simm.s32 $0x1B8B  }
0xa2: {  	_ =	swait.ge [sflag:s23], $0x1  }
0xa3: {  	[sflag:s23] =	ssyncset.done $0x0  }
0xa4: {  	s25 =	simm.s32 $0x1B8E;
	s24 =	sld [smem:$0x3FFE];
	[sflag:s23] =	ssyncadd.s32 $0xFFFFFFFF  }
0xa5: {  	s26 =	simm.s32 $execute0_lowered;
	[smem:$0x3FD2] =	sst s25  }
0xa6: {  	s5 =	sshll.u32 s26, $0x1;
	_ =	strace $0x80000049;
	[dreg:$0x1] =	wrdreg $0xFFFFFFFF  }
0xa7: {  	s28 =	simm.s32 $_size_execute0_lowered;
	s3 =	sadd.s32 s3, s5;
	[dreg:$0x0] =	wrdreg $0x0  }
0xa8: {  	s5 =	sshll.u32 s28, $0x1;
	[dreg:$0x2] =	wrdreg s3  }
0xa9: {  	[dreg:$0x3] =	wrdreg s5  }
0xaa: {  	[dreg:$0x4] =	wrdreg $0xC0  }
0xab: {  	_ =	task [dreg:s7], $0x5FFFF  }
0xac: {  	[dreg:$0x1] =	wrdreg $0xFFFFFFFF  }
0xad: {  	[dreg:$0x0] =	wrdreg $0x60  }
0xae: {  	[dreg:$0x2] =	wrdreg s24  }
0xaf: {  	[dreg:$0x3] =	wrdreg s2  }
0xb0: {  	[dreg:$0x4] =	wrdreg $0x186A00  }
0xb1: {  	[dreg:$0x5] =	wrdreg $0x9  }
0xb2: {  	_ =	task.clear_ibuf [dreg:s7], $0x6FFFF;
	_ =	strace $0x90000049  }
0xb3: {  	s29 =	simm.s32 $0x9;
	_ =	strace $0x8000004B  }
0xb4: {  	_ =	swait.ge [sflag:s29], $0x1  }
0xb5: {  	[sflag:s29] =	ssyncadd.s32 $0xFFFFFFFF  }
0xb6: {  	_ =	strace $0x9000004B  }
0xb7: {  	_ =	sfence  }
0xb8: {  	s30 =	sld [smem:$0x0];
	_ =	sdelay $0x2  }
0xb9: {  	s31 =	sshll.u32 s1, $0xD;
	s1 =	sshrl.u32 s1, $0x2  }
0xba: {  	s3 =	sand.u32 $0x4000, s31;
	s1 =	sadd.s32 s1, s30  }
0xbb: {  	s0 =	sor.u32 s3, s0;
	s1 =	sshll.u32 s1, $0x11  }
0xbc: {  	s0 =	sor.u32 s1, s0  }
0xbd: {  	s0 =	sadd.s32 $0x8F2B, s0  }
0xbe: {  	[sflag:s0] =	ssyncadd.remote.s32 $0x1  }
0xbf: {  	_ =	sfence.sel $0xFFFF  }
0xc0: {  	[dreg:$0x0] =	wrdreg $0xFFFFFFFF;
	(pc) =	sbr.abs _section_cstart, $3  }
0xc1: {  	[dreg:$0x1] =	wrdreg $0xFFFFFFFF  }
0xc2: {  	_ =	task.clear_ibuf [dreg:s7], $0x2FFFF;
	_ =	strace $0x9FFFFFFF  }
0xc3: {  	(tm) =	ssettm $0x7FFFFFFF  }
tec
execute0_lowered:
.L_overlay_start_1:
0x0: {  	(tag) =	ssettag $0x1  }
0x1: {  	s8 =	rddreg [dreg:$0x0]  }
0x2: {  	s4 =	rddreg [dreg:$0x1]  }
0x3: {  	s2 =	rddreg [dreg:$0x2];
	s3 =	simm.s32 $0x0  }
0x4: {  	s11 =	simm.s32 $0x7D0;
	[smem:$0x7FF] =	sst s3  }
0x5: {  	s12 =	simm.s32 $0xBB8;
	_ =	strace $0x8000004A;
	[dreg:$0x8] =	wrdreg s11  }
0x6: {  	s13 =	simm.s32 $0xFA0;
	[dreg:$0x9] =	wrdreg s12  }
0x7: {  	s14 =	simm.s32 $0x1388;
	[dreg:$0xa] =	wrdreg s13  }
0x8: {  	s15 =	simm.s32 $0x2AF8;
	[dreg:$0xb] =	wrdreg s14  }
0x9: {  	s16 =	simm.s32 $0x1770;
	[dreg:$0xc] =	wrdreg s15  }
0xa: {  	s17 =	simm.s32 $0x2EE0;
	[dreg:$0xd] =	wrdreg s16  }
0xb: {  	s0 =	srdreg.scid;
	s18 =	simm.s32 $0x1B58;
	[dreg:$0xe] =	wrdreg s17  }
0xc: {  	s25 =	stileid.u32;
	s19 =	simm.s32 $0x32C8;
	[dreg:$0xf] =	wrdreg s18  }
0xd: {  	s20 =	simm.s32 $0x1F40;
	s21 =	simm.s32 $0x36B0;
	[dreg:$0x10] =	wrdreg s19  }
0xe: {  	s22 =	simm.s32 $0x2328;
	s29 =	sand.u32 $0x1, s0;
	[dreg:$0x11] =	wrdreg s20  }
0xf: {  	s5 =	smul.u32 $0x2800, s25;
	s30 =	sshll.u32 s25, $0x6;
	[dreg:$0x12] =	wrdreg s21  }
0x10: {  	s1 =	sshll.u32 s29, $0x4;
	s7 =	smul.u32 $0x28000, s29;
	[dreg:$0x13] =	wrdreg s22  }
0x11: {  	s11 =	simm.s32 $0x3A98;
	s6 =	sor.u32 s25, s1;
	s9 =	sshrl.u32 s5, $0x3  }
0x12: {  	[dreg:$0x14] =	wrdreg s11;
	s6 =	smul.u32 $0x2710, s6;
	s7 =	sadd.s32 s5, s7  }
0x13: {  	s26 =	sadd.s32 s9, s8;
	s9 =	sor.u32 $0x1C07, s30;
	s7 =	sshrl.u32 s7, $0x3  }
0x14: {  	[dreg:$0x6] =	wrdreg s9;
	s6 =	sshrl.u32 s6, $0x3;
	s7 =	sadd.s32 s7, s8  }
0x15: {  	s12 =	rddreg [dreg:$0x6];
	s4 =	sadd.s32 s4, s6;
	s6 =	sadd.s32 $0x8400, s26  }
0x16: {  	s10 =	sadd.s32 $0xD400, s7;
	[dreg:$0x5] =	wrdreg s6  }
0x17: {  	s1 =	sadd.s32 $0x9C40, s4;
	[dreg:$0x7] =	wrdreg s10  }
0x18: {  	[tilespmem:s3], [sflag:$0x1] =	stream.linear.gather [hbm4b:s4+s3], $0x2710, $0x38;
	[tilespmem:$0x1AEA0] =	vst v63  }
0x19: {  	[dreg:$0x4] =	wrdreg s1  }
0x1a: {  	s24 =	sadd.s32 s5, s2;
	s5 =	simm.s32 $0x2710;
	s23 =	rddreg [dreg:$0x5]  }
0x1b: {  	s7 =	simm.s32 $0x1;
	s6 =	sshrl.u32 s24, $0x3;
	s10 =	rddreg [dreg:$0x4]  }
0x1c: {  	[tilespmem:s5], [sflag:$0x6] =	stream.linear.gather [hbm4b:s10+s3], $0x2710, $0x38;
	[tilespmem:$0x1AEA0] =	vst v63  }
0x1d: {  	[spmem:s6], [sflag:s12] =	dma.local [hbm:s23], $0x500  }
0x1e: {  	_ =	swait.ge [sflag:s7], $0x2710  }
0x1f: {  	s9 =	simm.s32 $0x3E8;
	[sflag:s7] =	ssyncset.done $0x0  }
0x20: {  	s8 =	sadd.s32 $0x3400, s8;
	s10 =	simm.s32 $0x4E20;
	[sflag:s7] =	ssyncadd.s32 $0xFFFFD8F0  }
0x21: {  	[tilespmem:s10], [sflag:$0x1] =	stream.indirect.gather [hbm4b:s8+s9], $0x10, s3, s9, $0xb8;
	[tilespmem:$0x1AEA0] =	vst v63  }
0x22: {  	s11 =	simm.s32 $0x8CA0  }
0x23: {  	[tilespmem:s11], [sflag:$0x2] =	stream.indirect.gather [hbm4b:s8+s9], $0x10, s9, s9, $0xb8;
	[tilespmem:$0x1AEA0] =	vst v63  }
0x24: {  	s12 =	simm.s32 $0xCB20;
	s13 =	rddreg [dreg:$0x8]  }
0x25: {  	[tilespmem:s12], [sflag:$0x3] =	stream.indirect.gather [hbm4b:s8+s9], $0x10, s13, s9, $0xb8;
	[tilespmem:$0x1AEA0] =	vst v63  }
0x26: {  	s14 =	rddreg [dreg:$0x9];
	s13 =	simm.s32 $0x109A0  }
0x27: {  	[tilespmem:s13], [sflag:$0x4] =	stream.indirect.gather [hbm4b:s8+s9], $0x10, s14, s9, $0xb8;
	[tilespmem:$0x1AEA0] =	vst v63  }
0x28: {  	s15 =	simm.s32 $0x6;
	s16 =	rddreg [dreg:$0xa];
	s14 =	simm.s32 $0x14820  }
0x29: {  	[tilespmem:s14], [sflag:$0x5] =	stream.indirect.gather [hbm4b:s8+s9], $0x10, s16, s9, $0xb8;
	[tilespmem:$0x1AEA0] =	vst v63  }
0x2a: {  	_ =	swait.ge [sflag:s15], $0x2710  }
0x2b: {  	[sflag:s15] =	ssyncset.done $0x0  }
0x2c: {  	s16 =	simm.s32 $0x7;
	[sflag:s15] =	ssyncadd.s32 $0xFFFFD8F0  }
0x2d: {  	_ =	swait.ge [sflag:s16], $0x500  }
0x2e: {  	[sflag:s16] =	ssyncset.done $0x0  }
0x2f: {  	[sflag:s16] =	ssyncadd.s32 $0xFFFFFB00  }
0x30: {  	[bflag:$0x0] =	sbarrier.arrive $0xFFFF  }
0x31: {  	_ =	swait.ge [sflag:s7], $0x3E80  }
0x32: {  	[sflag:s7] =	ssyncset.done $0x0  }
0x33: {  	[sflag:s7] =	ssyncadd.s32 $0xFFFFC180  }
0x34: {  	[spmem:s2] =	stream.indirect.scatter.add.f32 [tilespmem:s10], [sflag:$0x6], $0x10, s5, s9, $0xb8;
	[tilespmem:$0x1AEA0] =	vst v63  }
0x35: {  	_ =	swait.ge [sflag:s15], $0x3E80  }
0x36: {  	[sflag:s15] =	ssyncset.done $0x0  }
0x37: {  	s17 =	simm.s32 $0x2;
	s18 =	rddreg [dreg:$0xb];
	[sflag:s15] =	ssyncadd.s32 $0xFFFFC180  }
0x38: {  	[tilespmem:s10], [sflag:$0x1] =	stream.indirect.gather [hbm4b:s8+s9], $0x10, s18, s9, $0xb8;
	[tilespmem:$0x1AEA0] =	vst v63  }
0x39: {  	_ =	swait.ge [sflag:s17], $0x3E80  }
0x3a: {  	[sflag:s17] =	ssyncset.done $0x0  }
0x3b: {  	s25 =	rddreg [dreg:$0xc];
	[sflag:s17] =	ssyncadd.s32 $0xFFFFC180  }
0x3c: {  	[spmem:s2] =	stream.indirect.scatter.add.f32 [tilespmem:s11], [sflag:$0x7], $0x10, s25, s9, $0xb8;
	[tilespmem:$0x1AEA0] =	vst v63  }
0x3d: {  	_ =	swait.ge [sflag:s16], $0x3E80  }
0x3e: {  	[sflag:s16] =	ssyncset.done $0x0  }
0x3f: {  	s18 =	simm.s32 $0x3;
	s19 =	rddreg [dreg:$0xd];
	[sflag:s16] =	ssyncadd.s32 $0xFFFFC180  }
0x40: {  	[tilespmem:s11], [sflag:$0x2] =	stream.indirect.gather [hbm4b:s8+s9], $0x10, s19, s9, $0xb8;
	[tilespmem:$0x1AEA0] =	vst v63  }
0x41: {  	_ =	swait.ge [sflag:s18], $0x3E80  }
0x42: {  	[sflag:s18] =	ssyncset.done $0x0  }
0x43: {  	s19 =	simm.s32 $0x8;
	s20 =	rddreg [dreg:$0xe];
	[sflag:s18] =	ssyncadd.s32 $0xFFFFC180  }
0x44: {  	[spmem:s2] =	stream.indirect.scatter.add.f32 [tilespmem:s12], [sflag:$0x8], $0x10, s20, s9, $0xb8;
	[tilespmem:$0x1AEA0] =	vst v63  }
0x45: {  	_ =	swait.ge [sflag:s19], $0x3E80  }
0x46: {  	[sflag:s19] =	ssyncset.done $0x0  }
0x47: {  	s20 =	simm.s32 $0x4;
	s21 =	rddreg [dreg:$0xf];
	[sflag:s19] =	ssyncadd.s32 $0xFFFFC180  }
0x48: {  	[tilespmem:s12], [sflag:$0x3] =	stream.indirect.gather [hbm4b:s8+s9], $0x10, s21, s9, $0xb8;
	[tilespmem:$0x1AEA0] =	vst v63  }
0x49: {  	_ =	swait.ge [sflag:s20], $0x3E80  }
0x4a: {  	[sflag:s20] =	ssyncset.done $0x0  }
0x4b: {  	s21 =	simm.s32 $0x9;
	s22 =	rddreg [dreg:$0x10];
	[sflag:s20] =	ssyncadd.s32 $0xFFFFC180  }
0x4c: {  	[spmem:s2] =	stream.indirect.scatter.add.f32 [tilespmem:s13], [sflag:$0x9], $0x10, s22, s9, $0xb8;
	[tilespmem:$0x1AEA0] =	vst v63  }
0x4d: {  	_ =	swait.ge [sflag:s21], $0x3E80  }
0x4e: {  	[sflag:s21] =	ssyncset.done $0x0  }
0x4f: {  	s22 =	simm.s32 $0x5;
	s23 =	rddreg [dreg:$0x11];
	[sflag:s21] =	ssyncadd.s32 $0xFFFFC180  }
0x50: {  	[tilespmem:s13], [sflag:$0x4] =	stream.indirect.gather [hbm4b:s8+s9], $0x10, s23, s9, $0xb8;
	[tilespmem:$0x1AEA0] =	vst v63  }
0x51: {  	_ =	swait.ge [sflag:s22], $0x3E80  }
0x52: {  	[sflag:s22] =	ssyncset.done $0x0  }
0x53: {  	s23 =	simm.s32 $0xA;
	s26 =	rddreg [dreg:$0x12];
	[sflag:s22] =	ssyncadd.s32 $0xFFFFC180  }
0x54: {  	[spmem:s2] =	stream.indirect.scatter.add.f32 [tilespmem:s14], [sflag:$0xA], $0x10, s26, s9, $0xb8;
	[tilespmem:$0x1AEA0] =	vst v63  }
0x55: {  	_ =	swait.ge [sflag:s23], $0x3E80  }
0x56: {  	[sflag:s23] =	ssyncset.done $0x0  }
0x57: {  	s24 =	rddreg [dreg:$0x13];
	[sflag:s23] =	ssyncadd.s32 $0xFFFFC180  }
0x58: {  	[tilespmem:s14], [sflag:$0x5] =	stream.indirect.gather [hbm4b:s8+s9], $0x10, s24, s9, $0xb8;
	[tilespmem:$0x1AEA0] =	vst v63  }
0x59: {  	_ =	swait.ge [sflag:s7], $0x3E80  }
0x5a: {  	[sflag:s7] =	ssyncset.done $0x0  }
0x5b: {  	s0 =	rddreg [dreg:$0x14];
	[sflag:s7] =	ssyncadd.s32 $0xFFFFC180  }
0x5c: {  	[spmem:s2] =	stream.indirect.scatter.add.f32 [tilespmem:s10], [sflag:$0x6], $0x10, s0, s9, $0xb8;
	[tilespmem:$0x1AEA0] =	vst v63  }
0x5d: {  	_ =	swait.ge [sflag:s17], $0x3E80  }
0x5e: {  	[sflag:s17] =	ssyncset.done $0x0  }
0x5f: {  	s1 =	simm.s32 $0x3E80;
	[sflag:s17] =	ssyncadd.s32 $0xFFFFC180  }
0x60: {  	[spmem:s2] =	stream.indirect.scatter.add.f32 [tilespmem:s11], [sflag:$0x7], $0x10, s1, s9, $0xb8;
	[tilespmem:$0x1AEA0] =	vst v63  }
0x61: {  	_ =	swait.ge [sflag:s18], $0x3E80  }
0x62: {  	[sflag:s18] =	ssyncset.done $0x0  }
0x63: {  	s25 =	simm.s32 $0x4268;
	[sflag:s18] =	ssyncadd.s32 $0xFFFFC180  }
0x64: {  	[spmem:s2] =	stream.indirect.scatter.add.f32 [tilespmem:s12], [sflag:$0x8], $0x10, s25, s9, $0xb8;
	[tilespmem:$0x1AEA0] =	vst v63  }
0x65: {  	_ =	swait.ge [sflag:s20], $0x3E80  }
0x66: {  	[sflag:s20] =	ssyncset.done $0x0  }
0x67: {  	s26 =	simm.s32 $0x4650;
	[sflag:s20] =	ssyncadd.s32 $0xFFFFC180  }
0x68: {  	[spmem:s2] =	stream.indirect.scatter.add.f32 [tilespmem:s13], [sflag:$0x9], $0x10, s26, s9, $0xb8;
	[tilespmem:$0x1AEA0] =	vst v63  }
0x69: {  	_ =	swait.ge [sflag:s22], $0x3E80  }
0x6a: {  	[sflag:s22] =	ssyncset.done $0x0  }
0x6b: {  	s28 =	simm.s32 $0x4A38;
	[sflag:s22] =	ssyncadd.s32 $0xFFFFC180  }
0x6c: {  	[spmem:s2] =	stream.indirect.scatter.add.f32 [tilespmem:s14], [sflag:$0xA], $0x10, s28, s9, $0xb8;
	[tilespmem:$0x1AEA0] =	vst v63  }
0x6d: {  	_ =	swait.ge [sflag:s15], $0x3E80  }
0x6e: {  	[sflag:s15] =	ssyncset.done $0x0  }
0x6f: {  	[sflag:s15] =	ssyncadd.s32 $0xFFFFC180  }
0x70: {  	_ =	swait.ge [sflag:s16], $0x3E80  }
0x71: {  	[sflag:s16] =	ssyncset.done $0x0  }
0x72: {  	[sflag:s16] =	ssyncadd.s32 $0xFFFFC180  }
0x73: {  	_ =	swait.ge [sflag:s19], $0x3E80  }
0x74: {  	[sflag:s19] =	ssyncset.done $0x0  }
0x75: {  	[sflag:s19] =	ssyncadd.s32 $0xFFFFC180  }
0x76: {  	s29 =	ssub.s32 $0x2, s29;
	_ =	swait.ge [sflag:s21], $0x3E80  }
0x77: {  	s24 =	sshrl.u32 s29, $0x1;
	[sflag:s21] =	ssyncset.done $0x0  }
0x78: {  	s1 =	ssub.s32 s29, s24;
	[sflag:s21] =	ssyncadd.s32 $0xFFFFC180  }
0x79: {  	s1 =	smax.u32 s1, $0x1;
	_ =	swait.ge [sflag:s23], $0x3E80  }
0x7a: {  	p0 =	sne.s32 s1, $0x1;
	[sflag:s23] =	ssyncset.done $0x0  }
.Ltmp0:
0x7b: {  	[sflag:s23] =	ssyncadd.s32 $0xFFFFC180;
	(pc) =	sbr.rel @!p0 .LBB2_2-.Ltmp0, $4  }
0x7c: {  	[bflag:$0x0] =	sbarrier.arrive $0xFFFF  }
0x7d: {  	s29 =	sor.u32 $0x1C0B, s30;
	s30 =	simm.s32 $0xB;
	s31 =	rddreg [dreg:$0x7]  }
0x7e: {  	[hbm:s31], [sflag:s29] =	dma.local [spmem:s6], $0x500  }
0x7f: {  	s31 =	sadd.s32 $0xFFFFFFFF, s1;
	_ =	swait.ge [sflag:s30], $0x500  }
.LBB2_1:
0x80: {  	s1 =	rddreg [dreg:$0x5];
	[sflag:s30] =	ssyncset.done $0x0  }
0x81: {  	s0 =	rddreg [dreg:$0x4];
	[sflag:s30] =	ssyncadd.s32 $0xFFFFFB00  }
0x82: {  	[tilespmem:s3], [sflag:$0x1] =	stream.linear.gather [hbm4b:s4+s3], $0x2710, $0x38;
	[tilespmem:$0x1AEA0] =	vst v63  }
0x83: {  	s24 =	rddreg [dreg:$0x6]  }
0x84: {  	[tilespmem:s5], [sflag:$0x6] =	stream.linear.gather [hbm4b:s0+s3], $0x2710, $0x38;
	[tilespmem:$0x1AEA0] =	vst v63  }
0x85: {  	[spmem:s6], [sflag:s24] =	dma.local [hbm:s1], $0x500  }
0x86: {  	_ =	swait.ge [sflag:s7], $0x2710  }
0x87: {  	[sflag:s7] =	ssyncset.done $0x0  }
0x88: {  	[sflag:s7] =	ssyncadd.s32 $0xFFFFD8F0  }
0x89: {  	[tilespmem:s10], [sflag:$0x1] =	stream.indirect.gather [hbm4b:s8+s9], $0x10, s3, s9, $0xb8;
	[tilespmem:$0x1AEA0] =	vst v63  }
0x8a: {  	_ = 	snop  }
0x8b: {  	[tilespmem:s11], [sflag:$0x2] =	stream.indirect.gather [hbm4b:s8+s9], $0x10, s9, s9, $0xb8;
	[tilespmem:$0x1AEA0] =	vst v63  }
0x8c: {  	s24 =	rddreg [dreg:$0x8]  }
0x8d: {  	[tilespmem:s12], [sflag:$0x3] =	stream.indirect.gather [hbm4b:s8+s9], $0x10, s24, s9, $0xb8;
	[tilespmem:$0x1AEA0] =	vst v63  }
0x8e: {  	s1 =	rddreg [dreg:$0x9]  }
0x8f: {  	[tilespmem:s13], [sflag:$0x4] =	stream.indirect.gather [hbm4b:s8+s9], $0x10, s1, s9, $0xb8;
	[tilespmem:$0x1AEA0] =	vst v63  }
0x90: {  	s24 =	rddreg [dreg:$0xa]  }
0x91: {  	[tilespmem:s14], [sflag:$0x5] =	stream.indirect.gather [hbm4b:s8+s9], $0x10, s24, s9, $0xb8;
	[tilespmem:$0x1AEA0] =	vst v63  }
0x92: {  	_ =	swait.ge [sflag:s15], $0x2710  }
0x93: {  	[sflag:s15] =	ssyncset.done $0x0  }
0x94: {  	[sflag:s15] =	ssyncadd.s32 $0xFFFFD8F0  }
0x95: {  	_ =	swait.ge [sflag:s16], $0x500  }
0x96: {  	[sflag:s16] =	ssyncset.done $0x0  }
0x97: {  	[sflag:s16] =	ssyncadd.s32 $0xFFFFFB00  }
0x98: {  	[bflag:$0x0] =	sbarrier.arrive $0xFFFF  }
0x99: {  	_ =	swait.ge [sflag:s7], $0x3E80  }
0x9a: {  	[sflag:s7] =	ssyncset.done $0x0  }
0x9b: {  	[sflag:s7] =	ssyncadd.s32 $0xFFFFC180  }
0x9c: {  	[spmem:s2] =	stream.indirect.scatter.add.f32 [tilespmem:s10], [sflag:$0x6], $0x10, s5, s9, $0xb8;
	[tilespmem:$0x1AEA0] =	vst v63  }
0x9d: {  	_ =	swait.ge [sflag:s15], $0x3E80  }
0x9e: {  	[sflag:s15] =	ssyncset.done $0x0  }
0x9f: {  	s1 =	rddreg [dreg:$0xb];
	[sflag:s15] =	ssyncadd.s32 $0xFFFFC180  }
0xa0: {  	[tilespmem:s10], [sflag:$0x1] =	stream.indirect.gather [hbm4b:s8+s9], $0x10, s1, s9, $0xb8;
	[tilespmem:$0x1AEA0] =	vst v63  }
0xa1: {  	_ =	swait.ge [sflag:s17], $0x3E80  }
0xa2: {  	[sflag:s17] =	ssyncset.done $0x0  }
0xa3: {  	s24 =	rddreg [dreg:$0xc];
	[sflag:s17] =	ssyncadd.s32 $0xFFFFC180  }
0xa4: {  	[spmem:s2] =	stream.indirect.scatter.add.f32 [tilespmem:s11], [sflag:$0x7], $0x10, s24, s9, $0xb8;
	[tilespmem:$0x1AEA0] =	vst v63  }
0xa5: {  	_ =	swait.ge [sflag:s16], $0x3E80  }
0xa6: {  	[sflag:s16] =	ssyncset.done $0x0  }
0xa7: {  	s1 =	rddreg [dreg:$0xd];
	[sflag:s16] =	ssyncadd.s32 $0xFFFFC180  }
0xa8: {  	[tilespmem:s11], [sflag:$0x2] =	stream.indirect.gather [hbm4b:s8+s9], $0x10, s1, s9, $0xb8;
	[tilespmem:$0x1AEA0] =	vst v63  }
0xa9: {  	_ =	swait.ge [sflag:s18], $0x3E80  }
0xaa: {  	[sflag:s18] =	ssyncset.done $0x0  }
0xab: {  	s24 =	rddreg [dreg:$0xe];
	[sflag:s18] =	ssyncadd.s32 $0xFFFFC180  }
0xac: {  	[spmem:s2] =	stream.indirect.scatter.add.f32 [tilespmem:s12], [sflag:$0x8], $0x10, s24, s9, $0xb8;
	[tilespmem:$0x1AEA0] =	vst v63  }
0xad: {  	_ =	swait.ge [sflag:s19], $0x3E80  }
0xae: {  	[sflag:s19] =	ssyncset.done $0x0  }
0xaf: {  	s1 =	rddreg [dreg:$0xf];
	[sflag:s19] =	ssyncadd.s32 $0xFFFFC180  }
0xb0: {  	[tilespmem:s12], [sflag:$0x3] =	stream.indirect.gather [hbm4b:s8+s9], $0x10, s1, s9, $0xb8;
	[tilespmem:$0x1AEA0] =	vst v63  }
0xb1: {  	_ =	swait.ge [sflag:s20], $0x3E80  }
0xb2: {  	[sflag:s20] =	ssyncset.done $0x0  }
0xb3: {  	s24 =	rddreg [dreg:$0x10];
	[sflag:s20] =	ssyncadd.s32 $0xFFFFC180  }
0xb4: {  	[spmem:s2] =	stream.indirect.scatter.add.f32 [tilespmem:s13], [sflag:$0x9], $0x10, s24, s9, $0xb8;
	[tilespmem:$0x1AEA0] =	vst v63  }
0xb5: {  	_ =	swait.ge [sflag:s21], $0x3E80  }
0xb6: {  	[sflag:s21] =	ssyncset.done $0x0  }
0xb7: {  	s1 =	rddreg [dreg:$0x11];
	[sflag:s21] =	ssyncadd.s32 $0xFFFFC180  }
0xb8: {  	[tilespmem:s13], [sflag:$0x4] =	stream.indirect.gather [hbm4b:s8+s9], $0x10, s1, s9, $0xb8;
	[tilespmem:$0x1AEA0] =	vst v63  }
0xb9: {  	_ =	swait.ge [sflag:s22], $0x3E80  }
0xba: {  	[sflag:s22] =	ssyncset.done $0x0  }
0xbb: {  	s24 =	rddreg [dreg:$0x12];
	[sflag:s22] =	ssyncadd.s32 $0xFFFFC180  }
0xbc: {  	[spmem:s2] =	stream.indirect.scatter.add.f32 [tilespmem:s14], [sflag:$0xA], $0x10, s24, s9, $0xb8;
	[tilespmem:$0x1AEA0] =	vst v63  }
0xbd: {  	_ =	swait.ge [sflag:s23], $0x3E80  }
0xbe: {  	[sflag:s23] =	ssyncset.done $0x0  }
0xbf: {  	s1 =	rddreg [dreg:$0x13];
	[sflag:s23] =	ssyncadd.s32 $0xFFFFC180  }
0xc0: {  	[tilespmem:s14], [sflag:$0x5] =	stream.indirect.gather [hbm4b:s8+s9], $0x10, s1, s9, $0xb8;
	[tilespmem:$0x1AEA0] =	vst v63  }
0xc1: {  	_ =	swait.ge [sflag:s7], $0x3E80  }
0xc2: {  	[sflag:s7] =	ssyncset.done $0x0  }
0xc3: {  	s24 =	rddreg [dreg:$0x14];
	[sflag:s7] =	ssyncadd.s32 $0xFFFFC180  }
0xc4: {  	[spmem:s2] =	stream.indirect.scatter.add.f32 [tilespmem:s10], [sflag:$0x6], $0x10, s24, s9, $0xb8;
	[tilespmem:$0x1AEA0] =	vst v63  }
0xc5: {  	_ =	swait.ge [sflag:s17], $0x3E80  }
0xc6: {  	[sflag:s17] =	ssyncset.done $0x0  }
0xc7: {  	s1 =	simm.s32 $0x3E80;
	[sflag:s17] =	ssyncadd.s32 $0xFFFFC180  }
0xc8: {  	[spmem:s2] =	stream.indirect.scatter.add.f32 [tilespmem:s11], [sflag:$0x7], $0x10, s1, s9, $0xb8;
	[tilespmem:$0x1AEA0] =	vst v63  }
0xc9: {  	_ =	swait.ge [sflag:s18], $0x3E80  }
0xca: {  	[sflag:s18] =	ssyncset.done $0x0  }
0xcb: {  	[sflag:s18] =	ssyncadd.s32 $0xFFFFC180  }
0xcc: {  	[spmem:s2] =	stream.indirect.scatter.add.f32 [tilespmem:s12], [sflag:$0x8], $0x10, s25, s9, $0xb8;
	[tilespmem:$0x1AEA0] =	vst v63  }
0xcd: {  	_ =	swait.ge [sflag:s20], $0x3E80  }
0xce: {  	[sflag:s20] =	ssyncset.done $0x0  }
0xcf: {  	[sflag:s20] =	ssyncadd.s32 $0xFFFFC180  }
0xd0: {  	[spmem:s2] =	stream.indirect.scatter.add.f32 [tilespmem:s13], [sflag:$0x9], $0x10, s26, s9, $0xb8;
	[tilespmem:$0x1AEA0] =	vst v63  }
0xd1: {  	_ =	swait.ge [sflag:s22], $0x3E80  }
0xd2: {  	[sflag:s22] =	ssyncset.done $0x0  }
0xd3: {  	[sflag:s22] =	ssyncadd.s32 $0xFFFFC180  }
0xd4: {  	[spmem:s2] =	stream.indirect.scatter.add.f32 [tilespmem:s14], [sflag:$0xA], $0x10, s28, s9, $0xb8;
	[tilespmem:$0x1AEA0] =	vst v63  }
0xd5: {  	_ =	swait.ge [sflag:s15], $0x3E80  }
0xd6: {  	[sflag:s15] =	ssyncset.done $0x0  }
0xd7: {  	[sflag:s15] =	ssyncadd.s32 $0xFFFFC180  }
0xd8: {  	_ =	swait.ge [sflag:s16], $0x3E80  }
0xd9: {  	[sflag:s16] =	ssyncset.done $0x0  }
0xda: {  	[sflag:s16] =	ssyncadd.s32 $0xFFFFC180  }
0xdb: {  	_ =	swait.ge [sflag:s19], $0x3E80  }
0xdc: {  	[sflag:s19] =	ssyncset.done $0x0  }
0xdd: {  	[sflag:s19] =	ssyncadd.s32 $0xFFFFC180  }
0xde: {  	_ =	swait.ge [sflag:s21], $0x3E80  }
0xdf: {  	[sflag:s21] =	ssyncset.done $0x0  }
0xe0: {  	[sflag:s21] =	ssyncadd.s32 $0xFFFFC180  }
0xe1: {  	_ =	swait.ge [sflag:s23], $0x3E80  }
0xe2: {  	p0 =	sne.s32 s31, $0x1;
	[sflag:s23] =	ssyncset.done $0x0  }
.Ltmp1:
0xe3: {  	[sflag:s23] =	ssyncadd.s32 $0xFFFFC180;
	(pc) =	sbr.rel @p0 .LBB2_1-.Ltmp1, $4  }
0xe4: {  	[bflag:$0x0] =	sbarrier.arrive $0xFFFF  }
0xe5: {  	s24 =	rddreg [dreg:$0x7]  }
0xe6: {  	[hbm:s24], [sflag:s29] =	dma.local [spmem:s6], $0x500  }
0xe7: {  	s31 =	sadd.s32 $0xFFFFFFFF, s31;
	_ =	swait.ge [sflag:s30], $0x500  }
.LBB2_2:
0xe8: {  	[sflag:s30] =	ssyncset.done $0x0  }
0xe9: {  	[sflag:s30] =	ssyncadd.s32 $0xFFFFFB00  }
0xea: {  	_ =	sfence.sel $0x180000  }
0xeb: {  	[bflag:$0x0] =	sbarrier.arrive $0xFFFF  }
0xec: {  	_ =	strace $0x9000004A  }
0xed: {  	s0 =	stileid.u32;
	[bflag:$0x2] =	sbarrier.arrive $0xFFFF  }
0xee: {  	p0 =	sne.s32 s0, $0x0;
	s0 =	rddreg [dreg:$0x3]  }
0xef: {  	s0 =	sadd.s32 @!p0 $0x100000, s0  }
0xf0: {  	[sflag:s0] =	ssyncadd.tile.s32 @!p0 $0x1;
	_ =	shalt  }
.Lfunc_end2:
_tile_overlayer_lowered:
.L_overlay_start_2:
0xf1: {  	(tag) =	ssettag $0x2  }
0xf2: {  	s0 =	rddreg [dreg:$0x0];
	s2 =	stileid.u32  }
0xf3: {  	s1 =	rddreg [dreg:$0x1];
	p0 =	sne.s32 s2, $0x0  }
0xf4: {  	s3 =	rddreg [dreg:$0x2];
	[bflag:$0x3] =	sbarrier.arrive $0xFFFF;
	s2 =	simm.s32 @!p0 $0x1C0B  }
0xf5: {  	[timem:s3], [sflag:s2] =	dma.local @!p0 [hbm:s0], s1  }
0xf6: {  	s0 =	simm.s32 @!p0 $0xB  }
0xf7: {  	_ =	swait.ge @!p0 [sflag:s0], s1  }
0xf8: {  	s1 =	ssub.s32 @!p0 $0x0, s1;
	[sflag:s0] =	ssyncset.done @!p0 $0x0  }
0xf9: {  	[sflag:s0] =	ssyncadd.s32 @!p0 s1  }
0xfa: {  	[bflag:$0x3] =	sbarrier.arrive $0xFFFF  }
0xfb: {  	_ =	shalt  }

// kernel: kernel.15.cloned.1.call-start
scs
__scs_entry_jumppad:
0x0: {  	(pc) =	sbr.rel $0x88, $3  }
0x1: {  	(tag) =	ssettag $0x0;
	lr =	simm.s32 $0x1  }
0x2: {  	[smem:$0x3F9B] =	sst lr;
	_ =	strace $0xD0000000  }
0x3: {  	_ = 	snop  }
0x4: {  	_ = 	snop  }
0x5: {  	_ = 	snop  }
0x6: {  	_ = 	snop  }
0x7: {  	_ = 	snop  }
__scs_overlays_trampoline_lowered:
0x8: {  	[smem:$0x3FAA] =	sst s0  }
0x9: {  	[smem:$0x3FAB] =	sst s1  }
0xa: {  	[smem:$0x3FAC] =	sst s2  }
0xb: {  	[smem:$0x3FAD] =	sst s3  }
0xc: {  	[smem:$0x3FAE] =	sst s4  }
0xd: {  	[smem:$0x3FAF] =	sst s5  }
0xe: {  	[smem:$0x3FB0] =	sst s6  }
0xf: {  	[smem:$0x3FB1] =	sst s7  }
0x10: {  	[smem:$0x3FB2] =	sst s8  }
0x11: {  	[smem:$0x3FB3] =	sst s9;
	s0 =	simm.s32 @!p0 $0x0  }
0x12: {  	s1 =	sld [smem:$0x3F99];
	s0 =	simm.s32 @p0 $0x1  }
0x13: {  	[smem:$0x3FB4] =	sst s0;
	s0 =	simm.s32 @!p1 $0x0  }
0x14: {  	s2 =	sld [smem:$0x3F98];
	s0 =	simm.s32 @p1 $0x1  }
0x15: {  	[smem:$0x3FB5] =	sst s0;
	s0 =	simm.s32 @!p2 $0x0  }
0x16: {  	s3 =	sld [smem:$0x3FDB];
	s0 =	simm.s32 @p2 $0x1  }
0x17: {  	s4 =	simm.s32 $0x1BF5;
	[smem:$0x3FB7] =	sst s0  }
0x18: {  	s0 =	sld [smem:$0x3F9A];
	_ =	swait.ge [sflag:s4], $0x0  }
0x19: {  	s7 =	sld [smem:$0x3F9B]  }
0x1a: {  	s8 =	sadd.s32 $0xFFFFE003, lr  }
0x1b: {  	s9 =	sadd.s32 $0xFFFFFEF7, lr;
	s5 =	simm.s32 $0xFFFFFFFF;
	p2 =	slt.u32 s8, $0xFFFFF086  }
0x1c: {  	p1 =	slt.u32 s9, $0xF7A;
	s5 =	simm.s32 @!p2 $0x0  }
0x1d: {  	s5 =	simm.s32 @p1 $0x1;
	p0 =	seq.s32 s7, s2  }
0x1e: {  	s7 =	smul.u32 @!p0 $0xF7A, s2;
	p2 =	seq.s32 @!p0 s5, $0x0  }
0x1f: {  	s9 =	smul.u32 $0xF7A, s1;
	s8 =	simm.s32 @!p0 $0x1BF5;
	p2 =	por !p2, p0  }
0x20: {  	[sflag:s8] =	ssyncset.s32 @!p0 $0xFFFFF086;
	s6 =	sadd.s32 @!p0 s3, s7;
	s7 =	simm.s32 @!p0 $0x108  }
0x21: {  	s3 =	sadd.s32 s3, s9;
	s6 =	sadd.s32 @!p0 $0x88, s6;
	s7 =	simm.s32 @p2 $0x1082  }
0x22: {  	[simem:s7], [sflag:s8] =	dma.local @!p0 [hbm:s6], $0xF7A  }
0x23: {  	s9 =	sor.u32 $0xD0000000, s2;
	s6 =	simm.s32 $0x108;
	_ =	swait.ge @!p0 [sflag:s8], $0x0  }
0x24: {  	s3 =	sadd.s32 $0x88, s3;
	s6 =	simm.s32 @!p1 $0x1082;
	[sflag:s4] =	ssyncset.s32 $0xFFFFF086  }
0x25: {  	[simem:s6], [sflag:s4] =	dma.local [hbm:s3], $0xF7A  }
0x26: {  	[smem:$0x3F9B] =	sst s1;
	(tag) =	ssettag s2;
	_ =	strace s9  }
0x27: {  	s1 =	sld [smem:$0x3FAB]  }
0x28: {  	s2 =	sld [smem:$0x3FAC]  }
0x29: {  	s4 =	sld [smem:$0x3FAE]  }
0x2a: {  	p0 =	seq.s32 s5, $0x0;
	s5 =	sld [smem:$0x3FAF]  }
0x2b: {  	s6 =	sld [smem:$0x3FB0]  }
0x2c: {  	s7 =	sld [smem:$0x3FB1]  }
0x2d: {  	s3 =	simm.s32 $0x108;
	s8 =	sld [smem:$0x3FB2]  }
0x2e: {  	s3 =	simm.s32 @!p0 $0x1082;
	s9 =	sld [smem:$0x3FB3]  }
0x2f: {  	lr =	sadd.s32 s0, s3;
	s0 =	sld [smem:$0x3FAA]  }
0x30: {  	s3 =	sld [smem:$0x3FAD]  }
0x31: {  	[smem:$0x3FB6] =	sst s10  }
0x32: {  	s10 =	sld [smem:$0x3FB4];
	_ =	sdelay $0x3  }
0x33: {  	p0 =	seq.s32 s10, $0x1;
	s10 =	sld [smem:$0x3FB6];
	_ =	sdelay $0x3  }
0x34: {  	[smem:$0x3FB6] =	sst s10  }
0x35: {  	s10 =	sld [smem:$0x3FB5];
	_ =	sdelay $0x3  }
0x36: {  	p1 =	seq.s32 s10, $0x1;
	s10 =	sld [smem:$0x3FB6];
	_ =	sdelay $0x3  }
0x37: {  	[smem:$0x3FB6] =	sst s10  }
0x38: {  	s10 =	sld [smem:$0x3FB7]  }
0x39: {  	_ = 	snop;
	(pc) =	sbr.ind lr, $3  }
0x3a: {  	_ = 	snop  }
0x3b: {  	_ = 	snop  }
0x3c: {  	p2 =	seq.s32 s10, $0x1;
	s10 =	sld [smem:$0x3FB6]  }
0x3d: {  	_ =	shalt  }
0x3e: {  	_ =	shalt  }
0x3f: {  	_ =	shalt  }
0x40: {  	_ =	shalt  }
0x41: {  	_ =	shalt  }
0x42: {  	_ =	shalt  }
0x43: {  	_ =	shalt  }
0x44: {  	_ =	shalt  }
0x45: {  	_ =	shalt  }
0x46: {  	_ =	shalt  }
0x47: {  	_ =	shalt  }
0x48: {  	_ =	shalt  }
0x49: {  	_ =	shalt  }
0x4a: {  	_ =	shalt  }
0x4b: {  	_ =	shalt  }
0x4c: {  	_ =	shalt  }
0x4d: {  	_ =	shalt  }
0x4e: {  	_ =	shalt  }
0x4f: {  	_ =	shalt  }
0x50: {  	_ =	shalt  }
0x51: {  	_ =	shalt  }
0x52: {  	_ =	shalt  }
0x53: {  	_ =	shalt  }
0x54: {  	_ =	shalt  }
0x55: {  	_ =	shalt  }
0x56: {  	_ =	shalt  }
0x57: {  	_ =	shalt  }
0x58: {  	_ =	shalt  }
0x59: {  	_ =	shalt  }
0x5a: {  	_ =	shalt  }
0x5b: {  	_ =	shalt  }
0x5c: {  	_ =	shalt  }
0x5d: {  	_ =	shalt  }
0x5e: {  	_ =	shalt  }
0x5f: {  	_ =	shalt  }
0x60: {  	_ =	shalt  }
0x61: {  	_ =	shalt  }
0x62: {  	_ =	shalt  }
0x63: {  	_ =	shalt  }
0x64: {  	_ =	shalt  }
0x65: {  	_ =	shalt  }
0x66: {  	_ =	shalt  }
0x67: {  	_ =	shalt  }
0x68: {  	_ =	shalt  }
0x69: {  	_ =	shalt  }
0x6a: {  	_ =	shalt  }
0x6b: {  	_ =	shalt  }
0x6c: {  	_ =	shalt  }
0x6d: {  	_ =	shalt  }
0x6e: {  	_ =	shalt  }
0x6f: {  	_ =	shalt  }
0x70: {  	_ =	shalt  }
0x71: {  	_ =	shalt  }
0x72: {  	_ =	shalt  }
0x73: {  	_ =	shalt  }
0x74: {  	_ =	shalt  }
0x75: {  	_ =	shalt  }
0x76: {  	_ =	shalt  }
0x77: {  	_ =	shalt  }
0x78: {  	_ =	shalt  }
0x79: {  	_ =	shalt  }
0x7a: {  	_ =	shalt  }
0x7b: {  	_ =	shalt  }
0x7c: {  	_ =	shalt  }
0x7d: {  	_ =	shalt  }
0x7e: {  	_ =	shalt  }
0x7f: {  	_ =	shalt  }
0x80: {  	_ =	shalt  }
0x81: {  	_ =	shalt  }
0x82: {  	_ =	shalt  }
0x83: {  	_ =	shalt  }
0x84: {  	_ =	shalt  }
0x85: {  	_ =	shalt  }
0x86: {  	_ =	shalt  }
0x87: {  	_ =	shalt  }
.Lfunc_end0:
.L_simem_size_0:
called_computation.2_lowered:
.L_overlay_start_0:
0x88: {  	s2 =	sld [smem:$0x3FD9]  }
0x89: {  	s3 =	sld [smem:$0x3FFE];
	_ =	sdelay $0x1  }
0x8a: {  	s1 =	srdreg.scid  }
0x8b: {  	s0 =	sand.u32 $0x1, s1  }
0x8c: {  	s17 =	sshll.u32 s0, $0xA;
	s2 =	sadd.s32 s3, s2  }
0x8d: {  	s2 =	sadd.s32 s2, s17  }
0x8e: {  	[smem:$0x3FC2] =	sst s2  }
0x8f: {  	_ = 	snop  }
0x90: {  	s2 =	sld [smem:$0x3FC6];
	(tm) =	ssettm $0x1  }
0x91: {  	s18 =	sld [smem:$0x3FFB];
	_ =	sdelay $0x3  }
0x92: {  	_ =	strace s18  }
0x93: {  	s3 =	sld [smem:$0x3FFC];
	_ =	sdelay $0x3  }
0x94: {  	_ =	strace s3  }
0x95: {  	s3 =	sld [smem:$0x3FFD];
	_ =	sdelay $0x3  }
0x96: {  	_ =	strace s3  }
0x97: {  	_ =	strace $0x8FFFFFFF  }
0x98: {  	s19 =	sld [smem:$0x3FDB];
	_ =	sdelay $0x1  }
0x99: {  	s4 =	simm.s32 $_scs_section_size  }
0x9a: {  	s5 =	simm.s32 $_size__tile_overlayer_lowered;
	s6 =	simm.s32 $_tile_overlayer_lowered  }
0x9b: {  	s22 =	simm.s32 $0x1BFF;
	s21 =	sshll.u32 s6, $0x1;
	s3 =	sadd.s32 s4, s19  }
0x9c: {  	s7 =	simm.s32 $0x0;
	s20 =	sshll.u32 s5, $0x1;
	s5 =	sadd.s32 s21, s3  }
0x9d: {  	[timem:s7], [sflag:s22] =	dma.local [hbm:s5], s20  }
0x9e: {  	_ =	swait.ge [sflag:s22], s20  }
0x9f: {  	s4 =	ssub.s32 $0x0, s20;
	[sflag:s22] =	ssyncset.done $0x0  }
0xa0: {  	[sflag:s22] =	ssyncadd.s32 s4;
	_ =	sdelay $0x1  }
0xa1: {  	s23 =	simm.s32 $0x1B8B  }
0xa2: {  	_ =	swait.ge [sflag:s23], $0x1  }
0xa3: {  	[sflag:s23] =	ssyncset.done $0x0  }
0xa4: {  	s25 =	simm.s32 $0x1B8E;
	s24 =	sld [smem:$0x3FFE];
	[sflag:s23] =	ssyncadd.s32 $0xFFFFFFFF  }
0xa5: {  	s26 =	simm.s32 $execute0_lowered;
	[smem:$0x3FD2] =	sst s25  }
0xa6: {  	s5 =	sshll.u32 s26, $0x1;
	_ =	strace $0x8000004C;
	[dreg:$0x1] =	wrdreg $0xFFFFFFFF  }
0xa7: {  	s28 =	simm.s32 $_size_execute0_lowered;
	s3 =	sadd.s32 s3, s5;
	[dreg:$0x0] =	wrdreg $0x0  }
0xa8: {  	s5 =	sshll.u32 s28, $0x1;
	[dreg:$0x2] =	wrdreg s3  }
0xa9: {  	[dreg:$0x3] =	wrdreg s5  }
0xaa: {  	[dreg:$0x4] =	wrdreg $0xC0  }
0xab: {  	_ =	task [dreg:s7], $0x5FFFF  }
0xac: {  	[dreg:$0x1] =	wrdreg $0xFFFFFFFF  }
0xad: {  	[dreg:$0x0] =	wrdreg $0x60  }
0xae: {  	[dreg:$0x2] =	wrdreg s24  }
0xaf: {  	[dreg:$0x3] =	wrdreg s2  }
0xb0: {  	[dreg:$0x4] =	wrdreg $0x9  }
0xb1: {  	_ =	task.clear_ibuf [dreg:s7], $0x5FFFF;
	_ =	strace $0x9000004C  }
0xb2: {  	s29 =	simm.s32 $0x9;
	_ =	strace $0x8000004E  }
0xb3: {  	_ =	swait.ge [sflag:s29], $0x1  }
0xb4: {  	[sflag:s29] =	ssyncadd.s32 $0xFFFFFFFF  }
0xb5: {  	_ =	strace $0x9000004E  }
0xb6: {  	_ =	sfence  }
0xb7: {  	s30 =	sld [smem:$0x0];
	_ =	sdelay $0x2  }
0xb8: {  	s31 =	sshll.u32 s1, $0xD;
	s1 =	sshrl.u32 s1, $0x2  }
0xb9: {  	s3 =	sand.u32 $0x4000, s31;
	s1 =	sadd.s32 s1, s30  }
0xba: {  	s0 =	sor.u32 s3, s0;
	s1 =	sshll.u32 s1, $0x11  }
0xbb: {  	s0 =	sor.u32 s1, s0  }
0xbc: {  	s0 =	sadd.s32 $0x8F2B, s0  }
0xbd: {  	[sflag:s0] =	ssyncadd.remote.s32 $0x1  }
0xbe: {  	_ =	sfence.sel $0xFFFF  }
0xbf: {  	[dreg:$0x0] =	wrdreg $0xFFFFFFFF;
	(pc) =	sbr.abs _section_cstart, $3  }
0xc0: {  	[dreg:$0x1] =	wrdreg $0xFFFFFFFF  }
0xc1: {  	_ =	task.clear_ibuf [dreg:s7], $0x2FFFF;
	_ =	strace $0x9FFFFFFF  }
0xc2: {  	(tm) =	ssettm $0x7FFFFFFF  }
0xc3: {  	_ =	shalt  }
tec
execute0_lowered:
.L_overlay_start_1:
0x0: {  	(tag) =	ssettag $0x1  }
0x1: {  	s0 =	srdreg.scid  }
0x2: {  	s1 =	rddreg [dreg:$0x0];
	s3 =	stileid.u32  }
0x3: {  	s11 =	simm.s32 $0x1400;
	s12 =	simm.s32 $0x2800;
	s13 =	simm.s32 $0x3C00  }
0x4: {  	s14 =	simm.s32 $0x3D40;
	s15 =	simm.s32 $0x1;
	s16 =	simm.s32 $0x2  }
0x5: {  	s17 =	simm.s32 $0x3;
	s18 =	simm.s32 $0x4;
	s0 =	sand.u32 $0x1, s0  }
0x6: {  	s19 =	simm.s32 $0x5;
	s20 =	simm.s32 $0x3D50;
	s2 =	sshll.u32 s0, $0x4  }
0x7: {  	s21 =	simm.s32 $0x5150;
	s22 =	simm.s32 $0x0;
	s2 =	sor.u32 s3, s2  }
0x8: {  	s0 =	ssub.s32 $0x2, s0;
	s3 =	simm.s32 $0x0;
	s4 =	smul.u32 $0x1400, s2  }
0x9: {  	s31 =	sshrl.u32 s0, $0x1;
	[smem:$0x7FF] =	sst s3;
	s2 =	smul.u32 $0x28, s2  }
0xa: {  	s0 =	ssub.s32 s0, s31;
	_ =	strace $0x8000004D;
	s4 =	sshrl.u32 s4, $0x3  }
0xb: {  	s10 =	smax.u32 s0, $0x1;
	s9 =	sadd.s32 s4, s1;
	s1 =	sadd.s32 s2, s1  }
0xc: {  	s4 =	sadd.s32 $0xD400, s9;
	s5 =	sadd.s32 $0x12400, s9;
	s6 =	sadd.s32 $0x3400, s9  }
0xd: {  	s7 =	sadd.s32 $0x2E00, s1;
	s8 =	sadd.s32 $0x17400, s9;
	s9 =	sadd.s32 $0x1C400, s9  }
.LBB2_1:
0xe: {  	[tilespmem:s3], [sflag:$0x1] =	stream.linear.gather [hbm4b:s4+s3], $0x1400, $0x38;
	[tilespmem:$0x6550] =	vst v63  }
0xf: {  	_ = 	snop  }
0x10: {  	[tilespmem:s11], [sflag:$0x2] =	stream.linear.gather [hbm4b:s5+s3], $0x1400, $0x38;
	[tilespmem:$0x6550] =	vst v63  }
0x11: {  	_ = 	snop  }
0x12: {  	[tilespmem:s12], [sflag:$0x3] =	stream.linear.gather [hbm4b:s6+s3], $0x1400, $0x38;
	[tilespmem:$0x6550] =	vst v63  }
0x13: {  	_ = 	snop  }
0x14: {  	[tilespmem:s13], [sflag:$0x4] =	stream.linear.gather [hbm4b:s7+s3], $0x140, $0x38;
	[tilespmem:$0x6550] =	vst v63  }
0x15: {  	s0 =	rddreg [dreg:$0x1]  }
0x16: {  	[tilespmem:s14], [sflag:$0x5] =	stream.linear.gather [hbm4b:s0+s3], $0x10, $0x38;
	[tilespmem:$0x6550] =	vst v63  }
0x17: {  	_ =	swait.ge [sflag:s15], $0x1400  }
0x18: {  	[sflag:s15] =	ssyncset.done $0x0  }
0x19: {  	[sflag:s15] =	ssyncadd.s32 $0xFFFFEC00  }
0x1a: {  	_ =	swait.ge [sflag:s16], $0x1400  }
0x1b: {  	[sflag:s16] =	ssyncset.done $0x0  }
0x1c: {  	[sflag:s16] =	ssyncadd.s32 $0xFFFFEC00  }
0x1d: {  	_ =	swait.ge [sflag:s17], $0x1400  }
0x1e: {  	[sflag:s17] =	ssyncset.done $0x0  }
0x1f: {  	[sflag:s17] =	ssyncadd.s32 $0xFFFFEC00  }
0x20: {  	_ =	swait.ge [sflag:s18], $0x140  }
0x21: {  	[sflag:s18] =	ssyncset.done $0x0  }
0x22: {  	[sflag:s18] =	ssyncadd.s32 $0xFFFFFEC0  }
0x23: {  	v0 =	vmov s3;
	_ =	swait.ge [sflag:s19], $0x10  }
0x24: {  	v0 =	vand.u32 $0xFFFFFFFC, v0;
	[sflag:s19] =	ssyncset.done $0x0  }
0x25: {  	s23 =	simm.s32 $0x1420;
	v0 =	vbroadcast v0, $0x0;
	[sflag:s19] =	ssyncadd.s32 $0xFFFFFFF0  }
0x26: {  	s2 =	simm.s32 $0x20;
	v1 =	vld [tilespmem:s23+$0xFFFFFFE0]  }
0x27: {  	v2 =	vld [tilespmem:s2+$0xFFFFFFE0]  }
0x28: {  	s24 =	simm.s32 $0x2820  }
0x29: {  	v3 =	vld [tilespmem:s24+$0xFFFFFFE0];
	_ =	sdelay $0x1  }
0x2a: {  	v4 =	vld.idx.msk [tilespmem:v0+s13+$0x0], $0xffff  }
0x2b: {  	v1 =	vadd.f32 v1, v2  }
0x2c: {  	v0 =	vld [tilespmem:$0x3D40]  }
0x2d: {  	v1 =	vadd.f32 v3, v1;
	_ =	sdelay $0x1  }
0x2e: {  	v1 =	vmul.f32 v4, v1;
	_ =	sdelay $0x1  }
0x2f: {  	v1 =	vadd.f32 v1, v0;
	_ =	sdelay $0x1  }
0x30: {  	v1 =	vmax.f32 v1, $0.0e+00  }
0x31: {  	s1 =	simm.s32 $0x1;
	v1 =	vmul.f32 v1, v4  }
0x32: {  	s31 =	simm.s32 $0x3D70;
	v2 =	vmov s1  }
0x33: {  	s30 =	simm.s32 $0x5170;
	v2 =	vand.u32 $0xFFFFFFFD, v2;
	[tilespmem:s31+$0xFFFFFFE0] =	vst v1  }
0x34: {  	v1 =	vbroadcast v2, $0x0;
	[tilespmem:s30+$0xFFFFFFE0] =	vst v4  }
0x35: {  	v2 =	vld [tilespmem:s2+$0xFFFFFFF0]  }
0x36: {  	v3 =	vld [tilespmem:s23+$0xFFFFFFF0];
	_ =	sdelay $0x1  }
0x37: {  	v4 =	vld [tilespmem:s24+$0xFFFFFFF0];
	_ =	sdelay $0x1  }
0x38: {  	v1 =	vld.idx.msk [tilespmem:v1+s13+$0x0], $0xffff  }
0x39: {  	v2 =	vadd.f32 v3, v2;
	_ =	sdelay $0x1  }
0x3a: {  	v2 =	vadd.f32 v4, v2;
	_ =	sdelay $0x1  }
0x3b: {  	v2 =	vmul.f32 v1, v2;
	_ =	sdelay $0x1  }
0x3c: {  	v2 =	vadd.f32 v2, v0;
	_ =	sdelay $0x1  }
0x3d: {  	v2 =	vmax.f32 v2, $0.0e+00  }
0x3e: {  	s25 =	simm.s32 $0x2;
	v2 =	vmul.f32 v2, v1  }
0x3f: {  	v3 =	vmov s25  }
0x40: {  	v3 =	vand.u32 $0xFFFFFFFE, v3;
	[tilespmem:s31+$0xFFFFFFF0] =	vst v2  }
0x41: {  	v2 =	vbroadcast v3, $0x0;
	[tilespmem:s30+$0xFFFFFFF0] =	vst v1  }
0x42: {  	v1 =	vld [tilespmem:s2+$0x0]  }
0x43: {  	v3 =	vld [tilespmem:s23+$0x0];
	_ =	sdelay $0x1  }
0x44: {  	v62 =	vld [tilespmem:s24+$0x0];
	_ =	sdelay $0x1  }
0x45: {  	v2 =	vld.idx.msk [tilespmem:v2+s13+$0x0], $0xffff  }
0x46: {  	v1 =	vadd.f32 v3, v1;
	_ =	sdelay $0x1  }
0x47: {  	v1 =	vadd.f32 v62, v1;
	_ =	sdelay $0x1  }
0x48: {  	v1 =	vmul.f32 v2, v1;
	_ =	sdelay $0x1  }
0x49: {  	v1 =	vadd.f32 v1, v0;
	_ =	sdelay $0x1  }
0x4a: {  	v1 =	vmax.f32 v1, $0.0e+00  }
0x4b: {  	v1 =	vmul.f32 v1, v2;
	_ =	sdelay $0x1  }
0x4c: {  	[tilespmem:s31+$0x0] =	vst v1  }
0x4d: {  	s26 =	simm.s32 $0x3;
	[tilespmem:s30+$0x0] =	vst v2  }
0x4e: {  	v1 =	vmov s26;
	v2 =	vld [tilespmem:s2+$0x10]  }
0x4f: {  	v3 =	vld [tilespmem:s23+$0x10];
	_ =	sdelay $0x1  }
0x50: {  	v63 =	vld [tilespmem:s24+$0x10];
	_ =	sdelay $0x1  }
0x51: {  	v1 =	vld.idx.msk [tilespmem:v1+s13+$0x0], $0xffff  }
0x52: {  	v2 =	vadd.f32 v3, v2;
	_ =	sdelay $0x1  }
0x53: {  	v2 =	vadd.f32 v63, v2;
	_ =	sdelay $0x1  }
0x54: {  	v2 =	vmul.f32 v1, v2  }
0x55: {  	s28 =	simm.s32 $0x4;
	s29 =	simm.s32 $0x60  }
0x56: {  	s1 =	simm.s32 $0x8;
	s25 =	simm.s32 $0x3DB0;
	s26 =	simm.s32 $0x51B0;
	v2 =	vadd.f32 v2, v0  }
.LBB2_2:
0x57: {  	s23 =	sadd.s32 $0x40, s23  }
0x58: {  	v3 =	vmov s28;
	v2 =	vmax.f32 v2, $0.0e+00;
	s24 =	sadd.s32 $0x40, s24;
	s0 =	smov.u32 s1;
	s2 =	sadd.s32 $0x4, s1  }
0x59: {  	p0 =	slt.u32 s1, $0x13C;
	v3 =	vand.u32 $0xFFFFFFFC, v3;
	v2 =	vmul.f32 v2, v1  }
0x5a: {  	v3 =	vbroadcast v3, $0x0  }
0x5b: {  	[tilespmem:s31+$0x10] =	vst v2;
	s31 =	smov.u32 s25  }
0x5c: {  	[tilespmem:s30+$0x10] =	vst v1;
	s30 =	smov.u32 s26  }
0x5d: {  	v1 =	vld [tilespmem:s23+$0xFFFFFFE0]  }
0x5e: {  	v2 =	vld [tilespmem:s29+$0xFFFFFFE0]  }
0x5f: {  	v4 =	vld [tilespmem:s24+$0xFFFFFFE0]  }
0x60: {  	v3 =	vld.idx.msk [tilespmem:v3+s13+$0x0], $0xffff;
	_ =	sdelay $0x2  }
0x61: {  	v1 =	vadd.f32 v1, v2;
	_ =	sdelay $0x1  }
0x62: {  	v1 =	vadd.f32 v4, v1;
	_ =	sdelay $0x1  }
0x63: {  	v1 =	vmul.f32 v3, v1;
	_ =	sdelay $0x1  }
0x64: {  	v1 =	vadd.f32 v1, v0;
	_ =	sdelay $0x1  }
0x65: {  	s1 =	sadd.s32 $0x1, s28;
	v1 =	vmax.f32 v1, $0.0e+00  }
0x66: {  	v2 =	vmov s1;
	v1 =	vmul.f32 v1, v3  }
0x67: {  	v2 =	vand.u32 $0xFFFFFFFD, v2  }
0x68: {  	[tilespmem:s25+$0xFFFFFFE0] =	vst v1;
	v1 =	vbroadcast v2, $0x0  }
0x69: {  	[tilespmem:s26+$0xFFFFFFE0] =	vst v3  }
0x6a: {  	v2 =	vld [tilespmem:s29+$0xFFFFFFF0]  }
0x6b: {  	v3 =	vld [tilespmem:s23+$0xFFFFFFF0];
	_ =	sdelay $0x1  }
0x6c: {  	v4 =	vld [tilespmem:s24+$0xFFFFFFF0]  }
0x6d: {  	v1 =	vld.idx.msk [tilespmem:v1+s13+$0x0], $0xffff;
	_ =	sdelay $0x1  }
0x6e: {  	v2 =	vadd.f32 v3, v2;
	_ =	sdelay $0x1  }
0x6f: {  	v2 =	vadd.f32 v4, v2;
	_ =	sdelay $0x1  }
0x70: {  	v2 =	vmul.f32 v1, v2;
	_ =	sdelay $0x1  }
0x71: {  	v2 =	vadd.f32 v2, v0;
	_ =	sdelay $0x1  }
0x72: {  	s1 =	sadd.s32 $0x2, s28;
	v2 =	vmax.f32 v2, $0.0e+00  }
0x73: {  	v3 =	vmov s1;
	v2 =	vmul.f32 v2, v1  }
0x74: {  	v3 =	vand.u32 $0xFFFFFFFE, v3  }
0x75: {  	[tilespmem:s25+$0xFFFFFFF0] =	vst v2;
	v2 =	vbroadcast v3, $0x0  }
0x76: {  	[tilespmem:s26+$0xFFFFFFF0] =	vst v1  }
0x77: {  	v1 =	vld [tilespmem:s29+$0x0]  }
0x78: {  	v3 =	vld [tilespmem:s23+$0x0];
	_ =	sdelay $0x1  }
0x79: {  	v4 =	vld [tilespmem:s24+$0x0]  }
0x7a: {  	v2 =	vld.idx.msk [tilespmem:v2+s13+$0x0], $0xffff;
	_ =	sdelay $0x1  }
0x7b: {  	v1 =	vadd.f32 v3, v1;
	_ =	sdelay $0x1  }
0x7c: {  	v1 =	vadd.f32 v4, v1;
	_ =	sdelay $0x1  }
0x7d: {  	v1 =	vmul.f32 v2, v1;
	_ =	sdelay $0x1  }
0x7e: {  	v1 =	vadd.f32 v1, v0;
	_ =	sdelay $0x1  }
0x7f: {  	v1 =	vmax.f32 v1, $0.0e+00  }
0x80: {  	v1 =	vmul.f32 v1, v2  }
0x81: {  	s1 =	sadd.s32 $0x3, s28;
	s28 =	smov.u32 s0  }
0x82: {  	[tilespmem:s25+$0x0] =	vst v1;
	v1 =	vmov s1  }
0x83: {  	[tilespmem:s26+$0x0] =	vst v2  }
0x84: {  	v2 =	vld [tilespmem:s29+$0x10]  }
0x85: {  	v3 =	vld [tilespmem:s23+$0x10]  }
0x86: {  	v4 =	vld [tilespmem:s24+$0x10]  }
0x87: {  	v1 =	vld.idx.msk [tilespmem:v1+s13+$0x0], $0xffff;
	_ =	sdelay $0x2  }
0x88: {  	v2 =	vadd.f32 v3, v2;
	_ =	sdelay $0x1  }
0x89: {  	v2 =	vadd.f32 v4, v2  }
.Ltmp0:
0x8a: {  	(pc) =	sbr.rel @p0 .LBB2_2-.Ltmp0, $3  }
0x8b: {  	v2 =	vmul.f32 v1, v2;
	_ =	sdelay $0x1  }
0x8c: {  	s25 =	sadd.s32 $0x40, s25;
	v2 =	vadd.f32 v2, v0  }
0x8d: {  	s1 =	smov.u32 s2;
	s26 =	sadd.s32 $0x40, s26;
	s29 =	sadd.s32 $0x40, s29  }
0x8e: {  	v2 =	vmax.f32 v2, $0.0e+00  }
0x8f: {  	v2 =	vmul.f32 v2, v1  }
0x90: {  	v3 =	vmov s28  }
0x91: {  	v3 =	vand.u32 $0xFFFFFFFC, v3;
	[tilespmem:s31+$0x10] =	vst v2  }
0x92: {  	s0 =	sadd.s32 $0x40, s23;
	v50 =	vbroadcast v3, $0x0;
	[tilespmem:s30+$0x10] =	vst v1  }
0x93: {  	v1 =	vld [tilespmem:s0+$0xFFFFFFE0]  }
0x94: {  	v51 =	vld [tilespmem:s29+$0xFFFFFFE0]  }
0x95: {  	s1 =	sadd.s32 $0x40, s24  }
0x96: {  	v4 =	vld [tilespmem:s1+$0xFFFFFFE0];
	_ =	sdelay $0x1  }
0x97: {  	v2 =	vld.idx.msk [tilespmem:v50+s13+$0x0], $0xffff  }
0x98: {  	v1 =	vadd.f32 v1, v51;
	_ =	sdelay $0x1  }
0x99: {  	v1 =	vadd.f32 v4, v1;
	_ =	sdelay $0x1  }
0x9a: {  	v1 =	vmul.f32 v2, v1;
	_ =	sdelay $0x1  }
0x9b: {  	v1 =	vadd.f32 v1, v0;
	_ =	sdelay $0x1  }
0x9c: {  	v1 =	vmax.f32 v1, $0.0e+00  }
0x9d: {  	s2 =	sadd.s32 $0x1, s28;
	v1 =	vmul.f32 v1, v2  }
0x9e: {  	v52 =	vmov s2  }
0x9f: {  	v3 =	vand.u32 $0xFFFFFFFD, v52;
	[tilespmem:s25+$0xFFFFFFE0] =	vst v1  }
0xa0: {  	v53 =	vbroadcast v3, $0x0;
	[tilespmem:s26+$0xFFFFFFE0] =	vst v2  }
0xa1: {  	v2 =	vld [tilespmem:s29+$0xFFFFFFF0]  }
0xa2: {  	v54 =	vld [tilespmem:s0+$0xFFFFFFF0];
	_ =	sdelay $0x1  }
0xa3: {  	v55 =	vld [tilespmem:s1+$0xFFFFFFF0];
	_ =	sdelay $0x1  }
0xa4: {  	v1 =	vld.idx.msk [tilespmem:v53+s13+$0x0], $0xffff  }
0xa5: {  	v2 =	vadd.f32 v54, v2;
	_ =	sdelay $0x1  }
0xa6: {  	v2 =	vadd.f32 v55, v2;
	_ =	sdelay $0x1  }
0xa7: {  	v2 =	vmul.f32 v1, v2;
	_ =	sdelay $0x1  }
0xa8: {  	v2 =	vadd.f32 v2, v0;
	_ =	sdelay $0x1  }
0xa9: {  	v2 =	vmax.f32 v2, $0.0e+00  }
0xaa: {  	s30 =	sadd.s32 $0x2, s28;
	v2 =	vmul.f32 v2, v1  }
0xab: {  	v56 =	vmov s30  }
0xac: {  	v3 =	vand.u32 $0xFFFFFFFE, v56;
	[tilespmem:s25+$0xFFFFFFF0] =	vst v2  }
0xad: {  	v57 =	vbroadcast v3, $0x0;
	[tilespmem:s26+$0xFFFFFFF0] =	vst v1  }
0xae: {  	v1 =	vld [tilespmem:s29+$0x0]  }
0xaf: {  	v58 =	vld [tilespmem:s0+$0x0];
	_ =	sdelay $0x1  }
0xb0: {  	v59 =	vld [tilespmem:s1+$0x0];
	_ =	sdelay $0x1  }
0xb1: {  	v2 =	vld.idx.msk [tilespmem:v57+s13+$0x0], $0xffff  }
0xb2: {  	v1 =	vadd.f32 v58, v1;
	_ =	sdelay $0x1  }
0xb3: {  	v1 =	vadd.f32 v59, v1;
	_ =	sdelay $0x1  }
0xb4: {  	v1 =	vmul.f32 v2, v1;
	_ =	sdelay $0x1  }
0xb5: {  	v1 =	vadd.f32 v1, v0;
	_ =	sdelay $0x1  }
0xb6: {  	v1 =	vmax.f32 v1, $0.0e+00  }
0xb7: {  	v1 =	vmul.f32 v1, v2;
	_ =	sdelay $0x1  }
0xb8: {  	[tilespmem:s25+$0x0] =	vst v1  }
0xb9: {  	s31 =	sadd.s32 $0x3, s28;
	[tilespmem:s26+$0x0] =	vst v2  }
0xba: {  	v60 =	vmov s31;
	v2 =	vld [tilespmem:s29+$0x10]  }
0xbb: {  	v61 =	vld [tilespmem:s0+$0x10];
	_ =	sdelay $0x1  }
0xbc: {  	v62 =	vld [tilespmem:s1+$0x10];
	_ =	sdelay $0x1  }
0xbd: {  	v1 =	vld.idx.msk [tilespmem:v60+s13+$0x0], $0xffff  }
0xbe: {  	v2 =	vadd.f32 v61, v2;
	_ =	sdelay $0x1  }
0xbf: {  	v2 =	vadd.f32 v62, v2;
	_ =	sdelay $0x1  }
0xc0: {  	v2 =	vmul.f32 v1, v2;
	_ =	sdelay $0x1  }
0xc1: {  	v63 =	vadd.f32 v2, v0;
	_ =	sdelay $0x1  }
0xc2: {  	v0 =	vmax.f32 v63, $0.0e+00  }
0xc3: {  	v0 =	vmul.f32 v0, v1;
	_ =	sdelay $0x1  }
0xc4: {  	[tilespmem:s25+$0x10] =	vst v0  }
0xc5: {  	[tilespmem:s26+$0x10] =	vst v1  }
0xc6: {  	[hbm4b:s8+s3] =	stream.linear.scatter [tilespmem:s20], [sflag:$0x1], $0x1400, $0x38;
	[tilespmem:$0x6550] =	vst v63  }
0xc7: {  	s22 =	sadd.s32 $0x1, s22  }
0xc8: {  	[hbm4b:s9+s3] =	stream.linear.scatter [tilespmem:s21], [sflag:$0x2], $0x1400, $0x38;
	[tilespmem:$0x6550] =	vst v63  }
0xc9: {  	p0 =	sne.s32 s22, s10;
	_ =	swait.ge [sflag:s15], $0x1400  }
.Ltmp1:
0xca: {  	[sflag:s15] =	ssyncset.done $0x0;
	(pc) =	sbr.rel @p0 .LBB2_1-.Ltmp1, $4  }
0xcb: {  	[sflag:s15] =	ssyncadd.s32 $0xFFFFEC00  }
0xcc: {  	_ =	swait.ge [sflag:s16], $0x1400  }
0xcd: {  	[sflag:s16] =	ssyncset.done $0x0  }
0xce: {  	[sflag:s16] =	ssyncadd.s32 $0xFFFFEC00  }
0xcf: {  	_ =	sfence.sel $0x180000  }
0xd0: {  	[bflag:$0x0] =	sbarrier.arrive $0xFFFF  }
0xd1: {  	_ =	strace $0x9000004D  }
0xd2: {  	s0 =	stileid.u32;
	[bflag:$0x2] =	sbarrier.arrive $0xFFFF  }
0xd3: {  	p0 =	sne.s32 s0, $0x0;
	s0 =	rddreg [dreg:$0x2]  }
0xd4: {  	s0 =	sadd.s32 @!p0 $0x100000, s0  }
0xd5: {  	[sflag:s0] =	ssyncadd.tile.s32 @!p0 $0x1;
	_ =	shalt  }
.Lfunc_end2:
_tile_overlayer_lowered:
.L_overlay_start_2:
0xd6: {  	(tag) =	ssettag $0x2  }
0xd7: {  	s0 =	rddreg [dreg:$0x0];
	s2 =	stileid.u32  }
0xd8: {  	s1 =	rddreg [dreg:$0x1];
	p0 =	sne.s32 s2, $0x0  }
0xd9: {  	s3 =	rddreg [dreg:$0x2];
	[bflag:$0x3] =	sbarrier.arrive $0xFFFF;
	s2 =	simm.s32 @!p0 $0x1C06  }
0xda: {  	[timem:s3], [sflag:s2] =	dma.local @!p0 [hbm:s0], s1  }
0xdb: {  	s0 =	simm.s32 @!p0 $0x6  }
0xdc: {  	_ =	swait.ge @!p0 [sflag:s0], s1  }
0xdd: {  	s1 =	ssub.s32 @!p0 $0x0, s1;
	[sflag:s0] =	ssyncset.done @!p0 $0x0  }
0xde: {  	[sflag:s0] =	ssyncadd.s32 @!p0 s1  }
0xdf: {  	[bflag:$0x3] =	sbarrier.arrive $0xFFFF  }
0xe0: {  	_ =	shalt  }

// kernel: kernel.18.cloned.1.call-start
scs
__scs_entry_jumppad:
0x0: {  	(pc) =	sbr.rel $0x88, $3  }
0x1: {  	(tag) =	ssettag $0x0;
	lr =	simm.s32 $0x1  }
0x2: {  	[smem:$0x3F9B] =	sst lr;
	_ =	strace $0xD0000000  }
0x3: {  	_ = 	snop  }
0x4: {  	_ = 	snop  }
0x5: {  	_ = 	snop  }
0x6: {  	_ = 	snop  }
0x7: {  	_ = 	snop  }
__scs_overlays_trampoline_lowered:
0x8: {  	[smem:$0x3FAA] =	sst s0  }
0x9: {  	[smem:$0x3FAB] =	sst s1  }
0xa: {  	[smem:$0x3FAC] =	sst s2  }
0xb: {  	[smem:$0x3FAD] =	sst s3  }
0xc: {  	[smem:$0x3FAE] =	sst s4  }
0xd: {  	[smem:$0x3FAF] =	sst s5  }
0xe: {  	[smem:$0x3FB0] =	sst s6  }
0xf: {  	[smem:$0x3FB1] =	sst s7  }
0x10: {  	[smem:$0x3FB2] =	sst s8  }
0x11: {  	[smem:$0x3FB3] =	sst s9;
	s0 =	simm.s32 @!p0 $0x0  }
0x12: {  	s1 =	sld [smem:$0x3F99];
	s0 =	simm.s32 @p0 $0x1  }
0x13: {  	[smem:$0x3FB4] =	sst s0;
	s0 =	simm.s32 @!p1 $0x0  }
0x14: {  	s2 =	sld [smem:$0x3F98];
	s0 =	simm.s32 @p1 $0x1  }
0x15: {  	[smem:$0x3FB5] =	sst s0;
	s0 =	simm.s32 @!p2 $0x0  }
0x16: {  	s3 =	sld [smem:$0x3FDB];
	s0 =	simm.s32 @p2 $0x1  }
0x17: {  	s4 =	simm.s32 $0x1BF5;
	[smem:$0x3FB7] =	sst s0  }
0x18: {  	s0 =	sld [smem:$0x3F9A];
	_ =	swait.ge [sflag:s4], $0x0  }
0x19: {  	s7 =	sld [smem:$0x3F9B]  }
0x1a: {  	s8 =	sadd.s32 $0xFFFFE003, lr  }
0x1b: {  	s9 =	sadd.s32 $0xFFFFFEF7, lr;
	s5 =	simm.s32 $0xFFFFFFFF;
	p2 =	slt.u32 s8, $0xFFFFF086  }
0x1c: {  	p1 =	slt.u32 s9, $0xF7A;
	s5 =	simm.s32 @!p2 $0x0  }
0x1d: {  	s5 =	simm.s32 @p1 $0x1;
	p0 =	seq.s32 s7, s2  }
0x1e: {  	s7 =	smul.u32 @!p0 $0xF7A, s2;
	p2 =	seq.s32 @!p0 s5, $0x0  }
0x1f: {  	s9 =	smul.u32 $0xF7A, s1;
	s8 =	simm.s32 @!p0 $0x1BF5;
	p2 =	por !p2, p0  }
0x20: {  	[sflag:s8] =	ssyncset.s32 @!p0 $0xFFFFF086;
	s6 =	sadd.s32 @!p0 s3, s7;
	s7 =	simm.s32 @!p0 $0x108  }
0x21: {  	s3 =	sadd.s32 s3, s9;
	s6 =	sadd.s32 @!p0 $0x88, s6;
	s7 =	simm.s32 @p2 $0x1082  }
0x22: {  	[simem:s7], [sflag:s8] =	dma.local @!p0 [hbm:s6], $0xF7A  }
0x23: {  	s9 =	sor.u32 $0xD0000000, s2;
	s6 =	simm.s32 $0x108;
	_ =	swait.ge @!p0 [sflag:s8], $0x0  }
0x24: {  	s3 =	sadd.s32 $0x88, s3;
	s6 =	simm.s32 @!p1 $0x1082;
	[sflag:s4] =	ssyncset.s32 $0xFFFFF086  }
0x25: {  	[simem:s6], [sflag:s4] =	dma.local [hbm:s3], $0xF7A  }
0x26: {  	[smem:$0x3F9B] =	sst s1;
	(tag) =	ssettag s2;
	_ =	strace s9  }
0x27: {  	s1 =	sld [smem:$0x3FAB]  }
0x28: {  	s2 =	sld [smem:$0x3FAC]  }
0x29: {  	s4 =	sld [smem:$0x3FAE]  }
0x2a: {  	p0 =	seq.s32 s5, $0x0;
	s5 =	sld [smem:$0x3FAF]  }
0x2b: {  	s6 =	sld [smem:$0x3FB0]  }
0x2c: {  	s7 =	sld [smem:$0x3FB1]  }
0x2d: {  	s3 =	simm.s32 $0x108;
	s8 =	sld [smem:$0x3FB2]  }
0x2e: {  	s3 =	simm.s32 @!p0 $0x1082;
	s9 =	sld [smem:$0x3FB3]  }
0x2f: {  	lr =	sadd.s32 s0, s3;
	s0 =	sld [smem:$0x3FAA]  }
0x30: {  	s3 =	sld [smem:$0x3FAD]  }
0x31: {  	[smem:$0x3FB6] =	sst s10  }
0x32: {  	s10 =	sld [smem:$0x3FB4];
	_ =	sdelay $0x3  }
0x33: {  	p0 =	seq.s32 s10, $0x1;
	s10 =	sld [smem:$0x3FB6];
	_ =	sdelay $0x3  }
0x34: {  	[smem:$0x3FB6] =	sst s10  }
0x35: {  	s10 =	sld [smem:$0x3FB5];
	_ =	sdelay $0x3  }
0x36: {  	p1 =	seq.s32 s10, $0x1;
	s10 =	sld [smem:$0x3FB6];
	_ =	sdelay $0x3  }
0x37: {  	[smem:$0x3FB6] =	sst s10  }
0x38: {  	s10 =	sld [smem:$0x3FB7]  }
0x39: {  	_ = 	snop;
	(pc) =	sbr.ind lr, $3  }
0x3a: {  	_ = 	snop  }
0x3b: {  	_ = 	snop  }
0x3c: {  	p2 =	seq.s32 s10, $0x1;
	s10 =	sld [smem:$0x3FB6]  }
0x3d: {  	_ =	shalt  }
0x3e: {  	_ =	shalt  }
0x3f: {  	_ =	shalt  }
0x40: {  	_ =	shalt  }
0x41: {  	_ =	shalt  }
0x42: {  	_ =	shalt  }
0x43: {  	_ =	shalt  }
0x44: {  	_ =	shalt  }
0x45: {  	_ =	shalt  }
0x46: {  	_ =	shalt  }
0x47: {  	_ =	shalt  }
0x48: {  	_ =	shalt  }
0x49: {  	_ =	shalt  }
0x4a: {  	_ =	shalt  }
0x4b: {  	_ =	shalt  }
0x4c: {  	_ =	shalt  }
0x4d: {  	_ =	shalt  }
0x4e: {  	_ =	shalt  }
0x4f: {  	_ =	shalt  }
0x50: {  	_ =	shalt  }
0x51: {  	_ =	shalt  }
0x52: {  	_ =	shalt  }
0x53: {  	_ =	shalt  }
0x54: {  	_ =	shalt  }
0x55: {  	_ =	shalt  }
0x56: {  	_ =	shalt  }
0x57: {  	_ =	shalt  }
0x58: {  	_ =	shalt  }
0x59: {  	_ =	shalt  }
0x5a: {  	_ =	shalt  }
0x5b: {  	_ =	shalt  }
0x5c: {  	_ =	shalt  }
0x5d: {  	_ =	shalt  }
0x5e: {  	_ =	shalt  }
0x5f: {  	_ =	shalt  }
0x60: {  	_ =	shalt  }
0x61: {  	_ =	shalt  }
0x62: {  	_ =	shalt  }
0x63: {  	_ =	shalt  }
0x64: {  	_ =	shalt  }
0x65: {  	_ =	shalt  }
0x66: {  	_ =	shalt  }
0x67: {  	_ =	shalt  }
0x68: {  	_ =	shalt  }
0x69: {  	_ =	shalt  }
0x6a: {  	_ =	shalt  }
0x6b: {  	_ =	shalt  }
0x6c: {  	_ =	shalt  }
0x6d: {  	_ =	shalt  }
0x6e: {  	_ =	shalt  }
0x6f: {  	_ =	shalt  }
0x70: {  	_ =	shalt  }
0x71: {  	_ =	shalt  }
0x72: {  	_ =	shalt  }
0x73: {  	_ =	shalt  }
0x74: {  	_ =	shalt  }
0x75: {  	_ =	shalt  }
0x76: {  	_ =	shalt  }
0x77: {  	_ =	shalt  }
0x78: {  	_ =	shalt  }
0x79: {  	_ =	shalt  }
0x7a: {  	_ =	shalt  }
0x7b: {  	_ =	shalt  }
0x7c: {  	_ =	shalt  }
0x7d: {  	_ =	shalt  }
0x7e: {  	_ =	shalt  }
0x7f: {  	_ =	shalt  }
0x80: {  	_ =	shalt  }
0x81: {  	_ =	shalt  }
0x82: {  	_ =	shalt  }
0x83: {  	_ =	shalt  }
0x84: {  	_ =	shalt  }
0x85: {  	_ =	shalt  }
0x86: {  	_ =	shalt  }
0x87: {  	_ =	shalt  }
.Lfunc_end0:
.L_simem_size_0:
called_computation.3_lowered:
.L_overlay_start_0:
0x88: {  	s2 =	sld [smem:$0x3FD9]  }
0x89: {  	s3 =	sld [smem:$0x3FFE];
	_ =	sdelay $0x1  }
0x8a: {  	s1 =	srdreg.scid  }
0x8b: {  	s0 =	sand.u32 $0x1, s1  }
0x8c: {  	s17 =	sshll.u32 s0, $0xA;
	s2 =	sadd.s32 s3, s2  }
0x8d: {  	s2 =	sadd.s32 s2, s17  }
0x8e: {  	[smem:$0x3FC2] =	sst s2  }
0x8f: {  	_ = 	snop  }
0x90: {  	s2 =	sld [smem:$0x3FD0];
	(tm) =	ssettm $0x1  }
0x91: {  	s18 =	sld [smem:$0x3FFB];
	_ =	sdelay $0x3  }
0x92: {  	_ =	strace s18  }
0x93: {  	s3 =	sld [smem:$0x3FFC];
	_ =	sdelay $0x3  }
0x94: {  	_ =	strace s3  }
0x95: {  	s3 =	sld [smem:$0x3FFD];
	_ =	sdelay $0x3  }
0x96: {  	_ =	strace s3  }
0x97: {  	_ =	strace $0x8FFFFFFF  }
0x98: {  	s19 =	sld [smem:$0x3FDB];
	_ =	sdelay $0x1  }
0x99: {  	s4 =	simm.s32 $_scs_section_size  }
0x9a: {  	s5 =	simm.s32 $_size__tile_overlayer_lowered;
	s6 =	simm.s32 $_tile_overlayer_lowered  }
0x9b: {  	s22 =	simm.s32 $0x1BFF;
	s21 =	sshll.u32 s6, $0x1;
	s3 =	sadd.s32 s4, s19  }
0x9c: {  	s7 =	simm.s32 $0x0;
	s20 =	sshll.u32 s5, $0x1;
	s5 =	sadd.s32 s21, s3  }
0x9d: {  	[timem:s7], [sflag:s22] =	dma.local [hbm:s5], s20  }
0x9e: {  	_ =	swait.ge [sflag:s22], s20  }
0x9f: {  	s4 =	ssub.s32 $0x0, s20;
	[sflag:s22] =	ssyncset.done $0x0  }
0xa0: {  	[sflag:s22] =	ssyncadd.s32 s4;
	_ =	sdelay $0x1  }
0xa1: {  	s23 =	simm.s32 $0x1B8B  }
0xa2: {  	_ =	swait.ge [sflag:s23], $0x1  }
0xa3: {  	[sflag:s23] =	ssyncset.done $0x0  }
0xa4: {  	s25 =	simm.s32 $0x1B8E;
	s24 =	sld [smem:$0x3FFE];
	[sflag:s23] =	ssyncadd.s32 $0xFFFFFFFF  }
0xa5: {  	s26 =	simm.s32 $execute0_lowered;
	[smem:$0x3FD2] =	sst s25  }
0xa6: {  	s5 =	sshll.u32 s26, $0x1;
	_ =	strace $0x8000004F;
	[dreg:$0x1] =	wrdreg $0xFFFFFFFF  }
0xa7: {  	s28 =	simm.s32 $_size_execute0_lowered;
	s3 =	sadd.s32 s3, s5;
	[dreg:$0x0] =	wrdreg $0x0  }
0xa8: {  	s5 =	sshll.u32 s28, $0x1;
	[dreg:$0x2] =	wrdreg s3  }
0xa9: {  	[dreg:$0x3] =	wrdreg s5  }
0xaa: {  	[dreg:$0x4] =	wrdreg $0xC0  }
0xab: {  	_ =	task [dreg:s7], $0x5FFFF  }
0xac: {  	[dreg:$0x1] =	wrdreg $0xFFFFFFFF  }
0xad: {  	[dreg:$0x0] =	wrdreg $0x60  }
0xae: {  	[dreg:$0x2] =	wrdreg s24  }
0xaf: {  	[dreg:$0x3] =	wrdreg s2  }
0xb0: {  	[dreg:$0x4] =	wrdreg $0x186A00  }
0xb1: {  	[dreg:$0x5] =	wrdreg $0x9  }
0xb2: {  	_ =	task.clear_ibuf [dreg:s7], $0x6FFFF;
	_ =	strace $0x9000004F  }
0xb3: {  	s29 =	simm.s32 $0x9;
	_ =	strace $0x80000051  }
0xb4: {  	_ =	swait.ge [sflag:s29], $0x1  }
0xb5: {  	[sflag:s29] =	ssyncadd.s32 $0xFFFFFFFF  }
0xb6: {  	_ =	strace $0x90000051  }
0xb7: {  	_ =	sfence  }
0xb8: {  	s30 =	sld [smem:$0x0];
	_ =	sdelay $0x2  }
0xb9: {  	s31 =	sshll.u32 s1, $0xD;
	s1 =	sshrl.u32 s1, $0x2  }
0xba: {  	s3 =	sand.u32 $0x4000, s31;
	s1 =	sadd.s32 s1, s30  }
0xbb: {  	s0 =	sor.u32 s3, s0;
	s1 =	sshll.u32 s1, $0x11  }
0xbc: {  	s0 =	sor.u32 s1, s0  }
0xbd: {  	s0 =	sadd.s32 $0x8F2B, s0  }
0xbe: {  	[sflag:s0] =	ssyncadd.remote.s32 $0x1  }
0xbf: {  	_ =	sfence.sel $0xFFFF  }
0xc0: {  	[dreg:$0x0] =	wrdreg $0xFFFFFFFF;
	(pc) =	sbr.abs _section_cstart, $3  }
0xc1: {  	[dreg:$0x1] =	wrdreg $0xFFFFFFFF  }
0xc2: {  	_ =	task.clear_ibuf [dreg:s7], $0x2FFFF;
	_ =	strace $0x9FFFFFFF  }
0xc3: {  	(tm) =	ssettm $0x7FFFFFFF  }
tec
execute0_lowered:
.L_overlay_start_1:
0x0: {  	(tag) =	ssettag $0x1  }
0x1: {  	s8 =	rddreg [dreg:$0x0]  }
0x2: {  	s4 =	rddreg [dreg:$0x1]  }
0x3: {  	s2 =	rddreg [dreg:$0x2];
	s3 =	simm.s32 $0x0  }
0x4: {  	s11 =	simm.s32 $0x7D0;
	[smem:$0x7FF] =	sst s3  }
0x5: {  	s12 =	simm.s32 $0xBB8;
	_ =	strace $0x80000050;
	[dreg:$0x8] =	wrdreg s11  }
0x6: {  	s13 =	simm.s32 $0xFA0;
	[dreg:$0x9] =	wrdreg s12  }
0x7: {  	s14 =	simm.s32 $0x1388;
	[dreg:$0xa] =	wrdreg s13  }
0x8: {  	s15 =	simm.s32 $0x2AF8;
	[dreg:$0xb] =	wrdreg s14  }
0x9: {  	s16 =	simm.s32 $0x1770;
	[dreg:$0xc] =	wrdreg s15  }
0xa: {  	s17 =	simm.s32 $0x2EE0;
	[dreg:$0xd] =	wrdreg s16  }
0xb: {  	s0 =	srdreg.scid;
	s18 =	simm.s32 $0x1B58;
	[dreg:$0xe] =	wrdreg s17  }
0xc: {  	s25 =	stileid.u32;
	s19 =	simm.s32 $0x32C8;
	[dreg:$0xf] =	wrdreg s18  }
0xd: {  	s20 =	simm.s32 $0x1F40;
	s21 =	simm.s32 $0x36B0;
	[dreg:$0x10] =	wrdreg s19  }
0xe: {  	s22 =	simm.s32 $0x2328;
	s29 =	sand.u32 $0x1, s0;
	[dreg:$0x11] =	wrdreg s20  }
0xf: {  	s5 =	smul.u32 $0x2800, s25;
	s30 =	sshll.u32 s25, $0x6;
	[dreg:$0x12] =	wrdreg s21  }
0x10: {  	s1 =	sshll.u32 s29, $0x4;
	s7 =	smul.u32 $0x28000, s29;
	[dreg:$0x13] =	wrdreg s22  }
0x11: {  	s11 =	simm.s32 $0x3A98;
	s6 =	sor.u32 s25, s1;
	s9 =	sshrl.u32 s5, $0x3  }
0x12: {  	[dreg:$0x14] =	wrdreg s11;
	s6 =	smul.u32 $0x2710, s6;
	s7 =	sadd.s32 s5, s7  }
0x13: {  	s26 =	sadd.s32 s9, s8;
	s9 =	sor.u32 $0x1C07, s30;
	s7 =	sshrl.u32 s7, $0x3  }
0x14: {  	[dreg:$0x6] =	wrdreg s9;
	s6 =	sshrl.u32 s6, $0x3;
	s7 =	sadd.s32 s7, s8  }
0x15: {  	s12 =	rddreg [dreg:$0x6];
	s4 =	sadd.s32 s4, s6;
	s6 =	sadd.s32 $0x8400, s26  }
0x16: {  	s10 =	sadd.s32 $0xD400, s7;
	[dreg:$0x5] =	wrdreg s6  }
0x17: {  	s1 =	sadd.s32 $0x9C40, s4;
	[dreg:$0x7] =	wrdreg s10  }
0x18: {  	[tilespmem:s3], [sflag:$0x1] =	stream.linear.gather [hbm4b:s4+s3], $0x2710, $0x38;
	[tilespmem:$0x1AEA0] =	vst v63  }
0x19: {  	[dreg:$0x4] =	wrdreg s1  }
0x1a: {  	s24 =	sadd.s32 s5, s2;
	s5 =	simm.s32 $0x2710;
	s23 =	rddreg [dreg:$0x5]  }
0x1b: {  	s7 =	simm.s32 $0x1;
	s6 =	sshrl.u32 s24, $0x3;
	s10 =	rddreg [dreg:$0x4]  }
0x1c: {  	[tilespmem:s5], [sflag:$0x6] =	stream.linear.gather [hbm4b:s10+s3], $0x2710, $0x38;
	[tilespmem:$0x1AEA0] =	vst v63  }
0x1d: {  	[spmem:s6], [sflag:s12] =	dma.local [hbm:s23], $0x500  }
0x1e: {  	_ =	swait.ge [sflag:s7], $0x2710  }
0x1f: {  	s9 =	simm.s32 $0x3E8;
	[sflag:s7] =	ssyncset.done $0x0  }
0x20: {  	s8 =	sadd.s32 $0x17400, s8;
	s10 =	simm.s32 $0x4E20;
	[sflag:s7] =	ssyncadd.s32 $0xFFFFD8F0  }
0x21: {  	[tilespmem:s10], [sflag:$0x1] =	stream.indirect.gather [hbm4b:s8+s9], $0x10, s3, s9, $0xb8;
	[tilespmem:$0x1AEA0] =	vst v63  }
0x22: {  	s11 =	simm.s32 $0x8CA0  }
0x23: {  	[tilespmem:s11], [sflag:$0x2] =	stream.indirect.gather [hbm4b:s8+s9], $0x10, s9, s9, $0xb8;
	[tilespmem:$0x1AEA0] =	vst v63  }
0x24: {  	s12 =	simm.s32 $0xCB20;
	s13 =	rddreg [dreg:$0x8]  }
0x25: {  	[tilespmem:s12], [sflag:$0x3] =	stream.indirect.gather [hbm4b:s8+s9], $0x10, s13, s9, $0xb8;
	[tilespmem:$0x1AEA0] =	vst v63  }
0x26: {  	s14 =	rddreg [dreg:$0x9];
	s13 =	simm.s32 $0x109A0  }
0x27: {  	[tilespmem:s13], [sflag:$0x4] =	stream.indirect.gather [hbm4b:s8+s9], $0x10, s14, s9, $0xb8;
	[tilespmem:$0x1AEA0] =	vst v63  }
0x28: {  	s15 =	simm.s32 $0x6;
	s16 =	rddreg [dreg:$0xa];
	s14 =	simm.s32 $0x14820  }
0x29: {  	[tilespmem:s14], [sflag:$0x5] =	stream.indirect.gather [hbm4b:s8+s9], $0x10, s16, s9, $0xb8;
	[tilespmem:$0x1AEA0] =	vst v63  }
0x2a: {  	_ =	swait.ge [sflag:s15], $0x2710  }
0x2b: {  	[sflag:s15] =	ssyncset.done $0x0  }
0x2c: {  	s16 =	simm.s32 $0x7;
	[sflag:s15] =	ssyncadd.s32 $0xFFFFD8F0  }
0x2d: {  	_ =	swait.ge [sflag:s16], $0x500  }
0x2e: {  	[sflag:s16] =	ssyncset.done $0x0  }
0x2f: {  	[sflag:s16] =	ssyncadd.s32 $0xFFFFFB00  }
0x30: {  	[bflag:$0x0] =	sbarrier.arrive $0xFFFF  }
0x31: {  	_ =	swait.ge [sflag:s7], $0x3E80  }
0x32: {  	[sflag:s7] =	ssyncset.done $0x0  }
0x33: {  	[sflag:s7] =	ssyncadd.s32 $0xFFFFC180  }
0x34: {  	[spmem:s2] =	stream.indirect.scatter.add.f32 [tilespmem:s10], [sflag:$0x6], $0x10, s5, s9, $0xb8;
	[tilespmem:$0x1AEA0] =	vst v63  }
0x35: {  	_ =	swait.ge [sflag:s15], $0x3E80  }
0x36: {  	[sflag:s15] =	ssyncset.done $0x0  }
0x37: {  	s17 =	simm.s32 $0x2;
	s18 =	rddreg [dreg:$0xb];
	[sflag:s15] =	ssyncadd.s32 $0xFFFFC180  }
0x38: {  	[tilespmem:s10], [sflag:$0x1] =	stream.indirect.gather [hbm4b:s8+s9], $0x10, s18, s9, $0xb8;
	[tilespmem:$0x1AEA0] =	vst v63  }
0x39: {  	_ =	swait.ge [sflag:s17], $0x3E80  }
0x3a: {  	[sflag:s17] =	ssyncset.done $0x0  }
0x3b: {  	s25 =	rddreg [dreg:$0xc];
	[sflag:s17] =	ssyncadd.s32 $0xFFFFC180  }
0x3c: {  	[spmem:s2] =	stream.indirect.scatter.add.f32 [tilespmem:s11], [sflag:$0x7], $0x10, s25, s9, $0xb8;
	[tilespmem:$0x1AEA0] =	vst v63  }
0x3d: {  	_ =	swait.ge [sflag:s16], $0x3E80  }
0x3e: {  	[sflag:s16] =	ssyncset.done $0x0  }
0x3f: {  	s18 =	simm.s32 $0x3;
	s19 =	rddreg [dreg:$0xd];
	[sflag:s16] =	ssyncadd.s32 $0xFFFFC180  }
0x40: {  	[tilespmem:s11], [sflag:$0x2] =	stream.indirect.gather [hbm4b:s8+s9], $0x10, s19, s9, $0xb8;
	[tilespmem:$0x1AEA0] =	vst v63  }
0x41: {  	_ =	swait.ge [sflag:s18], $0x3E80  }
0x42: {  	[sflag:s18] =	ssyncset.done $0x0  }
0x43: {  	s19 =	simm.s32 $0x8;
	s20 =	rddreg [dreg:$0xe];
	[sflag:s18] =	ssyncadd.s32 $0xFFFFC180  }
0x44: {  	[spmem:s2] =	stream.indirect.scatter.add.f32 [tilespmem:s12], [sflag:$0x8], $0x10, s20, s9, $0xb8;
	[tilespmem:$0x1AEA0] =	vst v63  }
0x45: {  	_ =	swait.ge [sflag:s19], $0x3E80  }
0x46: {  	[sflag:s19] =	ssyncset.done $0x0  }
0x47: {  	s20 =	simm.s32 $0x4;
	s21 =	rddreg [dreg:$0xf];
	[sflag:s19] =	ssyncadd.s32 $0xFFFFC180  }
0x48: {  	[tilespmem:s12], [sflag:$0x3] =	stream.indirect.gather [hbm4b:s8+s9], $0x10, s21, s9, $0xb8;
	[tilespmem:$0x1AEA0] =	vst v63  }
0x49: {  	_ =	swait.ge [sflag:s20], $0x3E80  }
0x4a: {  	[sflag:s20] =	ssyncset.done $0x0  }
0x4b: {  	s21 =	simm.s32 $0x9;
	s22 =	rddreg [dreg:$0x10];
	[sflag:s20] =	ssyncadd.s32 $0xFFFFC180  }
0x4c: {  	[spmem:s2] =	stream.indirect.scatter.add.f32 [tilespmem:s13], [sflag:$0x9], $0x10, s22, s9, $0xb8;
	[tilespmem:$0x1AEA0] =	vst v63  }
0x4d: {  	_ =	swait.ge [sflag:s21], $0x3E80  }
0x4e: {  	[sflag:s21] =	ssyncset.done $0x0  }
0x4f: {  	s22 =	simm.s32 $0x5;
	s23 =	rddreg [dreg:$0x11];
	[sflag:s21] =	ssyncadd.s32 $0xFFFFC180  }
0x50: {  	[tilespmem:s13], [sflag:$0x4] =	stream.indirect.gather [hbm4b:s8+s9], $0x10, s23, s9, $0xb8;
	[tilespmem:$0x1AEA0] =	vst v63  }
0x51: {  	_ =	swait.ge [sflag:s22], $0x3E80  }
0x52: {  	[sflag:s22] =	ssyncset.done $0x0  }
0x53: {  	s23 =	simm.s32 $0xA;
	s26 =	rddreg [dreg:$0x12];
	[sflag:s22] =	ssyncadd.s32 $0xFFFFC180  }
0x54: {  	[spmem:s2] =	stream.indirect.scatter.add.f32 [tilespmem:s14], [sflag:$0xA], $0x10, s26, s9, $0xb8;
	[tilespmem:$0x1AEA0] =	vst v63  }
0x55: {  	_ =	swait.ge [sflag:s23], $0x3E80  }
0x56: {  	[sflag:s23] =	ssyncset.done $0x0  }
0x57: {  	s24 =	rddreg [dreg:$0x13];
	[sflag:s23] =	ssyncadd.s32 $0xFFFFC180  }
0x58: {  	[tilespmem:s14], [sflag:$0x5] =	stream.indirect.gather [hbm4b:s8+s9], $0x10, s24, s9, $0xb8;
	[tilespmem:$0x1AEA0] =	vst v63  }
0x59: {  	_ =	swait.ge [sflag:s7], $0x3E80  }
0x5a: {  	[sflag:s7] =	ssyncset.done $0x0  }
0x5b: {  	s0 =	rddreg [dreg:$0x14];
	[sflag:s7] =	ssyncadd.s32 $0xFFFFC180  }
0x5c: {  	[spmem:s2] =	stream.indirect.scatter.add.f32 [tilespmem:s10], [sflag:$0x6], $0x10, s0, s9, $0xb8;
	[tilespmem:$0x1AEA0] =	vst v63  }
0x5d: {  	_ =	swait.ge [sflag:s17], $0x3E80  }
0x5e: {  	[sflag:s17] =	ssyncset.done $0x0  }
0x5f: {  	s1 =	simm.s32 $0x3E80;
	[sflag:s17] =	ssyncadd.s32 $0xFFFFC180  }
0x60: {  	[spmem:s2] =	stream.indirect.scatter.add.f32 [tilespmem:s11], [sflag:$0x7], $0x10, s1, s9, $0xb8;
	[tilespmem:$0x1AEA0] =	vst v63  }
0x61: {  	_ =	swait.ge [sflag:s18], $0x3E80  }
0x62: {  	[sflag:s18] =	ssyncset.done $0x0  }
0x63: {  	s25 =	simm.s32 $0x4268;
	[sflag:s18] =	ssyncadd.s32 $0xFFFFC180  }
0x64: {  	[spmem:s2] =	stream.indirect.scatter.add.f32 [tilespmem:s12], [sflag:$0x8], $0x10, s25, s9, $0xb8;
	[tilespmem:$0x1AEA0] =	vst v63  }
0x65: {  	_ =	swait.ge [sflag:s20], $0x3E80  }
0x66: {  	[sflag:s20] =	ssyncset.done $0x0  }
0x67: {  	s26 =	simm.s32 $0x4650;
	[sflag:s20] =	ssyncadd.s32 $0xFFFFC180  }
0x68: {  	[spmem:s2] =	stream.indirect.scatter.add.f32 [tilespmem:s13], [sflag:$0x9], $0x10, s26, s9, $0xb8;
	[tilespmem:$0x1AEA0] =	vst v63  }
0x69: {  	_ =	swait.ge [sflag:s22], $0x3E80  }
0x6a: {  	[sflag:s22] =	ssyncset.done $0x0  }
0x6b: {  	s28 =	simm.s32 $0x4A38;
	[sflag:s22] =	ssyncadd.s32 $0xFFFFC180  }
0x6c: {  	[spmem:s2] =	stream.indirect.scatter.add.f32 [tilespmem:s14], [sflag:$0xA], $0x10, s28, s9, $0xb8;
	[tilespmem:$0x1AEA0] =	vst v63  }
0x6d: {  	_ =	swait.ge [sflag:s15], $0x3E80  }
0x6e: {  	[sflag:s15] =	ssyncset.done $0x0  }
0x6f: {  	[sflag:s15] =	ssyncadd.s32 $0xFFFFC180  }
0x70: {  	_ =	swait.ge [sflag:s16], $0x3E80  }
0x71: {  	[sflag:s16] =	ssyncset.done $0x0  }
0x72: {  	[sflag:s16] =	ssyncadd.s32 $0xFFFFC180  }
0x73: {  	_ =	swait.ge [sflag:s19], $0x3E80  }
0x74: {  	[sflag:s19] =	ssyncset.done $0x0  }
0x75: {  	[sflag:s19] =	ssyncadd.s32 $0xFFFFC180  }
0x76: {  	s29 =	ssub.s32 $0x2, s29;
	_ =	swait.ge [sflag:s21], $0x3E80  }
0x77: {  	s24 =	sshrl.u32 s29, $0x1;
	[sflag:s21] =	ssyncset.done $0x0  }
0x78: {  	s1 =	ssub.s32 s29, s24;
	[sflag:s21] =	ssyncadd.s32 $0xFFFFC180  }
0x79: {  	s1 =	smax.u32 s1, $0x1;
	_ =	swait.ge [sflag:s23], $0x3E80  }
0x7a: {  	p0 =	sne.s32 s1, $0x1;
	[sflag:s23] =	ssyncset.done $0x0  }
.Ltmp0:
0x7b: {  	[sflag:s23] =	ssyncadd.s32 $0xFFFFC180;
	(pc) =	sbr.rel @!p0 .LBB2_2-.Ltmp0, $4  }
0x7c: {  	[bflag:$0x0] =	sbarrier.arrive $0xFFFF  }
0x7d: {  	s29 =	sor.u32 $0x1C0B, s30;
	s30 =	simm.s32 $0xB;
	s31 =	rddreg [dreg:$0x7]  }
0x7e: {  	[hbm:s31], [sflag:s29] =	dma.local [spmem:s6], $0x500  }
0x7f: {  	s31 =	sadd.s32 $0xFFFFFFFF, s1;
	_ =	swait.ge [sflag:s30], $0x500  }
.LBB2_1:
0x80: {  	s1 =	rddreg [dreg:$0x5];
	[sflag:s30] =	ssyncset.done $0x0  }
0x81: {  	s0 =	rddreg [dreg:$0x4];
	[sflag:s30] =	ssyncadd.s32 $0xFFFFFB00  }
0x82: {  	[tilespmem:s3], [sflag:$0x1] =	stream.linear.gather [hbm4b:s4+s3], $0x2710, $0x38;
	[tilespmem:$0x1AEA0] =	vst v63  }
0x83: {  	s24 =	rddreg [dreg:$0x6]  }
0x84: {  	[tilespmem:s5], [sflag:$0x6] =	stream.linear.gather [hbm4b:s0+s3], $0x2710, $0x38;
	[tilespmem:$0x1AEA0] =	vst v63  }
0x85: {  	[spmem:s6], [sflag:s24] =	dma.local [hbm:s1], $0x500  }
0x86: {  	_ =	swait.ge [sflag:s7], $0x2710  }
0x87: {  	[sflag:s7] =	ssyncset.done $0x0  }
0x88: {  	[sflag:s7] =	ssyncadd.s32 $0xFFFFD8F0  }
0x89: {  	[tilespmem:s10], [sflag:$0x1] =	stream.indirect.gather [hbm4b:s8+s9], $0x10, s3, s9, $0xb8;
	[tilespmem:$0x1AEA0] =	vst v63  }
0x8a: {  	_ = 	snop  }
0x8b: {  	[tilespmem:s11], [sflag:$0x2] =	stream.indirect.gather [hbm4b:s8+s9], $0x10, s9, s9, $0xb8;
	[tilespmem:$0x1AEA0] =	vst v63  }
0x8c: {  	s24 =	rddreg [dreg:$0x8]  }
0x8d: {  	[tilespmem:s12], [sflag:$0x3] =	stream.indirect.gather [hbm4b:s8+s9], $0x10, s24, s9, $0xb8;
	[tilespmem:$0x1AEA0] =	vst v63  }
0x8e: {  	s1 =	rddreg [dreg:$0x9]  }
0x8f: {  	[tilespmem:s13], [sflag:$0x4] =	stream.indirect.gather [hbm4b:s8+s9], $0x10, s1, s9, $0xb8;
	[tilespmem:$0x1AEA0] =	vst v63  }
0x90: {  	s24 =	rddreg [dreg:$0xa]  }
0x91: {  	[tilespmem:s14], [sflag:$0x5] =	stream.indirect.gather [hbm4b:s8+s9], $0x10, s24, s9, $0xb8;
	[tilespmem:$0x1AEA0] =	vst v63  }
0x92: {  	_ =	swait.ge [sflag:s15], $0x2710  }
0x93: {  	[sflag:s15] =	ssyncset.done $0x0  }
0x94: {  	[sflag:s15] =	ssyncadd.s32 $0xFFFFD8F0  }
0x95: {  	_ =	swait.ge [sflag:s16], $0x500  }
0x96: {  	[sflag:s16] =	ssyncset.done $0x0  }
0x97: {  	[sflag:s16] =	ssyncadd.s32 $0xFFFFFB00  }
0x98: {  	[bflag:$0x0] =	sbarrier.arrive $0xFFFF  }
0x99: {  	_ =	swait.ge [sflag:s7], $0x3E80  }
0x9a: {  	[sflag:s7] =	ssyncset.done $0x0  }
0x9b: {  	[sflag:s7] =	ssyncadd.s32 $0xFFFFC180  }
0x9c: {  	[spmem:s2] =	stream.indirect.scatter.add.f32 [tilespmem:s10], [sflag:$0x6], $0x10, s5, s9, $0xb8;
	[tilespmem:$0x1AEA0] =	vst v63  }
0x9d: {  	_ =	swait.ge [sflag:s15], $0x3E80  }
0x9e: {  	[sflag:s15] =	ssyncset.done $0x0  }
0x9f: {  	s1 =	rddreg [dreg:$0xb];
	[sflag:s15] =	ssyncadd.s32 $0xFFFFC180  }
0xa0: {  	[tilespmem:s10], [sflag:$0x1] =	stream.indirect.gather [hbm4b:s8+s9], $0x10, s1, s9, $0xb8;
	[tilespmem:$0x1AEA0] =	vst v63  }
0xa1: {  	_ =	swait.ge [sflag:s17], $0x3E80  }
0xa2: {  	[sflag:s17] =	ssyncset.done $0x0  }
0xa3: {  	s24 =	rddreg [dreg:$0xc];
	[sflag:s17] =	ssyncadd.s32 $0xFFFFC180  }
0xa4: {  	[spmem:s2] =	stream.indirect.scatter.add.f32 [tilespmem:s11], [sflag:$0x7], $0x10, s24, s9, $0xb8;
	[tilespmem:$0x1AEA0] =	vst v63  }
0xa5: {  	_ =	swait.ge [sflag:s16], $0x3E80  }
0xa6: {  	[sflag:s16] =	ssyncset.done $0x0  }
0xa7: {  	s1 =	rddreg [dreg:$0xd];
	[sflag:s16] =	ssyncadd.s32 $0xFFFFC180  }
0xa8: {  	[tilespmem:s11], [sflag:$0x2] =	stream.indirect.gather [hbm4b:s8+s9], $0x10, s1, s9, $0xb8;
	[tilespmem:$0x1AEA0] =	vst v63  }
0xa9: {  	_ =	swait.ge [sflag:s18], $0x3E80  }
0xaa: {  	[sflag:s18] =	ssyncset.done $0x0  }
0xab: {  	s24 =	rddreg [dreg:$0xe];
	[sflag:s18] =	ssyncadd.s32 $0xFFFFC180  }
0xac: {  	[spmem:s2] =	stream.indirect.scatter.add.f32 [tilespmem:s12], [sflag:$0x8], $0x10, s24, s9, $0xb8;
	[tilespmem:$0x1AEA0] =	vst v63  }
0xad: {  	_ =	swait.ge [sflag:s19], $0x3E80  }
0xae: {  	[sflag:s19] =	ssyncset.done $0x0  }
0xaf: {  	s1 =	rddreg [dreg:$0xf];
	[sflag:s19] =	ssyncadd.s32 $0xFFFFC180  }
0xb0: {  	[tilespmem:s12], [sflag:$0x3] =	stream.indirect.gather [hbm4b:s8+s9], $0x10, s1, s9, $0xb8;
	[tilespmem:$0x1AEA0] =	vst v63  }
0xb1: {  	_ =	swait.ge [sflag:s20], $0x3E80  }
0xb2: {  	[sflag:s20] =	ssyncset.done $0x0  }
0xb3: {  	s24 =	rddreg [dreg:$0x10];
	[sflag:s20] =	ssyncadd.s32 $0xFFFFC180  }
0xb4: {  	[spmem:s2] =	stream.indirect.scatter.add.f32 [tilespmem:s13], [sflag:$0x9], $0x10, s24, s9, $0xb8;
	[tilespmem:$0x1AEA0] =	vst v63  }
0xb5: {  	_ =	swait.ge [sflag:s21], $0x3E80  }
0xb6: {  	[sflag:s21] =	ssyncset.done $0x0  }
0xb7: {  	s1 =	rddreg [dreg:$0x11];
	[sflag:s21] =	ssyncadd.s32 $0xFFFFC180  }
0xb8: {  	[tilespmem:s13], [sflag:$0x4] =	stream.indirect.gather [hbm4b:s8+s9], $0x10, s1, s9, $0xb8;
	[tilespmem:$0x1AEA0] =	vst v63  }
0xb9: {  	_ =	swait.ge [sflag:s22], $0x3E80  }
0xba: {  	[sflag:s22] =	ssyncset.done $0x0  }
0xbb: {  	s24 =	rddreg [dreg:$0x12];
	[sflag:s22] =	ssyncadd.s32 $0xFFFFC180  }
0xbc: {  	[spmem:s2] =	stream.indirect.scatter.add.f32 [tilespmem:s14], [sflag:$0xA], $0x10, s24, s9, $0xb8;
	[tilespmem:$0x1AEA0] =	vst v63  }
0xbd: {  	_ =	swait.ge [sflag:s23], $0x3E80  }
0xbe: {  	[sflag:s23] =	ssyncset.done $0x0  }
0xbf: {  	s1 =	rddreg [dreg:$0x13];
	[sflag:s23] =	ssyncadd.s32 $0xFFFFC180  }
0xc0: {  	[tilespmem:s14], [sflag:$0x5] =	stream.indirect.gather [hbm4b:s8+s9], $0x10, s1, s9, $0xb8;
	[tilespmem:$0x1AEA0] =	vst v63  }
0xc1: {  	_ =	swait.ge [sflag:s7], $0x3E80  }
0xc2: {  	[sflag:s7] =	ssyncset.done $0x0  }
0xc3: {  	s24 =	rddreg [dreg:$0x14];
	[sflag:s7] =	ssyncadd.s32 $0xFFFFC180  }
0xc4: {  	[spmem:s2] =	stream.indirect.scatter.add.f32 [tilespmem:s10], [sflag:$0x6], $0x10, s24, s9, $0xb8;
	[tilespmem:$0x1AEA0] =	vst v63  }
0xc5: {  	_ =	swait.ge [sflag:s17], $0x3E80  }
0xc6: {  	[sflag:s17] =	ssyncset.done $0x0  }
0xc7: {  	s1 =	simm.s32 $0x3E80;
	[sflag:s17] =	ssyncadd.s32 $0xFFFFC180  }
0xc8: {  	[spmem:s2] =	stream.indirect.scatter.add.f32 [tilespmem:s11], [sflag:$0x7], $0x10, s1, s9, $0xb8;
	[tilespmem:$0x1AEA0] =	vst v63  }
0xc9: {  	_ =	swait.ge [sflag:s18], $0x3E80  }
0xca: {  	[sflag:s18] =	ssyncset.done $0x0  }
0xcb: {  	[sflag:s18] =	ssyncadd.s32 $0xFFFFC180  }
0xcc: {  	[spmem:s2] =	stream.indirect.scatter.add.f32 [tilespmem:s12], [sflag:$0x8], $0x10, s25, s9, $0xb8;
	[tilespmem:$0x1AEA0] =	vst v63  }
0xcd: {  	_ =	swait.ge [sflag:s20], $0x3E80  }
0xce: {  	[sflag:s20] =	ssyncset.done $0x0  }
0xcf: {  	[sflag:s20] =	ssyncadd.s32 $0xFFFFC180  }
0xd0: {  	[spmem:s2] =	stream.indirect.scatter.add.f32 [tilespmem:s13], [sflag:$0x9], $0x10, s26, s9, $0xb8;
	[tilespmem:$0x1AEA0] =	vst v63  }
0xd1: {  	_ =	swait.ge [sflag:s22], $0x3E80  }
0xd2: {  	[sflag:s22] =	ssyncset.done $0x0  }
0xd3: {  	[sflag:s22] =	ssyncadd.s32 $0xFFFFC180  }
0xd4: {  	[spmem:s2] =	stream.indirect.scatter.add.f32 [tilespmem:s14], [sflag:$0xA], $0x10, s28, s9, $0xb8;
	[tilespmem:$0x1AEA0] =	vst v63  }
0xd5: {  	_ =	swait.ge [sflag:s15], $0x3E80  }
0xd6: {  	[sflag:s15] =	ssyncset.done $0x0  }
0xd7: {  	[sflag:s15] =	ssyncadd.s32 $0xFFFFC180  }
0xd8: {  	_ =	swait.ge [sflag:s16], $0x3E80  }
0xd9: {  	[sflag:s16] =	ssyncset.done $0x0  }
0xda: {  	[sflag:s16] =	ssyncadd.s32 $0xFFFFC180  }
0xdb: {  	_ =	swait.ge [sflag:s19], $0x3E80  }
0xdc: {  	[sflag:s19] =	ssyncset.done $0x0  }
0xdd: {  	[sflag:s19] =	ssyncadd.s32 $0xFFFFC180  }
0xde: {  	_ =	swait.ge [sflag:s21], $0x3E80  }
0xdf: {  	[sflag:s21] =	ssyncset.done $0x0  }
0xe0: {  	[sflag:s21] =	ssyncadd.s32 $0xFFFFC180  }
0xe1: {  	_ =	swait.ge [sflag:s23], $0x3E80  }
0xe2: {  	p0 =	sne.s32 s31, $0x1;
	[sflag:s23] =	ssyncset.done $0x0  }
.Ltmp1:
0xe3: {  	[sflag:s23] =	ssyncadd.s32 $0xFFFFC180;
	(pc) =	sbr.rel @p0 .LBB2_1-.Ltmp1, $4  }
0xe4: {  	[bflag:$0x0] =	sbarrier.arrive $0xFFFF  }
0xe5: {  	s24 =	rddreg [dreg:$0x7]  }
0xe6: {  	[hbm:s24], [sflag:s29] =	dma.local [spmem:s6], $0x500  }
0xe7: {  	s31 =	sadd.s32 $0xFFFFFFFF, s31;
	_ =	swait.ge [sflag:s30], $0x500  }
.LBB2_2:
0xe8: {  	[sflag:s30] =	ssyncset.done $0x0  }
0xe9: {  	[sflag:s30] =	ssyncadd.s32 $0xFFFFFB00  }
0xea: {  	_ =	sfence.sel $0x180000  }
0xeb: {  	[bflag:$0x0] =	sbarrier.arrive $0xFFFF  }
0xec: {  	_ =	strace $0x90000050  }
0xed: {  	s0 =	stileid.u32;
	[bflag:$0x2] =	sbarrier.arrive $0xFFFF  }
0xee: {  	p0 =	sne.s32 s0, $0x0;
	s0 =	rddreg [dreg:$0x3]  }
0xef: {  	s0 =	sadd.s32 @!p0 $0x100000, s0  }
0xf0: {  	[sflag:s0] =	ssyncadd.tile.s32 @!p0 $0x1;
	_ =	shalt  }
.Lfunc_end2:
_tile_overlayer_lowered:
.L_overlay_start_2:
0xf1: {  	(tag) =	ssettag $0x2  }
0xf2: {  	s0 =	rddreg [dreg:$0x0];
	s2 =	stileid.u32  }
0xf3: {  	s1 =	rddreg [dreg:$0x1];
	p0 =	sne.s32 s2, $0x0  }
0xf4: {  	s3 =	rddreg [dreg:$0x2];
	[bflag:$0x3] =	sbarrier.arrive $0xFFFF;
	s2 =	simm.s32 @!p0 $0x1C0B  }
0xf5: {  	[timem:s3], [sflag:s2] =	dma.local @!p0 [hbm:s0], s1  }
0xf6: {  	s0 =	simm.s32 @!p0 $0xB  }
0xf7: {  	_ =	swait.ge @!p0 [sflag:s0], s1  }
0xf8: {  	s1 =	ssub.s32 @!p0 $0x0, s1;
	[sflag:s0] =	ssyncset.done @!p0 $0x0  }
0xf9: {  	[sflag:s0] =	ssyncadd.s32 @!p0 s1  }
0xfa: {  	[bflag:$0x3] =	sbarrier.arrive $0xFFFF  }
0xfb: {  	_ =	shalt  }

// kernel: kernel.9.cloned.1.call-start
scs
__scs_entry_jumppad:
0x0: {  	(pc) =	sbr.rel $0x88, $3  }
0x1: {  	(tag) =	ssettag $0x0;
	lr =	simm.s32 $0x1  }
0x2: {  	[smem:$0x3F9B] =	sst lr;
	_ =	strace $0xD0000000  }
0x3: {  	_ = 	snop  }
0x4: {  	_ = 	snop  }
0x5: {  	_ = 	snop  }
0x6: {  	_ = 	snop  }
0x7: {  	_ = 	snop  }
__scs_overlays_trampoline_lowered:
0x8: {  	[smem:$0x3FAA] =	sst s0  }
0x9: {  	[smem:$0x3FAB] =	sst s1  }
0xa: {  	[smem:$0x3FAC] =	sst s2  }
0xb: {  	[smem:$0x3FAD] =	sst s3  }
0xc: {  	[smem:$0x3FAE] =	sst s4  }
0xd: {  	[smem:$0x3FAF] =	sst s5  }
0xe: {  	[smem:$0x3FB0] =	sst s6  }
0xf: {  	[smem:$0x3FB1] =	sst s7  }
0x10: {  	[smem:$0x3FB2] =	sst s8  }
0x11: {  	[smem:$0x3FB3] =	sst s9;
	s0 =	simm.s32 @!p0 $0x0  }
0x12: {  	s1 =	sld [smem:$0x3F99];
	s0 =	simm.s32 @p0 $0x1  }
0x13: {  	[smem:$0x3FB4] =	sst s0;
	s0 =	simm.s32 @!p1 $0x0  }
0x14: {  	s2 =	sld [smem:$0x3F98];
	s0 =	simm.s32 @p1 $0x1  }
0x15: {  	[smem:$0x3FB5] =	sst s0;
	s0 =	simm.s32 @!p2 $0x0  }
0x16: {  	s3 =	sld [smem:$0x3FDB];
	s0 =	simm.s32 @p2 $0x1  }
0x17: {  	s4 =	simm.s32 $0x1BF5;
	[smem:$0x3FB7] =	sst s0  }
0x18: {  	s0 =	sld [smem:$0x3F9A];
	_ =	swait.ge [sflag:s4], $0x0  }
0x19: {  	s7 =	sld [smem:$0x3F9B]  }
0x1a: {  	s8 =	sadd.s32 $0xFFFFE003, lr  }
0x1b: {  	s9 =	sadd.s32 $0xFFFFFEF7, lr;
	s5 =	simm.s32 $0xFFFFFFFF;
	p2 =	slt.u32 s8, $0xFFFFF086  }
0x1c: {  	p1 =	slt.u32 s9, $0xF7A;
	s5 =	simm.s32 @!p2 $0x0  }
0x1d: {  	s5 =	simm.s32 @p1 $0x1;
	p0 =	seq.s32 s7, s2  }
0x1e: {  	s7 =	smul.u32 @!p0 $0xF7A, s2;
	p2 =	seq.s32 @!p0 s5, $0x0  }
0x1f: {  	s9 =	smul.u32 $0xF7A, s1;
	s8 =	simm.s32 @!p0 $0x1BF5;
	p2 =	por !p2, p0  }
0x20: {  	[sflag:s8] =	ssyncset.s32 @!p0 $0xFFFFF086;
	s6 =	sadd.s32 @!p0 s3, s7;
	s7 =	simm.s32 @!p0 $0x108  }
0x21: {  	s3 =	sadd.s32 s3, s9;
	s6 =	sadd.s32 @!p0 $0x88, s6;
	s7 =	simm.s32 @p2 $0x1082  }
0x22: {  	[simem:s7], [sflag:s8] =	dma.local @!p0 [hbm:s6], $0xF7A  }
0x23: {  	s9 =	sor.u32 $0xD0000000, s2;
	s6 =	simm.s32 $0x108;
	_ =	swait.ge @!p0 [sflag:s8], $0x0  }
0x24: {  	s3 =	sadd.s32 $0x88, s3;
	s6 =	simm.s32 @!p1 $0x1082;
	[sflag:s4] =	ssyncset.s32 $0xFFFFF086  }
0x25: {  	[simem:s6], [sflag:s4] =	dma.local [hbm:s3], $0xF7A  }
0x26: {  	[smem:$0x3F9B] =	sst s1;
	(tag) =	ssettag s2;
	_ =	strace s9  }
0x27: {  	s1 =	sld [smem:$0x3FAB]  }
0x28: {  	s2 =	sld [smem:$0x3FAC]  }
0x29: {  	s4 =	sld [smem:$0x3FAE]  }
0x2a: {  	p0 =	seq.s32 s5, $0x0;
	s5 =	sld [smem:$0x3FAF]  }
0x2b: {  	s6 =	sld [smem:$0x3FB0]  }
0x2c: {  	s7 =	sld [smem:$0x3FB1]  }
0x2d: {  	s3 =	simm.s32 $0x108;
	s8 =	sld [smem:$0x3FB2]  }
0x2e: {  	s3 =	simm.s32 @!p0 $0x1082;
	s9 =	sld [smem:$0x3FB3]  }
0x2f: {  	lr =	sadd.s32 s0, s3;
	s0 =	sld [smem:$0x3FAA]  }
0x30: {  	s3 =	sld [smem:$0x3FAD]  }
0x31: {  	[smem:$0x3FB6] =	sst s10  }
0x32: {  	s10 =	sld [smem:$0x3FB4];
	_ =	sdelay $0x3  }
0x33: {  	p0 =	seq.s32 s10, $0x1;
	s10 =	sld [smem:$0x3FB6];
	_ =	sdelay $0x3  }
0x34: {  	[smem:$0x3FB6] =	sst s10  }
0x35: {  	s10 =	sld [smem:$0x3FB5];
	_ =	sdelay $0x3  }
0x36: {  	p1 =	seq.s32 s10, $0x1;
	s10 =	sld [smem:$0x3FB6];
	_ =	sdelay $0x3  }
0x37: {  	[smem:$0x3FB6] =	sst s10  }
0x38: {  	s10 =	sld [smem:$0x3FB7]  }
0x39: {  	_ = 	snop;
	(pc) =	sbr.ind lr, $3  }
0x3a: {  	_ = 	snop  }
0x3b: {  	_ = 	snop  }
0x3c: {  	p2 =	seq.s32 s10, $0x1;
	s10 =	sld [smem:$0x3FB6]  }
0x3d: {  	_ =	shalt  }
0x3e: {  	_ =	shalt  }
0x3f: {  	_ =	shalt  }
0x40: {  	_ =	shalt  }
0x41: {  	_ =	shalt  }
0x42: {  	_ =	shalt  }
0x43: {  	_ =	shalt  }
0x44: {  	_ =	shalt  }
0x45: {  	_ =	shalt  }
0x46: {  	_ =	shalt  }
0x47: {  	_ =	shalt  }
0x48: {  	_ =	shalt  }
0x49: {  	_ =	shalt  }
0x4a: {  	_ =	shalt  }
0x4b: {  	_ =	shalt  }
0x4c: {  	_ =	shalt  }
0x4d: {  	_ =	shalt  }
0x4e: {  	_ =	shalt  }
0x4f: {  	_ =	shalt  }
0x50: {  	_ =	shalt  }
0x51: {  	_ =	shalt  }
0x52: {  	_ =	shalt  }
0x53: {  	_ =	shalt  }
0x54: {  	_ =	shalt  }
0x55: {  	_ =	shalt  }
0x56: {  	_ =	shalt  }
0x57: {  	_ =	shalt  }
0x58: {  	_ =	shalt  }
0x59: {  	_ =	shalt  }
0x5a: {  	_ =	shalt  }
0x5b: {  	_ =	shalt  }
0x5c: {  	_ =	shalt  }
0x5d: {  	_ =	shalt  }
0x5e: {  	_ =	shalt  }
0x5f: {  	_ =	shalt  }
0x60: {  	_ =	shalt  }
0x61: {  	_ =	shalt  }
0x62: {  	_ =	shalt  }
0x63: {  	_ =	shalt  }
0x64: {  	_ =	shalt  }
0x65: {  	_ =	shalt  }
0x66: {  	_ =	shalt  }
0x67: {  	_ =	shalt  }
0x68: {  	_ =	shalt  }
0x69: {  	_ =	shalt  }
0x6a: {  	_ =	shalt  }
0x6b: {  	_ =	shalt  }
0x6c: {  	_ =	shalt  }
0x6d: {  	_ =	shalt  }
0x6e: {  	_ =	shalt  }
0x6f: {  	_ =	shalt  }
0x70: {  	_ =	shalt  }
0x71: {  	_ =	shalt  }
0x72: {  	_ =	shalt  }
0x73: {  	_ =	shalt  }
0x74: {  	_ =	shalt  }
0x75: {  	_ =	shalt  }
0x76: {  	_ =	shalt  }
0x77: {  	_ =	shalt  }
0x78: {  	_ =	shalt  }
0x79: {  	_ =	shalt  }
0x7a: {  	_ =	shalt  }
0x7b: {  	_ =	shalt  }
0x7c: {  	_ =	shalt  }
0x7d: {  	_ =	shalt  }
0x7e: {  	_ =	shalt  }
0x7f: {  	_ =	shalt  }
0x80: {  	_ =	shalt  }
0x81: {  	_ =	shalt  }
0x82: {  	_ =	shalt  }
0x83: {  	_ =	shalt  }
0x84: {  	_ =	shalt  }
0x85: {  	_ =	shalt  }
0x86: {  	_ =	shalt  }
0x87: {  	_ =	shalt  }
.Lfunc_end0:
.L_simem_size_0:
called_computation_lowered:
.L_overlay_start_0:
0x88: {  	s2 =	sld [smem:$0x3FD9]  }
0x89: {  	s3 =	sld [smem:$0x3FFE];
	_ =	sdelay $0x1  }
0x8a: {  	s1 =	srdreg.scid  }
0x8b: {  	s0 =	sand.u32 $0x1, s1  }
0x8c: {  	s17 =	sshll.u32 s0, $0xA;
	s2 =	sadd.s32 s3, s2  }
0x8d: {  	s2 =	sadd.s32 s2, s17  }
0x8e: {  	[smem:$0x3FC2] =	sst s2  }
0x8f: {  	_ = 	snop  }
0x90: {  	s2 =	sld [smem:$0x3FD0];
	(tm) =	ssettm $0x1  }
0x91: {  	s18 =	sld [smem:$0x3FFB];
	_ =	sdelay $0x3  }
0x92: {  	_ =	strace s18  }
0x93: {  	s3 =	sld [smem:$0x3FFC];
	_ =	sdelay $0x3  }
0x94: {  	_ =	strace s3  }
0x95: {  	s3 =	sld [smem:$0x3FFD];
	_ =	sdelay $0x3  }
0x96: {  	_ =	strace s3  }
0x97: {  	_ =	strace $0x8FFFFFFF  }
0x98: {  	s19 =	sld [smem:$0x3FDB];
	_ =	sdelay $0x1  }
0x99: {  	s4 =	simm.s32 $_scs_section_size  }
0x9a: {  	s5 =	simm.s32 $_size__tile_overlayer_lowered;
	s6 =	simm.s32 $_tile_overlayer_lowered  }
0x9b: {  	s22 =	simm.s32 $0x1BFF;
	s21 =	sshll.u32 s6, $0x1;
	s3 =	sadd.s32 s4, s19  }
0x9c: {  	s7 =	simm.s32 $0x0;
	s20 =	sshll.u32 s5, $0x1;
	s5 =	sadd.s32 s21, s3  }
0x9d: {  	[timem:s7], [sflag:s22] =	dma.local [hbm:s5], s20  }
0x9e: {  	_ =	swait.ge [sflag:s22], s20  }
0x9f: {  	s4 =	ssub.s32 $0x0, s20;
	[sflag:s22] =	ssyncset.done $0x0  }
0xa0: {  	[sflag:s22] =	ssyncadd.s32 s4;
	_ =	sdelay $0x1  }
0xa1: {  	s23 =	simm.s32 $0x1B8B  }
0xa2: {  	_ =	swait.ge [sflag:s23], $0x1  }
0xa3: {  	[sflag:s23] =	ssyncset.done $0x0  }
0xa4: {  	s25 =	simm.s32 $0x1B8E;
	s24 =	sld [smem:$0x3FFE];
	[sflag:s23] =	ssyncadd.s32 $0xFFFFFFFF  }
0xa5: {  	s26 =	simm.s32 $execute0_lowered;
	[smem:$0x3FD2] =	sst s25  }
0xa6: {  	s5 =	sshll.u32 s26, $0x1;
	_ =	strace $0x80000046;
	[dreg:$0x1] =	wrdreg $0xFFFFFFFF  }
0xa7: {  	s28 =	simm.s32 $_size_execute0_lowered;
	s3 =	sadd.s32 s3, s5;
	[dreg:$0x0] =	wrdreg $0x0  }
0xa8: {  	s5 =	sshll.u32 s28, $0x1;
	[dreg:$0x2] =	wrdreg s3  }
0xa9: {  	[dreg:$0x3] =	wrdreg s5  }
0xaa: {  	[dreg:$0x4] =	wrdreg $0xC0  }
0xab: {  	_ =	task [dreg:s7], $0x5FFFF  }
0xac: {  	[dreg:$0x1] =	wrdreg $0xFFFFFFFF  }
0xad: {  	[dreg:$0x0] =	wrdreg $0x60  }
0xae: {  	[dreg:$0x2] =	wrdreg s2  }
0xaf: {  	[dreg:$0x3] =	wrdreg s24  }
0xb0: {  	[dreg:$0x4] =	wrdreg $0x9  }
0xb1: {  	_ =	task.clear_ibuf [dreg:s7], $0x5FFFF;
	_ =	strace $0x90000046  }
0xb2: {  	s29 =	simm.s32 $0x9;
	_ =	strace $0x80000048  }
0xb3: {  	_ =	swait.ge [sflag:s29], $0x1  }
0xb4: {  	[sflag:s29] =	ssyncadd.s32 $0xFFFFFFFF  }
0xb5: {  	_ =	strace $0x90000048  }
0xb6: {  	_ =	sfence  }
0xb7: {  	s30 =	sld [smem:$0x0];
	_ =	sdelay $0x2  }
0xb8: {  	s31 =	sshll.u32 s1, $0xD;
	s1 =	sshrl.u32 s1, $0x2  }
0xb9: {  	s3 =	sand.u32 $0x4000, s31;
	s1 =	sadd.s32 s1, s30  }
0xba: {  	s0 =	sor.u32 s3, s0;
	s1 =	sshll.u32 s1, $0x11  }
0xbb: {  	s0 =	sor.u32 s1, s0  }
0xbc: {  	s0 =	sadd.s32 $0x8F2B, s0  }
0xbd: {  	[sflag:s0] =	ssyncadd.remote.s32 $0x1  }
0xbe: {  	_ =	sfence.sel $0xFFFF  }
0xbf: {  	[dreg:$0x0] =	wrdreg $0xFFFFFFFF;
	(pc) =	sbr.abs _section_cstart, $3  }
0xc0: {  	[dreg:$0x1] =	wrdreg $0xFFFFFFFF  }
0xc1: {  	_ =	task.clear_ibuf [dreg:s7], $0x2FFFF;
	_ =	strace $0x9FFFFFFF  }
0xc2: {  	(tm) =	ssettm $0x7FFFFFFF  }
0xc3: {  	_ =	shalt  }
tec
execute0_lowered:
.L_overlay_start_1:
0x0: {  	(tag) =	ssettag $0x1  }
0x1: {  	s0 =	srdreg.scid  }
0x2: {  	s3 =	sand.u32 $0x1, s0  }
0x3: {  	s4 =	rddreg [dreg:$0x0];
	s0 =	stileid.u32;
	s1 =	sshll.u32 s3, $0x4  }
0x4: {  	s5 =	rddreg [dreg:$0x1];
	s2 =	simm.s32 $0x0;
	s6 =	sor.u32 s0, s1  }
0x5: {  	s9 =	simm.s32 $0x0;
	s3 =	ssub.s32 $0x2, s3;
	s7 =	smul.u32 $0x2710, s6  }
0x6: {  	[smem:$0x7FF] =	sst s2;
	s8 =	sshrl.u32 s3, $0x1;
	s6 =	smul.u32 $0x4F0, s6  }
0x7: {  	s1 =	rddreg [dreg:$0x2];
	_ =	strace $0x80000047;
	s31 =	ssub.s32 s3, s8  }
0x8: {  	s8 =	simm.s32 $0x2;
	s7 =	sshrl.u32 s7, $0x3;
	s5 =	sadd.s32 s6, s5  }
0x9: {  	s6 =	simm.s32 $0x1;
	s4 =	sadd.s32 s4, s7;
	s7 =	simm.s32 $0x2710  }
0xa: {  	v0 =	vimm.f32 $0.0e+00;
	v1 =	vimm.f32 $1.000000000e+00;
	s3 =	sadd.s32 $0x9C40, s4;
	s4 =	sadd.s32 $0x2E00, s5;
	s5 =	smax.u32 s31, $0x1  }
.LBB2_1:
0xb: {  	[tilespmem:s2], [sflag:$0x1] =	stream.linear.gather [hbm4b:s3+s2], $0x2710, $0x38;
	[tilespmem:$0x4E90] =	vst v63  }
0xc: {  	s10 =	simm.s32 $0x2730  }
0xd: {  	[tilespmem:s10+$0xFFFFFFE0] =	vst v0  }
0xe: {  	[tilespmem:s10+$0x10] =	vst v0  }
0xf: {  	s11 =	simm.s32 $0x0;
	[tilespmem:s10+$0x0] =	vst v0  }
.LBB2_2:
0x10: {  	s11 =	sadd.s32 $0x4, s11  }
0x11: {  	[tilespmem:s10+$0xFFFFFFF0] =	vst v0;
	s10 =	sadd.s32 $0x40, s10;
	p0 =	slt.u32 s11, $0x274  }
.Ltmp0:
0x12: {  	[tilespmem:s10+$0xFFFFFFE0] =	vst v0;
	(pc) =	sbr.rel @p0 .LBB2_2-.Ltmp0, $3  }
0x13: {  	_ =	sdelay $0x1  }
0x14: {  	[tilespmem:s10+$0x10] =	vst v0  }
0x15: {  	[tilespmem:s10+$0x0] =	vst v0  }
0x16: {  	[tilespmem:s10+$0xFFFFFFF0] =	vst v0  }
0x17: {  	_ =	swait.ge [sflag:s6], $0x2710  }
0x18: {  	[sflag:s6] =	ssyncset.done $0x0  }
0x19: {  	s10 =	simm.s32 $0xFFFFFFFC;
	s11 =	simm.s32 $0x20;
	[sflag:s6] =	ssyncadd.s32 $0xFFFFD8F0  }
.LBB2_4:
0x1a: {  	v2 =	vld [tilespmem:s11+$0xFFFFFFE0];
	_ =	sdelay $0x7  }
0x1b: {  	[tilespmem:v2+s7+$0x0] =	vst.idx.add.f32.msk $0xffff, v1  }
0x1c: {  	v2 =	vld [tilespmem:s11+$0xFFFFFFF0];
	_ =	sdelay $0x7  }
0x1d: {  	[tilespmem:v2+s7+$0x0] =	vst.idx.add.f32.msk $0xffff, v1  }
0x1e: {  	v2 =	vld [tilespmem:s11+$0x0];
	_ =	sdelay $0x7  }
0x1f: {  	[tilespmem:v2+s7+$0x0] =	vst.idx.add.f32.msk $0xffff, v1  }
0x20: {  	v2 =	vld [tilespmem:s11+$0x10];
	_ =	sdelay $0x1  }
0x21: {  	s10 =	sadd.s32 $0x4, s10  }
0x22: {  	p0 =	slt.u32 s10, $0x26C  }
.Ltmp1:
0x23: {  	_ = 	snop;
	(pc) =	sbr.rel @p0 .LBB2_4-.Ltmp1, $2  }
0x24: {  	_ =	sdelay $0x2  }
0x25: {  	s11 =	sadd.s32 $0x40, s11;
	[tilespmem:v2+s7+$0x0] =	vst.idx.add.f32.msk $0xffff, v1  }
0x26: {  	v2 =	vld [tilespmem:$0x2700];
	_ =	sdelay $0x5  }
0x27: {  	s9 =	sadd.s32 $0x1, s9  }
0x28: {  	p0 =	sne.s32 s9, s5  }
.Ltmp2:
0x29: {  	[tilespmem:v2+s7+$0x0] =	vst.idx.add.f32.msk $0xffff, v1;
	(pc) =	sbr.rel @p0 .LBB2_1-.Ltmp2, $4  }
0x2a: {  	[hbm4b:s4+s2] =	stream.linear.scatter [tilespmem:s7], [sflag:$0x2], $0x2780, $0x38;
	[tilespmem:$0x4E90] =	vst v63  }
0x2b: {  	_ =	swait.ge [sflag:s8], $0x2780  }
0x2c: {  	[sflag:s8] =	ssyncset.done $0x0  }
0x2d: {  	[sflag:s8] =	ssyncadd.s32 $0xFFFFD880  }
0x2e: {  	_ =	sfence.sel $0x180000  }
0x2f: {  	[bflag:$0x0] =	sbarrier.arrive $0xFFFF  }
0x30: {  	p0 =	sne.s32 s0, $0x0;
	_ =	strace $0x90000047  }
0x31: {  	s0 =	sadd.s32 @!p0 $0x100000, s1;
	[bflag:$0x2] =	sbarrier.arrive $0xFFFF  }
0x32: {  	[sflag:s0] =	ssyncadd.tile.s32 @!p0 $0x1;
	_ =	shalt  }
.Lfunc_end2:
_tile_overlayer_lowered:
.L_overlay_start_2:
0x33: {  	(tag) =	ssettag $0x2  }
0x34: {  	s0 =	rddreg [dreg:$0x0];
	s2 =	stileid.u32  }
0x35: {  	s1 =	rddreg [dreg:$0x1];
	p0 =	sne.s32 s2, $0x0  }
0x36: {  	s3 =	rddreg [dreg:$0x2];
	[bflag:$0x3] =	sbarrier.arrive $0xFFFF;
	s2 =	simm.s32 @!p0 $0x1C02  }
0x37: {  	[timem:s3], [sflag:s2] =	dma.local @!p0 [hbm:s0], s1  }
0x38: {  	s0 =	simm.s32 @!p0 $0x2  }
0x39: {  	_ =	swait.ge @!p0 [sflag:s0], s1  }
0x3a: {  	s1 =	ssub.s32 @!p0 $0x0, s1;
	[sflag:s0] =	ssyncset.done @!p0 $0x0  }
0x3b: {  	[sflag:s0] =	ssyncadd.s32 @!p0 s1  }
0x3c: {  	[bflag:$0x3] =	sbarrier.arrive $0xFFFF  }
0x3d: {  	_ =	shalt  }

</sc_bundles>
